<compile_context>
chip_gen: v7x
topology: tpu7x:2x2x1
jax: 0.10.2.dev20260603
libtpu: 0.0.44.dev20260713+nightly
codegen_flags: <defaults>
</compile_context>

<pallas_src>
import functools

import jax
import jax.numpy as jnp
from jax import lax
from jax.experimental import pallas as pl
from jax.experimental.pallas import tpu as pltpu
from jax.experimental.pallas import tpu_sc as plsc

N = 10000
E = 320000
D = 128

NC = 2
NS = 16
NW = NC * NS

EDGES_PER_W = E // NW
CHUNK = 40
NCHUNK = EDGES_PER_W // CHUNK
NBUF = 5
NSUPER = NCHUNK // NBUF
STRIPE = 624
LAST_STRIPE = N - STRIPE * (NS - 1)

DEG_W = 16


def _make_sc_agg(with_deg: bool):
    acc_t = jax.ShapeDtypeStruct((NC * N, D), jnp.float32)
    dacc_t = jax.ShapeDtypeStruct((NC * N, DEG_W), jnp.float32)
    out_type = (acc_t, dacc_t) if with_deg else acc_t

    scratch = (
        [pltpu.VMEM((CHUNK,), jnp.int32) for _ in range(4 * NBUF)]
        + [pltpu.VMEM((CHUNK, D), jnp.float32) for _ in range(NBUF)]
        + [pltpu.VMEM_SHARED((N, D), jnp.float32)]
        + ([pltpu.VMEM((CHUNK, DEG_W), jnp.float32),
            pltpu.VMEM_SHARED((N, DEG_W), jnp.float32)]
           if with_deg else [])
        + [pltpu.SemaphoreType.DMA for _ in range(4 * NBUF)]
    )

    mesh = plsc.VectorSubcoreMesh(core_axis_name="c", subcore_axis_name="s")

    @functools.partial(
        pl.kernel,
        out_type=out_type,
        mesh=mesh,
        scratch_types=scratch,
        compiler_params=pltpu.CompilerParams(use_tc_tiling_on_sc=False),
    )
    def sc_agg(feat, src, dst, zrows, zdeg, ones_h, *out_and_scratch):
        if with_deg:
            acc_out, dacc_out = out_and_scratch[0], out_and_scratch[1]
            rest = out_and_scratch[2:]
        else:
            acc_out = out_and_scratch[0]
            dacc_out = None
            rest = out_and_scratch[1:]
        idx_s = (rest[0:NBUF], rest[NBUF:2 * NBUF])
        idx_d = (rest[2 * NBUF:3 * NBUF], rest[3 * NBUF:4 * NBUF])
        rows = rest[4 * NBUF:5 * NBUF]
        k = 5 * NBUF
        acc_sh = rest[k]
        k += 1
        if with_deg:
            ones_v, dacc_sh = rest[k:k + 2]
            k += 2
        else:
            ones_v = dacc_sh = None
        semI = (rest[k:k + NBUF], rest[k + NBUF:k + 2 * NBUF])
        semG = rest[k + 2 * NBUF:k + 3 * NBUF]
        semS = rest[k + 3 * NBUF:k + 4 * NBUF]

        c = lax.axis_index("c")
        s = lax.axis_index("s")
        w = c * NS + s

        r0 = pl.multiple_of(s * STRIPE, 8)
        ebase = w * EDGES_PER_W

        def issue_idx(g, p, b):
            base = pl.multiple_of(ebase + (g * NBUF + b) * CHUNK, 8)
            pltpu.async_copy(src.at[pl.ds(base, CHUNK)], idx_s[p][b], semI[p][b])
            pltpu.async_copy(dst.at[pl.ds(base, CHUNK)], idx_d[p][b], semI[p][b])

        for b in range(NBUF):
            issue_idx(0, 0, b)
            issue_idx(1, 1, b)

        @pl.when(s < NS - 1)
        def _():
            pltpu.sync_copy(zrows.at[pl.ds(0, STRIPE)], acc_sh.at[pl.ds(r0, STRIPE)])
            if with_deg:
                pltpu.sync_copy(zdeg.at[pl.ds(0, STRIPE)],
                                dacc_sh.at[pl.ds(r0, STRIPE)])

        @pl.when(s == NS - 1)
        def _():
            pltpu.sync_copy(zrows, acc_sh.at[pl.ds(N - LAST_STRIPE, LAST_STRIPE)])
            if with_deg:
                pltpu.sync_copy(zdeg, dacc_sh.at[pl.ds(N - LAST_STRIPE, LAST_STRIPE)])

        if with_deg:
            pltpu.sync_copy(ones_h, ones_v)

        def group(g, p, first):
            q = 1 - p
            gathers = []
            for b in range(NBUF):
                if not first:
                    pltpu.make_async_copy(rows[b], acc_sh.at[idx_d[q][b]],
                                          semS[b]).wait()
                    if with_deg:
                        pltpu.make_async_copy(ones_v, dacc_sh.at[idx_d[q][b]],
                                              semS[b]).wait()

                    @pl.when(g < NSUPER - 1)
                    def _(b=b):
                        issue_idx(g + 1, q, b)

                pltpu.make_async_copy(src.at[pl.ds(0, CHUNK)], idx_s[p][b],
                                      semI[p][b]).wait()
                pltpu.make_async_copy(dst.at[pl.ds(0, CHUNK)], idx_d[p][b],
                                      semI[p][b]).wait()
                if with_deg:
                    pltpu.async_copy(ones_v, dacc_sh.at[idx_d[p][b]],
                                     semS[b], add=True)
                gathers.append(pltpu.async_copy(feat.at[idx_s[p][b]], rows[b],
                                                semG[b]))
            for b in range(NBUF):
                gathers[b].wait()
                pltpu.async_copy(rows[b], acc_sh.at[idx_d[p][b]],
                                 semS[b], add=True)

        gathers0 = []
        for b in range(NBUF):
            pltpu.make_async_copy(src.at[pl.ds(0, CHUNK)], idx_s[0][b],
                                  semI[0][b]).wait()
            pltpu.make_async_copy(dst.at[pl.ds(0, CHUNK)], idx_d[0][b],
                                  semI[0][b]).wait()
            gathers0.append(pltpu.async_copy(feat.at[idx_s[0][b]], rows[b],
                                             semG[b]))
        plsc.subcore_barrier()
        for b in range(NBUF):
            if with_deg:
                pltpu.async_copy(ones_v, dacc_sh.at[idx_d[0][b]],
                                 semS[b], add=True)
            gathers0[b].wait()
            pltpu.async_copy(rows[b], acc_sh.at[idx_d[0][b]],
                             semS[b], add=True)

        def pair_step(i, carry):
            group(2 * i + 1, 1, first=False)
            group(2 * i + 2, 0, first=False)
            return carry

        lax.fori_loop(0, (NSUPER - 2) // 2, pair_step, 0)
        group(NSUPER - 1, 1, first=False)

        for b in range(NBUF):
            pltpu.make_async_copy(rows[b], acc_sh.at[idx_d[1][b]],
                                  semS[b]).wait()
            if with_deg:
                pltpu.make_async_copy(ones_v, dacc_sh.at[idx_d[1][b]],
                                      semS[b]).wait()
        plsc.subcore_barrier()

        @pl.when(s < NS - 1)
        def _():
            obase = pl.multiple_of(c * N + r0, 8)
            pltpu.sync_copy(acc_sh.at[pl.ds(r0, STRIPE)],
                            acc_out.at[pl.ds(obase, STRIPE)])
            if with_deg:
                pltpu.sync_copy(dacc_sh.at[pl.ds(r0, STRIPE)],
                                dacc_out.at[pl.ds(obase, STRIPE)])

        @pl.when(s == NS - 1)
        def _():
            lb = N - LAST_STRIPE
            obase = pl.multiple_of(c * N + lb, 8)
            pltpu.sync_copy(acc_sh.at[pl.ds(lb, LAST_STRIPE)],
                            acc_out.at[pl.ds(obase, LAST_STRIPE)])
            if with_deg:
                pltpu.sync_copy(dacc_sh.at[pl.ds(lb, LAST_STRIPE)],
                                dacc_out.at[pl.ds(obase, LAST_STRIPE)])

    return sc_agg


_sc_agg_deg = _make_sc_agg(True)
_sc_agg = _make_sc_agg(False)

BN = 1000


def _tc_body(relu, x_ref, acc_ref, dacc_ref, w_ref, b_ref, o_ref):
    deg = dacc_ref[0, :, 0:1] + dacc_ref[1, :, 0:1]
    invd = 1.0 / jnp.maximum(deg, 1.0)
    agg = (acc_ref[0] + acc_ref[1]) * invd
    h = (jnp.dot(x_ref[...], w_ref[0:D], preferred_element_type=jnp.float32)
         + jnp.dot(agg, w_ref[D:2 * D], preferred_element_type=jnp.float32)
         + b_ref[...])
    o_ref[...] = jnp.maximum(h, 0.0) if relu else h


def _tc_layer(x, acc, dacc, w, b, relu):
    return pl.pallas_call(
        functools.partial(_tc_body, relu),
        grid=(N // BN,),
        in_specs=[
            pl.BlockSpec((BN, D), lambda i: (i, 0)),
            pl.BlockSpec((NC, BN, D), lambda i: (0, i, 0)),
            pl.BlockSpec((NC, BN, DEG_W), lambda i: (0, i, 0)),
            pl.BlockSpec((2 * D, D), lambda i: (0, 0)),
            pl.BlockSpec((1, D), lambda i: (0, 0)),
        ],
        out_specs=pl.BlockSpec((BN, D), lambda i: (i, 0)),
        out_shape=jax.ShapeDtypeStruct((N, D), jnp.float32),
    )(x, acc, dacc, w, b)


def kernel(x, edge_index, W1, b1, W2, b2):
    src = edge_index[0]
    dst = edge_index[1]

    zrows = jnp.zeros((LAST_STRIPE, D), jnp.float32)
    zdeg = jnp.zeros((LAST_STRIPE, DEG_W), jnp.float32)
    ones_h = jnp.ones((CHUNK, DEG_W), jnp.float32)

    acc1, dacc1 = _sc_agg_deg(x, src, dst, zrows, zdeg, ones_h)
    acc1 = acc1.reshape(NC, N, D)
    dacc = dacc1.reshape(NC, N, DEG_W)

    h = _tc_layer(x, acc1, dacc, W1, b1.reshape(1, D), relu=True)

    acc2 = _sc_agg(h, src, dst, zrows, zdeg, ones_h)
    acc2 = acc2.reshape(NC, N, D)

    out = _tc_layer(h, acc2, dacc, W2, b2.reshape(1, D), relu=False)
    return out

# --- scband reference (transcript-rebuilt; emitter-appended) ---
"""Pipeline reference for scband-sage-24515673325905 (READ-ONLY COPY).

The authoritative reference and input builder live on the scoring server;
editing this copy changes nothing except your own understanding.
"""

import jax, jax.numpy as jnp
import numpy as np

N = 10000
E = 320000
D_IN = 128
D_H = 128


def setup_inputs(seed: int = 0) -> dict:
    key = jax.random.key(seed)
    ks = jax.random.split(key, 6)
    x = jax.random.normal(ks[0], (N, D_IN), dtype=jnp.float32)
    edge_index = jax.random.randint(ks[1], (2, E), 0, N, dtype=jnp.int32)
    # GraphSAGE layer params: Linear(2*d_in -> d_out) on concat([x, mean_agg])
    s1 = 1.0 / np.sqrt(2 * D_IN)
    s2 = 1.0 / np.sqrt(2 * D_H)
    W1 = jax.random.uniform(ks[2], (2 * D_IN, D_H), dtype=jnp.float32, minval=-s1, maxval=s1)
    b1 = jax.random.uniform(ks[3], (D_H,), dtype=jnp.float32, minval=-s1, maxval=s1)
    W2 = jax.random.uniform(ks[4], (2 * D_H, D_H), dtype=jnp.float32, minval=-s2, maxval=s2)
    b2 = jax.random.uniform(ks[5], (D_H,), dtype=jnp.float32, minval=-s2, maxval=s2)
    return {"x": x, "edge_index": edge_index, "W1": W1, "b1": b1, "W2": W2, "b2": b2}


def _sage_layer(x, edge_index, W, b):
    # mean-aggregate neighbor features (gather by src, scatter-add by dst)
    src = edge_index[0]
    dst = edge_index[1]
    msg = jnp.take(x, src, axis=0)
    agg = jax.ops.segment_sum(msg, dst, num_segments=N)
    deg = jax.ops.segment_sum(jnp.ones((E,), dtype=jnp.float32), dst, num_segments=N)
    agg = agg / jnp.clip(deg, 1.0, None)[:, None]
    h = jnp.concatenate([x, agg], axis=1)
    return h @ W + b


def reference(x, edge_index, W1, b1, W2, b2):
    # layer 0 (+ ReLU; dropout is a no-op in eval mode)
    h = _sage_layer(x, edge_index, W1, b1)
    h = jax.nn.relu(h)
    # layer 1 (no activation on final layer)
    out = _sage_layer(h, edge_index, W2, b2)
    return out

if __name__ == "__main__":
    import jax
    _d = setup_inputs()
    print(jax.jit(kernel)(*tuple(_d.values())))

</pallas_src>

<mosaic_0001>
#map = affine_map<(d0, d1) -> (0, 0)>
#map1 = affine_map<(d0, d1) -> (0)>
module attributes {stable_mosaic.version = 14 : i64} {
  func.func @sc_agg(%arg0: i32, %arg1: i32, %arg2: memref<10000x128xf32, #tpu.memory_space<hbm>>, %arg3: memref<320000xi32, #tpu.memory_space<hbm>>, %arg4: memref<320000xi32, #tpu.memory_space<hbm>>, %arg5: memref<640x128xf32, #tpu.memory_space<hbm>>, %arg6: memref<640x16xf32, #tpu.memory_space<hbm>>, %arg7: memref<40x16xf32, #tpu.memory_space<hbm>>, %arg8: memref<20000x128xf32, #tpu.memory_space<hbm>>, %arg9: memref<40xi32, #tpu.memory_space<vmem>>, %arg10: memref<40xi32, #tpu.memory_space<vmem>>, %arg11: memref<40xi32, #tpu.memory_space<vmem>>, %arg12: memref<40xi32, #tpu.memory_space<vmem>>, %arg13: memref<40xi32, #tpu.memory_space<vmem>>, %arg14: memref<40xi32, #tpu.memory_space<vmem>>, %arg15: memref<40xi32, #tpu.memory_space<vmem>>, %arg16: memref<40xi32, #tpu.memory_space<vmem>>, %arg17: memref<40xi32, #tpu.memory_space<vmem>>, %arg18: memref<40xi32, #tpu.memory_space<vmem>>, %arg19: memref<40xi32, #tpu.memory_space<vmem>>, %arg20: memref<40xi32, #tpu.memory_space<vmem>>, %arg21: memref<40xi32, #tpu.memory_space<vmem>>, %arg22: memref<40xi32, #tpu.memory_space<vmem>>, %arg23: memref<40xi32, #tpu.memory_space<vmem>>, %arg24: memref<40xi32, #tpu.memory_space<vmem>>, %arg25: memref<40xi32, #tpu.memory_space<vmem>>, %arg26: memref<40xi32, #tpu.memory_space<vmem>>, %arg27: memref<40xi32, #tpu.memory_space<vmem>>, %arg28: memref<40xi32, #tpu.memory_space<vmem>>, %arg29: memref<40x128xf32, #tpu.memory_space<vmem>>, %arg30: memref<40x128xf32, #tpu.memory_space<vmem>>, %arg31: memref<40x128xf32, #tpu.memory_space<vmem>>, %arg32: memref<40x128xf32, #tpu.memory_space<vmem>>, %arg33: memref<40x128xf32, #tpu.memory_space<vmem>>, %arg34: memref<10000x128xf32, #tpu.memory_space<vmem_shared>>, %arg35: memref<!tpu.dma_semaphore, #tpu.memory_space<semaphore_mem>>, %arg36: memref<!tpu.dma_semaphore, #tpu.memory_space<semaphore_mem>>, %arg37: memref<!tpu.dma_semaphore, #tpu.memory_space<semaphore_mem>>, %arg38: memref<!tpu.dma_semaphore, #tpu.memory_space<semaphore_mem>>, %arg39: memref<!tpu.dma_semaphore, #tpu.memory_space<semaphore_mem>>, %arg40: memref<!tpu.dma_semaphore, #tpu.memory_space<semaphore_mem>>, %arg41: memref<!tpu.dma_semaphore, #tpu.memory_space<semaphore_mem>>, %arg42: memref<!tpu.dma_semaphore, #tpu.memory_space<semaphore_mem>>, %arg43: memref<!tpu.dma_semaphore, #tpu.memory_space<semaphore_mem>>, %arg44: memref<!tpu.dma_semaphore, #tpu.memory_space<semaphore_mem>>, %arg45: memref<!tpu.dma_semaphore, #tpu.memory_space<semaphore_mem>>, %arg46: memref<!tpu.dma_semaphore, #tpu.memory_space<semaphore_mem>>, %arg47: memref<!tpu.dma_semaphore, #tpu.memory_space<semaphore_mem>>, %arg48: memref<!tpu.dma_semaphore, #tpu.memory_space<semaphore_mem>>, %arg49: memref<!tpu.dma_semaphore, #tpu.memory_space<semaphore_mem>>, %arg50: memref<!tpu.dma_semaphore, #tpu.memory_space<semaphore_mem>>, %arg51: memref<!tpu.dma_semaphore, #tpu.memory_space<semaphore_mem>>, %arg52: memref<!tpu.dma_semaphore, #tpu.memory_space<semaphore_mem>>, %arg53: memref<!tpu.dma_semaphore, #tpu.memory_space<semaphore_mem>>, %arg54: memref<!tpu.dma_semaphore, #tpu.memory_space<semaphore_mem>>) attributes {dimension_semantics = [#tpu.dimension_semantics<core_parallel>, #tpu.dimension_semantics<subcore_parallel>], iteration_bounds = array<i64: 2, 16>, scalar_prefetch = 0 : i64, scratch_operands = 46 : i64, tpu.core_type = #tpu.core_type<sc_vector_subcore>, window_params = [{transform_indices = #map}, {transform_indices = #map1}, {transform_indices = #map1}, {transform_indices = #map}, {transform_indices = #map}, {transform_indices = #map}, {transform_indices = #map}]} {
    %mul3A = arith.constant 16 : i32
    %mul3A_0 = arith.muli %arg0, %mul3A : i32
    %add3A = arith.addi %mul3A_0, %arg1 : i32
    %mul3A_1 = arith.constant 624 : i32
    %mul3A_2 = arith.muli %arg1, %mul3A_1 : i32
    %multiple_of3A = tpu.assume_multiple %mul3A_2, 8 : i32
    %mul3A_3 = arith.constant 10000 : i32
    %mul3A_4 = arith.muli %add3A, %mul3A_3 : i32
    %add3A_5 = arith.constant 0 : i32
    %add3A_6 = arith.addi %mul3A_4, %add3A_5 : i32
    %multiple_of3A_7 = tpu.assume_multiple %add3A_6, 8 : i32
    %dma_start3A = tpu.memref_slice %arg3[%multiple_of3A_7] : memref<320000xi32, #tpu.memory_space<hbm>> -> memref<40xi32, #tpu.memory_space<hbm>>
    %dma_start3A_8 = tpu.memref_slice %arg3[%multiple_of3A_7] : memref<320000xi32, #tpu.memory_space<hbm>> -> memref<40xi32, #tpu.memory_space<hbm>>
    tpu.enqueue_dma source(%dma_start3A_8 : memref<40xi32, #tpu.memory_space<hbm>>) target(%arg9 : memref<40xi32, #tpu.memory_space<vmem>>) target_semaphore(%arg35 : memref<!tpu.dma_semaphore, #tpu.memory_space<semaphore_mem>>)
    %dma_start3A_9 = tpu.memref_slice %arg4[%multiple_of3A_7] : memref<320000xi32, #tpu.memory_space<hbm>> -> memref<40xi32, #tpu.memory_space<hbm>>
    %dma_start3A_10 = tpu.memref_slice %arg4[%multiple_of3A_7] : memref<320000xi32, #tpu.memory_space<hbm>> -> memref<40xi32, #tpu.memory_space<hbm>>
    tpu.enqueue_dma source(%dma_start3A_10 : memref<40xi32, #tpu.memory_space<hbm>>) target(%arg19 : memref<40xi32, #tpu.memory_space<vmem>>) target_semaphore(%arg35 : memref<!tpu.dma_semaphore, #tpu.memory_space<semaphore_mem>>)
    %add3A_11 = arith.constant 200 : i32
    %add3A_12 = arith.addi %mul3A_4, %add3A_11 : i32
    %multiple_of3A_13 = tpu.assume_multiple %add3A_12, 8 : i32
    %dma_start3A_14 = tpu.memref_slice %arg3[%multiple_of3A_13] : memref<320000xi32, #tpu.memory_space<hbm>> -> memref<40xi32, #tpu.memory_space<hbm>>
    %dma_start3A_15 = tpu.memref_slice %arg3[%multiple_of3A_13] : memref<320000xi32, #tpu.memory_space<hbm>> -> memref<40xi32, #tpu.memory_space<hbm>>
    tpu.enqueue_dma source(%dma_start3A_15 : memref<40xi32, #tpu.memory_space<hbm>>) target(%arg14 : memref<40xi32, #tpu.memory_space<vmem>>) target_semaphore(%arg40 : memref<!tpu.dma_semaphore, #tpu.memory_space<semaphore_mem>>)
    %dma_start3A_16 = tpu.memref_slice %arg4[%multiple_of3A_13] : memref<320000xi32, #tpu.memory_space<hbm>> -> memref<40xi32, #tpu.memory_space<hbm>>
    %dma_start3A_17 = tpu.memref_slice %arg4[%multiple_of3A_13] : memref<320000xi32, #tpu.memory_space<hbm>> -> memref<40xi32, #tpu.memory_space<hbm>>
    tpu.enqueue_dma source(%dma_start3A_17 : memref<40xi32, #tpu.memory_space<hbm>>) target(%arg24 : memref<40xi32, #tpu.memory_space<vmem>>) target_semaphore(%arg40 : memref<!tpu.dma_semaphore, #tpu.memory_space<semaphore_mem>>)
    %add3A_18 = arith.constant 40 : i32
    %add3A_19 = arith.addi %mul3A_4, %add3A_18 : i32
    %multiple_of3A_20 = tpu.assume_multiple %add3A_19, 8 : i32
    %dma_start3A_21 = tpu.memref_slice %arg3[%multiple_of3A_20] : memref<320000xi32, #tpu.memory_space<hbm>> -> memref<40xi32, #tpu.memory_space<hbm>>
    %dma_start3A_22 = tpu.memref_slice %arg3[%multiple_of3A_20] : memref<320000xi32, #tpu.memory_space<hbm>> -> memref<40xi32, #tpu.memory_space<hbm>>
    tpu.enqueue_dma source(%dma_start3A_22 : memref<40xi32, #tpu.memory_space<hbm>>) target(%arg10 : memref<40xi32, #tpu.memory_space<vmem>>) target_semaphore(%arg36 : memref<!tpu.dma_semaphore, #tpu.memory_space<semaphore_mem>>)
    %dma_start3A_23 = tpu.memref_slice %arg4[%multiple_of3A_20] : memref<320000xi32, #tpu.memory_space<hbm>> -> memref<40xi32, #tpu.memory_space<hbm>>
    %dma_start3A_24 = tpu.memref_slice %arg4[%multiple_of3A_20] : memref<320000xi32, #tpu.memory_space<hbm>> -> memref<40xi32, #tpu.memory_space<hbm>>
    tpu.enqueue_dma source(%dma_start3A_24 : memref<40xi32, #tpu.memory_space<hbm>>) target(%arg20 : memref<40xi32, #tpu.memory_space<vmem>>) target_semaphore(%arg36 : memref<!tpu.dma_semaphore, #tpu.memory_space<semaphore_mem>>)
    %add3A_25 = arith.constant 240 : i32
    %add3A_26 = arith.addi %mul3A_4, %add3A_25 : i32
    %multiple_of3A_27 = tpu.assume_multiple %add3A_26, 8 : i32
    %dma_start3A_28 = tpu.memref_slice %arg3[%multiple_of3A_27] : memref<320000xi32, #tpu.memory_space<hbm>> -> memref<40xi32, #tpu.memory_space<hbm>>
    %dma_start3A_29 = tpu.memref_slice %arg3[%multiple_of3A_27] : memref<320000xi32, #tpu.memory_space<hbm>> -> memref<40xi32, #tpu.memory_space<hbm>>
    tpu.enqueue_dma source(%dma_start3A_29 : memref<40xi32, #tpu.memory_space<hbm>>) target(%arg15 : memref<40xi32, #tpu.memory_space<vmem>>) target_semaphore(%arg41 : memref<!tpu.dma_semaphore, #tpu.memory_space<semaphore_mem>>)
    %dma_start3A_30 = tpu.memref_slice %arg4[%multiple_of3A_27] : memref<320000xi32, #tpu.memory_space<hbm>> -> memref<40xi32, #tpu.memory_space<hbm>>
    %dma_start3A_31 = tpu.memref_slice %arg4[%multiple_of3A_27] : memref<320000xi32, #tpu.memory_space<hbm>> -> memref<40xi32, #tpu.memory_space<hbm>>
    tpu.enqueue_dma source(%dma_start3A_31 : memref<40xi32, #tpu.memory_space<hbm>>) target(%arg25 : memref<40xi32, #tpu.memory_space<vmem>>) target_semaphore(%arg41 : memref<!tpu.dma_semaphore, #tpu.memory_space<semaphore_mem>>)
    %add3A_32 = arith.constant 80 : i32
    %add3A_33 = arith.addi %mul3A_4, %add3A_32 : i32
    %multiple_of3A_34 = tpu.assume_multiple %add3A_33, 8 : i32
    %dma_start3A_35 = tpu.memref_slice %arg3[%multiple_of3A_34] : memref<320000xi32, #tpu.memory_space<hbm>> -> memref<40xi32, #tpu.memory_space<hbm>>
    %dma_start3A_36 = tpu.memref_slice %arg3[%multiple_of3A_34] : memref<320000xi32, #tpu.memory_space<hbm>> -> memref<40xi32, #tpu.memory_space<hbm>>
    tpu.enqueue_dma source(%dma_start3A_36 : memref<40xi32, #tpu.memory_space<hbm>>) target(%arg11 : memref<40xi32, #tpu.memory_space<vmem>>) target_semaphore(%arg37 : memref<!tpu.dma_semaphore, #tpu.memory_space<semaphore_mem>>)
    %dma_start3A_37 = tpu.memref_slice %arg4[%multiple_of3A_34] : memref<320000xi32, #tpu.memory_space<hbm>> -> memref<40xi32, #tpu.memory_space<hbm>>
    %dma_start3A_38 = tpu.memref_slice %arg4[%multiple_of3A_34] : memref<320000xi32, #tpu.memory_space<hbm>> -> memref<40xi32, #tpu.memory_space<hbm>>
    tpu.enqueue_dma source(%dma_start3A_38 : memref<40xi32, #tpu.memory_space<hbm>>) target(%arg21 : memref<40xi32, #tpu.memory_space<vmem>>) target_semaphore(%arg37 : memref<!tpu.dma_semaphore, #tpu.memory_space<semaphore_mem>>)
    %add3A_39 = arith.constant 280 : i32
    %add3A_40 = arith.addi %mul3A_4, %add3A_39 : i32
    %multiple_of3A_41 = tpu.assume_multiple %add3A_40, 8 : i32
    %dma_start3A_42 = tpu.memref_slice %arg3[%multiple_of3A_41] : memref<320000xi32, #tpu.memory_space<hbm>> -> memref<40xi32, #tpu.memory_space<hbm>>
    %dma_start3A_43 = tpu.memref_slice %arg3[%multiple_of3A_41] : memref<320000xi32, #tpu.memory_space<hbm>> -> memref<40xi32, #tpu.memory_space<hbm>>
    tpu.enqueue_dma source(%dma_start3A_43 : memref<40xi32, #tpu.memory_space<hbm>>) target(%arg16 : memref<40xi32, #tpu.memory_space<vmem>>) target_semaphore(%arg42 : memref<!tpu.dma_semaphore, #tpu.memory_space<semaphore_mem>>)
    %dma_start3A_44 = tpu.memref_slice %arg4[%multiple_of3A_41] : memref<320000xi32, #tpu.memory_space<hbm>> -> memref<40xi32, #tpu.memory_space<hbm>>
    %dma_start3A_45 = tpu.memref_slice %arg4[%multiple_of3A_41] : memref<320000xi32, #tpu.memory_space<hbm>> -> memref<40xi32, #tpu.memory_space<hbm>>
    tpu.enqueue_dma source(%dma_start3A_45 : memref<40xi32, #tpu.memory_space<hbm>>) target(%arg26 : memref<40xi32, #tpu.memory_space<vmem>>) target_semaphore(%arg42 : memref<!tpu.dma_semaphore, #tpu.memory_space<semaphore_mem>>)
    %add3A_46 = arith.constant 120 : i32
    %add3A_47 = arith.addi %mul3A_4, %add3A_46 : i32
    %multiple_of3A_48 = tpu.assume_multiple %add3A_47, 8 : i32
    %dma_start3A_49 = tpu.memref_slice %arg3[%multiple_of3A_48] : memref<320000xi32, #tpu.memory_space<hbm>> -> memref<40xi32, #tpu.memory_space<hbm>>
    %dma_start3A_50 = tpu.memref_slice %arg3[%multiple_of3A_48] : memref<320000xi32, #tpu.memory_space<hbm>> -> memref<40xi32, #tpu.memory_space<hbm>>
    tpu.enqueue_dma source(%dma_start3A_50 : memref<40xi32, #tpu.memory_space<hbm>>) target(%arg12 : memref<40xi32, #tpu.memory_space<vmem>>) target_semaphore(%arg38 : memref<!tpu.dma_semaphore, #tpu.memory_space<semaphore_mem>>)
    %dma_start3A_51 = tpu.memref_slice %arg4[%multiple_of3A_48] : memref<320000xi32, #tpu.memory_space<hbm>> -> memref<40xi32, #tpu.memory_space<hbm>>
    %dma_start3A_52 = tpu.memref_slice %arg4[%multiple_of3A_48] : memref<320000xi32, #tpu.memory_space<hbm>> -> memref<40xi32, #tpu.memory_space<hbm>>
    tpu.enqueue_dma source(%dma_start3A_52 : memref<40xi32, #tpu.memory_space<hbm>>) target(%arg22 : memref<40xi32, #tpu.memory_space<vmem>>) target_semaphore(%arg38 : memref<!tpu.dma_semaphore, #tpu.memory_space<semaphore_mem>>)
    %add3A_53 = arith.constant 320 : i32
    %add3A_54 = arith.addi %mul3A_4, %add3A_53 : i32
    %multiple_of3A_55 = tpu.assume_multiple %add3A_54, 8 : i32
    %dma_start3A_56 = tpu.memref_slice %arg3[%multiple_of3A_55] : memref<320000xi32, #tpu.memory_space<hbm>> -> memref<40xi32, #tpu.memory_space<hbm>>
    %dma_start3A_57 = tpu.memref_slice %arg3[%multiple_of3A_55] : memref<320000xi32, #tpu.memory_space<hbm>> -> memref<40xi32, #tpu.memory_space<hbm>>
    tpu.enqueue_dma source(%dma_start3A_57 : memref<40xi32, #tpu.memory_space<hbm>>) target(%arg17 : memref<40xi32, #tpu.memory_space<vmem>>) target_semaphore(%arg43 : memref<!tpu.dma_semaphore, #tpu.memory_space<semaphore_mem>>)
    %dma_start3A_58 = tpu.memref_slice %arg4[%multiple_of3A_55] : memref<320000xi32, #tpu.memory_space<hbm>> -> memref<40xi32, #tpu.memory_space<hbm>>
    %dma_start3A_59 = tpu.memref_slice %arg4[%multiple_of3A_55] : memref<320000xi32, #tpu.memory_space<hbm>> -> memref<40xi32, #tpu.memory_space<hbm>>
    tpu.enqueue_dma source(%dma_start3A_59 : memref<40xi32, #tpu.memory_space<hbm>>) target(%arg27 : memref<40xi32, #tpu.memory_space<vmem>>) target_semaphore(%arg43 : memref<!tpu.dma_semaphore, #tpu.memory_space<semaphore_mem>>)
    %add3A_60 = arith.constant 160 : i32
    %add3A_61 = arith.addi %mul3A_4, %add3A_60 : i32
    %multiple_of3A_62 = tpu.assume_multiple %add3A_61, 8 : i32
    %dma_start3A_63 = tpu.memref_slice %arg3[%multiple_of3A_62] : memref<320000xi32, #tpu.memory_space<hbm>> -> memref<40xi32, #tpu.memory_space<hbm>>
    %dma_start3A_64 = tpu.memref_slice %arg3[%multiple_of3A_62] : memref<320000xi32, #tpu.memory_space<hbm>> -> memref<40xi32, #tpu.memory_space<hbm>>
    tpu.enqueue_dma source(%dma_start3A_64 : memref<40xi32, #tpu.memory_space<hbm>>) target(%arg13 : memref<40xi32, #tpu.memory_space<vmem>>) target_semaphore(%arg39 : memref<!tpu.dma_semaphore, #tpu.memory_space<semaphore_mem>>)
    %dma_start3A_65 = tpu.memref_slice %arg4[%multiple_of3A_62] : memref<320000xi32, #tpu.memory_space<hbm>> -> memref<40xi32, #tpu.memory_space<hbm>>
    %dma_start3A_66 = tpu.memref_slice %arg4[%multiple_of3A_62] : memref<320000xi32, #tpu.memory_space<hbm>> -> memref<40xi32, #tpu.memory_space<hbm>>
    tpu.enqueue_dma source(%dma_start3A_66 : memref<40xi32, #tpu.memory_space<hbm>>) target(%arg23 : memref<40xi32, #tpu.memory_space<vmem>>) target_semaphore(%arg39 : memref<!tpu.dma_semaphore, #tpu.memory_space<semaphore_mem>>)
    %add3A_67 = arith.constant 360 : i32
    %add3A_68 = arith.addi %mul3A_4, %add3A_67 : i32
    %multiple_of3A_69 = tpu.assume_multiple %add3A_68, 8 : i32
    %dma_start3A_70 = tpu.memref_slice %arg3[%multiple_of3A_69] : memref<320000xi32, #tpu.memory_space<hbm>> -> memref<40xi32, #tpu.memory_space<hbm>>
    %dma_start3A_71 = tpu.memref_slice %arg3[%multiple_of3A_69] : memref<320000xi32, #tpu.memory_space<hbm>> -> memref<40xi32, #tpu.memory_space<hbm>>
    tpu.enqueue_dma source(%dma_start3A_71 : memref<40xi32, #tpu.memory_space<hbm>>) target(%arg18 : memref<40xi32, #tpu.memory_space<vmem>>) target_semaphore(%arg44 : memref<!tpu.dma_semaphore, #tpu.memory_space<semaphore_mem>>)
    %dma_start3A_72 = tpu.memref_slice %arg4[%multiple_of3A_69] : memref<320000xi32, #tpu.memory_space<hbm>> -> memref<40xi32, #tpu.memory_space<hbm>>
    %dma_start3A_73 = tpu.memref_slice %arg4[%multiple_of3A_69] : memref<320000xi32, #tpu.memory_space<hbm>> -> memref<40xi32, #tpu.memory_space<hbm>>
    tpu.enqueue_dma source(%dma_start3A_73 : memref<40xi32, #tpu.memory_space<hbm>>) target(%arg28 : memref<40xi32, #tpu.memory_space<vmem>>) target_semaphore(%arg44 : memref<!tpu.dma_semaphore, #tpu.memory_space<semaphore_mem>>)
    %lt3A = arith.constant 15 : i32
    %lt3A_74 = arith.cmpi slt, %arg1, %lt3A : i32
    %convert_element_type3A = arith.extui %lt3A_74 : i1 to i32
    %cond3A = arith.constant 0 : i32
    %cond3A_75 = arith.cmpi ne, %convert_element_type3A, %cond3A : i32
    scf.if %cond3A_75 {
      "tpu.region"() ({
        %run_scoped3A = tpu.sem_alloc : memref<!tpu.dma_semaphore, #tpu.memory_space<semaphore_mem>>
        %dma_start3A_295 = arith.constant 0 : i32
        %dma_start3A_296 = tpu.memref_slice %arg34[%multiple_of3A, %dma_start3A_295] : memref<10000x128xf32, #tpu.memory_space<vmem_shared>> -> memref<624x128xf32, #tpu.memory_space<vmem_shared>>
        %dma_start3A_297 = arith.constant 0 : i32
        %dma_start3A_298 = arith.constant 0 : i32
        %dma_start3A_299 = tpu.memref_slice %arg5[%dma_start3A_297, %dma_start3A_298] : memref<640x128xf32, #tpu.memory_space<hbm>> -> memref<624x128xf32, #tpu.memory_space<hbm>>
        tpu.enqueue_dma source(%dma_start3A_299 : memref<624x128xf32, #tpu.memory_space<hbm>>) target(%dma_start3A_296 : memref<624x128xf32, #tpu.memory_space<vmem_shared>>) target_semaphore(%run_scoped3A : memref<!tpu.dma_semaphore, #tpu.memory_space<semaphore_mem>>)
        %dma_wait3A_300 = arith.constant 0 : i32
        %dma_wait3A_301 = tpu.memref_slice %arg34[%multiple_of3A, %dma_wait3A_300] : memref<10000x128xf32, #tpu.memory_space<vmem_shared>> -> memref<624x128xf32, #tpu.memory_space<vmem_shared>>
        %dma_wait3A_302 = arith.constant 0 : i32
        %dma_wait3A_303 = arith.constant 0 : i32
        %dma_wait3A_304 = tpu.memref_slice %arg5[%dma_wait3A_302, %dma_wait3A_303] : memref<640x128xf32, #tpu.memory_space<hbm>> -> memref<624x128xf32, #tpu.memory_space<hbm>>
        tpu.wait_dma2 semaphore(%run_scoped3A : memref<!tpu.dma_semaphore, #tpu.memory_space<semaphore_mem>>) src(%dma_wait3A_304 : memref<624x128xf32, #tpu.memory_space<hbm>>) dst(%dma_wait3A_301 : memref<624x128xf32, #tpu.memory_space<vmem_shared>>)
        tpu.yield
      }) : () -> ()
    } else {
    }
    %eq3A = arith.constant 15 : i32
    %eq3A_76 = arith.cmpi eq, %arg1, %eq3A : i32
    %convert_element_type3A_77 = arith.extui %eq3A_76 : i1 to i32
    %cond3A_78 = arith.constant 0 : i32
    %cond3A_79 = arith.cmpi ne, %convert_element_type3A_77, %cond3A_78 : i32
    scf.if %cond3A_79 {
      "tpu.region"() ({
        %run_scoped3A = tpu.sem_alloc : memref<!tpu.dma_semaphore, #tpu.memory_space<semaphore_mem>>
        %dma_start3A_295 = arith.constant 9360 : i32
        %dma_start3A_296 = arith.constant 0 : i32
        %dma_start3A_297 = tpu.memref_slice %arg34[%dma_start3A_295, %dma_start3A_296] : memref<10000x128xf32, #tpu.memory_space<vmem_shared>> -> memref<640x128xf32, #tpu.memory_space<vmem_shared>>
        tpu.enqueue_dma source(%arg5 : memref<640x128xf32, #tpu.memory_space<hbm>>) target(%dma_start3A_297 : memref<640x128xf32, #tpu.memory_space<vmem_shared>>) target_semaphore(%run_scoped3A : memref<!tpu.dma_semaphore, #tpu.memory_space<semaphore_mem>>)
        %dma_wait3A_298 = arith.constant 9360 : i32
        %dma_wait3A_299 = arith.constant 0 : i32
        %dma_wait3A_300 = tpu.memref_slice %arg34[%dma_wait3A_298, %dma_wait3A_299] : memref<10000x128xf32, #tpu.memory_space<vmem_shared>> -> memref<640x128xf32, #tpu.memory_space<vmem_shared>>
        tpu.wait_dma2 semaphore(%run_scoped3A : memref<!tpu.dma_semaphore, #tpu.memory_space<semaphore_mem>>) src(%arg5 : memref<640x128xf32, #tpu.memory_space<hbm>>) dst(%dma_wait3A_300 : memref<640x128xf32, #tpu.memory_space<vmem_shared>>)
        tpu.yield
      }) : () -> ()
    } else {
    }
    %dma_wait3A = arith.constant 0 : i32
    %dma_wait3A_80 = tpu.memref_slice %arg3[%dma_wait3A] : memref<320000xi32, #tpu.memory_space<hbm>> -> memref<40xi32, #tpu.memory_space<hbm>>
    %dma_wait3A_81 = arith.constant 0 : i32
    %dma_wait3A_82 = tpu.memref_slice %arg3[%dma_wait3A_81] : memref<320000xi32, #tpu.memory_space<hbm>> -> memref<40xi32, #tpu.memory_space<hbm>>
    tpu.wait_dma2 semaphore(%arg35 : memref<!tpu.dma_semaphore, #tpu.memory_space<semaphore_mem>>) src(%dma_wait3A_82 : memref<40xi32, #tpu.memory_space<hbm>>) dst(%arg9 : memref<40xi32, #tpu.memory_space<vmem>>)
    %dma_wait3A_83 = arith.constant 0 : i32
    %dma_wait3A_84 = tpu.memref_slice %arg4[%dma_wait3A_83] : memref<320000xi32, #tpu.memory_space<hbm>> -> memref<40xi32, #tpu.memory_space<hbm>>
    %dma_wait3A_85 = arith.constant 0 : i32
    %dma_wait3A_86 = tpu.memref_slice %arg4[%dma_wait3A_85] : memref<320000xi32, #tpu.memory_space<hbm>> -> memref<40xi32, #tpu.memory_space<hbm>>
    tpu.wait_dma2 semaphore(%arg35 : memref<!tpu.dma_semaphore, #tpu.memory_space<semaphore_mem>>) src(%dma_wait3A_86 : memref<40xi32, #tpu.memory_space<hbm>>) dst(%arg19 : memref<40xi32, #tpu.memory_space<vmem>>)
    %dma_start3A_87 = arith.constant 0 : i32
    %dma_start3A_88 = arith.constant 0 : i32
    %dma_start3A_89 = tpu.memref_slice %arg2[%dma_start3A_87, %dma_start3A_88] : memref<10000x128xf32, #tpu.memory_space<hbm>> -> memref<10000x128xf32, #tpu.memory_space<hbm>>
    tpu.enqueue_indirect_dma source(%dma_start3A_89 : memref<10000x128xf32, #tpu.memory_space<hbm>>) target(%arg29 : memref<40x128xf32, #tpu.memory_space<vmem>>) offsets(%arg9 : memref<40xi32, #tpu.memory_space<vmem>>) semaphore(%arg45 : memref<!tpu.dma_semaphore, #tpu.memory_space<semaphore_mem>>)
    %dma_wait3A_90 = arith.constant 0 : i32
    %dma_wait3A_91 = tpu.memref_slice %arg3[%dma_wait3A_90] : memref<320000xi32, #tpu.memory_space<hbm>> -> memref<40xi32, #tpu.memory_space<hbm>>
    %dma_wait3A_92 = arith.constant 0 : i32
    %dma_wait3A_93 = tpu.memref_slice %arg3[%dma_wait3A_92] : memref<320000xi32, #tpu.memory_space<hbm>> -> memref<40xi32, #tpu.memory_space<hbm>>
    tpu.wait_dma2 semaphore(%arg36 : memref<!tpu.dma_semaphore, #tpu.memory_space<semaphore_mem>>) src(%dma_wait3A_93 : memref<40xi32, #tpu.memory_space<hbm>>) dst(%arg10 : memref<40xi32, #tpu.memory_space<vmem>>)
    %dma_wait3A_94 = arith.constant 0 : i32
    %dma_wait3A_95 = tpu.memref_slice %arg4[%dma_wait3A_94] : memref<320000xi32, #tpu.memory_space<hbm>> -> memref<40xi32, #tpu.memory_space<hbm>>
    %dma_wait3A_96 = arith.constant 0 : i32
    %dma_wait3A_97 = tpu.memref_slice %arg4[%dma_wait3A_96] : memref<320000xi32, #tpu.memory_space<hbm>> -> memref<40xi32, #tpu.memory_space<hbm>>
    tpu.wait_dma2 semaphore(%arg36 : memref<!tpu.dma_semaphore, #tpu.memory_space<semaphore_mem>>) src(%dma_wait3A_97 : memref<40xi32, #tpu.memory_space<hbm>>) dst(%arg20 : memref<40xi32, #tpu.memory_space<vmem>>)
    %dma_start3A_98 = arith.constant 0 : i32
    %dma_start3A_99 = arith.constant 0 : i32
    %dma_start3A_100 = tpu.memref_slice %arg2[%dma_start3A_98, %dma_start3A_99] : memref<10000x128xf32, #tpu.memory_space<hbm>> -> memref<10000x128xf32, #tpu.memory_space<hbm>>
    tpu.enqueue_indirect_dma source(%dma_start3A_100 : memref<10000x128xf32, #tpu.memory_space<hbm>>) target(%arg30 : memref<40x128xf32, #tpu.memory_space<vmem>>) offsets(%arg10 : memref<40xi32, #tpu.memory_space<vmem>>) semaphore(%arg46 : memref<!tpu.dma_semaphore, #tpu.memory_space<semaphore_mem>>)
    %dma_wait3A_101 = arith.constant 0 : i32
    %dma_wait3A_102 = tpu.memref_slice %arg3[%dma_wait3A_101] : memref<320000xi32, #tpu.memory_space<hbm>> -> memref<40xi32, #tpu.memory_space<hbm>>
    %dma_wait3A_103 = arith.constant 0 : i32
    %dma_wait3A_104 = tpu.memref_slice %arg3[%dma_wait3A_103] : memref<320000xi32, #tpu.memory_space<hbm>> -> memref<40xi32, #tpu.memory_space<hbm>>
    tpu.wait_dma2 semaphore(%arg37 : memref<!tpu.dma_semaphore, #tpu.memory_space<semaphore_mem>>) src(%dma_wait3A_104 : memref<40xi32, #tpu.memory_space<hbm>>) dst(%arg11 : memref<40xi32, #tpu.memory_space<vmem>>)
    %dma_wait3A_105 = arith.constant 0 : i32
    %dma_wait3A_106 = tpu.memref_slice %arg4[%dma_wait3A_105] : memref<320000xi32, #tpu.memory_space<hbm>> -> memref<40xi32, #tpu.memory_space<hbm>>
    %dma_wait3A_107 = arith.constant 0 : i32
    %dma_wait3A_108 = tpu.memref_slice %arg4[%dma_wait3A_107] : memref<320000xi32, #tpu.memory_space<hbm>> -> memref<40xi32, #tpu.memory_space<hbm>>
    tpu.wait_dma2 semaphore(%arg37 : memref<!tpu.dma_semaphore, #tpu.memory_space<semaphore_mem>>) src(%dma_wait3A_108 : memref<40xi32, #tpu.memory_space<hbm>>) dst(%arg21 : memref<40xi32, #tpu.memory_space<vmem>>)
    %dma_start3A_109 = arith.constant 0 : i32
    %dma_start3A_110 = arith.constant 0 : i32
    %dma_start3A_111 = tpu.memref_slice %arg2[%dma_start3A_109, %dma_start3A_110] : memref<10000x128xf32, #tpu.memory_space<hbm>> -> memref<10000x128xf32, #tpu.memory_space<hbm>>
    tpu.enqueue_indirect_dma source(%dma_start3A_111 : memref<10000x128xf32, #tpu.memory_space<hbm>>) target(%arg31 : memref<40x128xf32, #tpu.memory_space<vmem>>) offsets(%arg11 : memref<40xi32, #tpu.memory_space<vmem>>) semaphore(%arg47 : memref<!tpu.dma_semaphore, #tpu.memory_space<semaphore_mem>>)
    %dma_wait3A_112 = arith.constant 0 : i32
    %dma_wait3A_113 = tpu.memref_slice %arg3[%dma_wait3A_112] : memref<320000xi32, #tpu.memory_space<hbm>> -> memref<40xi32, #tpu.memory_space<hbm>>
    %dma_wait3A_114 = arith.constant 0 : i32
    %dma_wait3A_115 = tpu.memref_slice %arg3[%dma_wait3A_114] : memref<320000xi32, #tpu.memory_space<hbm>> -> memref<40xi32, #tpu.memory_space<hbm>>
    tpu.wait_dma2 semaphore(%arg38 : memref<!tpu.dma_semaphore, #tpu.memory_space<semaphore_mem>>) src(%dma_wait3A_115 : memref<40xi32, #tpu.memory_space<hbm>>) dst(%arg12 : memref<40xi32, #tpu.memory_space<vmem>>)
    %dma_wait3A_116 = arith.constant 0 : i32
    %dma_wait3A_117 = tpu.memref_slice %arg4[%dma_wait3A_116] : memref<320000xi32, #tpu.memory_space<hbm>> -> memref<40xi32, #tpu.memory_space<hbm>>
    %dma_wait3A_118 = arith.constant 0 : i32
    %dma_wait3A_119 = tpu.memref_slice %arg4[%dma_wait3A_118] : memref<320000xi32, #tpu.memory_space<hbm>> -> memref<40xi32, #tpu.memory_space<hbm>>
    tpu.wait_dma2 semaphore(%arg38 : memref<!tpu.dma_semaphore, #tpu.memory_space<semaphore_mem>>) src(%dma_wait3A_119 : memref<40xi32, #tpu.memory_space<hbm>>) dst(%arg22 : memref<40xi32, #tpu.memory_space<vmem>>)
    %dma_start3A_120 = arith.constant 0 : i32
    %dma_start3A_121 = arith.constant 0 : i32
    %dma_start3A_122 = tpu.memref_slice %arg2[%dma_start3A_120, %dma_start3A_121] : memref<10000x128xf32, #tpu.memory_space<hbm>> -> memref<10000x128xf32, #tpu.memory_space<hbm>>
    tpu.enqueue_indirect_dma source(%dma_start3A_122 : memref<10000x128xf32, #tpu.memory_space<hbm>>) target(%arg32 : memref<40x128xf32, #tpu.memory_space<vmem>>) offsets(%arg12 : memref<40xi32, #tpu.memory_space<vmem>>) semaphore(%arg48 : memref<!tpu.dma_semaphore, #tpu.memory_space<semaphore_mem>>)
    %dma_wait3A_123 = arith.constant 0 : i32
    %dma_wait3A_124 = tpu.memref_slice %arg3[%dma_wait3A_123] : memref<320000xi32, #tpu.memory_space<hbm>> -> memref<40xi32, #tpu.memory_space<hbm>>
    %dma_wait3A_125 = arith.constant 0 : i32
    %dma_wait3A_126 = tpu.memref_slice %arg3[%dma_wait3A_125] : memref<320000xi32, #tpu.memory_space<hbm>> -> memref<40xi32, #tpu.memory_space<hbm>>
    tpu.wait_dma2 semaphore(%arg39 : memref<!tpu.dma_semaphore, #tpu.memory_space<semaphore_mem>>) src(%dma_wait3A_126 : memref<40xi32, #tpu.memory_space<hbm>>) dst(%arg13 : memref<40xi32, #tpu.memory_space<vmem>>)
    %dma_wait3A_127 = arith.constant 0 : i32
    %dma_wait3A_128 = tpu.memref_slice %arg4[%dma_wait3A_127] : memref<320000xi32, #tpu.memory_space<hbm>> -> memref<40xi32, #tpu.memory_space<hbm>>
    %dma_wait3A_129 = arith.constant 0 : i32
    %dma_wait3A_130 = tpu.memref_slice %arg4[%dma_wait3A_129] : memref<320000xi32, #tpu.memory_space<hbm>> -> memref<40xi32, #tpu.memory_space<hbm>>
    tpu.wait_dma2 semaphore(%arg39 : memref<!tpu.dma_semaphore, #tpu.memory_space<semaphore_mem>>) src(%dma_wait3A_130 : memref<40xi32, #tpu.memory_space<hbm>>) dst(%arg23 : memref<40xi32, #tpu.memory_space<vmem>>)
    %dma_start3A_131 = arith.constant 0 : i32
    %dma_start3A_132 = arith.constant 0 : i32
    %dma_start3A_133 = tpu.memref_slice %arg2[%dma_start3A_131, %dma_start3A_132] : memref<10000x128xf32, #tpu.memory_space<hbm>> -> memref<10000x128xf32, #tpu.memory_space<hbm>>
    tpu.enqueue_indirect_dma source(%dma_start3A_133 : memref<10000x128xf32, #tpu.memory_space<hbm>>) target(%arg33 : memref<40x128xf32, #tpu.memory_space<vmem>>) offsets(%arg13 : memref<40xi32, #tpu.memory_space<vmem>>) semaphore(%arg49 : memref<!tpu.dma_semaphore, #tpu.memory_space<semaphore_mem>>)
    %barrier3A = arith.constant 0 : index
    tpu.barrier barrier_id(%barrier3A)
    %dma_wait3A_134 = arith.constant 0 : i32
    %dma_wait3A_135 = arith.constant 0 : i32
    %dma_wait3A_136 = tpu.memref_slice %arg2[%dma_wait3A_134, %dma_wait3A_135] : memref<10000x128xf32, #tpu.memory_space<hbm>> -> memref<10000x128xf32, #tpu.memory_space<hbm>>
    tpu.wait_indirect_dma semaphore(%arg45 : memref<!tpu.dma_semaphore, #tpu.memory_space<semaphore_mem>>) src(%dma_wait3A_136 : memref<10000x128xf32, #tpu.memory_space<hbm>>) dst(%arg29 : memref<40x128xf32, #tpu.memory_space<vmem>>)
    %dma_start3A_137 = arith.constant 0 : i32
    %dma_start3A_138 = arith.constant 0 : i32
    %dma_start3A_139 = tpu.memref_slice %arg34[%dma_start3A_137, %dma_start3A_138] : memref<10000x128xf32, #tpu.memory_space<vmem_shared>> -> memref<10000x128xf32, #tpu.memory_space<vmem_shared>>
    tpu.enqueue_indirect_dma source(%arg29 : memref<40x128xf32, #tpu.memory_space<vmem>>) target(%dma_start3A_139 : memref<10000x128xf32, #tpu.memory_space<vmem_shared>>) offsets(%arg19 : memref<40xi32, #tpu.memory_space<vmem>>) semaphore(%arg50 : memref<!tpu.dma_semaphore, #tpu.memory_space<semaphore_mem>>) {add = true}
    %dma_wait3A_140 = arith.constant 0 : i32
    %dma_wait3A_141 = arith.constant 0 : i32
    %dma_wait3A_142 = tpu.memref_slice %arg2[%dma_wait3A_140, %dma_wait3A_141] : memref<10000x128xf32, #tpu.memory_space<hbm>> -> memref<10000x128xf32, #tpu.memory_space<hbm>>
    tpu.wait_indirect_dma semaphore(%arg46 : memref<!tpu.dma_semaphore, #tpu.memory_space<semaphore_mem>>) src(%dma_wait3A_142 : memref<10000x128xf32, #tpu.memory_space<hbm>>) dst(%arg30 : memref<40x128xf32, #tpu.memory_space<vmem>>)
    %dma_start3A_143 = arith.constant 0 : i32
    %dma_start3A_144 = arith.constant 0 : i32
    %dma_start3A_145 = tpu.memref_slice %arg34[%dma_start3A_143, %dma_start3A_144] : memref<10000x128xf32, #tpu.memory_space<vmem_shared>> -> memref<10000x128xf32, #tpu.memory_space<vmem_shared>>
    tpu.enqueue_indirect_dma source(%arg30 : memref<40x128xf32, #tpu.memory_space<vmem>>) target(%dma_start3A_145 : memref<10000x128xf32, #tpu.memory_space<vmem_shared>>) offsets(%arg20 : memref<40xi32, #tpu.memory_space<vmem>>) semaphore(%arg51 : memref<!tpu.dma_semaphore, #tpu.memory_space<semaphore_mem>>) {add = true}
    %dma_wait3A_146 = arith.constant 0 : i32
    %dma_wait3A_147 = arith.constant 0 : i32
    %dma_wait3A_148 = tpu.memref_slice %arg2[%dma_wait3A_146, %dma_wait3A_147] : memref<10000x128xf32, #tpu.memory_space<hbm>> -> memref<10000x128xf32, #tpu.memory_space<hbm>>
    tpu.wait_indirect_dma semaphore(%arg47 : memref<!tpu.dma_semaphore, #tpu.memory_space<semaphore_mem>>) src(%dma_wait3A_148 : memref<10000x128xf32, #tpu.memory_space<hbm>>) dst(%arg31 : memref<40x128xf32, #tpu.memory_space<vmem>>)
    %dma_start3A_149 = arith.constant 0 : i32
    %dma_start3A_150 = arith.constant 0 : i32
    %dma_start3A_151 = tpu.memref_slice %arg34[%dma_start3A_149, %dma_start3A_150] : memref<10000x128xf32, #tpu.memory_space<vmem_shared>> -> memref<10000x128xf32, #tpu.memory_space<vmem_shared>>
    tpu.enqueue_indirect_dma source(%arg31 : memref<40x128xf32, #tpu.memory_space<vmem>>) target(%dma_start3A_151 : memref<10000x128xf32, #tpu.memory_space<vmem_shared>>) offsets(%arg21 : memref<40xi32, #tpu.memory_space<vmem>>) semaphore(%arg52 : memref<!tpu.dma_semaphore, #tpu.memory_space<semaphore_mem>>) {add = true}
    %dma_wait3A_152 = arith.constant 0 : i32
    %dma_wait3A_153 = arith.constant 0 : i32
    %dma_wait3A_154 = tpu.memref_slice %arg2[%dma_wait3A_152, %dma_wait3A_153] : memref<10000x128xf32, #tpu.memory_space<hbm>> -> memref<10000x128xf32, #tpu.memory_space<hbm>>
    tpu.wait_indirect_dma semaphore(%arg48 : memref<!tpu.dma_semaphore, #tpu.memory_space<semaphore_mem>>) src(%dma_wait3A_154 : memref<10000x128xf32, #tpu.memory_space<hbm>>) dst(%arg32 : memref<40x128xf32, #tpu.memory_space<vmem>>)
    %dma_start3A_155 = arith.constant 0 : i32
    %dma_start3A_156 = arith.constant 0 : i32
    %dma_start3A_157 = tpu.memref_slice %arg34[%dma_start3A_155, %dma_start3A_156] : memref<10000x128xf32, #tpu.memory_space<vmem_shared>> -> memref<10000x128xf32, #tpu.memory_space<vmem_shared>>
    tpu.enqueue_indirect_dma source(%arg32 : memref<40x128xf32, #tpu.memory_space<vmem>>) target(%dma_start3A_157 : memref<10000x128xf32, #tpu.memory_space<vmem_shared>>) offsets(%arg22 : memref<40xi32, #tpu.memory_space<vmem>>) semaphore(%arg53 : memref<!tpu.dma_semaphore, #tpu.memory_space<semaphore_mem>>) {add = true}
    %dma_wait3A_158 = arith.constant 0 : i32
    %dma_wait3A_159 = arith.constant 0 : i32
    %dma_wait3A_160 = tpu.memref_slice %arg2[%dma_wait3A_158, %dma_wait3A_159] : memref<10000x128xf32, #tpu.memory_space<hbm>> -> memref<10000x128xf32, #tpu.memory_space<hbm>>
    tpu.wait_indirect_dma semaphore(%arg49 : memref<!tpu.dma_semaphore, #tpu.memory_space<semaphore_mem>>) src(%dma_wait3A_160 : memref<10000x128xf32, #tpu.memory_space<hbm>>) dst(%arg33 : memref<40x128xf32, #tpu.memory_space<vmem>>)
    %dma_start3A_161 = arith.constant 0 : i32
    %dma_start3A_162 = arith.constant 0 : i32
    %dma_start3A_163 = tpu.memref_slice %arg34[%dma_start3A_161, %dma_start3A_162] : memref<10000x128xf32, #tpu.memory_space<vmem_shared>> -> memref<10000x128xf32, #tpu.memory_space<vmem_shared>>
    tpu.enqueue_indirect_dma source(%arg33 : memref<40x128xf32, #tpu.memory_space<vmem>>) target(%dma_start3A_163 : memref<10000x128xf32, #tpu.memory_space<vmem_shared>>) offsets(%arg23 : memref<40xi32, #tpu.memory_space<vmem>>) semaphore(%arg54 : memref<!tpu.dma_semaphore, #tpu.memory_space<semaphore_mem>>) {add = true}
    %scan3A = arith.constant 0 : i32
    %scan3A_164 = arith.constant 0 : i32
    %scan3A_165 = arith.constant 24 : i32
    %scan3A_166 = arith.addi %scan3A_164, %scan3A_165 : i32
    %scan3A_167 = arith.constant 1 : i32
    scf.for %scan3A_295 = %scan3A_164 to %scan3A_166 step %scan3A_167  : i32 {
      %mul3A_296 = arith.constant 2 : i32
      %mul3A_297 = arith.muli %mul3A_296, %scan3A_295 : i32
      %add3A_298 = arith.constant 1 : i32
      %add3A_299 = arith.addi %mul3A_297, %add3A_298 : i32
      %dma_wait3A_300 = arith.constant 0 : i32
      %dma_wait3A_301 = arith.constant 0 : i32
      %dma_wait3A_302 = tpu.memref_slice %arg34[%dma_wait3A_300, %dma_wait3A_301] : memref<10000x128xf32, #tpu.memory_space<vmem_shared>> -> memref<10000x128xf32, #tpu.memory_space<vmem_shared>>
      tpu.wait_indirect_dma semaphore(%arg50 : memref<!tpu.dma_semaphore, #tpu.memory_space<semaphore_mem>>) src(%arg29 : memref<40x128xf32, #tpu.memory_space<vmem>>) dst(%dma_wait3A_302 : memref<10000x128xf32, #tpu.memory_space<vmem_shared>>)
      %lt3A_303 = arith.constant 49 : i32
      %lt3A_304 = arith.cmpi slt, %add3A_299, %lt3A_303 : i32
      %convert_element_type3A_305 = arith.extui %lt3A_304 : i1 to i32
      %cond3A_306 = arith.constant 0 : i32
      %cond3A_307 = arith.cmpi ne, %convert_element_type3A_305, %cond3A_306 : i32
      scf.if %cond3A_307 {
        %add3A_554 = arith.constant 1 : i32
        %add3A_555 = arith.addi %add3A_299, %add3A_554 : i32
        %mul3A_556 = arith.constant 5 : i32
        %mul3A_557 = arith.muli %add3A_555, %mul3A_556 : i32
        %add3A_558 = arith.constant 0 : i32
        %add3A_559 = arith.addi %mul3A_557, %add3A_558 : i32
        %mul3A_560 = arith.constant 40 : i32
        %mul3A_561 = arith.muli %add3A_559, %mul3A_560 : i32
        %add3A_562 = arith.addi %mul3A_4, %mul3A_561 : i32
        %multiple_of3A_563 = tpu.assume_multiple %add3A_562, 8 : i32
        %dma_start3A_564 = tpu.memref_slice %arg3[%multiple_of3A_563] : memref<320000xi32, #tpu.memory_space<hbm>> -> memref<40xi32, #tpu.memory_space<hbm>>
        %dma_start3A_565 = tpu.memref_slice %arg3[%multiple_of3A_563] : memref<320000xi32, #tpu.memory_space<hbm>> -> memref<40xi32, #tpu.memory_space<hbm>>
        tpu.enqueue_dma source(%dma_start3A_565 : memref<40xi32, #tpu.memory_space<hbm>>) target(%arg9 : memref<40xi32, #tpu.memory_space<vmem>>) target_semaphore(%arg35 : memref<!tpu.dma_semaphore, #tpu.memory_space<semaphore_mem>>)
        %dma_start3A_566 = tpu.memref_slice %arg4[%multiple_of3A_563] : memref<320000xi32, #tpu.memory_space<hbm>> -> memref<40xi32, #tpu.memory_space<hbm>>
        %dma_start3A_567 = tpu.memref_slice %arg4[%multiple_of3A_563] : memref<320000xi32, #tpu.memory_space<hbm>> -> memref<40xi32, #tpu.memory_space<hbm>>
        tpu.enqueue_dma source(%dma_start3A_567 : memref<40xi32, #tpu.memory_space<hbm>>) target(%arg19 : memref<40xi32, #tpu.memory_space<vmem>>) target_semaphore(%arg35 : memref<!tpu.dma_semaphore, #tpu.memory_space<semaphore_mem>>)
      } else {
      }
      %dma_wait3A_308 = arith.constant 0 : i32
      %dma_wait3A_309 = tpu.memref_slice %arg3[%dma_wait3A_308] : memref<320000xi32, #tpu.memory_space<hbm>> -> memref<40xi32, #tpu.memory_space<hbm>>
      %dma_wait3A_310 = arith.constant 0 : i32
      %dma_wait3A_311 = tpu.memref_slice %arg3[%dma_wait3A_310] : memref<320000xi32, #tpu.memory_space<hbm>> -> memref<40xi32, #tpu.memory_space<hbm>>
      tpu.wait_dma2 semaphore(%arg40 : memref<!tpu.dma_semaphore, #tpu.memory_space<semaphore_mem>>) src(%dma_wait3A_311 : memref<40xi32, #tpu.memory_space<hbm>>) dst(%arg14 : memref<40xi32, #tpu.memory_space<vmem>>)
      %dma_wait3A_312 = arith.constant 0 : i32
      %dma_wait3A_313 = tpu.memref_slice %arg4[%dma_wait3A_312] : memref<320000xi32, #tpu.memory_space<hbm>> -> memref<40xi32, #tpu.memory_space<hbm>>
      %dma_wait3A_314 = arith.constant 0 : i32
      %dma_wait3A_315 = tpu.memref_slice %arg4[%dma_wait3A_314] : memref<320000xi32, #tpu.memory_space<hbm>> -> memref<40xi32, #tpu.memory_space<hbm>>
      tpu.wait_dma2 semaphore(%arg40 : memref<!tpu.dma_semaphore, #tpu.memory_space<semaphore_mem>>) src(%dma_wait3A_315 : memref<40xi32, #tpu.memory_space<hbm>>) dst(%arg24 : memref<40xi32, #tpu.memory_space<vmem>>)
      %dma_start3A_316 = arith.constant 0 : i32
      %dma_start3A_317 = arith.constant 0 : i32
      %dma_start3A_318 = tpu.memref_slice %arg2[%dma_start3A_316, %dma_start3A_317] : memref<10000x128xf32, #tpu.memory_space<hbm>> -> memref<10000x128xf32, #tpu.memory_space<hbm>>
      tpu.enqueue_indirect_dma source(%dma_start3A_318 : memref<10000x128xf32, #tpu.memory_space<hbm>>) target(%arg29 : memref<40x128xf32, #tpu.memory_space<vmem>>) offsets(%arg14 : memref<40xi32, #tpu.memory_space<vmem>>) semaphore(%arg45 : memref<!tpu.dma_semaphore, #tpu.memory_space<semaphore_mem>>)
      %dma_wait3A_319 = arith.constant 0 : i32
      %dma_wait3A_320 = arith.constant 0 : i32
      %dma_wait3A_321 = tpu.memref_slice %arg34[%dma_wait3A_319, %dma_wait3A_320] : memref<10000x128xf32, #tpu.memory_space<vmem_shared>> -> memref<10000x128xf32, #tpu.memory_space<vmem_shared>>
      tpu.wait_indirect_dma semaphore(%arg51 : memref<!tpu.dma_semaphore, #tpu.memory_space<semaphore_mem>>) src(%arg30 : memref<40x128xf32, #tpu.memory_space<vmem>>) dst(%dma_wait3A_321 : memref<10000x128xf32, #tpu.memory_space<vmem_shared>>)
      %lt3A_322 = arith.constant 49 : i32
      %lt3A_323 = arith.cmpi slt, %add3A_299, %lt3A_322 : i32
      %convert_element_type3A_324 = arith.extui %lt3A_323 : i1 to i32
      %cond3A_325 = arith.constant 0 : i32
      %cond3A_326 = arith.cmpi ne, %convert_element_type3A_324, %cond3A_325 : i32
      scf.if %cond3A_326 {
        %add3A_554 = arith.constant 1 : i32
        %add3A_555 = arith.addi %add3A_299, %add3A_554 : i32
        %mul3A_556 = arith.constant 5 : i32
        %mul3A_557 = arith.muli %add3A_555, %mul3A_556 : i32
        %add3A_558 = arith.constant 1 : i32
        %add3A_559 = arith.addi %mul3A_557, %add3A_558 : i32
        %mul3A_560 = arith.constant 40 : i32
        %mul3A_561 = arith.muli %add3A_559, %mul3A_560 : i32
        %add3A_562 = arith.addi %mul3A_4, %mul3A_561 : i32
        %multiple_of3A_563 = tpu.assume_multiple %add3A_562, 8 : i32
        %dma_start3A_564 = tpu.memref_slice %arg3[%multiple_of3A_563] : memref<320000xi32, #tpu.memory_space<hbm>> -> memref<40xi32, #tpu.memory_space<hbm>>
        %dma_start3A_565 = tpu.memref_slice %arg3[%multiple_of3A_563] : memref<320000xi32, #tpu.memory_space<hbm>> -> memref<40xi32, #tpu.memory_space<hbm>>
        tpu.enqueue_dma source(%dma_start3A_565 : memref<40xi32, #tpu.memory_space<hbm>>) target(%arg10 : memref<40xi32, #tpu.memory_space<vmem>>) target_semaphore(%arg36 : memref<!tpu.dma_semaphore, #tpu.memory_space<semaphore_mem>>)
        %dma_start3A_566 = tpu.memref_slice %arg4[%multiple_of3A_563] : memref<320000xi32, #tpu.memory_space<hbm>> -> memref<40xi32, #tpu.memory_space<hbm>>
        %dma_start3A_567 = tpu.memref_slice %arg4[%multiple_of3A_563] : memref<320000xi32, #tpu.memory_space<hbm>> -> memref<40xi32, #tpu.memory_space<hbm>>
        tpu.enqueue_dma source(%dma_start3A_567 : memref<40xi32, #tpu.memory_space<hbm>>) target(%arg20 : memref<40xi32, #tpu.memory_space<vmem>>) target_semaphore(%arg36 : memref<!tpu.dma_semaphore, #tpu.memory_space<semaphore_mem>>)
      } else {
      }
      %dma_wait3A_327 = arith.constant 0 : i32
      %dma_wait3A_328 = tpu.memref_slice %arg3[%dma_wait3A_327] : memref<320000xi32, #tpu.memory_space<hbm>> -> memref<40xi32, #tpu.memory_space<hbm>>
      %dma_wait3A_329 = arith.constant 0 : i32
      %dma_wait3A_330 = tpu.memref_slice %arg3[%dma_wait3A_329] : memref<320000xi32, #tpu.memory_space<hbm>> -> memref<40xi32, #tpu.memory_space<hbm>>
      tpu.wait_dma2 semaphore(%arg41 : memref<!tpu.dma_semaphore, #tpu.memory_space<semaphore_mem>>) src(%dma_wait3A_330 : memref<40xi32, #tpu.memory_space<hbm>>) dst(%arg15 : memref<40xi32, #tpu.memory_space<vmem>>)
      %dma_wait3A_331 = arith.constant 0 : i32
      %dma_wait3A_332 = tpu.memref_slice %arg4[%dma_wait3A_331] : memref<320000xi32, #tpu.memory_space<hbm>> -> memref<40xi32, #tpu.memory_space<hbm>>
      %dma_wait3A_333 = arith.constant 0 : i32
      %dma_wait3A_334 = tpu.memref_slice %arg4[%dma_wait3A_333] : memref<320000xi32, #tpu.memory_space<hbm>> -> memref<40xi32, #tpu.memory_space<hbm>>
      tpu.wait_dma2 semaphore(%arg41 : memref<!tpu.dma_semaphore, #tpu.memory_space<semaphore_mem>>) src(%dma_wait3A_334 : memref<40xi32, #tpu.memory_space<hbm>>) dst(%arg25 : memref<40xi32, #tpu.memory_space<vmem>>)
      %dma_start3A_335 = arith.constant 0 : i32
      %dma_start3A_336 = arith.constant 0 : i32
      %dma_start3A_337 = tpu.memref_slice %arg2[%dma_start3A_335, %dma_start3A_336] : memref<10000x128xf32, #tpu.memory_space<hbm>> -> memref<10000x128xf32, #tpu.memory_space<hbm>>
      tpu.enqueue_indirect_dma source(%dma_start3A_337 : memref<10000x128xf32, #tpu.memory_space<hbm>>) target(%arg30 : memref<40x128xf32, #tpu.memory_space<vmem>>) offsets(%arg15 : memref<40xi32, #tpu.memory_space<vmem>>) semaphore(%arg46 : memref<!tpu.dma_semaphore, #tpu.memory_space<semaphore_mem>>)
      %dma_wait3A_338 = arith.constant 0 : i32
      %dma_wait3A_339 = arith.constant 0 : i32
      %dma_wait3A_340 = tpu.memref_slice %arg34[%dma_wait3A_338, %dma_wait3A_339] : memref<10000x128xf32, #tpu.memory_space<vmem_shared>> -> memref<10000x128xf32, #tpu.memory_space<vmem_shared>>
      tpu.wait_indirect_dma semaphore(%arg52 : memref<!tpu.dma_semaphore, #tpu.memory_space<semaphore_mem>>) src(%arg31 : memref<40x128xf32, #tpu.memory_space<vmem>>) dst(%dma_wait3A_340 : memref<10000x128xf32, #tpu.memory_space<vmem_shared>>)
      %lt3A_341 = arith.constant 49 : i32
      %lt3A_342 = arith.cmpi slt, %add3A_299, %lt3A_341 : i32
      %convert_element_type3A_343 = arith.extui %lt3A_342 : i1 to i32
      %cond3A_344 = arith.constant 0 : i32
      %cond3A_345 = arith.cmpi ne, %convert_element_type3A_343, %cond3A_344 : i32
      scf.if %cond3A_345 {
        %add3A_554 = arith.constant 1 : i32
        %add3A_555 = arith.addi %add3A_299, %add3A_554 : i32
        %mul3A_556 = arith.constant 5 : i32
        %mul3A_557 = arith.muli %add3A_555, %mul3A_556 : i32
        %add3A_558 = arith.constant 2 : i32
        %add3A_559 = arith.addi %mul3A_557, %add3A_558 : i32
        %mul3A_560 = arith.constant 40 : i32
        %mul3A_561 = arith.muli %add3A_559, %mul3A_560 : i32
        %add3A_562 = arith.addi %mul3A_4, %mul3A_561 : i32
        %multiple_of3A_563 = tpu.assume_multiple %add3A_562, 8 : i32
        %dma_start3A_564 = tpu.memref_slice %arg3[%multiple_of3A_563] : memref<320000xi32, #tpu.memory_space<hbm>> -> memref<40xi32, #tpu.memory_space<hbm>>
        %dma_start3A_565 = tpu.memref_slice %arg3[%multiple_of3A_563] : memref<320000xi32, #tpu.memory_space<hbm>> -> memref<40xi32, #tpu.memory_space<hbm>>
        tpu.enqueue_dma source(%dma_start3A_565 : memref<40xi32, #tpu.memory_space<hbm>>) target(%arg11 : memref<40xi32, #tpu.memory_space<vmem>>) target_semaphore(%arg37 : memref<!tpu.dma_semaphore, #tpu.memory_space<semaphore_mem>>)
        %dma_start3A_566 = tpu.memref_slice %arg4[%multiple_of3A_563] : memref<320000xi32, #tpu.memory_space<hbm>> -> memref<40xi32, #tpu.memory_space<hbm>>
        %dma_start3A_567 = tpu.memref_slice %arg4[%multiple_of3A_563] : memref<320000xi32, #tpu.memory_space<hbm>> -> memref<40xi32, #tpu.memory_space<hbm>>
        tpu.enqueue_dma source(%dma_start3A_567 : memref<40xi32, #tpu.memory_space<hbm>>) target(%arg21 : memref<40xi32, #tpu.memory_space<vmem>>) target_semaphore(%arg37 : memref<!tpu.dma_semaphore, #tpu.memory_space<semaphore_mem>>)
      } else {
      }
      %dma_wait3A_346 = arith.constant 0 : i32
      %dma_wait3A_347 = tpu.memref_slice %arg3[%dma_wait3A_346] : memref<320000xi32, #tpu.memory_space<hbm>> -> memref<40xi32, #tpu.memory_space<hbm>>
      %dma_wait3A_348 = arith.constant 0 : i32
      %dma_wait3A_349 = tpu.memref_slice %arg3[%dma_wait3A_348] : memref<320000xi32, #tpu.memory_space<hbm>> -> memref<40xi32, #tpu.memory_space<hbm>>
      tpu.wait_dma2 semaphore(%arg42 : memref<!tpu.dma_semaphore, #tpu.memory_space<semaphore_mem>>) src(%dma_wait3A_349 : memref<40xi32, #tpu.memory_space<hbm>>) dst(%arg16 : memref<40xi32, #tpu.memory_space<vmem>>)
      %dma_wait3A_350 = arith.constant 0 : i32
      %dma_wait3A_351 = tpu.memref_slice %arg4[%dma_wait3A_350] : memref<320000xi32, #tpu.memory_space<hbm>> -> memref<40xi32, #tpu.memory_space<hbm>>
      %dma_wait3A_352 = arith.constant 0 : i32
      %dma_wait3A_353 = tpu.memref_slice %arg4[%dma_wait3A_352] : memref<320000xi32, #tpu.memory_space<hbm>> -> memref<40xi32, #tpu.memory_space<hbm>>
      tpu.wait_dma2 semaphore(%arg42 : memref<!tpu.dma_semaphore, #tpu.memory_space<semaphore_mem>>) src(%dma_wait3A_353 : memref<40xi32, #tpu.memory_space<hbm>>) dst(%arg26 : memref<40xi32, #tpu.memory_space<vmem>>)
      %dma_start3A_354 = arith.constant 0 : i32
      %dma_start3A_355 = arith.constant 0 : i32
      %dma_start3A_356 = tpu.memref_slice %arg2[%dma_start3A_354, %dma_start3A_355] : memref<10000x128xf32, #tpu.memory_space<hbm>> -> memref<10000x128xf32, #tpu.memory_space<hbm>>
      tpu.enqueue_indirect_dma source(%dma_start3A_356 : memref<10000x128xf32, #tpu.memory_space<hbm>>) target(%arg31 : memref<40x128xf32, #tpu.memory_space<vmem>>) offsets(%arg16 : memref<40xi32, #tpu.memory_space<vmem>>) semaphore(%arg47 : memref<!tpu.dma_semaphore, #tpu.memory_space<semaphore_mem>>)
      %dma_wait3A_357 = arith.constant 0 : i32
      %dma_wait3A_358 = arith.constant 0 : i32
      %dma_wait3A_359 = tpu.memref_slice %arg34[%dma_wait3A_357, %dma_wait3A_358] : memref<10000x128xf32, #tpu.memory_space<vmem_shared>> -> memref<10000x128xf32, #tpu.memory_space<vmem_shared>>
      tpu.wait_indirect_dma semaphore(%arg53 : memref<!tpu.dma_semaphore, #tpu.memory_space<semaphore_mem>>) src(%arg32 : memref<40x128xf32, #tpu.memory_space<vmem>>) dst(%dma_wait3A_359 : memref<10000x128xf32, #tpu.memory_space<vmem_shared>>)
      %lt3A_360 = arith.constant 49 : i32
      %lt3A_361 = arith.cmpi slt, %add3A_299, %lt3A_360 : i32
      %convert_element_type3A_362 = arith.extui %lt3A_361 : i1 to i32
      %cond3A_363 = arith.constant 0 : i32
      %cond3A_364 = arith.cmpi ne, %convert_element_type3A_362, %cond3A_363 : i32
      scf.if %cond3A_364 {
        %add3A_554 = arith.constant 1 : i32
        %add3A_555 = arith.addi %add3A_299, %add3A_554 : i32
        %mul3A_556 = arith.constant 5 : i32
        %mul3A_557 = arith.muli %add3A_555, %mul3A_556 : i32
        %add3A_558 = arith.constant 3 : i32
        %add3A_559 = arith.addi %mul3A_557, %add3A_558 : i32
        %mul3A_560 = arith.constant 40 : i32
        %mul3A_561 = arith.muli %add3A_559, %mul3A_560 : i32
        %add3A_562 = arith.addi %mul3A_4, %mul3A_561 : i32
        %multiple_of3A_563 = tpu.assume_multiple %add3A_562, 8 : i32
        %dma_start3A_564 = tpu.memref_slice %arg3[%multiple_of3A_563] : memref<320000xi32, #tpu.memory_space<hbm>> -> memref<40xi32, #tpu.memory_space<hbm>>
        %dma_start3A_565 = tpu.memref_slice %arg3[%multiple_of3A_563] : memref<320000xi32, #tpu.memory_space<hbm>> -> memref<40xi32, #tpu.memory_space<hbm>>
        tpu.enqueue_dma source(%dma_start3A_565 : memref<40xi32, #tpu.memory_space<hbm>>) target(%arg12 : memref<40xi32, #tpu.memory_space<vmem>>) target_semaphore(%arg38 : memref<!tpu.dma_semaphore, #tpu.memory_space<semaphore_mem>>)
        %dma_start3A_566 = tpu.memref_slice %arg4[%multiple_of3A_563] : memref<320000xi32, #tpu.memory_space<hbm>> -> memref<40xi32, #tpu.memory_space<hbm>>
        %dma_start3A_567 = tpu.memref_slice %arg4[%multiple_of3A_563] : memref<320000xi32, #tpu.memory_space<hbm>> -> memref<40xi32, #tpu.memory_space<hbm>>
        tpu.enqueue_dma source(%dma_start3A_567 : memref<40xi32, #tpu.memory_space<hbm>>) target(%arg22 : memref<40xi32, #tpu.memory_space<vmem>>) target_semaphore(%arg38 : memref<!tpu.dma_semaphore, #tpu.memory_space<semaphore_mem>>)
      } else {
      }
      %dma_wait3A_365 = arith.constant 0 : i32
      %dma_wait3A_366 = tpu.memref_slice %arg3[%dma_wait3A_365] : memref<320000xi32, #tpu.memory_space<hbm>> -> memref<40xi32, #tpu.memory_space<hbm>>
      %dma_wait3A_367 = arith.constant 0 : i32
      %dma_wait3A_368 = tpu.memref_slice %arg3[%dma_wait3A_367] : memref<320000xi32, #tpu.memory_space<hbm>> -> memref<40xi32, #tpu.memory_space<hbm>>
      tpu.wait_dma2 semaphore(%arg43 : memref<!tpu.dma_semaphore, #tpu.memory_space<semaphore_mem>>) src(%dma_wait3A_368 : memref<40xi32, #tpu.memory_space<hbm>>) dst(%arg17 : memref<40xi32, #tpu.memory_space<vmem>>)
      %dma_wait3A_369 = arith.constant 0 : i32
      %dma_wait3A_370 = tpu.memref_slice %arg4[%dma_wait3A_369] : memref<320000xi32, #tpu.memory_space<hbm>> -> memref<40xi32, #tpu.memory_space<hbm>>
      %dma_wait3A_371 = arith.constant 0 : i32
      %dma_wait3A_372 = tpu.memref_slice %arg4[%dma_wait3A_371] : memref<320000xi32, #tpu.memory_space<hbm>> -> memref<40xi32, #tpu.memory_space<hbm>>
      tpu.wait_dma2 semaphore(%arg43 : memref<!tpu.dma_semaphore, #tpu.memory_space<semaphore_mem>>) src(%dma_wait3A_372 : memref<40xi32, #tpu.memory_space<hbm>>) dst(%arg27 : memref<40xi32, #tpu.memory_space<vmem>>)
      %dma_start3A_373 = arith.constant 0 : i32
      %dma_start3A_374 = arith.constant 0 : i32
      %dma_start3A_375 = tpu.memref_slice %arg2[%dma_start3A_373, %dma_start3A_374] : memref<10000x128xf32, #tpu.memory_space<hbm>> -> memref<10000x128xf32, #tpu.memory_space<hbm>>
      tpu.enqueue_indirect_dma source(%dma_start3A_375 : memref<10000x128xf32, #tpu.memory_space<hbm>>) target(%arg32 : memref<40x128xf32, #tpu.memory_space<vmem>>) offsets(%arg17 : memref<40xi32, #tpu.memory_space<vmem>>) semaphore(%arg48 : memref<!tpu.dma_semaphore, #tpu.memory_space<semaphore_mem>>)
      %dma_wait3A_376 = arith.constant 0 : i32
      %dma_wait3A_377 = arith.constant 0 : i32
      %dma_wait3A_378 = tpu.memref_slice %arg34[%dma_wait3A_376, %dma_wait3A_377] : memref<10000x128xf32, #tpu.memory_space<vmem_shared>> -> memref<10000x128xf32, #tpu.memory_space<vmem_shared>>
      tpu.wait_indirect_dma semaphore(%arg54 : memref<!tpu.dma_semaphore, #tpu.memory_space<semaphore_mem>>) src(%arg33 : memref<40x128xf32, #tpu.memory_space<vmem>>) dst(%dma_wait3A_378 : memref<10000x128xf32, #tpu.memory_space<vmem_shared>>)
      %lt3A_379 = arith.constant 49 : i32
      %lt3A_380 = arith.cmpi slt, %add3A_299, %lt3A_379 : i32
      %convert_element_type3A_381 = arith.extui %lt3A_380 : i1 to i32
      %cond3A_382 = arith.constant 0 : i32
      %cond3A_383 = arith.cmpi ne, %convert_element_type3A_381, %cond3A_382 : i32
      scf.if %cond3A_383 {
        %add3A_554 = arith.constant 1 : i32
        %add3A_555 = arith.addi %add3A_299, %add3A_554 : i32
        %mul3A_556 = arith.constant 5 : i32
        %mul3A_557 = arith.muli %add3A_555, %mul3A_556 : i32
        %add3A_558 = arith.constant 4 : i32
        %add3A_559 = arith.addi %mul3A_557, %add3A_558 : i32
        %mul3A_560 = arith.constant 40 : i32
        %mul3A_561 = arith.muli %add3A_559, %mul3A_560 : i32
        %add3A_562 = arith.addi %mul3A_4, %mul3A_561 : i32
        %multiple_of3A_563 = tpu.assume_multiple %add3A_562, 8 : i32
        %dma_start3A_564 = tpu.memref_slice %arg3[%multiple_of3A_563] : memref<320000xi32, #tpu.memory_space<hbm>> -> memref<40xi32, #tpu.memory_space<hbm>>
        %dma_start3A_565 = tpu.memref_slice %arg3[%multiple_of3A_563] : memref<320000xi32, #tpu.memory_space<hbm>> -> memref<40xi32, #tpu.memory_space<hbm>>
        tpu.enqueue_dma source(%dma_start3A_565 : memref<40xi32, #tpu.memory_space<hbm>>) target(%arg13 : memref<40xi32, #tpu.memory_space<vmem>>) target_semaphore(%arg39 : memref<!tpu.dma_semaphore, #tpu.memory_space<semaphore_mem>>)
        %dma_start3A_566 = tpu.memref_slice %arg4[%multiple_of3A_563] : memref<320000xi32, #tpu.memory_space<hbm>> -> memref<40xi32, #tpu.memory_space<hbm>>
        %dma_start3A_567 = tpu.memref_slice %arg4[%multiple_of3A_563] : memref<320000xi32, #tpu.memory_space<hbm>> -> memref<40xi32, #tpu.memory_space<hbm>>
        tpu.enqueue_dma source(%dma_start3A_567 : memref<40xi32, #tpu.memory_space<hbm>>) target(%arg23 : memref<40xi32, #tpu.memory_space<vmem>>) target_semaphore(%arg39 : memref<!tpu.dma_semaphore, #tpu.memory_space<semaphore_mem>>)
      } else {
      }
      %dma_wait3A_384 = arith.constant 0 : i32
      %dma_wait3A_385 = tpu.memref_slice %arg3[%dma_wait3A_384] : memref<320000xi32, #tpu.memory_space<hbm>> -> memref<40xi32, #tpu.memory_space<hbm>>
      %dma_wait3A_386 = arith.constant 0 : i32
      %dma_wait3A_387 = tpu.memref_slice %arg3[%dma_wait3A_386] : memref<320000xi32, #tpu.memory_space<hbm>> -> memref<40xi32, #tpu.memory_space<hbm>>
      tpu.wait_dma2 semaphore(%arg44 : memref<!tpu.dma_semaphore, #tpu.memory_space<semaphore_mem>>) src(%dma_wait3A_387 : memref<40xi32, #tpu.memory_space<hbm>>) dst(%arg18 : memref<40xi32, #tpu.memory_space<vmem>>)
      %dma_wait3A_388 = arith.constant 0 : i32
      %dma_wait3A_389 = tpu.memref_slice %arg4[%dma_wait3A_388] : memref<320000xi32, #tpu.memory_space<hbm>> -> memref<40xi32, #tpu.memory_space<hbm>>
      %dma_wait3A_390 = arith.constant 0 : i32
      %dma_wait3A_391 = tpu.memref_slice %arg4[%dma_wait3A_390] : memref<320000xi32, #tpu.memory_space<hbm>> -> memref<40xi32, #tpu.memory_space<hbm>>
      tpu.wait_dma2 semaphore(%arg44 : memref<!tpu.dma_semaphore, #tpu.memory_space<semaphore_mem>>) src(%dma_wait3A_391 : memref<40xi32, #tpu.memory_space<hbm>>) dst(%arg28 : memref<40xi32, #tpu.memory_space<vmem>>)
      %dma_start3A_392 = arith.constant 0 : i32
      %dma_start3A_393 = arith.constant 0 : i32
      %dma_start3A_394 = tpu.memref_slice %arg2[%dma_start3A_392, %dma_start3A_393] : memref<10000x128xf32, #tpu.memory_space<hbm>> -> memref<10000x128xf32, #tpu.memory_space<hbm>>
      tpu.enqueue_indirect_dma source(%dma_start3A_394 : memref<10000x128xf32, #tpu.memory_space<hbm>>) target(%arg33 : memref<40x128xf32, #tpu.memory_space<vmem>>) offsets(%arg18 : memref<40xi32, #tpu.memory_space<vmem>>) semaphore(%arg49 : memref<!tpu.dma_semaphore, #tpu.memory_space<semaphore_mem>>)
      %dma_wait3A_395 = arith.constant 0 : i32
      %dma_wait3A_396 = arith.constant 0 : i32
      %dma_wait3A_397 = tpu.memref_slice %arg2[%dma_wait3A_395, %dma_wait3A_396] : memref<10000x128xf32, #tpu.memory_space<hbm>> -> memref<10000x128xf32, #tpu.memory_space<hbm>>
      tpu.wait_indirect_dma semaphore(%arg45 : memref<!tpu.dma_semaphore, #tpu.memory_space<semaphore_mem>>) src(%dma_wait3A_397 : memref<10000x128xf32, #tpu.memory_space<hbm>>) dst(%arg29 : memref<40x128xf32, #tpu.memory_space<vmem>>)
      %dma_start3A_398 = arith.constant 0 : i32
      %dma_start3A_399 = arith.constant 0 : i32
      %dma_start3A_400 = tpu.memref_slice %arg34[%dma_start3A_398, %dma_start3A_399] : memref<10000x128xf32, #tpu.memory_space<vmem_shared>> -> memref<10000x128xf32, #tpu.memory_space<vmem_shared>>
      tpu.enqueue_indirect_dma source(%arg29 : memref<40x128xf32, #tpu.memory_space<vmem>>) target(%dma_start3A_400 : memref<10000x128xf32, #tpu.memory_space<vmem_shared>>) offsets(%arg24 : memref<40xi32, #tpu.memory_space<vmem>>) semaphore(%arg50 : memref<!tpu.dma_semaphore, #tpu.memory_space<semaphore_mem>>) {add = true}
      %dma_wait3A_401 = arith.constant 0 : i32
      %dma_wait3A_402 = arith.constant 0 : i32
      %dma_wait3A_403 = tpu.memref_slice %arg2[%dma_wait3A_401, %dma_wait3A_402] : memref<10000x128xf32, #tpu.memory_space<hbm>> -> memref<10000x128xf32, #tpu.memory_space<hbm>>
      tpu.wait_indirect_dma semaphore(%arg46 : memref<!tpu.dma_semaphore, #tpu.memory_space<semaphore_mem>>) src(%dma_wait3A_403 : memref<10000x128xf32, #tpu.memory_space<hbm>>) dst(%arg30 : memref<40x128xf32, #tpu.memory_space<vmem>>)
      %dma_start3A_404 = arith.constant 0 : i32
      %dma_start3A_405 = arith.constant 0 : i32
      %dma_start3A_406 = tpu.memref_slice %arg34[%dma_start3A_404, %dma_start3A_405] : memref<10000x128xf32, #tpu.memory_space<vmem_shared>> -> memref<10000x128xf32, #tpu.memory_space<vmem_shared>>
      tpu.enqueue_indirect_dma source(%arg30 : memref<40x128xf32, #tpu.memory_space<vmem>>) target(%dma_start3A_406 : memref<10000x128xf32, #tpu.memory_space<vmem_shared>>) offsets(%arg25 : memref<40xi32, #tpu.memory_space<vmem>>) semaphore(%arg51 : memref<!tpu.dma_semaphore, #tpu.memory_space<semaphore_mem>>) {add = true}
      %dma_wait3A_407 = arith.constant 0 : i32
      %dma_wait3A_408 = arith.constant 0 : i32
      %dma_wait3A_409 = tpu.memref_slice %arg2[%dma_wait3A_407, %dma_wait3A_408] : memref<10000x128xf32, #tpu.memory_space<hbm>> -> memref<10000x128xf32, #tpu.memory_space<hbm>>
      tpu.wait_indirect_dma semaphore(%arg47 : memref<!tpu.dma_semaphore, #tpu.memory_space<semaphore_mem>>) src(%dma_wait3A_409 : memref<10000x128xf32, #tpu.memory_space<hbm>>) dst(%arg31 : memref<40x128xf32, #tpu.memory_space<vmem>>)
      %dma_start3A_410 = arith.constant 0 : i32
      %dma_start3A_411 = arith.constant 0 : i32
      %dma_start3A_412 = tpu.memref_slice %arg34[%dma_start3A_410, %dma_start3A_411] : memref<10000x128xf32, #tpu.memory_space<vmem_shared>> -> memref<10000x128xf32, #tpu.memory_space<vmem_shared>>
      tpu.enqueue_indirect_dma source(%arg31 : memref<40x128xf32, #tpu.memory_space<vmem>>) target(%dma_start3A_412 : memref<10000x128xf32, #tpu.memory_space<vmem_shared>>) offsets(%arg26 : memref<40xi32, #tpu.memory_space<vmem>>) semaphore(%arg52 : memref<!tpu.dma_semaphore, #tpu.memory_space<semaphore_mem>>) {add = true}
      %dma_wait3A_413 = arith.constant 0 : i32
      %dma_wait3A_414 = arith.constant 0 : i32
      %dma_wait3A_415 = tpu.memref_slice %arg2[%dma_wait3A_413, %dma_wait3A_414] : memref<10000x128xf32, #tpu.memory_space<hbm>> -> memref<10000x128xf32, #tpu.memory_space<hbm>>
      tpu.wait_indirect_dma semaphore(%arg48 : memref<!tpu.dma_semaphore, #tpu.memory_space<semaphore_mem>>) src(%dma_wait3A_415 : memref<10000x128xf32, #tpu.memory_space<hbm>>) dst(%arg32 : memref<40x128xf32, #tpu.memory_space<vmem>>)
      %dma_start3A_416 = arith.constant 0 : i32
      %dma_start3A_417 = arith.constant 0 : i32
      %dma_start3A_418 = tpu.memref_slice %arg34[%dma_start3A_416, %dma_start3A_417] : memref<10000x128xf32, #tpu.memory_space<vmem_shared>> -> memref<10000x128xf32, #tpu.memory_space<vmem_shared>>
      tpu.enqueue_indirect_dma source(%arg32 : memref<40x128xf32, #tpu.memory_space<vmem>>) target(%dma_start3A_418 : memref<10000x128xf32, #tpu.memory_space<vmem_shared>>) offsets(%arg27 : memref<40xi32, #tpu.memory_space<vmem>>) semaphore(%arg53 : memref<!tpu.dma_semaphore, #tpu.memory_space<semaphore_mem>>) {add = true}
      %dma_wait3A_419 = arith.constant 0 : i32
      %dma_wait3A_420 = arith.constant 0 : i32
      %dma_wait3A_421 = tpu.memref_slice %arg2[%dma_wait3A_419, %dma_wait3A_420] : memref<10000x128xf32, #tpu.memory_space<hbm>> -> memref<10000x128xf32, #tpu.memory_space<hbm>>
      tpu.wait_indirect_dma semaphore(%arg49 : memref<!tpu.dma_semaphore, #tpu.memory_space<semaphore_mem>>) src(%dma_wait3A_421 : memref<10000x128xf32, #tpu.memory_space<hbm>>) dst(%arg33 : memref<40x128xf32, #tpu.memory_space<vmem>>)
      %dma_start3A_422 = arith.constant 0 : i32
      %dma_start3A_423 = arith.constant 0 : i32
      %dma_start3A_424 = tpu.memref_slice %arg34[%dma_start3A_422, %dma_start3A_423] : memref<10000x128xf32, #tpu.memory_space<vmem_shared>> -> memref<10000x128xf32, #tpu.memory_space<vmem_shared>>
      tpu.enqueue_indirect_dma source(%arg33 : memref<40x128xf32, #tpu.memory_space<vmem>>) target(%dma_start3A_424 : memref<10000x128xf32, #tpu.memory_space<vmem_shared>>) offsets(%arg28 : memref<40xi32, #tpu.memory_space<vmem>>) semaphore(%arg54 : memref<!tpu.dma_semaphore, #tpu.memory_space<semaphore_mem>>) {add = true}
      %mul3A_425 = arith.constant 2 : i32
      %mul3A_426 = arith.muli %mul3A_425, %scan3A_295 : i32
      %add3A_427 = arith.constant 2 : i32
      %add3A_428 = arith.addi %mul3A_426, %add3A_427 : i32
      %dma_wait3A_429 = arith.constant 0 : i32
      %dma_wait3A_430 = arith.constant 0 : i32
      %dma_wait3A_431 = tpu.memref_slice %arg34[%dma_wait3A_429, %dma_wait3A_430] : memref<10000x128xf32, #tpu.memory_space<vmem_shared>> -> memref<10000x128xf32, #tpu.memory_space<vmem_shared>>
      tpu.wait_indirect_dma semaphore(%arg50 : memref<!tpu.dma_semaphore, #tpu.memory_space<semaphore_mem>>) src(%arg29 : memref<40x128xf32, #tpu.memory_space<vmem>>) dst(%dma_wait3A_431 : memref<10000x128xf32, #tpu.memory_space<vmem_shared>>)
      %lt3A_432 = arith.constant 49 : i32
      %lt3A_433 = arith.cmpi slt, %add3A_428, %lt3A_432 : i32
      %convert_element_type3A_434 = arith.extui %lt3A_433 : i1 to i32
      %cond3A_435 = arith.constant 0 : i32
      %cond3A_436 = arith.cmpi ne, %convert_element_type3A_434, %cond3A_435 : i32
      scf.if %cond3A_436 {
        %add3A_554 = arith.constant 1 : i32
        %add3A_555 = arith.addi %add3A_428, %add3A_554 : i32
        %mul3A_556 = arith.constant 5 : i32
        %mul3A_557 = arith.muli %add3A_555, %mul3A_556 : i32
        %add3A_558 = arith.constant 0 : i32
        %add3A_559 = arith.addi %mul3A_557, %add3A_558 : i32
        %mul3A_560 = arith.constant 40 : i32
        %mul3A_561 = arith.muli %add3A_559, %mul3A_560 : i32
        %add3A_562 = arith.addi %mul3A_4, %mul3A_561 : i32
        %multiple_of3A_563 = tpu.assume_multiple %add3A_562, 8 : i32
        %dma_start3A_564 = tpu.memref_slice %arg3[%multiple_of3A_563] : memref<320000xi32, #tpu.memory_space<hbm>> -> memref<40xi32, #tpu.memory_space<hbm>>
        %dma_start3A_565 = tpu.memref_slice %arg3[%multiple_of3A_563] : memref<320000xi32, #tpu.memory_space<hbm>> -> memref<40xi32, #tpu.memory_space<hbm>>
        tpu.enqueue_dma source(%dma_start3A_565 : memref<40xi32, #tpu.memory_space<hbm>>) target(%arg14 : memref<40xi32, #tpu.memory_space<vmem>>) target_semaphore(%arg40 : memref<!tpu.dma_semaphore, #tpu.memory_space<semaphore_mem>>)
        %dma_start3A_566 = tpu.memref_slice %arg4[%multiple_of3A_563] : memref<320000xi32, #tpu.memory_space<hbm>> -> memref<40xi32, #tpu.memory_space<hbm>>
        %dma_start3A_567 = tpu.memref_slice %arg4[%multiple_of3A_563] : memref<320000xi32, #tpu.memory_space<hbm>> -> memref<40xi32, #tpu.memory_space<hbm>>
        tpu.enqueue_dma source(%dma_start3A_567 : memref<40xi32, #tpu.memory_space<hbm>>) target(%arg24 : memref<40xi32, #tpu.memory_space<vmem>>) target_semaphore(%arg40 : memref<!tpu.dma_semaphore, #tpu.memory_space<semaphore_mem>>)
      } else {
      }
      %dma_wait3A_437 = arith.constant 0 : i32
      %dma_wait3A_438 = tpu.memref_slice %arg3[%dma_wait3A_437] : memref<320000xi32, #tpu.memory_space<hbm>> -> memref<40xi32, #tpu.memory_space<hbm>>
      %dma_wait3A_439 = arith.constant 0 : i32
      %dma_wait3A_440 = tpu.memref_slice %arg3[%dma_wait3A_439] : memref<320000xi32, #tpu.memory_space<hbm>> -> memref<40xi32, #tpu.memory_space<hbm>>
      tpu.wait_dma2 semaphore(%arg35 : memref<!tpu.dma_semaphore, #tpu.memory_space<semaphore_mem>>) src(%dma_wait3A_440 : memref<40xi32, #tpu.memory_space<hbm>>) dst(%arg9 : memref<40xi32, #tpu.memory_space<vmem>>)
      %dma_wait3A_441 = arith.constant 0 : i32
      %dma_wait3A_442 = tpu.memref_slice %arg4[%dma_wait3A_441] : memref<320000xi32, #tpu.memory_space<hbm>> -> memref<40xi32, #tpu.memory_space<hbm>>
      %dma_wait3A_443 = arith.constant 0 : i32
      %dma_wait3A_444 = tpu.memref_slice %arg4[%dma_wait3A_443] : memref<320000xi32, #tpu.memory_space<hbm>> -> memref<40xi32, #tpu.memory_space<hbm>>
      tpu.wait_dma2 semaphore(%arg35 : memref<!tpu.dma_semaphore, #tpu.memory_space<semaphore_mem>>) src(%dma_wait3A_444 : memref<40xi32, #tpu.memory_space<hbm>>) dst(%arg19 : memref<40xi32, #tpu.memory_space<vmem>>)
      %dma_start3A_445 = arith.constant 0 : i32
      %dma_start3A_446 = arith.constant 0 : i32
      %dma_start3A_447 = tpu.memref_slice %arg2[%dma_start3A_445, %dma_start3A_446] : memref<10000x128xf32, #tpu.memory_space<hbm>> -> memref<10000x128xf32, #tpu.memory_space<hbm>>
      tpu.enqueue_indirect_dma source(%dma_start3A_447 : memref<10000x128xf32, #tpu.memory_space<hbm>>) target(%arg29 : memref<40x128xf32, #tpu.memory_space<vmem>>) offsets(%arg9 : memref<40xi32, #tpu.memory_space<vmem>>) semaphore(%arg45 : memref<!tpu.dma_semaphore, #tpu.memory_space<semaphore_mem>>)
      %dma_wait3A_448 = arith.constant 0 : i32
      %dma_wait3A_449 = arith.constant 0 : i32
      %dma_wait3A_450 = tpu.memref_slice %arg34[%dma_wait3A_448, %dma_wait3A_449] : memref<10000x128xf32, #tpu.memory_space<vmem_shared>> -> memref<10000x128xf32, #tpu.memory_space<vmem_shared>>
      tpu.wait_indirect_dma semaphore(%arg51 : memref<!tpu.dma_semaphore, #tpu.memory_space<semaphore_mem>>) src(%arg30 : memref<40x128xf32, #tpu.memory_space<vmem>>) dst(%dma_wait3A_450 : memref<10000x128xf32, #tpu.memory_space<vmem_shared>>)
      %lt3A_451 = arith.constant 49 : i32
      %lt3A_452 = arith.cmpi slt, %add3A_428, %lt3A_451 : i32
      %convert_element_type3A_453 = arith.extui %lt3A_452 : i1 to i32
      %cond3A_454 = arith.constant 0 : i32
      %cond3A_455 = arith.cmpi ne, %convert_element_type3A_453, %cond3A_454 : i32
      scf.if %cond3A_455 {
        %add3A_554 = arith.constant 1 : i32
        %add3A_555 = arith.addi %add3A_428, %add3A_554 : i32
        %mul3A_556 = arith.constant 5 : i32
        %mul3A_557 = arith.muli %add3A_555, %mul3A_556 : i32
        %add3A_558 = arith.constant 1 : i32
        %add3A_559 = arith.addi %mul3A_557, %add3A_558 : i32
        %mul3A_560 = arith.constant 40 : i32
        %mul3A_561 = arith.muli %add3A_559, %mul3A_560 : i32
        %add3A_562 = arith.addi %mul3A_4, %mul3A_561 : i32
        %multiple_of3A_563 = tpu.assume_multiple %add3A_562, 8 : i32
        %dma_start3A_564 = tpu.memref_slice %arg3[%multiple_of3A_563] : memref<320000xi32, #tpu.memory_space<hbm>> -> memref<40xi32, #tpu.memory_space<hbm>>
        %dma_start3A_565 = tpu.memref_slice %arg3[%multiple_of3A_563] : memref<320000xi32, #tpu.memory_space<hbm>> -> memref<40xi32, #tpu.memory_space<hbm>>
        tpu.enqueue_dma source(%dma_start3A_565 : memref<40xi32, #tpu.memory_space<hbm>>) target(%arg15 : memref<40xi32, #tpu.memory_space<vmem>>) target_semaphore(%arg41 : memref<!tpu.dma_semaphore, #tpu.memory_space<semaphore_mem>>)
        %dma_start3A_566 = tpu.memref_slice %arg4[%multiple_of3A_563] : memref<320000xi32, #tpu.memory_space<hbm>> -> memref<40xi32, #tpu.memory_space<hbm>>
        %dma_start3A_567 = tpu.memref_slice %arg4[%multiple_of3A_563] : memref<320000xi32, #tpu.memory_space<hbm>> -> memref<40xi32, #tpu.memory_space<hbm>>
        tpu.enqueue_dma source(%dma_start3A_567 : memref<40xi32, #tpu.memory_space<hbm>>) target(%arg25 : memref<40xi32, #tpu.memory_space<vmem>>) target_semaphore(%arg41 : memref<!tpu.dma_semaphore, #tpu.memory_space<semaphore_mem>>)
      } else {
      }
      %dma_wait3A_456 = arith.constant 0 : i32
      %dma_wait3A_457 = tpu.memref_slice %arg3[%dma_wait3A_456] : memref<320000xi32, #tpu.memory_space<hbm>> -> memref<40xi32, #tpu.memory_space<hbm>>
      %dma_wait3A_458 = arith.constant 0 : i32
      %dma_wait3A_459 = tpu.memref_slice %arg3[%dma_wait3A_458] : memref<320000xi32, #tpu.memory_space<hbm>> -> memref<40xi32, #tpu.memory_space<hbm>>
      tpu.wait_dma2 semaphore(%arg36 : memref<!tpu.dma_semaphore, #tpu.memory_space<semaphore_mem>>) src(%dma_wait3A_459 : memref<40xi32, #tpu.memory_space<hbm>>) dst(%arg10 : memref<40xi32, #tpu.memory_space<vmem>>)
      %dma_wait3A_460 = arith.constant 0 : i32
      %dma_wait3A_461 = tpu.memref_slice %arg4[%dma_wait3A_460] : memref<320000xi32, #tpu.memory_space<hbm>> -> memref<40xi32, #tpu.memory_space<hbm>>
      %dma_wait3A_462 = arith.constant 0 : i32
      %dma_wait3A_463 = tpu.memref_slice %arg4[%dma_wait3A_462] : memref<320000xi32, #tpu.memory_space<hbm>> -> memref<40xi32, #tpu.memory_space<hbm>>
      tpu.wait_dma2 semaphore(%arg36 : memref<!tpu.dma_semaphore, #tpu.memory_space<semaphore_mem>>) src(%dma_wait3A_463 : memref<40xi32, #tpu.memory_space<hbm>>) dst(%arg20 : memref<40xi32, #tpu.memory_space<vmem>>)
      %dma_start3A_464 = arith.constant 0 : i32
      %dma_start3A_465 = arith.constant 0 : i32
      %dma_start3A_466 = tpu.memref_slice %arg2[%dma_start3A_464, %dma_start3A_465] : memref<10000x128xf32, #tpu.memory_space<hbm>> -> memref<10000x128xf32, #tpu.memory_space<hbm>>
      tpu.enqueue_indirect_dma source(%dma_start3A_466 : memref<10000x128xf32, #tpu.memory_space<hbm>>) target(%arg30 : memref<40x128xf32, #tpu.memory_space<vmem>>) offsets(%arg10 : memref<40xi32, #tpu.memory_space<vmem>>) semaphore(%arg46 : memref<!tpu.dma_semaphore, #tpu.memory_space<semaphore_mem>>)
      %dma_wait3A_467 = arith.constant 0 : i32
      %dma_wait3A_468 = arith.constant 0 : i32
      %dma_wait3A_469 = tpu.memref_slice %arg34[%dma_wait3A_467, %dma_wait3A_468] : memref<10000x128xf32, #tpu.memory_space<vmem_shared>> -> memref<10000x128xf32, #tpu.memory_space<vmem_shared>>
      tpu.wait_indirect_dma semaphore(%arg52 : memref<!tpu.dma_semaphore, #tpu.memory_space<semaphore_mem>>) src(%arg31 : memref<40x128xf32, #tpu.memory_space<vmem>>) dst(%dma_wait3A_469 : memref<10000x128xf32, #tpu.memory_space<vmem_shared>>)
      %lt3A_470 = arith.constant 49 : i32
      %lt3A_471 = arith.cmpi slt, %add3A_428, %lt3A_470 : i32
      %convert_element_type3A_472 = arith.extui %lt3A_471 : i1 to i32
      %cond3A_473 = arith.constant 0 : i32
      %cond3A_474 = arith.cmpi ne, %convert_element_type3A_472, %cond3A_473 : i32
      scf.if %cond3A_474 {
        %add3A_554 = arith.constant 1 : i32
        %add3A_555 = arith.addi %add3A_428, %add3A_554 : i32
        %mul3A_556 = arith.constant 5 : i32
        %mul3A_557 = arith.muli %add3A_555, %mul3A_556 : i32
        %add3A_558 = arith.constant 2 : i32
        %add3A_559 = arith.addi %mul3A_557, %add3A_558 : i32
        %mul3A_560 = arith.constant 40 : i32
        %mul3A_561 = arith.muli %add3A_559, %mul3A_560 : i32
        %add3A_562 = arith.addi %mul3A_4, %mul3A_561 : i32
        %multiple_of3A_563 = tpu.assume_multiple %add3A_562, 8 : i32
        %dma_start3A_564 = tpu.memref_slice %arg3[%multiple_of3A_563] : memref<320000xi32, #tpu.memory_space<hbm>> -> memref<40xi32, #tpu.memory_space<hbm>>
        %dma_start3A_565 = tpu.memref_slice %arg3[%multiple_of3A_563] : memref<320000xi32, #tpu.memory_space<hbm>> -> memref<40xi32, #tpu.memory_space<hbm>>
        tpu.enqueue_dma source(%dma_start3A_565 : memref<40xi32, #tpu.memory_space<hbm>>) target(%arg16 : memref<40xi32, #tpu.memory_space<vmem>>) target_semaphore(%arg42 : memref<!tpu.dma_semaphore, #tpu.memory_space<semaphore_mem>>)
        %dma_start3A_566 = tpu.memref_slice %arg4[%multiple_of3A_563] : memref<320000xi32, #tpu.memory_space<hbm>> -> memref<40xi32, #tpu.memory_space<hbm>>
        %dma_start3A_567 = tpu.memref_slice %arg4[%multiple_of3A_563] : memref<320000xi32, #tpu.memory_space<hbm>> -> memref<40xi32, #tpu.memory_space<hbm>>
        tpu.enqueue_dma source(%dma_start3A_567 : memref<40xi32, #tpu.memory_space<hbm>>) target(%arg26 : memref<40xi32, #tpu.memory_space<vmem>>) target_semaphore(%arg42 : memref<!tpu.dma_semaphore, #tpu.memory_space<semaphore_mem>>)
      } else {
      }
      %dma_wait3A_475 = arith.constant 0 : i32
      %dma_wait3A_476 = tpu.memref_slice %arg3[%dma_wait3A_475] : memref<320000xi32, #tpu.memory_space<hbm>> -> memref<40xi32, #tpu.memory_space<hbm>>
      %dma_wait3A_477 = arith.constant 0 : i32
      %dma_wait3A_478 = tpu.memref_slice %arg3[%dma_wait3A_477] : memref<320000xi32, #tpu.memory_space<hbm>> -> memref<40xi32, #tpu.memory_space<hbm>>
      tpu.wait_dma2 semaphore(%arg37 : memref<!tpu.dma_semaphore, #tpu.memory_space<semaphore_mem>>) src(%dma_wait3A_478 : memref<40xi32, #tpu.memory_space<hbm>>) dst(%arg11 : memref<40xi32, #tpu.memory_space<vmem>>)
      %dma_wait3A_479 = arith.constant 0 : i32
      %dma_wait3A_480 = tpu.memref_slice %arg4[%dma_wait3A_479] : memref<320000xi32, #tpu.memory_space<hbm>> -> memref<40xi32, #tpu.memory_space<hbm>>
      %dma_wait3A_481 = arith.constant 0 : i32
      %dma_wait3A_482 = tpu.memref_slice %arg4[%dma_wait3A_481] : memref<320000xi32, #tpu.memory_space<hbm>> -> memref<40xi32, #tpu.memory_space<hbm>>
      tpu.wait_dma2 semaphore(%arg37 : memref<!tpu.dma_semaphore, #tpu.memory_space<semaphore_mem>>) src(%dma_wait3A_482 : memref<40xi32, #tpu.memory_space<hbm>>) dst(%arg21 : memref<40xi32, #tpu.memory_space<vmem>>)
      %dma_start3A_483 = arith.constant 0 : i32
      %dma_start3A_484 = arith.constant 0 : i32
      %dma_start3A_485 = tpu.memref_slice %arg2[%dma_start3A_483, %dma_start3A_484] : memref<10000x128xf32, #tpu.memory_space<hbm>> -> memref<10000x128xf32, #tpu.memory_space<hbm>>
      tpu.enqueue_indirect_dma source(%dma_start3A_485 : memref<10000x128xf32, #tpu.memory_space<hbm>>) target(%arg31 : memref<40x128xf32, #tpu.memory_space<vmem>>) offsets(%arg11 : memref<40xi32, #tpu.memory_space<vmem>>) semaphore(%arg47 : memref<!tpu.dma_semaphore, #tpu.memory_space<semaphore_mem>>)
      %dma_wait3A_486 = arith.constant 0 : i32
      %dma_wait3A_487 = arith.constant 0 : i32
      %dma_wait3A_488 = tpu.memref_slice %arg34[%dma_wait3A_486, %dma_wait3A_487] : memref<10000x128xf32, #tpu.memory_space<vmem_shared>> -> memref<10000x128xf32, #tpu.memory_space<vmem_shared>>
      tpu.wait_indirect_dma semaphore(%arg53 : memref<!tpu.dma_semaphore, #tpu.memory_space<semaphore_mem>>) src(%arg32 : memref<40x128xf32, #tpu.memory_space<vmem>>) dst(%dma_wait3A_488 : memref<10000x128xf32, #tpu.memory_space<vmem_shared>>)
      %lt3A_489 = arith.constant 49 : i32
      %lt3A_490 = arith.cmpi slt, %add3A_428, %lt3A_489 : i32
      %convert_element_type3A_491 = arith.extui %lt3A_490 : i1 to i32
      %cond3A_492 = arith.constant 0 : i32
      %cond3A_493 = arith.cmpi ne, %convert_element_type3A_491, %cond3A_492 : i32
      scf.if %cond3A_493 {
        %add3A_554 = arith.constant 1 : i32
        %add3A_555 = arith.addi %add3A_428, %add3A_554 : i32
        %mul3A_556 = arith.constant 5 : i32
        %mul3A_557 = arith.muli %add3A_555, %mul3A_556 : i32
        %add3A_558 = arith.constant 3 : i32
        %add3A_559 = arith.addi %mul3A_557, %add3A_558 : i32
        %mul3A_560 = arith.constant 40 : i32
        %mul3A_561 = arith.muli %add3A_559, %mul3A_560 : i32
        %add3A_562 = arith.addi %mul3A_4, %mul3A_561 : i32
        %multiple_of3A_563 = tpu.assume_multiple %add3A_562, 8 : i32
        %dma_start3A_564 = tpu.memref_slice %arg3[%multiple_of3A_563] : memref<320000xi32, #tpu.memory_space<hbm>> -> memref<40xi32, #tpu.memory_space<hbm>>
        %dma_start3A_565 = tpu.memref_slice %arg3[%multiple_of3A_563] : memref<320000xi32, #tpu.memory_space<hbm>> -> memref<40xi32, #tpu.memory_space<hbm>>
        tpu.enqueue_dma source(%dma_start3A_565 : memref<40xi32, #tpu.memory_space<hbm>>) target(%arg17 : memref<40xi32, #tpu.memory_space<vmem>>) target_semaphore(%arg43 : memref<!tpu.dma_semaphore, #tpu.memory_space<semaphore_mem>>)
        %dma_start3A_566 = tpu.memref_slice %arg4[%multiple_of3A_563] : memref<320000xi32, #tpu.memory_space<hbm>> -> memref<40xi32, #tpu.memory_space<hbm>>
        %dma_start3A_567 = tpu.memref_slice %arg4[%multiple_of3A_563] : memref<320000xi32, #tpu.memory_space<hbm>> -> memref<40xi32, #tpu.memory_space<hbm>>
        tpu.enqueue_dma source(%dma_start3A_567 : memref<40xi32, #tpu.memory_space<hbm>>) target(%arg27 : memref<40xi32, #tpu.memory_space<vmem>>) target_semaphore(%arg43 : memref<!tpu.dma_semaphore, #tpu.memory_space<semaphore_mem>>)
      } else {
      }
      %dma_wait3A_494 = arith.constant 0 : i32
      %dma_wait3A_495 = tpu.memref_slice %arg3[%dma_wait3A_494] : memref<320000xi32, #tpu.memory_space<hbm>> -> memref<40xi32, #tpu.memory_space<hbm>>
      %dma_wait3A_496 = arith.constant 0 : i32
      %dma_wait3A_497 = tpu.memref_slice %arg3[%dma_wait3A_496] : memref<320000xi32, #tpu.memory_space<hbm>> -> memref<40xi32, #tpu.memory_space<hbm>>
      tpu.wait_dma2 semaphore(%arg38 : memref<!tpu.dma_semaphore, #tpu.memory_space<semaphore_mem>>) src(%dma_wait3A_497 : memref<40xi32, #tpu.memory_space<hbm>>) dst(%arg12 : memref<40xi32, #tpu.memory_space<vmem>>)
      %dma_wait3A_498 = arith.constant 0 : i32
      %dma_wait3A_499 = tpu.memref_slice %arg4[%dma_wait3A_498] : memref<320000xi32, #tpu.memory_space<hbm>> -> memref<40xi32, #tpu.memory_space<hbm>>
      %dma_wait3A_500 = arith.constant 0 : i32
      %dma_wait3A_501 = tpu.memref_slice %arg4[%dma_wait3A_500] : memref<320000xi32, #tpu.memory_space<hbm>> -> memref<40xi32, #tpu.memory_space<hbm>>
      tpu.wait_dma2 semaphore(%arg38 : memref<!tpu.dma_semaphore, #tpu.memory_space<semaphore_mem>>) src(%dma_wait3A_501 : memref<40xi32, #tpu.memory_space<hbm>>) dst(%arg22 : memref<40xi32, #tpu.memory_space<vmem>>)
      %dma_start3A_502 = arith.constant 0 : i32
      %dma_start3A_503 = arith.constant 0 : i32
      %dma_start3A_504 = tpu.memref_slice %arg2[%dma_start3A_502, %dma_start3A_503] : memref<10000x128xf32, #tpu.memory_space<hbm>> -> memref<10000x128xf32, #tpu.memory_space<hbm>>
      tpu.enqueue_indirect_dma source(%dma_start3A_504 : memref<10000x128xf32, #tpu.memory_space<hbm>>) target(%arg32 : memref<40x128xf32, #tpu.memory_space<vmem>>) offsets(%arg12 : memref<40xi32, #tpu.memory_space<vmem>>) semaphore(%arg48 : memref<!tpu.dma_semaphore, #tpu.memory_space<semaphore_mem>>)
      %dma_wait3A_505 = arith.constant 0 : i32
      %dma_wait3A_506 = arith.constant 0 : i32
      %dma_wait3A_507 = tpu.memref_slice %arg34[%dma_wait3A_505, %dma_wait3A_506] : memref<10000x128xf32, #tpu.memory_space<vmem_shared>> -> memref<10000x128xf32, #tpu.memory_space<vmem_shared>>
      tpu.wait_indirect_dma semaphore(%arg54 : memref<!tpu.dma_semaphore, #tpu.memory_space<semaphore_mem>>) src(%arg33 : memref<40x128xf32, #tpu.memory_space<vmem>>) dst(%dma_wait3A_507 : memref<10000x128xf32, #tpu.memory_space<vmem_shared>>)
      %lt3A_508 = arith.constant 49 : i32
      %lt3A_509 = arith.cmpi slt, %add3A_428, %lt3A_508 : i32
      %convert_element_type3A_510 = arith.extui %lt3A_509 : i1 to i32
      %cond3A_511 = arith.constant 0 : i32
      %cond3A_512 = arith.cmpi ne, %convert_element_type3A_510, %cond3A_511 : i32
      scf.if %cond3A_512 {
        %add3A_554 = arith.constant 1 : i32
        %add3A_555 = arith.addi %add3A_428, %add3A_554 : i32
        %mul3A_556 = arith.constant 5 : i32
        %mul3A_557 = arith.muli %add3A_555, %mul3A_556 : i32
        %add3A_558 = arith.constant 4 : i32
        %add3A_559 = arith.addi %mul3A_557, %add3A_558 : i32
        %mul3A_560 = arith.constant 40 : i32
        %mul3A_561 = arith.muli %add3A_559, %mul3A_560 : i32
        %add3A_562 = arith.addi %mul3A_4, %mul3A_561 : i32
        %multiple_of3A_563 = tpu.assume_multiple %add3A_562, 8 : i32
        %dma_start3A_564 = tpu.memref_slice %arg3[%multiple_of3A_563] : memref<320000xi32, #tpu.memory_space<hbm>> -> memref<40xi32, #tpu.memory_space<hbm>>
        %dma_start3A_565 = tpu.memref_slice %arg3[%multiple_of3A_563] : memref<320000xi32, #tpu.memory_space<hbm>> -> memref<40xi32, #tpu.memory_space<hbm>>
        tpu.enqueue_dma source(%dma_start3A_565 : memref<40xi32, #tpu.memory_space<hbm>>) target(%arg18 : memref<40xi32, #tpu.memory_space<vmem>>) target_semaphore(%arg44 : memref<!tpu.dma_semaphore, #tpu.memory_space<semaphore_mem>>)
        %dma_start3A_566 = tpu.memref_slice %arg4[%multiple_of3A_563] : memref<320000xi32, #tpu.memory_space<hbm>> -> memref<40xi32, #tpu.memory_space<hbm>>
        %dma_start3A_567 = tpu.memref_slice %arg4[%multiple_of3A_563] : memref<320000xi32, #tpu.memory_space<hbm>> -> memref<40xi32, #tpu.memory_space<hbm>>
        tpu.enqueue_dma source(%dma_start3A_567 : memref<40xi32, #tpu.memory_space<hbm>>) target(%arg28 : memref<40xi32, #tpu.memory_space<vmem>>) target_semaphore(%arg44 : memref<!tpu.dma_semaphore, #tpu.memory_space<semaphore_mem>>)
      } else {
      }
      %dma_wait3A_513 = arith.constant 0 : i32
      %dma_wait3A_514 = tpu.memref_slice %arg3[%dma_wait3A_513] : memref<320000xi32, #tpu.memory_space<hbm>> -> memref<40xi32, #tpu.memory_space<hbm>>
      %dma_wait3A_515 = arith.constant 0 : i32
      %dma_wait3A_516 = tpu.memref_slice %arg3[%dma_wait3A_515] : memref<320000xi32, #tpu.memory_space<hbm>> -> memref<40xi32, #tpu.memory_space<hbm>>
      tpu.wait_dma2 semaphore(%arg39 : memref<!tpu.dma_semaphore, #tpu.memory_space<semaphore_mem>>) src(%dma_wait3A_516 : memref<40xi32, #tpu.memory_space<hbm>>) dst(%arg13 : memref<40xi32, #tpu.memory_space<vmem>>)
      %dma_wait3A_517 = arith.constant 0 : i32
      %dma_wait3A_518 = tpu.memref_slice %arg4[%dma_wait3A_517] : memref<320000xi32, #tpu.memory_space<hbm>> -> memref<40xi32, #tpu.memory_space<hbm>>
      %dma_wait3A_519 = arith.constant 0 : i32
      %dma_wait3A_520 = tpu.memref_slice %arg4[%dma_wait3A_519] : memref<320000xi32, #tpu.memory_space<hbm>> -> memref<40xi32, #tpu.memory_space<hbm>>
      tpu.wait_dma2 semaphore(%arg39 : memref<!tpu.dma_semaphore, #tpu.memory_space<semaphore_mem>>) src(%dma_wait3A_520 : memref<40xi32, #tpu.memory_space<hbm>>) dst(%arg23 : memref<40xi32, #tpu.memory_space<vmem>>)
      %dma_start3A_521 = arith.constant 0 : i32
      %dma_start3A_522 = arith.constant 0 : i32
      %dma_start3A_523 = tpu.memref_slice %arg2[%dma_start3A_521, %dma_start3A_522] : memref<10000x128xf32, #tpu.memory_space<hbm>> -> memref<10000x128xf32, #tpu.memory_space<hbm>>
      tpu.enqueue_indirect_dma source(%dma_start3A_523 : memref<10000x128xf32, #tpu.memory_space<hbm>>) target(%arg33 : memref<40x128xf32, #tpu.memory_space<vmem>>) offsets(%arg13 : memref<40xi32, #tpu.memory_space<vmem>>) semaphore(%arg49 : memref<!tpu.dma_semaphore, #tpu.memory_space<semaphore_mem>>)
      %dma_wait3A_524 = arith.constant 0 : i32
      %dma_wait3A_525 = arith.constant 0 : i32
      %dma_wait3A_526 = tpu.memref_slice %arg2[%dma_wait3A_524, %dma_wait3A_525] : memref<10000x128xf32, #tpu.memory_space<hbm>> -> memref<10000x128xf32, #tpu.memory_space<hbm>>
      tpu.wait_indirect_dma semaphore(%arg45 : memref<!tpu.dma_semaphore, #tpu.memory_space<semaphore_mem>>) src(%dma_wait3A_526 : memref<10000x128xf32, #tpu.memory_space<hbm>>) dst(%arg29 : memref<40x128xf32, #tpu.memory_space<vmem>>)
      %dma_start3A_527 = arith.constant 0 : i32
      %dma_start3A_528 = arith.constant 0 : i32
      %dma_start3A_529 = tpu.memref_slice %arg34[%dma_start3A_527, %dma_start3A_528] : memref<10000x128xf32, #tpu.memory_space<vmem_shared>> -> memref<10000x128xf32, #tpu.memory_space<vmem_shared>>
      tpu.enqueue_indirect_dma source(%arg29 : memref<40x128xf32, #tpu.memory_space<vmem>>) target(%dma_start3A_529 : memref<10000x128xf32, #tpu.memory_space<vmem_shared>>) offsets(%arg19 : memref<40xi32, #tpu.memory_space<vmem>>) semaphore(%arg50 : memref<!tpu.dma_semaphore, #tpu.memory_space<semaphore_mem>>) {add = true}
      %dma_wait3A_530 = arith.constant 0 : i32
      %dma_wait3A_531 = arith.constant 0 : i32
      %dma_wait3A_532 = tpu.memref_slice %arg2[%dma_wait3A_530, %dma_wait3A_531] : memref<10000x128xf32, #tpu.memory_space<hbm>> -> memref<10000x128xf32, #tpu.memory_space<hbm>>
      tpu.wait_indirect_dma semaphore(%arg46 : memref<!tpu.dma_semaphore, #tpu.memory_space<semaphore_mem>>) src(%dma_wait3A_532 : memref<10000x128xf32, #tpu.memory_space<hbm>>) dst(%arg30 : memref<40x128xf32, #tpu.memory_space<vmem>>)
      %dma_start3A_533 = arith.constant 0 : i32
      %dma_start3A_534 = arith.constant 0 : i32
      %dma_start3A_535 = tpu.memref_slice %arg34[%dma_start3A_533, %dma_start3A_534] : memref<10000x128xf32, #tpu.memory_space<vmem_shared>> -> memref<10000x128xf32, #tpu.memory_space<vmem_shared>>
      tpu.enqueue_indirect_dma source(%arg30 : memref<40x128xf32, #tpu.memory_space<vmem>>) target(%dma_start3A_535 : memref<10000x128xf32, #tpu.memory_space<vmem_shared>>) offsets(%arg20 : memref<40xi32, #tpu.memory_space<vmem>>) semaphore(%arg51 : memref<!tpu.dma_semaphore, #tpu.memory_space<semaphore_mem>>) {add = true}
      %dma_wait3A_536 = arith.constant 0 : i32
      %dma_wait3A_537 = arith.constant 0 : i32
      %dma_wait3A_538 = tpu.memref_slice %arg2[%dma_wait3A_536, %dma_wait3A_537] : memref<10000x128xf32, #tpu.memory_space<hbm>> -> memref<10000x128xf32, #tpu.memory_space<hbm>>
      tpu.wait_indirect_dma semaphore(%arg47 : memref<!tpu.dma_semaphore, #tpu.memory_space<semaphore_mem>>) src(%dma_wait3A_538 : memref<10000x128xf32, #tpu.memory_space<hbm>>) dst(%arg31 : memref<40x128xf32, #tpu.memory_space<vmem>>)
      %dma_start3A_539 = arith.constant 0 : i32
      %dma_start3A_540 = arith.constant 0 : i32
      %dma_start3A_541 = tpu.memref_slice %arg34[%dma_start3A_539, %dma_start3A_540] : memref<10000x128xf32, #tpu.memory_space<vmem_shared>> -> memref<10000x128xf32, #tpu.memory_space<vmem_shared>>
      tpu.enqueue_indirect_dma source(%arg31 : memref<40x128xf32, #tpu.memory_space<vmem>>) target(%dma_start3A_541 : memref<10000x128xf32, #tpu.memory_space<vmem_shared>>) offsets(%arg21 : memref<40xi32, #tpu.memory_space<vmem>>) semaphore(%arg52 : memref<!tpu.dma_semaphore, #tpu.memory_space<semaphore_mem>>) {add = true}
      %dma_wait3A_542 = arith.constant 0 : i32
      %dma_wait3A_543 = arith.constant 0 : i32
      %dma_wait3A_544 = tpu.memref_slice %arg2[%dma_wait3A_542, %dma_wait3A_543] : memref<10000x128xf32, #tpu.memory_space<hbm>> -> memref<10000x128xf32, #tpu.memory_space<hbm>>
      tpu.wait_indirect_dma semaphore(%arg48 : memref<!tpu.dma_semaphore, #tpu.memory_space<semaphore_mem>>) src(%dma_wait3A_544 : memref<10000x128xf32, #tpu.memory_space<hbm>>) dst(%arg32 : memref<40x128xf32, #tpu.memory_space<vmem>>)
      %dma_start3A_545 = arith.constant 0 : i32
      %dma_start3A_546 = arith.constant 0 : i32
      %dma_start3A_547 = tpu.memref_slice %arg34[%dma_start3A_545, %dma_start3A_546] : memref<10000x128xf32, #tpu.memory_space<vmem_shared>> -> memref<10000x128xf32, #tpu.memory_space<vmem_shared>>
      tpu.enqueue_indirect_dma source(%arg32 : memref<40x128xf32, #tpu.memory_space<vmem>>) target(%dma_start3A_547 : memref<10000x128xf32, #tpu.memory_space<vmem_shared>>) offsets(%arg22 : memref<40xi32, #tpu.memory_space<vmem>>) semaphore(%arg53 : memref<!tpu.dma_semaphore, #tpu.memory_space<semaphore_mem>>) {add = true}
      %dma_wait3A_548 = arith.constant 0 : i32
      %dma_wait3A_549 = arith.constant 0 : i32
      %dma_wait3A_550 = tpu.memref_slice %arg2[%dma_wait3A_548, %dma_wait3A_549] : memref<10000x128xf32, #tpu.memory_space<hbm>> -> memref<10000x128xf32, #tpu.memory_space<hbm>>
      tpu.wait_indirect_dma semaphore(%arg49 : memref<!tpu.dma_semaphore, #tpu.memory_space<semaphore_mem>>) src(%dma_wait3A_550 : memref<10000x128xf32, #tpu.memory_space<hbm>>) dst(%arg33 : memref<40x128xf32, #tpu.memory_space<vmem>>)
      %dma_start3A_551 = arith.constant 0 : i32
      %dma_start3A_552 = arith.constant 0 : i32
      %dma_start3A_553 = tpu.memref_slice %arg34[%dma_start3A_551, %dma_start3A_552] : memref<10000x128xf32, #tpu.memory_space<vmem_shared>> -> memref<10000x128xf32, #tpu.memory_space<vmem_shared>>
      tpu.enqueue_indirect_dma source(%arg33 : memref<40x128xf32, #tpu.memory_space<vmem>>) target(%dma_start3A_553 : memref<10000x128xf32, #tpu.memory_space<vmem_shared>>) offsets(%arg23 : memref<40xi32, #tpu.memory_space<vmem>>) semaphore(%arg54 : memref<!tpu.dma_semaphore, #tpu.memory_space<semaphore_mem>>) {add = true}
    }
    %scan3A_168 = arith.constant 24 : i32
    %dma_wait3A_169 = arith.constant 0 : i32
    %dma_wait3A_170 = arith.constant 0 : i32
    %dma_wait3A_171 = tpu.memref_slice %arg34[%dma_wait3A_169, %dma_wait3A_170] : memref<10000x128xf32, #tpu.memory_space<vmem_shared>> -> memref<10000x128xf32, #tpu.memory_space<vmem_shared>>
    tpu.wait_indirect_dma semaphore(%arg50 : memref<!tpu.dma_semaphore, #tpu.memory_space<semaphore_mem>>) src(%arg29 : memref<40x128xf32, #tpu.memory_space<vmem>>) dst(%dma_wait3A_171 : memref<10000x128xf32, #tpu.memory_space<vmem_shared>>)
    %dma_wait3A_172 = arith.constant 0 : i32
    %dma_wait3A_173 = tpu.memref_slice %arg3[%dma_wait3A_172] : memref<320000xi32, #tpu.memory_space<hbm>> -> memref<40xi32, #tpu.memory_space<hbm>>
    %dma_wait3A_174 = arith.constant 0 : i32
    %dma_wait3A_175 = tpu.memref_slice %arg3[%dma_wait3A_174] : memref<320000xi32, #tpu.memory_space<hbm>> -> memref<40xi32, #tpu.memory_space<hbm>>
    tpu.wait_dma2 semaphore(%arg40 : memref<!tpu.dma_semaphore, #tpu.memory_space<semaphore_mem>>) src(%dma_wait3A_175 : memref<40xi32, #tpu.memory_space<hbm>>) dst(%arg14 : memref<40xi32, #tpu.memory_space<vmem>>)
    %dma_wait3A_176 = arith.constant 0 : i32
    %dma_wait3A_177 = tpu.memref_slice %arg4[%dma_wait3A_176] : memref<320000xi32, #tpu.memory_space<hbm>> -> memref<40xi32, #tpu.memory_space<hbm>>
    %dma_wait3A_178 = arith.constant 0 : i32
    %dma_wait3A_179 = tpu.memref_slice %arg4[%dma_wait3A_178] : memref<320000xi32, #tpu.memory_space<hbm>> -> memref<40xi32, #tpu.memory_space<hbm>>
    tpu.wait_dma2 semaphore(%arg40 : memref<!tpu.dma_semaphore, #tpu.memory_space<semaphore_mem>>) src(%dma_wait3A_179 : memref<40xi32, #tpu.memory_space<hbm>>) dst(%arg24 : memref<40xi32, #tpu.memory_space<vmem>>)
    %dma_start3A_180 = arith.constant 0 : i32
    %dma_start3A_181 = arith.constant 0 : i32
    %dma_start3A_182 = tpu.memref_slice %arg2[%dma_start3A_180, %dma_start3A_181] : memref<10000x128xf32, #tpu.memory_space<hbm>> -> memref<10000x128xf32, #tpu.memory_space<hbm>>
    tpu.enqueue_indirect_dma source(%dma_start3A_182 : memref<10000x128xf32, #tpu.memory_space<hbm>>) target(%arg29 : memref<40x128xf32, #tpu.memory_space<vmem>>) offsets(%arg14 : memref<40xi32, #tpu.memory_space<vmem>>) semaphore(%arg45 : memref<!tpu.dma_semaphore, #tpu.memory_space<semaphore_mem>>)
    %dma_wait3A_183 = arith.constant 0 : i32
    %dma_wait3A_184 = arith.constant 0 : i32
    %dma_wait3A_185 = tpu.memref_slice %arg34[%dma_wait3A_183, %dma_wait3A_184] : memref<10000x128xf32, #tpu.memory_space<vmem_shared>> -> memref<10000x128xf32, #tpu.memory_space<vmem_shared>>
    tpu.wait_indirect_dma semaphore(%arg51 : memref<!tpu.dma_semaphore, #tpu.memory_space<semaphore_mem>>) src(%arg30 : memref<40x128xf32, #tpu.memory_space<vmem>>) dst(%dma_wait3A_185 : memref<10000x128xf32, #tpu.memory_space<vmem_shared>>)
    %dma_wait3A_186 = arith.constant 0 : i32
    %dma_wait3A_187 = tpu.memref_slice %arg3[%dma_wait3A_186] : memref<320000xi32, #tpu.memory_space<hbm>> -> memref<40xi32, #tpu.memory_space<hbm>>
    %dma_wait3A_188 = arith.constant 0 : i32
    %dma_wait3A_189 = tpu.memref_slice %arg3[%dma_wait3A_188] : memref<320000xi32, #tpu.memory_space<hbm>> -> memref<40xi32, #tpu.memory_space<hbm>>
    tpu.wait_dma2 semaphore(%arg41 : memref<!tpu.dma_semaphore, #tpu.memory_space<semaphore_mem>>) src(%dma_wait3A_189 : memref<40xi32, #tpu.memory_space<hbm>>) dst(%arg15 : memref<40xi32, #tpu.memory_space<vmem>>)
    %dma_wait3A_190 = arith.constant 0 : i32
    %dma_wait3A_191 = tpu.memref_slice %arg4[%dma_wait3A_190] : memref<320000xi32, #tpu.memory_space<hbm>> -> memref<40xi32, #tpu.memory_space<hbm>>
    %dma_wait3A_192 = arith.constant 0 : i32
    %dma_wait3A_193 = tpu.memref_slice %arg4[%dma_wait3A_192] : memref<320000xi32, #tpu.memory_space<hbm>> -> memref<40xi32, #tpu.memory_space<hbm>>
    tpu.wait_dma2 semaphore(%arg41 : memref<!tpu.dma_semaphore, #tpu.memory_space<semaphore_mem>>) src(%dma_wait3A_193 : memref<40xi32, #tpu.memory_space<hbm>>) dst(%arg25 : memref<40xi32, #tpu.memory_space<vmem>>)
    %dma_start3A_194 = arith.constant 0 : i32
    %dma_start3A_195 = arith.constant 0 : i32
    %dma_start3A_196 = tpu.memref_slice %arg2[%dma_start3A_194, %dma_start3A_195] : memref<10000x128xf32, #tpu.memory_space<hbm>> -> memref<10000x128xf32, #tpu.memory_space<hbm>>
    tpu.enqueue_indirect_dma source(%dma_start3A_196 : memref<10000x128xf32, #tpu.memory_space<hbm>>) target(%arg30 : memref<40x128xf32, #tpu.memory_space<vmem>>) offsets(%arg15 : memref<40xi32, #tpu.memory_space<vmem>>) semaphore(%arg46 : memref<!tpu.dma_semaphore, #tpu.memory_space<semaphore_mem>>)
    %dma_wait3A_197 = arith.constant 0 : i32
    %dma_wait3A_198 = arith.constant 0 : i32
    %dma_wait3A_199 = tpu.memref_slice %arg34[%dma_wait3A_197, %dma_wait3A_198] : memref<10000x128xf32, #tpu.memory_space<vmem_shared>> -> memref<10000x128xf32, #tpu.memory_space<vmem_shared>>
    tpu.wait_indirect_dma semaphore(%arg52 : memref<!tpu.dma_semaphore, #tpu.memory_space<semaphore_mem>>) src(%arg31 : memref<40x128xf32, #tpu.memory_space<vmem>>) dst(%dma_wait3A_199 : memref<10000x128xf32, #tpu.memory_space<vmem_shared>>)
    %dma_wait3A_200 = arith.constant 0 : i32
    %dma_wait3A_201 = tpu.memref_slice %arg3[%dma_wait3A_200] : memref<320000xi32, #tpu.memory_space<hbm>> -> memref<40xi32, #tpu.memory_space<hbm>>
    %dma_wait3A_202 = arith.constant 0 : i32
    %dma_wait3A_203 = tpu.memref_slice %arg3[%dma_wait3A_202] : memref<320000xi32, #tpu.memory_space<hbm>> -> memref<40xi32, #tpu.memory_space<hbm>>
    tpu.wait_dma2 semaphore(%arg42 : memref<!tpu.dma_semaphore, #tpu.memory_space<semaphore_mem>>) src(%dma_wait3A_203 : memref<40xi32, #tpu.memory_space<hbm>>) dst(%arg16 : memref<40xi32, #tpu.memory_space<vmem>>)
    %dma_wait3A_204 = arith.constant 0 : i32
    %dma_wait3A_205 = tpu.memref_slice %arg4[%dma_wait3A_204] : memref<320000xi32, #tpu.memory_space<hbm>> -> memref<40xi32, #tpu.memory_space<hbm>>
    %dma_wait3A_206 = arith.constant 0 : i32
    %dma_wait3A_207 = tpu.memref_slice %arg4[%dma_wait3A_206] : memref<320000xi32, #tpu.memory_space<hbm>> -> memref<40xi32, #tpu.memory_space<hbm>>
    tpu.wait_dma2 semaphore(%arg42 : memref<!tpu.dma_semaphore, #tpu.memory_space<semaphore_mem>>) src(%dma_wait3A_207 : memref<40xi32, #tpu.memory_space<hbm>>) dst(%arg26 : memref<40xi32, #tpu.memory_space<vmem>>)
    %dma_start3A_208 = arith.constant 0 : i32
    %dma_start3A_209 = arith.constant 0 : i32
    %dma_start3A_210 = tpu.memref_slice %arg2[%dma_start3A_208, %dma_start3A_209] : memref<10000x128xf32, #tpu.memory_space<hbm>> -> memref<10000x128xf32, #tpu.memory_space<hbm>>
    tpu.enqueue_indirect_dma source(%dma_start3A_210 : memref<10000x128xf32, #tpu.memory_space<hbm>>) target(%arg31 : memref<40x128xf32, #tpu.memory_space<vmem>>) offsets(%arg16 : memref<40xi32, #tpu.memory_space<vmem>>) semaphore(%arg47 : memref<!tpu.dma_semaphore, #tpu.memory_space<semaphore_mem>>)
    %dma_wait3A_211 = arith.constant 0 : i32
    %dma_wait3A_212 = arith.constant 0 : i32
    %dma_wait3A_213 = tpu.memref_slice %arg34[%dma_wait3A_211, %dma_wait3A_212] : memref<10000x128xf32, #tpu.memory_space<vmem_shared>> -> memref<10000x128xf32, #tpu.memory_space<vmem_shared>>
    tpu.wait_indirect_dma semaphore(%arg53 : memref<!tpu.dma_semaphore, #tpu.memory_space<semaphore_mem>>) src(%arg32 : memref<40x128xf32, #tpu.memory_space<vmem>>) dst(%dma_wait3A_213 : memref<10000x128xf32, #tpu.memory_space<vmem_shared>>)
    %dma_wait3A_214 = arith.constant 0 : i32
    %dma_wait3A_215 = tpu.memref_slice %arg3[%dma_wait3A_214] : memref<320000xi32, #tpu.memory_space<hbm>> -> memref<40xi32, #tpu.memory_space<hbm>>
    %dma_wait3A_216 = arith.constant 0 : i32
    %dma_wait3A_217 = tpu.memref_slice %arg3[%dma_wait3A_216] : memref<320000xi32, #tpu.memory_space<hbm>> -> memref<40xi32, #tpu.memory_space<hbm>>
    tpu.wait_dma2 semaphore(%arg43 : memref<!tpu.dma_semaphore, #tpu.memory_space<semaphore_mem>>) src(%dma_wait3A_217 : memref<40xi32, #tpu.memory_space<hbm>>) dst(%arg17 : memref<40xi32, #tpu.memory_space<vmem>>)
    %dma_wait3A_218 = arith.constant 0 : i32
    %dma_wait3A_219 = tpu.memref_slice %arg4[%dma_wait3A_218] : memref<320000xi32, #tpu.memory_space<hbm>> -> memref<40xi32, #tpu.memory_space<hbm>>
    %dma_wait3A_220 = arith.constant 0 : i32
    %dma_wait3A_221 = tpu.memref_slice %arg4[%dma_wait3A_220] : memref<320000xi32, #tpu.memory_space<hbm>> -> memref<40xi32, #tpu.memory_space<hbm>>
    tpu.wait_dma2 semaphore(%arg43 : memref<!tpu.dma_semaphore, #tpu.memory_space<semaphore_mem>>) src(%dma_wait3A_221 : memref<40xi32, #tpu.memory_space<hbm>>) dst(%arg27 : memref<40xi32, #tpu.memory_space<vmem>>)
    %dma_start3A_222 = arith.constant 0 : i32
    %dma_start3A_223 = arith.constant 0 : i32
    %dma_start3A_224 = tpu.memref_slice %arg2[%dma_start3A_222, %dma_start3A_223] : memref<10000x128xf32, #tpu.memory_space<hbm>> -> memref<10000x128xf32, #tpu.memory_space<hbm>>
    tpu.enqueue_indirect_dma source(%dma_start3A_224 : memref<10000x128xf32, #tpu.memory_space<hbm>>) target(%arg32 : memref<40x128xf32, #tpu.memory_space<vmem>>) offsets(%arg17 : memref<40xi32, #tpu.memory_space<vmem>>) semaphore(%arg48 : memref<!tpu.dma_semaphore, #tpu.memory_space<semaphore_mem>>)
    %dma_wait3A_225 = arith.constant 0 : i32
    %dma_wait3A_226 = arith.constant 0 : i32
    %dma_wait3A_227 = tpu.memref_slice %arg34[%dma_wait3A_225, %dma_wait3A_226] : memref<10000x128xf32, #tpu.memory_space<vmem_shared>> -> memref<10000x128xf32, #tpu.memory_space<vmem_shared>>
    tpu.wait_indirect_dma semaphore(%arg54 : memref<!tpu.dma_semaphore, #tpu.memory_space<semaphore_mem>>) src(%arg33 : memref<40x128xf32, #tpu.memory_space<vmem>>) dst(%dma_wait3A_227 : memref<10000x128xf32, #tpu.memory_space<vmem_shared>>)
    %dma_wait3A_228 = arith.constant 0 : i32
    %dma_wait3A_229 = tpu.memref_slice %arg3[%dma_wait3A_228] : memref<320000xi32, #tpu.memory_space<hbm>> -> memref<40xi32, #tpu.memory_space<hbm>>
    %dma_wait3A_230 = arith.constant 0 : i32
    %dma_wait3A_231 = tpu.memref_slice %arg3[%dma_wait3A_230] : memref<320000xi32, #tpu.memory_space<hbm>> -> memref<40xi32, #tpu.memory_space<hbm>>
    tpu.wait_dma2 semaphore(%arg44 : memref<!tpu.dma_semaphore, #tpu.memory_space<semaphore_mem>>) src(%dma_wait3A_231 : memref<40xi32, #tpu.memory_space<hbm>>) dst(%arg18 : memref<40xi32, #tpu.memory_space<vmem>>)
    %dma_wait3A_232 = arith.constant 0 : i32
    %dma_wait3A_233 = tpu.memref_slice %arg4[%dma_wait3A_232] : memref<320000xi32, #tpu.memory_space<hbm>> -> memref<40xi32, #tpu.memory_space<hbm>>
    %dma_wait3A_234 = arith.constant 0 : i32
    %dma_wait3A_235 = tpu.memref_slice %arg4[%dma_wait3A_234] : memref<320000xi32, #tpu.memory_space<hbm>> -> memref<40xi32, #tpu.memory_space<hbm>>
    tpu.wait_dma2 semaphore(%arg44 : memref<!tpu.dma_semaphore, #tpu.memory_space<semaphore_mem>>) src(%dma_wait3A_235 : memref<40xi32, #tpu.memory_space<hbm>>) dst(%arg28 : memref<40xi32, #tpu.memory_space<vmem>>)
    %dma_start3A_236 = arith.constant 0 : i32
    %dma_start3A_237 = arith.constant 0 : i32
    %dma_start3A_238 = tpu.memref_slice %arg2[%dma_start3A_236, %dma_start3A_237] : memref<10000x128xf32, #tpu.memory_space<hbm>> -> memref<10000x128xf32, #tpu.memory_space<hbm>>
    tpu.enqueue_indirect_dma source(%dma_start3A_238 : memref<10000x128xf32, #tpu.memory_space<hbm>>) target(%arg33 : memref<40x128xf32, #tpu.memory_space<vmem>>) offsets(%arg18 : memref<40xi32, #tpu.memory_space<vmem>>) semaphore(%arg49 : memref<!tpu.dma_semaphore, #tpu.memory_space<semaphore_mem>>)
    %dma_wait3A_239 = arith.constant 0 : i32
    %dma_wait3A_240 = arith.constant 0 : i32
    %dma_wait3A_241 = tpu.memref_slice %arg2[%dma_wait3A_239, %dma_wait3A_240] : memref<10000x128xf32, #tpu.memory_space<hbm>> -> memref<10000x128xf32, #tpu.memory_space<hbm>>
    tpu.wait_indirect_dma semaphore(%arg45 : memref<!tpu.dma_semaphore, #tpu.memory_space<semaphore_mem>>) src(%dma_wait3A_241 : memref<10000x128xf32, #tpu.memory_space<hbm>>) dst(%arg29 : memref<40x128xf32, #tpu.memory_space<vmem>>)
    %dma_start3A_242 = arith.constant 0 : i32
    %dma_start3A_243 = arith.constant 0 : i32
    %dma_start3A_244 = tpu.memref_slice %arg34[%dma_start3A_242, %dma_start3A_243] : memref<10000x128xf32, #tpu.memory_space<vmem_shared>> -> memref<10000x128xf32, #tpu.memory_space<vmem_shared>>
    tpu.enqueue_indirect_dma source(%arg29 : memref<40x128xf32, #tpu.memory_space<vmem>>) target(%dma_start3A_244 : memref<10000x128xf32, #tpu.memory_space<vmem_shared>>) offsets(%arg24 : memref<40xi32, #tpu.memory_space<vmem>>) semaphore(%arg50 : memref<!tpu.dma_semaphore, #tpu.memory_space<semaphore_mem>>) {add = true}
    %dma_wait3A_245 = arith.constant 0 : i32
    %dma_wait3A_246 = arith.constant 0 : i32
    %dma_wait3A_247 = tpu.memref_slice %arg2[%dma_wait3A_245, %dma_wait3A_246] : memref<10000x128xf32, #tpu.memory_space<hbm>> -> memref<10000x128xf32, #tpu.memory_space<hbm>>
    tpu.wait_indirect_dma semaphore(%arg46 : memref<!tpu.dma_semaphore, #tpu.memory_space<semaphore_mem>>) src(%dma_wait3A_247 : memref<10000x128xf32, #tpu.memory_space<hbm>>) dst(%arg30 : memref<40x128xf32, #tpu.memory_space<vmem>>)
    %dma_start3A_248 = arith.constant 0 : i32
    %dma_start3A_249 = arith.constant 0 : i32
    %dma_start3A_250 = tpu.memref_slice %arg34[%dma_start3A_248, %dma_start3A_249] : memref<10000x128xf32, #tpu.memory_space<vmem_shared>> -> memref<10000x128xf32, #tpu.memory_space<vmem_shared>>
    tpu.enqueue_indirect_dma source(%arg30 : memref<40x128xf32, #tpu.memory_space<vmem>>) target(%dma_start3A_250 : memref<10000x128xf32, #tpu.memory_space<vmem_shared>>) offsets(%arg25 : memref<40xi32, #tpu.memory_space<vmem>>) semaphore(%arg51 : memref<!tpu.dma_semaphore, #tpu.memory_space<semaphore_mem>>) {add = true}
    %dma_wait3A_251 = arith.constant 0 : i32
    %dma_wait3A_252 = arith.constant 0 : i32
    %dma_wait3A_253 = tpu.memref_slice %arg2[%dma_wait3A_251, %dma_wait3A_252] : memref<10000x128xf32, #tpu.memory_space<hbm>> -> memref<10000x128xf32, #tpu.memory_space<hbm>>
    tpu.wait_indirect_dma semaphore(%arg47 : memref<!tpu.dma_semaphore, #tpu.memory_space<semaphore_mem>>) src(%dma_wait3A_253 : memref<10000x128xf32, #tpu.memory_space<hbm>>) dst(%arg31 : memref<40x128xf32, #tpu.memory_space<vmem>>)
    %dma_start3A_254 = arith.constant 0 : i32
    %dma_start3A_255 = arith.constant 0 : i32
    %dma_start3A_256 = tpu.memref_slice %arg34[%dma_start3A_254, %dma_start3A_255] : memref<10000x128xf32, #tpu.memory_space<vmem_shared>> -> memref<10000x128xf32, #tpu.memory_space<vmem_shared>>
    tpu.enqueue_indirect_dma source(%arg31 : memref<40x128xf32, #tpu.memory_space<vmem>>) target(%dma_start3A_256 : memref<10000x128xf32, #tpu.memory_space<vmem_shared>>) offsets(%arg26 : memref<40xi32, #tpu.memory_space<vmem>>) semaphore(%arg52 : memref<!tpu.dma_semaphore, #tpu.memory_space<semaphore_mem>>) {add = true}
    %dma_wait3A_257 = arith.constant 0 : i32
    %dma_wait3A_258 = arith.constant 0 : i32
    %dma_wait3A_259 = tpu.memref_slice %arg2[%dma_wait3A_257, %dma_wait3A_258] : memref<10000x128xf32, #tpu.memory_space<hbm>> -> memref<10000x128xf32, #tpu.memory_space<hbm>>
    tpu.wait_indirect_dma semaphore(%arg48 : memref<!tpu.dma_semaphore, #tpu.memory_space<semaphore_mem>>) src(%dma_wait3A_259 : memref<10000x128xf32, #tpu.memory_space<hbm>>) dst(%arg32 : memref<40x128xf32, #tpu.memory_space<vmem>>)
    %dma_start3A_260 = arith.constant 0 : i32
    %dma_start3A_261 = arith.constant 0 : i32
    %dma_start3A_262 = tpu.memref_slice %arg34[%dma_start3A_260, %dma_start3A_261] : memref<10000x128xf32, #tpu.memory_space<vmem_shared>> -> memref<10000x128xf32, #tpu.memory_space<vmem_shared>>
    tpu.enqueue_indirect_dma source(%arg32 : memref<40x128xf32, #tpu.memory_space<vmem>>) target(%dma_start3A_262 : memref<10000x128xf32, #tpu.memory_space<vmem_shared>>) offsets(%arg27 : memref<40xi32, #tpu.memory_space<vmem>>) semaphore(%arg53 : memref<!tpu.dma_semaphore, #tpu.memory_space<semaphore_mem>>) {add = true}
    %dma_wait3A_263 = arith.constant 0 : i32
    %dma_wait3A_264 = arith.constant 0 : i32
    %dma_wait3A_265 = tpu.memref_slice %arg2[%dma_wait3A_263, %dma_wait3A_264] : memref<10000x128xf32, #tpu.memory_space<hbm>> -> memref<10000x128xf32, #tpu.memory_space<hbm>>
    tpu.wait_indirect_dma semaphore(%arg49 : memref<!tpu.dma_semaphore, #tpu.memory_space<semaphore_mem>>) src(%dma_wait3A_265 : memref<10000x128xf32, #tpu.memory_space<hbm>>) dst(%arg33 : memref<40x128xf32, #tpu.memory_space<vmem>>)
    %dma_start3A_266 = arith.constant 0 : i32
    %dma_start3A_267 = arith.constant 0 : i32
    %dma_start3A_268 = tpu.memref_slice %arg34[%dma_start3A_266, %dma_start3A_267] : memref<10000x128xf32, #tpu.memory_space<vmem_shared>> -> memref<10000x128xf32, #tpu.memory_space<vmem_shared>>
    tpu.enqueue_indirect_dma source(%arg33 : memref<40x128xf32, #tpu.memory_space<vmem>>) target(%dma_start3A_268 : memref<10000x128xf32, #tpu.memory_space<vmem_shared>>) offsets(%arg28 : memref<40xi32, #tpu.memory_space<vmem>>) semaphore(%arg54 : memref<!tpu.dma_semaphore, #tpu.memory_space<semaphore_mem>>) {add = true}
    %dma_wait3A_269 = arith.constant 0 : i32
    %dma_wait3A_270 = arith.constant 0 : i32
    %dma_wait3A_271 = tpu.memref_slice %arg34[%dma_wait3A_269, %dma_wait3A_270] : memref<10000x128xf32, #tpu.memory_space<vmem_shared>> -> memref<10000x128xf32, #tpu.memory_space<vmem_shared>>
    tpu.wait_indirect_dma semaphore(%arg50 : memref<!tpu.dma_semaphore, #tpu.memory_space<semaphore_mem>>) src(%arg29 : memref<40x128xf32, #tpu.memory_space<vmem>>) dst(%dma_wait3A_271 : memref<10000x128xf32, #tpu.memory_space<vmem_shared>>)
    %dma_wait3A_272 = arith.constant 0 : i32
    %dma_wait3A_273 = arith.constant 0 : i32
    %dma_wait3A_274 = tpu.memref_slice %arg34[%dma_wait3A_272, %dma_wait3A_273] : memref<10000x128xf32, #tpu.memory_space<vmem_shared>> -> memref<10000x128xf32, #tpu.memory_space<vmem_shared>>
    tpu.wait_indirect_dma semaphore(%arg51 : memref<!tpu.dma_semaphore, #tpu.memory_space<semaphore_mem>>) src(%arg30 : memref<40x128xf32, #tpu.memory_space<vmem>>) dst(%dma_wait3A_274 : memref<10000x128xf32, #tpu.memory_space<vmem_shared>>)
    %dma_wait3A_275 = arith.constant 0 : i32
    %dma_wait3A_276 = arith.constant 0 : i32
    %dma_wait3A_277 = tpu.memref_slice %arg34[%dma_wait3A_275, %dma_wait3A_276] : memref<10000x128xf32, #tpu.memory_space<vmem_shared>> -> memref<10000x128xf32, #tpu.memory_space<vmem_shared>>
    tpu.wait_indirect_dma semaphore(%arg52 : memref<!tpu.dma_semaphore, #tpu.memory_space<semaphore_mem>>) src(%arg31 : memref<40x128xf32, #tpu.memory_space<vmem>>) dst(%dma_wait3A_277 : memref<10000x128xf32, #tpu.memory_space<vmem_shared>>)
    %dma_wait3A_278 = arith.constant 0 : i32
    %dma_wait3A_279 = arith.constant 0 : i32
    %dma_wait3A_280 = tpu.memref_slice %arg34[%dma_wait3A_278, %dma_wait3A_279] : memref<10000x128xf32, #tpu.memory_space<vmem_shared>> -> memref<10000x128xf32, #tpu.memory_space<vmem_shared>>
    tpu.wait_indirect_dma semaphore(%arg53 : memref<!tpu.dma_semaphore, #tpu.memory_space<semaphore_mem>>) src(%arg32 : memref<40x128xf32, #tpu.memory_space<vmem>>) dst(%dma_wait3A_280 : memref<10000x128xf32, #tpu.memory_space<vmem_shared>>)
    %dma_wait3A_281 = arith.constant 0 : i32
    %dma_wait3A_282 = arith.constant 0 : i32
    %dma_wait3A_283 = tpu.memref_slice %arg34[%dma_wait3A_281, %dma_wait3A_282] : memref<10000x128xf32, #tpu.memory_space<vmem_shared>> -> memref<10000x128xf32, #tpu.memory_space<vmem_shared>>
    tpu.wait_indirect_dma semaphore(%arg54 : memref<!tpu.dma_semaphore, #tpu.memory_space<semaphore_mem>>) src(%arg33 : memref<40x128xf32, #tpu.memory_space<vmem>>) dst(%dma_wait3A_283 : memref<10000x128xf32, #tpu.memory_space<vmem_shared>>)
    %barrier3A_284 = arith.constant 0 : index
    tpu.barrier barrier_id(%barrier3A_284)
    %lt3A_285 = arith.constant 15 : i32
    %lt3A_286 = arith.cmpi slt, %arg1, %lt3A_285 : i32
    %convert_element_type3A_287 = arith.extui %lt3A_286 : i1 to i32
    %cond3A_288 = arith.constant 0 : i32
    %cond3A_289 = arith.cmpi ne, %convert_element_type3A_287, %cond3A_288 : i32
    scf.if %cond3A_289 {
      %mul3A_295 = arith.constant 10000 : i32
      %mul3A_296 = arith.muli %arg0, %mul3A_295 : i32
      %add3A_297 = arith.addi %mul3A_296, %multiple_of3A : i32
      %multiple_of3A_298 = tpu.assume_multiple %add3A_297, 8 : i32
      "tpu.region"() ({
        %run_scoped3A = tpu.sem_alloc : memref<!tpu.dma_semaphore, #tpu.memory_space<semaphore_mem>>
        %dma_start3A_299 = arith.constant 0 : i32
        %dma_start3A_300 = tpu.memref_slice %arg8[%multiple_of3A_298, %dma_start3A_299] : memref<20000x128xf32, #tpu.memory_space<hbm>> -> memref<624x128xf32, #tpu.memory_space<hbm>>
        %dma_start3A_301 = arith.constant 0 : i32
        %dma_start3A_302 = tpu.memref_slice %arg34[%multiple_of3A, %dma_start3A_301] : memref<10000x128xf32, #tpu.memory_space<vmem_shared>> -> memref<624x128xf32, #tpu.memory_space<vmem_shared>>
        tpu.enqueue_dma source(%dma_start3A_302 : memref<624x128xf32, #tpu.memory_space<vmem_shared>>) target(%dma_start3A_300 : memref<624x128xf32, #tpu.memory_space<hbm>>) target_semaphore(%run_scoped3A : memref<!tpu.dma_semaphore, #tpu.memory_space<semaphore_mem>>)
        %dma_wait3A_303 = arith.constant 0 : i32
        %dma_wait3A_304 = tpu.memref_slice %arg8[%multiple_of3A_298, %dma_wait3A_303] : memref<20000x128xf32, #tpu.memory_space<hbm>> -> memref<624x128xf32, #tpu.memory_space<hbm>>
        %dma_wait3A_305 = arith.constant 0 : i32
        %dma_wait3A_306 = tpu.memref_slice %arg34[%multiple_of3A, %dma_wait3A_305] : memref<10000x128xf32, #tpu.memory_space<vmem_shared>> -> memref<624x128xf32, #tpu.memory_space<vmem_shared>>
        tpu.wait_dma2 semaphore(%run_scoped3A : memref<!tpu.dma_semaphore, #tpu.memory_space<semaphore_mem>>) src(%dma_wait3A_306 : memref<624x128xf32, #tpu.memory_space<vmem_shared>>) dst(%dma_wait3A_304 : memref<624x128xf32, #tpu.memory_space<hbm>>)
        tpu.yield
      }) : () -> ()
    } else {
    }
    %eq3A_290 = arith.constant 15 : i32
    %eq3A_291 = arith.cmpi eq, %arg1, %eq3A_290 : i32
    %convert_element_type3A_292 = arith.extui %eq3A_291 : i1 to i32
    %cond3A_293 = arith.constant 0 : i32
    %cond3A_294 = arith.cmpi ne, %convert_element_type3A_292, %cond3A_293 : i32
    scf.if %cond3A_294 {
      %mul3A_295 = arith.constant 10000 : i32
      %mul3A_296 = arith.muli %arg0, %mul3A_295 : i32
      %add3A_297 = arith.constant 9360 : i32
      %add3A_298 = arith.addi %mul3A_296, %add3A_297 : i32
      %multiple_of3A_299 = tpu.assume_multiple %add3A_298, 8 : i32
      "tpu.region"() ({
        %run_scoped3A = tpu.sem_alloc : memref<!tpu.dma_semaphore, #tpu.memory_space<semaphore_mem>>
        %dma_start3A_300 = arith.constant 0 : i32
        %dma_start3A_301 = tpu.memref_slice %arg8[%multiple_of3A_299, %dma_start3A_300] : memref<20000x128xf32, #tpu.memory_space<hbm>> -> memref<640x128xf32, #tpu.memory_space<hbm>>
        %dma_start3A_302 = arith.constant 9360 : i32
        %dma_start3A_303 = arith.constant 0 : i32
        %dma_start3A_304 = tpu.memref_slice %arg34[%dma_start3A_302, %dma_start3A_303] : memref<10000x128xf32, #tpu.memory_space<vmem_shared>> -> memref<640x128xf32, #tpu.memory_space<vmem_shared>>
        tpu.enqueue_dma source(%dma_start3A_304 : memref<640x128xf32, #tpu.memory_space<vmem_shared>>) target(%dma_start3A_301 : memref<640x128xf32, #tpu.memory_space<hbm>>) target_semaphore(%run_scoped3A : memref<!tpu.dma_semaphore, #tpu.memory_space<semaphore_mem>>)
        %dma_wait3A_305 = arith.constant 0 : i32
        %dma_wait3A_306 = tpu.memref_slice %arg8[%multiple_of3A_299, %dma_wait3A_305] : memref<20000x128xf32, #tpu.memory_space<hbm>> -> memref<640x128xf32, #tpu.memory_space<hbm>>
        %dma_wait3A_307 = arith.constant 9360 : i32
        %dma_wait3A_308 = arith.constant 0 : i32
        %dma_wait3A_309 = tpu.memref_slice %arg34[%dma_wait3A_307, %dma_wait3A_308] : memref<10000x128xf32, #tpu.memory_space<vmem_shared>> -> memref<640x128xf32, #tpu.memory_space<vmem_shared>>
        tpu.wait_dma2 semaphore(%run_scoped3A : memref<!tpu.dma_semaphore, #tpu.memory_space<semaphore_mem>>) src(%dma_wait3A_309 : memref<640x128xf32, #tpu.memory_space<vmem_shared>>) dst(%dma_wait3A_306 : memref<640x128xf32, #tpu.memory_space<hbm>>)
        tpu.yield
      }) : () -> ()
    } else {
    }
    return
  }
}

#map = affine_map<(d0, d1) -> (0, 0)>
#map1 = affine_map<(d0, d1) -> (0)>
module attributes {stable_mosaic.version = 14 : i64} {
  func.func @sc_agg(%arg0: i32, %arg1: i32, %arg2: memref<10000x128xf32, #tpu.memory_space<hbm>>, %arg3: memref<320000xi32, #tpu.memory_space<hbm>>, %arg4: memref<320000xi32, #tpu.memory_space<hbm>>, %arg5: memref<640x128xf32, #tpu.memory_space<hbm>>, %arg6: memref<640x16xf32, #tpu.memory_space<hbm>>, %arg7: memref<40x16xf32, #tpu.memory_space<hbm>>, %arg8: memref<20000x128xf32, #tpu.memory_space<hbm>>, %arg9: memref<20000x16xf32, #tpu.memory_space<hbm>>, %arg10: memref<40xi32, #tpu.memory_space<vmem>>, %arg11: memref<40xi32, #tpu.memory_space<vmem>>, %arg12: memref<40xi32, #tpu.memory_space<vmem>>, %arg13: memref<40xi32, #tpu.memory_space<vmem>>, %arg14: memref<40xi32, #tpu.memory_space<vmem>>, %arg15: memref<40xi32, #tpu.memory_space<vmem>>, %arg16: memref<40xi32, #tpu.memory_space<vmem>>, %arg17: memref<40xi32, #tpu.memory_space<vmem>>, %arg18: memref<40xi32, #tpu.memory_space<vmem>>, %arg19: memref<40xi32, #tpu.memory_space<vmem>>, %arg20: memref<40xi32, #tpu.memory_space<vmem>>, %arg21: memref<40xi32, #tpu.memory_space<vmem>>, %arg22: memref<40xi32, #tpu.memory_space<vmem>>, %arg23: memref<40xi32, #tpu.memory_space<vmem>>, %arg24: memref<40xi32, #tpu.memory_space<vmem>>, %arg25: memref<40xi32, #tpu.memory_space<vmem>>, %arg26: memref<40xi32, #tpu.memory_space<vmem>>, %arg27: memref<40xi32, #tpu.memory_space<vmem>>, %arg28: memref<40xi32, #tpu.memory_space<vmem>>, %arg29: memref<40xi32, #tpu.memory_space<vmem>>, %arg30: memref<40x128xf32, #tpu.memory_space<vmem>>, %arg31: memref<40x128xf32, #tpu.memory_space<vmem>>, %arg32: memref<40x128xf32, #tpu.memory_space<vmem>>, %arg33: memref<40x128xf32, #tpu.memory_space<vmem>>, %arg34: memref<40x128xf32, #tpu.memory_space<vmem>>, %arg35: memref<10000x128xf32, #tpu.memory_space<vmem_shared>>, %arg36: memref<40x16xf32, #tpu.memory_space<vmem>>, %arg37: memref<10000x16xf32, #tpu.memory_space<vmem_shared>>, %arg38: memref<!tpu.dma_semaphore, #tpu.memory_space<semaphore_mem>>, %arg39: memref<!tpu.dma_semaphore, #tpu.memory_space<semaphore_mem>>, %arg40: memref<!tpu.dma_semaphore, #tpu.memory_space<semaphore_mem>>, %arg41: memref<!tpu.dma_semaphore, #tpu.memory_space<semaphore_mem>>, %arg42: memref<!tpu.dma_semaphore, #tpu.memory_space<semaphore_mem>>, %arg43: memref<!tpu.dma_semaphore, #tpu.memory_space<semaphore_mem>>, %arg44: memref<!tpu.dma_semaphore, #tpu.memory_space<semaphore_mem>>, %arg45: memref<!tpu.dma_semaphore, #tpu.memory_space<semaphore_mem>>, %arg46: memref<!tpu.dma_semaphore, #tpu.memory_space<semaphore_mem>>, %arg47: memref<!tpu.dma_semaphore, #tpu.memory_space<semaphore_mem>>, %arg48: memref<!tpu.dma_semaphore, #tpu.memory_space<semaphore_mem>>, %arg49: memref<!tpu.dma_semaphore, #tpu.memory_space<semaphore_mem>>, %arg50: memref<!tpu.dma_semaphore, #tpu.memory_space<semaphore_mem>>, %arg51: memref<!tpu.dma_semaphore, #tpu.memory_space<semaphore_mem>>, %arg52: memref<!tpu.dma_semaphore, #tpu.memory_space<semaphore_mem>>, %arg53: memref<!tpu.dma_semaphore, #tpu.memory_space<semaphore_mem>>, %arg54: memref<!tpu.dma_semaphore, #tpu.memory_space<semaphore_mem>>, %arg55: memref<!tpu.dma_semaphore, #tpu.memory_space<semaphore_mem>>, %arg56: memref<!tpu.dma_semaphore, #tpu.memory_space<semaphore_mem>>, %arg57: memref<!tpu.dma_semaphore, #tpu.memory_space<semaphore_mem>>) attributes {dimension_semantics = [#tpu.dimension_semantics<core_parallel>, #tpu.dimension_semantics<subcore_parallel>], iteration_bounds = array<i64: 2, 16>, scalar_prefetch = 0 : i64, scratch_operands = 48 : i64, tpu.core_type = #tpu.core_type<sc_vector_subcore>, window_params = [{transform_indices = #map}, {transform_indices = #map1}, {transform_indices = #map1}, {transform_indices = #map}, {transform_indices = #map}, {transform_indices = #map}, {transform_indices = #map}, {transform_indices = #map}]} {
    %mul3A = arith.constant 16 : i32
    %mul3A_0 = arith.muli %arg0, %mul3A : i32
    %add3A = arith.addi %mul3A_0, %arg1 : i32
    %mul3A_1 = arith.constant 624 : i32
    %mul3A_2 = arith.muli %arg1, %mul3A_1 : i32
    %multiple_of3A = tpu.assume_multiple %mul3A_2, 8 : i32
    %mul3A_3 = arith.constant 10000 : i32
    %mul3A_4 = arith.muli %add3A, %mul3A_3 : i32
    %add3A_5 = arith.constant 0 : i32
    %add3A_6 = arith.addi %mul3A_4, %add3A_5 : i32
    %multiple_of3A_7 = tpu.assume_multiple %add3A_6, 8 : i32
    %dma_start3A = tpu.memref_slice %arg3[%multiple_of3A_7] : memref<320000xi32, #tpu.memory_space<hbm>> -> memref<40xi32, #tpu.memory_space<hbm>>
    %dma_start3A_8 = tpu.memref_slice %arg3[%multiple_of3A_7] : memref<320000xi32, #tpu.memory_space<hbm>> -> memref<40xi32, #tpu.memory_space<hbm>>
    tpu.enqueue_dma source(%dma_start3A_8 : memref<40xi32, #tpu.memory_space<hbm>>) target(%arg10 : memref<40xi32, #tpu.memory_space<vmem>>) target_semaphore(%arg38 : memref<!tpu.dma_semaphore, #tpu.memory_space<semaphore_mem>>)
    %dma_start3A_9 = tpu.memref_slice %arg4[%multiple_of3A_7] : memref<320000xi32, #tpu.memory_space<hbm>> -> memref<40xi32, #tpu.memory_space<hbm>>
    %dma_start3A_10 = tpu.memref_slice %arg4[%multiple_of3A_7] : memref<320000xi32, #tpu.memory_space<hbm>> -> memref<40xi32, #tpu.memory_space<hbm>>
    tpu.enqueue_dma source(%dma_start3A_10 : memref<40xi32, #tpu.memory_space<hbm>>) target(%arg20 : memref<40xi32, #tpu.memory_space<vmem>>) target_semaphore(%arg38 : memref<!tpu.dma_semaphore, #tpu.memory_space<semaphore_mem>>)
    %add3A_11 = arith.constant 200 : i32
    %add3A_12 = arith.addi %mul3A_4, %add3A_11 : i32
    %multiple_of3A_13 = tpu.assume_multiple %add3A_12, 8 : i32
    %dma_start3A_14 = tpu.memref_slice %arg3[%multiple_of3A_13] : memref<320000xi32, #tpu.memory_space<hbm>> -> memref<40xi32, #tpu.memory_space<hbm>>
    %dma_start3A_15 = tpu.memref_slice %arg3[%multiple_of3A_13] : memref<320000xi32, #tpu.memory_space<hbm>> -> memref<40xi32, #tpu.memory_space<hbm>>
    tpu.enqueue_dma source(%dma_start3A_15 : memref<40xi32, #tpu.memory_space<hbm>>) target(%arg15 : memref<40xi32, #tpu.memory_space<vmem>>) target_semaphore(%arg43 : memref<!tpu.dma_semaphore, #tpu.memory_space<semaphore_mem>>)
    %dma_start3A_16 = tpu.memref_slice %arg4[%multiple_of3A_13] : memref<320000xi32, #tpu.memory_space<hbm>> -> memref<40xi32, #tpu.memory_space<hbm>>
    %dma_start3A_17 = tpu.memref_slice %arg4[%multiple_of3A_13] : memref<320000xi32, #tpu.memory_space<hbm>> -> memref<40xi32, #tpu.memory_space<hbm>>
    tpu.enqueue_dma source(%dma_start3A_17 : memref<40xi32, #tpu.memory_space<hbm>>) target(%arg25 : memref<40xi32, #tpu.memory_space<vmem>>) target_semaphore(%arg43 : memref<!tpu.dma_semaphore, #tpu.memory_space<semaphore_mem>>)
    %add3A_18 = arith.constant 40 : i32
    %add3A_19 = arith.addi %mul3A_4, %add3A_18 : i32
    %multiple_of3A_20 = tpu.assume_multiple %add3A_19, 8 : i32
    %dma_start3A_21 = tpu.memref_slice %arg3[%multiple_of3A_20] : memref<320000xi32, #tpu.memory_space<hbm>> -> memref<40xi32, #tpu.memory_space<hbm>>
    %dma_start3A_22 = tpu.memref_slice %arg3[%multiple_of3A_20] : memref<320000xi32, #tpu.memory_space<hbm>> -> memref<40xi32, #tpu.memory_space<hbm>>
    tpu.enqueue_dma source(%dma_start3A_22 : memref<40xi32, #tpu.memory_space<hbm>>) target(%arg11 : memref<40xi32, #tpu.memory_space<vmem>>) target_semaphore(%arg39 : memref<!tpu.dma_semaphore, #tpu.memory_space<semaphore_mem>>)
    %dma_start3A_23 = tpu.memref_slice %arg4[%multiple_of3A_20] : memref<320000xi32, #tpu.memory_space<hbm>> -> memref<40xi32, #tpu.memory_space<hbm>>
    %dma_start3A_24 = tpu.memref_slice %arg4[%multiple_of3A_20] : memref<320000xi32, #tpu.memory_space<hbm>> -> memref<40xi32, #tpu.memory_space<hbm>>
    tpu.enqueue_dma source(%dma_start3A_24 : memref<40xi32, #tpu.memory_space<hbm>>) target(%arg21 : memref<40xi32, #tpu.memory_space<vmem>>) target_semaphore(%arg39 : memref<!tpu.dma_semaphore, #tpu.memory_space<semaphore_mem>>)
    %add3A_25 = arith.constant 240 : i32
    %add3A_26 = arith.addi %mul3A_4, %add3A_25 : i32
    %multiple_of3A_27 = tpu.assume_multiple %add3A_26, 8 : i32
    %dma_start3A_28 = tpu.memref_slice %arg3[%multiple_of3A_27] : memref<320000xi32, #tpu.memory_space<hbm>> -> memref<40xi32, #tpu.memory_space<hbm>>
    %dma_start3A_29 = tpu.memref_slice %arg3[%multiple_of3A_27] : memref<320000xi32, #tpu.memory_space<hbm>> -> memref<40xi32, #tpu.memory_space<hbm>>
    tpu.enqueue_dma source(%dma_start3A_29 : memref<40xi32, #tpu.memory_space<hbm>>) target(%arg16 : memref<40xi32, #tpu.memory_space<vmem>>) target_semaphore(%arg44 : memref<!tpu.dma_semaphore, #tpu.memory_space<semaphore_mem>>)
    %dma_start3A_30 = tpu.memref_slice %arg4[%multiple_of3A_27] : memref<320000xi32, #tpu.memory_space<hbm>> -> memref<40xi32, #tpu.memory_space<hbm>>
    %dma_start3A_31 = tpu.memref_slice %arg4[%multiple_of3A_27] : memref<320000xi32, #tpu.memory_space<hbm>> -> memref<40xi32, #tpu.memory_space<hbm>>
    tpu.enqueue_dma source(%dma_start3A_31 : memref<40xi32, #tpu.memory_space<hbm>>) target(%arg26 : memref<40xi32, #tpu.memory_space<vmem>>) target_semaphore(%arg44 : memref<!tpu.dma_semaphore, #tpu.memory_space<semaphore_mem>>)
    %add3A_32 = arith.constant 80 : i32
    %add3A_33 = arith.addi %mul3A_4, %add3A_32 : i32
    %multiple_of3A_34 = tpu.assume_multiple %add3A_33, 8 : i32
    %dma_start3A_35 = tpu.memref_slice %arg3[%multiple_of3A_34] : memref<320000xi32, #tpu.memory_space<hbm>> -> memref<40xi32, #tpu.memory_space<hbm>>
    %dma_start3A_36 = tpu.memref_slice %arg3[%multiple_of3A_34] : memref<320000xi32, #tpu.memory_space<hbm>> -> memref<40xi32, #tpu.memory_space<hbm>>
    tpu.enqueue_dma source(%dma_start3A_36 : memref<40xi32, #tpu.memory_space<hbm>>) target(%arg12 : memref<40xi32, #tpu.memory_space<vmem>>) target_semaphore(%arg40 : memref<!tpu.dma_semaphore, #tpu.memory_space<semaphore_mem>>)
    %dma_start3A_37 = tpu.memref_slice %arg4[%multiple_of3A_34] : memref<320000xi32, #tpu.memory_space<hbm>> -> memref<40xi32, #tpu.memory_space<hbm>>
    %dma_start3A_38 = tpu.memref_slice %arg4[%multiple_of3A_34] : memref<320000xi32, #tpu.memory_space<hbm>> -> memref<40xi32, #tpu.memory_space<hbm>>
    tpu.enqueue_dma source(%dma_start3A_38 : memref<40xi32, #tpu.memory_space<hbm>>) target(%arg22 : memref<40xi32, #tpu.memory_space<vmem>>) target_semaphore(%arg40 : memref<!tpu.dma_semaphore, #tpu.memory_space<semaphore_mem>>)
    %add3A_39 = arith.constant 280 : i32
    %add3A_40 = arith.addi %mul3A_4, %add3A_39 : i32
    %multiple_of3A_41 = tpu.assume_multiple %add3A_40, 8 : i32
    %dma_start3A_42 = tpu.memref_slice %arg3[%multiple_of3A_41] : memref<320000xi32, #tpu.memory_space<hbm>> -> memref<40xi32, #tpu.memory_space<hbm>>
    %dma_start3A_43 = tpu.memref_slice %arg3[%multiple_of3A_41] : memref<320000xi32, #tpu.memory_space<hbm>> -> memref<40xi32, #tpu.memory_space<hbm>>
    tpu.enqueue_dma source(%dma_start3A_43 : memref<40xi32, #tpu.memory_space<hbm>>) target(%arg17 : memref<40xi32, #tpu.memory_space<vmem>>) target_semaphore(%arg45 : memref<!tpu.dma_semaphore, #tpu.memory_space<semaphore_mem>>)
    %dma_start3A_44 = tpu.memref_slice %arg4[%multiple_of3A_41] : memref<320000xi32, #tpu.memory_space<hbm>> -> memref<40xi32, #tpu.memory_space<hbm>>
    %dma_start3A_45 = tpu.memref_slice %arg4[%multiple_of3A_41] : memref<320000xi32, #tpu.memory_space<hbm>> -> memref<40xi32, #tpu.memory_space<hbm>>
    tpu.enqueue_dma source(%dma_start3A_45 : memref<40xi32, #tpu.memory_space<hbm>>) target(%arg27 : memref<40xi32, #tpu.memory_space<vmem>>) target_semaphore(%arg45 : memref<!tpu.dma_semaphore, #tpu.memory_space<semaphore_mem>>)
    %add3A_46 = arith.constant 120 : i32
    %add3A_47 = arith.addi %mul3A_4, %add3A_46 : i32
    %multiple_of3A_48 = tpu.assume_multiple %add3A_47, 8 : i32
    %dma_start3A_49 = tpu.memref_slice %arg3[%multiple_of3A_48] : memref<320000xi32, #tpu.memory_space<hbm>> -> memref<40xi32, #tpu.memory_space<hbm>>
    %dma_start3A_50 = tpu.memref_slice %arg3[%multiple_of3A_48] : memref<320000xi32, #tpu.memory_space<hbm>> -> memref<40xi32, #tpu.memory_space<hbm>>
    tpu.enqueue_dma source(%dma_start3A_50 : memref<40xi32, #tpu.memory_space<hbm>>) target(%arg13 : memref<40xi32, #tpu.memory_space<vmem>>) target_semaphore(%arg41 : memref<!tpu.dma_semaphore, #tpu.memory_space<semaphore_mem>>)
    %dma_start3A_51 = tpu.memref_slice %arg4[%multiple_of3A_48] : memref<320000xi32, #tpu.memory_space<hbm>> -> memref<40xi32, #tpu.memory_space<hbm>>
    %dma_start3A_52 = tpu.memref_slice %arg4[%multiple_of3A_48] : memref<320000xi32, #tpu.memory_space<hbm>> -> memref<40xi32, #tpu.memory_space<hbm>>
    tpu.enqueue_dma source(%dma_start3A_52 : memref<40xi32, #tpu.memory_space<hbm>>) target(%arg23 : memref<40xi32, #tpu.memory_space<vmem>>) target_semaphore(%arg41 : memref<!tpu.dma_semaphore, #tpu.memory_space<semaphore_mem>>)
    %add3A_53 = arith.constant 320 : i32
    %add3A_54 = arith.addi %mul3A_4, %add3A_53 : i32
    %multiple_of3A_55 = tpu.assume_multiple %add3A_54, 8 : i32
    %dma_start3A_56 = tpu.memref_slice %arg3[%multiple_of3A_55] : memref<320000xi32, #tpu.memory_space<hbm>> -> memref<40xi32, #tpu.memory_space<hbm>>
    %dma_start3A_57 = tpu.memref_slice %arg3[%multiple_of3A_55] : memref<320000xi32, #tpu.memory_space<hbm>> -> memref<40xi32, #tpu.memory_space<hbm>>
    tpu.enqueue_dma source(%dma_start3A_57 : memref<40xi32, #tpu.memory_space<hbm>>) target(%arg18 : memref<40xi32, #tpu.memory_space<vmem>>) target_semaphore(%arg46 : memref<!tpu.dma_semaphore, #tpu.memory_space<semaphore_mem>>)
    %dma_start3A_58 = tpu.memref_slice %arg4[%multiple_of3A_55] : memref<320000xi32, #tpu.memory_space<hbm>> -> memref<40xi32, #tpu.memory_space<hbm>>
    %dma_start3A_59 = tpu.memref_slice %arg4[%multiple_of3A_55] : memref<320000xi32, #tpu.memory_space<hbm>> -> memref<40xi32, #tpu.memory_space<hbm>>
    tpu.enqueue_dma source(%dma_start3A_59 : memref<40xi32, #tpu.memory_space<hbm>>) target(%arg28 : memref<40xi32, #tpu.memory_space<vmem>>) target_semaphore(%arg46 : memref<!tpu.dma_semaphore, #tpu.memory_space<semaphore_mem>>)
    %add3A_60 = arith.constant 160 : i32
    %add3A_61 = arith.addi %mul3A_4, %add3A_60 : i32
    %multiple_of3A_62 = tpu.assume_multiple %add3A_61, 8 : i32
    %dma_start3A_63 = tpu.memref_slice %arg3[%multiple_of3A_62] : memref<320000xi32, #tpu.memory_space<hbm>> -> memref<40xi32, #tpu.memory_space<hbm>>
    %dma_start3A_64 = tpu.memref_slice %arg3[%multiple_of3A_62] : memref<320000xi32, #tpu.memory_space<hbm>> -> memref<40xi32, #tpu.memory_space<hbm>>
    tpu.enqueue_dma source(%dma_start3A_64 : memref<40xi32, #tpu.memory_space<hbm>>) target(%arg14 : memref<40xi32, #tpu.memory_space<vmem>>) target_semaphore(%arg42 : memref<!tpu.dma_semaphore, #tpu.memory_space<semaphore_mem>>)
    %dma_start3A_65 = tpu.memref_slice %arg4[%multiple_of3A_62] : memref<320000xi32, #tpu.memory_space<hbm>> -> memref<40xi32, #tpu.memory_space<hbm>>
    %dma_start3A_66 = tpu.memref_slice %arg4[%multiple_of3A_62] : memref<320000xi32, #tpu.memory_space<hbm>> -> memref<40xi32, #tpu.memory_space<hbm>>
    tpu.enqueue_dma source(%dma_start3A_66 : memref<40xi32, #tpu.memory_space<hbm>>) target(%arg24 : memref<40xi32, #tpu.memory_space<vmem>>) target_semaphore(%arg42 : memref<!tpu.dma_semaphore, #tpu.memory_space<semaphore_mem>>)
    %add3A_67 = arith.constant 360 : i32
    %add3A_68 = arith.addi %mul3A_4, %add3A_67 : i32
    %multiple_of3A_69 = tpu.assume_multiple %add3A_68, 8 : i32
    %dma_start3A_70 = tpu.memref_slice %arg3[%multiple_of3A_69] : memref<320000xi32, #tpu.memory_space<hbm>> -> memref<40xi32, #tpu.memory_space<hbm>>
    %dma_start3A_71 = tpu.memref_slice %arg3[%multiple_of3A_69] : memref<320000xi32, #tpu.memory_space<hbm>> -> memref<40xi32, #tpu.memory_space<hbm>>
    tpu.enqueue_dma source(%dma_start3A_71 : memref<40xi32, #tpu.memory_space<hbm>>) target(%arg19 : memref<40xi32, #tpu.memory_space<vmem>>) target_semaphore(%arg47 : memref<!tpu.dma_semaphore, #tpu.memory_space<semaphore_mem>>)
    %dma_start3A_72 = tpu.memref_slice %arg4[%multiple_of3A_69] : memref<320000xi32, #tpu.memory_space<hbm>> -> memref<40xi32, #tpu.memory_space<hbm>>
    %dma_start3A_73 = tpu.memref_slice %arg4[%multiple_of3A_69] : memref<320000xi32, #tpu.memory_space<hbm>> -> memref<40xi32, #tpu.memory_space<hbm>>
    tpu.enqueue_dma source(%dma_start3A_73 : memref<40xi32, #tpu.memory_space<hbm>>) target(%arg29 : memref<40xi32, #tpu.memory_space<vmem>>) target_semaphore(%arg47 : memref<!tpu.dma_semaphore, #tpu.memory_space<semaphore_mem>>)
    %lt3A = arith.constant 15 : i32
    %lt3A_74 = arith.cmpi slt, %arg1, %lt3A : i32
    %convert_element_type3A = arith.extui %lt3A_74 : i1 to i32
    %cond3A = arith.constant 0 : i32
    %cond3A_75 = arith.cmpi ne, %convert_element_type3A, %cond3A : i32
    scf.if %cond3A_75 {
      "tpu.region"() ({
        %run_scoped3A = tpu.sem_alloc : memref<!tpu.dma_semaphore, #tpu.memory_space<semaphore_mem>>
        %dma_start3A_355 = arith.constant 0 : i32
        %dma_start3A_356 = tpu.memref_slice %arg35[%multiple_of3A, %dma_start3A_355] : memref<10000x128xf32, #tpu.memory_space<vmem_shared>> -> memref<624x128xf32, #tpu.memory_space<vmem_shared>>
        %dma_start3A_357 = arith.constant 0 : i32
        %dma_start3A_358 = arith.constant 0 : i32
        %dma_start3A_359 = tpu.memref_slice %arg5[%dma_start3A_357, %dma_start3A_358] : memref<640x128xf32, #tpu.memory_space<hbm>> -> memref<624x128xf32, #tpu.memory_space<hbm>>
        tpu.enqueue_dma source(%dma_start3A_359 : memref<624x128xf32, #tpu.memory_space<hbm>>) target(%dma_start3A_356 : memref<624x128xf32, #tpu.memory_space<vmem_shared>>) target_semaphore(%run_scoped3A : memref<!tpu.dma_semaphore, #tpu.memory_space<semaphore_mem>>)
        %dma_wait3A_360 = arith.constant 0 : i32
        %dma_wait3A_361 = tpu.memref_slice %arg35[%multiple_of3A, %dma_wait3A_360] : memref<10000x128xf32, #tpu.memory_space<vmem_shared>> -> memref<624x128xf32, #tpu.memory_space<vmem_shared>>
        %dma_wait3A_362 = arith.constant 0 : i32
        %dma_wait3A_363 = arith.constant 0 : i32
        %dma_wait3A_364 = tpu.memref_slice %arg5[%dma_wait3A_362, %dma_wait3A_363] : memref<640x128xf32, #tpu.memory_space<hbm>> -> memref<624x128xf32, #tpu.memory_space<hbm>>
        tpu.wait_dma2 semaphore(%run_scoped3A : memref<!tpu.dma_semaphore, #tpu.memory_space<semaphore_mem>>) src(%dma_wait3A_364 : memref<624x128xf32, #tpu.memory_space<hbm>>) dst(%dma_wait3A_361 : memref<624x128xf32, #tpu.memory_space<vmem_shared>>)
        tpu.yield
      }) : () -> ()
      "tpu.region"() ({
        %run_scoped3A = tpu.sem_alloc : memref<!tpu.dma_semaphore, #tpu.memory_space<semaphore_mem>>
        %dma_start3A_355 = arith.constant 0 : i32
        %dma_start3A_356 = tpu.memref_slice %arg37[%multiple_of3A, %dma_start3A_355] : memref<10000x16xf32, #tpu.memory_space<vmem_shared>> -> memref<624x16xf32, #tpu.memory_space<vmem_shared>>
        %dma_start3A_357 = arith.constant 0 : i32
        %dma_start3A_358 = arith.constant 0 : i32
        %dma_start3A_359 = tpu.memref_slice %arg6[%dma_start3A_357, %dma_start3A_358] : memref<640x16xf32, #tpu.memory_space<hbm>> -> memref<624x16xf32, #tpu.memory_space<hbm>>
        tpu.enqueue_dma source(%dma_start3A_359 : memref<624x16xf32, #tpu.memory_space<hbm>>) target(%dma_start3A_356 : memref<624x16xf32, #tpu.memory_space<vmem_shared>>) target_semaphore(%run_scoped3A : memref<!tpu.dma_semaphore, #tpu.memory_space<semaphore_mem>>)
        %dma_wait3A_360 = arith.constant 0 : i32
        %dma_wait3A_361 = tpu.memref_slice %arg37[%multiple_of3A, %dma_wait3A_360] : memref<10000x16xf32, #tpu.memory_space<vmem_shared>> -> memref<624x16xf32, #tpu.memory_space<vmem_shared>>
        %dma_wait3A_362 = arith.constant 0 : i32
        %dma_wait3A_363 = arith.constant 0 : i32
        %dma_wait3A_364 = tpu.memref_slice %arg6[%dma_wait3A_362, %dma_wait3A_363] : memref<640x16xf32, #tpu.memory_space<hbm>> -> memref<624x16xf32, #tpu.memory_space<hbm>>
        tpu.wait_dma2 semaphore(%run_scoped3A : memref<!tpu.dma_semaphore, #tpu.memory_space<semaphore_mem>>) src(%dma_wait3A_364 : memref<624x16xf32, #tpu.memory_space<hbm>>) dst(%dma_wait3A_361 : memref<624x16xf32, #tpu.memory_space<vmem_shared>>)
        tpu.yield
      }) : () -> ()
    } else {
    }
    %eq3A = arith.constant 15 : i32
    %eq3A_76 = arith.cmpi eq, %arg1, %eq3A : i32
    %convert_element_type3A_77 = arith.extui %eq3A_76 : i1 to i32
    %cond3A_78 = arith.constant 0 : i32
    %cond3A_79 = arith.cmpi ne, %convert_element_type3A_77, %cond3A_78 : i32
    scf.if %cond3A_79 {
      "tpu.region"() ({
        %run_scoped3A = tpu.sem_alloc : memref<!tpu.dma_semaphore, #tpu.memory_space<semaphore_mem>>
        %dma_start3A_355 = arith.constant 9360 : i32
        %dma_start3A_356 = arith.constant 0 : i32
        %dma_start3A_357 = tpu.memref_slice %arg35[%dma_start3A_355, %dma_start3A_356] : memref<10000x128xf32, #tpu.memory_space<vmem_shared>> -> memref<640x128xf32, #tpu.memory_space<vmem_shared>>
        tpu.enqueue_dma source(%arg5 : memref<640x128xf32, #tpu.memory_space<hbm>>) target(%dma_start3A_357 : memref<640x128xf32, #tpu.memory_space<vmem_shared>>) target_semaphore(%run_scoped3A : memref<!tpu.dma_semaphore, #tpu.memory_space<semaphore_mem>>)
        %dma_wait3A_358 = arith.constant 9360 : i32
        %dma_wait3A_359 = arith.constant 0 : i32
        %dma_wait3A_360 = tpu.memref_slice %arg35[%dma_wait3A_358, %dma_wait3A_359] : memref<10000x128xf32, #tpu.memory_space<vmem_shared>> -> memref<640x128xf32, #tpu.memory_space<vmem_shared>>
        tpu.wait_dma2 semaphore(%run_scoped3A : memref<!tpu.dma_semaphore, #tpu.memory_space<semaphore_mem>>) src(%arg5 : memref<640x128xf32, #tpu.memory_space<hbm>>) dst(%dma_wait3A_360 : memref<640x128xf32, #tpu.memory_space<vmem_shared>>)
        tpu.yield
      }) : () -> ()
      "tpu.region"() ({
        %run_scoped3A = tpu.sem_alloc : memref<!tpu.dma_semaphore, #tpu.memory_space<semaphore_mem>>
        %dma_start3A_355 = arith.constant 9360 : i32
        %dma_start3A_356 = arith.constant 0 : i32
        %dma_start3A_357 = tpu.memref_slice %arg37[%dma_start3A_355, %dma_start3A_356] : memref<10000x16xf32, #tpu.memory_space<vmem_shared>> -> memref<640x16xf32, #tpu.memory_space<vmem_shared>>
        tpu.enqueue_dma source(%arg6 : memref<640x16xf32, #tpu.memory_space<hbm>>) target(%dma_start3A_357 : memref<640x16xf32, #tpu.memory_space<vmem_shared>>) target_semaphore(%run_scoped3A : memref<!tpu.dma_semaphore, #tpu.memory_space<semaphore_mem>>)
        %dma_wait3A_358 = arith.constant 9360 : i32
        %dma_wait3A_359 = arith.constant 0 : i32
        %dma_wait3A_360 = tpu.memref_slice %arg37[%dma_wait3A_358, %dma_wait3A_359] : memref<10000x16xf32, #tpu.memory_space<vmem_shared>> -> memref<640x16xf32, #tpu.memory_space<vmem_shared>>
        tpu.wait_dma2 semaphore(%run_scoped3A : memref<!tpu.dma_semaphore, #tpu.memory_space<semaphore_mem>>) src(%arg6 : memref<640x16xf32, #tpu.memory_space<hbm>>) dst(%dma_wait3A_360 : memref<640x16xf32, #tpu.memory_space<vmem_shared>>)
        tpu.yield
      }) : () -> ()
    } else {
    }
    "tpu.region"() ({
      %run_scoped3A = tpu.sem_alloc : memref<!tpu.dma_semaphore, #tpu.memory_space<semaphore_mem>>
      tpu.enqueue_dma source(%arg7 : memref<40x16xf32, #tpu.memory_space<hbm>>) target(%arg36 : memref<40x16xf32, #tpu.memory_space<vmem>>) target_semaphore(%run_scoped3A : memref<!tpu.dma_semaphore, #tpu.memory_space<semaphore_mem>>)
      tpu.wait_dma2 semaphore(%run_scoped3A : memref<!tpu.dma_semaphore, #tpu.memory_space<semaphore_mem>>) src(%arg7 : memref<40x16xf32, #tpu.memory_space<hbm>>) dst(%arg36 : memref<40x16xf32, #tpu.memory_space<vmem>>)
      tpu.yield
    }) : () -> ()
    %dma_wait3A = arith.constant 0 : i32
    %dma_wait3A_80 = tpu.memref_slice %arg3[%dma_wait3A] : memref<320000xi32, #tpu.memory_space<hbm>> -> memref<40xi32, #tpu.memory_space<hbm>>
    %dma_wait3A_81 = arith.constant 0 : i32
    %dma_wait3A_82 = tpu.memref_slice %arg3[%dma_wait3A_81] : memref<320000xi32, #tpu.memory_space<hbm>> -> memref<40xi32, #tpu.memory_space<hbm>>
    tpu.wait_dma2 semaphore(%arg38 : memref<!tpu.dma_semaphore, #tpu.memory_space<semaphore_mem>>) src(%dma_wait3A_82 : memref<40xi32, #tpu.memory_space<hbm>>) dst(%arg10 : memref<40xi32, #tpu.memory_space<vmem>>)
    %dma_wait3A_83 = arith.constant 0 : i32
    %dma_wait3A_84 = tpu.memref_slice %arg4[%dma_wait3A_83] : memref<320000xi32, #tpu.memory_space<hbm>> -> memref<40xi32, #tpu.memory_space<hbm>>
    %dma_wait3A_85 = arith.constant 0 : i32
    %dma_wait3A_86 = tpu.memref_slice %arg4[%dma_wait3A_85] : memref<320000xi32, #tpu.memory_space<hbm>> -> memref<40xi32, #tpu.memory_space<hbm>>
    tpu.wait_dma2 semaphore(%arg38 : memref<!tpu.dma_semaphore, #tpu.memory_space<semaphore_mem>>) src(%dma_wait3A_86 : memref<40xi32, #tpu.memory_space<hbm>>) dst(%arg20 : memref<40xi32, #tpu.memory_space<vmem>>)
    %dma_start3A_87 = arith.constant 0 : i32
    %dma_start3A_88 = arith.constant 0 : i32
    %dma_start3A_89 = tpu.memref_slice %arg2[%dma_start3A_87, %dma_start3A_88] : memref<10000x128xf32, #tpu.memory_space<hbm>> -> memref<10000x128xf32, #tpu.memory_space<hbm>>
    tpu.enqueue_indirect_dma source(%dma_start3A_89 : memref<10000x128xf32, #tpu.memory_space<hbm>>) target(%arg30 : memref<40x128xf32, #tpu.memory_space<vmem>>) offsets(%arg10 : memref<40xi32, #tpu.memory_space<vmem>>) semaphore(%arg48 : memref<!tpu.dma_semaphore, #tpu.memory_space<semaphore_mem>>)
    %dma_wait3A_90 = arith.constant 0 : i32
    %dma_wait3A_91 = tpu.memref_slice %arg3[%dma_wait3A_90] : memref<320000xi32, #tpu.memory_space<hbm>> -> memref<40xi32, #tpu.memory_space<hbm>>
    %dma_wait3A_92 = arith.constant 0 : i32
    %dma_wait3A_93 = tpu.memref_slice %arg3[%dma_wait3A_92] : memref<320000xi32, #tpu.memory_space<hbm>> -> memref<40xi32, #tpu.memory_space<hbm>>
    tpu.wait_dma2 semaphore(%arg39 : memref<!tpu.dma_semaphore, #tpu.memory_space<semaphore_mem>>) src(%dma_wait3A_93 : memref<40xi32, #tpu.memory_space<hbm>>) dst(%arg11 : memref<40xi32, #tpu.memory_space<vmem>>)
    %dma_wait3A_94 = arith.constant 0 : i32
    %dma_wait3A_95 = tpu.memref_slice %arg4[%dma_wait3A_94] : memref<320000xi32, #tpu.memory_space<hbm>> -> memref<40xi32, #tpu.memory_space<hbm>>
    %dma_wait3A_96 = arith.constant 0 : i32
    %dma_wait3A_97 = tpu.memref_slice %arg4[%dma_wait3A_96] : memref<320000xi32, #tpu.memory_space<hbm>> -> memref<40xi32, #tpu.memory_space<hbm>>
    tpu.wait_dma2 semaphore(%arg39 : memref<!tpu.dma_semaphore, #tpu.memory_space<semaphore_mem>>) src(%dma_wait3A_97 : memref<40xi32, #tpu.memory_space<hbm>>) dst(%arg21 : memref<40xi32, #tpu.memory_space<vmem>>)
    %dma_start3A_98 = arith.constant 0 : i32
    %dma_start3A_99 = arith.constant 0 : i32
    %dma_start3A_100 = tpu.memref_slice %arg2[%dma_start3A_98, %dma_start3A_99] : memref<10000x128xf32, #tpu.memory_space<hbm>> -> memref<10000x128xf32, #tpu.memory_space<hbm>>
    tpu.enqueue_indirect_dma source(%dma_start3A_100 : memref<10000x128xf32, #tpu.memory_space<hbm>>) target(%arg31 : memref<40x128xf32, #tpu.memory_space<vmem>>) offsets(%arg11 : memref<40xi32, #tpu.memory_space<vmem>>) semaphore(%arg49 : memref<!tpu.dma_semaphore, #tpu.memory_space<semaphore_mem>>)
    %dma_wait3A_101 = arith.constant 0 : i32
    %dma_wait3A_102 = tpu.memref_slice %arg3[%dma_wait3A_101] : memref<320000xi32, #tpu.memory_space<hbm>> -> memref<40xi32, #tpu.memory_space<hbm>>
    %dma_wait3A_103 = arith.constant 0 : i32
    %dma_wait3A_104 = tpu.memref_slice %arg3[%dma_wait3A_103] : memref<320000xi32, #tpu.memory_space<hbm>> -> memref<40xi32, #tpu.memory_space<hbm>>
    tpu.wait_dma2 semaphore(%arg40 : memref<!tpu.dma_semaphore, #tpu.memory_space<semaphore_mem>>) src(%dma_wait3A_104 : memref<40xi32, #tpu.memory_space<hbm>>) dst(%arg12 : memref<40xi32, #tpu.memory_space<vmem>>)
    %dma_wait3A_105 = arith.constant 0 : i32
    %dma_wait3A_106 = tpu.memref_slice %arg4[%dma_wait3A_105] : memref<320000xi32, #tpu.memory_space<hbm>> -> memref<40xi32, #tpu.memory_space<hbm>>
    %dma_wait3A_107 = arith.constant 0 : i32
    %dma_wait3A_108 = tpu.memref_slice %arg4[%dma_wait3A_107] : memref<320000xi32, #tpu.memory_space<hbm>> -> memref<40xi32, #tpu.memory_space<hbm>>
    tpu.wait_dma2 semaphore(%arg40 : memref<!tpu.dma_semaphore, #tpu.memory_space<semaphore_mem>>) src(%dma_wait3A_108 : memref<40xi32, #tpu.memory_space<hbm>>) dst(%arg22 : memref<40xi32, #tpu.memory_space<vmem>>)
    %dma_start3A_109 = arith.constant 0 : i32
    %dma_start3A_110 = arith.constant 0 : i32
    %dma_start3A_111 = tpu.memref_slice %arg2[%dma_start3A_109, %dma_start3A_110] : memref<10000x128xf32, #tpu.memory_space<hbm>> -> memref<10000x128xf32, #tpu.memory_space<hbm>>
    tpu.enqueue_indirect_dma source(%dma_start3A_111 : memref<10000x128xf32, #tpu.memory_space<hbm>>) target(%arg32 : memref<40x128xf32, #tpu.memory_space<vmem>>) offsets(%arg12 : memref<40xi32, #tpu.memory_space<vmem>>) semaphore(%arg50 : memref<!tpu.dma_semaphore, #tpu.memory_space<semaphore_mem>>)
    %dma_wait3A_112 = arith.constant 0 : i32
    %dma_wait3A_113 = tpu.memref_slice %arg3[%dma_wait3A_112] : memref<320000xi32, #tpu.memory_space<hbm>> -> memref<40xi32, #tpu.memory_space<hbm>>
    %dma_wait3A_114 = arith.constant 0 : i32
    %dma_wait3A_115 = tpu.memref_slice %arg3[%dma_wait3A_114] : memref<320000xi32, #tpu.memory_space<hbm>> -> memref<40xi32, #tpu.memory_space<hbm>>
    tpu.wait_dma2 semaphore(%arg41 : memref<!tpu.dma_semaphore, #tpu.memory_space<semaphore_mem>>) src(%dma_wait3A_115 : memref<40xi32, #tpu.memory_space<hbm>>) dst(%arg13 : memref<40xi32, #tpu.memory_space<vmem>>)
    %dma_wait3A_116 = arith.constant 0 : i32
    %dma_wait3A_117 = tpu.memref_slice %arg4[%dma_wait3A_116] : memref<320000xi32, #tpu.memory_space<hbm>> -> memref<40xi32, #tpu.memory_space<hbm>>
    %dma_wait3A_118 = arith.constant 0 : i32
    %dma_wait3A_119 = tpu.memref_slice %arg4[%dma_wait3A_118] : memref<320000xi32, #tpu.memory_space<hbm>> -> memref<40xi32, #tpu.memory_space<hbm>>
    tpu.wait_dma2 semaphore(%arg41 : memref<!tpu.dma_semaphore, #tpu.memory_space<semaphore_mem>>) src(%dma_wait3A_119 : memref<40xi32, #tpu.memory_space<hbm>>) dst(%arg23 : memref<40xi32, #tpu.memory_space<vmem>>)
    %dma_start3A_120 = arith.constant 0 : i32
    %dma_start3A_121 = arith.constant 0 : i32
    %dma_start3A_122 = tpu.memref_slice %arg2[%dma_start3A_120, %dma_start3A_121] : memref<10000x128xf32, #tpu.memory_space<hbm>> -> memref<10000x128xf32, #tpu.memory_space<hbm>>
    tpu.enqueue_indirect_dma source(%dma_start3A_122 : memref<10000x128xf32, #tpu.memory_space<hbm>>) target(%arg33 : memref<40x128xf32, #tpu.memory_space<vmem>>) offsets(%arg13 : memref<40xi32, #tpu.memory_space<vmem>>) semaphore(%arg51 : memref<!tpu.dma_semaphore, #tpu.memory_space<semaphore_mem>>)
    %dma_wait3A_123 = arith.constant 0 : i32
    %dma_wait3A_124 = tpu.memref_slice %arg3[%dma_wait3A_123] : memref<320000xi32, #tpu.memory_space<hbm>> -> memref<40xi32, #tpu.memory_space<hbm>>
    %dma_wait3A_125 = arith.constant 0 : i32
    %dma_wait3A_126 = tpu.memref_slice %arg3[%dma_wait3A_125] : memref<320000xi32, #tpu.memory_space<hbm>> -> memref<40xi32, #tpu.memory_space<hbm>>
    tpu.wait_dma2 semaphore(%arg42 : memref<!tpu.dma_semaphore, #tpu.memory_space<semaphore_mem>>) src(%dma_wait3A_126 : memref<40xi32, #tpu.memory_space<hbm>>) dst(%arg14 : memref<40xi32, #tpu.memory_space<vmem>>)
    %dma_wait3A_127 = arith.constant 0 : i32
    %dma_wait3A_128 = tpu.memref_slice %arg4[%dma_wait3A_127] : memref<320000xi32, #tpu.memory_space<hbm>> -> memref<40xi32, #tpu.memory_space<hbm>>
    %dma_wait3A_129 = arith.constant 0 : i32
    %dma_wait3A_130 = tpu.memref_slice %arg4[%dma_wait3A_129] : memref<320000xi32, #tpu.memory_space<hbm>> -> memref<40xi32, #tpu.memory_space<hbm>>
    tpu.wait_dma2 semaphore(%arg42 : memref<!tpu.dma_semaphore, #tpu.memory_space<semaphore_mem>>) src(%dma_wait3A_130 : memref<40xi32, #tpu.memory_space<hbm>>) dst(%arg24 : memref<40xi32, #tpu.memory_space<vmem>>)
    %dma_start3A_131 = arith.constant 0 : i32
    %dma_start3A_132 = arith.constant 0 : i32
    %dma_start3A_133 = tpu.memref_slice %arg2[%dma_start3A_131, %dma_start3A_132] : memref<10000x128xf32, #tpu.memory_space<hbm>> -> memref<10000x128xf32, #tpu.memory_space<hbm>>
    tpu.enqueue_indirect_dma source(%dma_start3A_133 : memref<10000x128xf32, #tpu.memory_space<hbm>>) target(%arg34 : memref<40x128xf32, #tpu.memory_space<vmem>>) offsets(%arg14 : memref<40xi32, #tpu.memory_space<vmem>>) semaphore(%arg52 : memref<!tpu.dma_semaphore, #tpu.memory_space<semaphore_mem>>)
    %barrier3A = arith.constant 0 : index
    tpu.barrier barrier_id(%barrier3A)
    %dma_start3A_134 = arith.constant 0 : i32
    %dma_start3A_135 = arith.constant 0 : i32
    %dma_start3A_136 = tpu.memref_slice %arg37[%dma_start3A_134, %dma_start3A_135] : memref<10000x16xf32, #tpu.memory_space<vmem_shared>> -> memref<10000x16xf32, #tpu.memory_space<vmem_shared>>
    tpu.enqueue_indirect_dma source(%arg36 : memref<40x16xf32, #tpu.memory_space<vmem>>) target(%dma_start3A_136 : memref<10000x16xf32, #tpu.memory_space<vmem_shared>>) offsets(%arg20 : memref<40xi32, #tpu.memory_space<vmem>>) semaphore(%arg53 : memref<!tpu.dma_semaphore, #tpu.memory_space<semaphore_mem>>) {add = true}
    %dma_wait3A_137 = arith.constant 0 : i32
    %dma_wait3A_138 = arith.constant 0 : i32
    %dma_wait3A_139 = tpu.memref_slice %arg2[%dma_wait3A_137, %dma_wait3A_138] : memref<10000x128xf32, #tpu.memory_space<hbm>> -> memref<10000x128xf32, #tpu.memory_space<hbm>>
    tpu.wait_indirect_dma semaphore(%arg48 : memref<!tpu.dma_semaphore, #tpu.memory_space<semaphore_mem>>) src(%dma_wait3A_139 : memref<10000x128xf32, #tpu.memory_space<hbm>>) dst(%arg30 : memref<40x128xf32, #tpu.memory_space<vmem>>)
    %dma_start3A_140 = arith.constant 0 : i32
    %dma_start3A_141 = arith.constant 0 : i32
    %dma_start3A_142 = tpu.memref_slice %arg35[%dma_start3A_140, %dma_start3A_141] : memref<10000x128xf32, #tpu.memory_space<vmem_shared>> -> memref<10000x128xf32, #tpu.memory_space<vmem_shared>>
    tpu.enqueue_indirect_dma source(%arg30 : memref<40x128xf32, #tpu.memory_space<vmem>>) target(%dma_start3A_142 : memref<10000x128xf32, #tpu.memory_space<vmem_shared>>) offsets(%arg20 : memref<40xi32, #tpu.memory_space<vmem>>) semaphore(%arg53 : memref<!tpu.dma_semaphore, #tpu.memory_space<semaphore_mem>>) {add = true}
    %dma_start3A_143 = arith.constant 0 : i32
    %dma_start3A_144 = arith.constant 0 : i32
    %dma_start3A_145 = tpu.memref_slice %arg37[%dma_start3A_143, %dma_start3A_144] : memref<10000x16xf32, #tpu.memory_space<vmem_shared>> -> memref<10000x16xf32, #tpu.memory_space<vmem_shared>>
    tpu.enqueue_indirect_dma source(%arg36 : memref<40x16xf32, #tpu.memory_space<vmem>>) target(%dma_start3A_145 : memref<10000x16xf32, #tpu.memory_space<vmem_shared>>) offsets(%arg21 : memref<40xi32, #tpu.memory_space<vmem>>) semaphore(%arg54 : memref<!tpu.dma_semaphore, #tpu.memory_space<semaphore_mem>>) {add = true}
    %dma_wait3A_146 = arith.constant 0 : i32
    %dma_wait3A_147 = arith.constant 0 : i32
    %dma_wait3A_148 = tpu.memref_slice %arg2[%dma_wait3A_146, %dma_wait3A_147] : memref<10000x128xf32, #tpu.memory_space<hbm>> -> memref<10000x128xf32, #tpu.memory_space<hbm>>
    tpu.wait_indirect_dma semaphore(%arg49 : memref<!tpu.dma_semaphore, #tpu.memory_space<semaphore_mem>>) src(%dma_wait3A_148 : memref<10000x128xf32, #tpu.memory_space<hbm>>) dst(%arg31 : memref<40x128xf32, #tpu.memory_space<vmem>>)
    %dma_start3A_149 = arith.constant 0 : i32
    %dma_start3A_150 = arith.constant 0 : i32
    %dma_start3A_151 = tpu.memref_slice %arg35[%dma_start3A_149, %dma_start3A_150] : memref<10000x128xf32, #tpu.memory_space<vmem_shared>> -> memref<10000x128xf32, #tpu.memory_space<vmem_shared>>
    tpu.enqueue_indirect_dma source(%arg31 : memref<40x128xf32, #tpu.memory_space<vmem>>) target(%dma_start3A_151 : memref<10000x128xf32, #tpu.memory_space<vmem_shared>>) offsets(%arg21 : memref<40xi32, #tpu.memory_space<vmem>>) semaphore(%arg54 : memref<!tpu.dma_semaphore, #tpu.memory_space<semaphore_mem>>) {add = true}
    %dma_start3A_152 = arith.constant 0 : i32
    %dma_start3A_153 = arith.constant 0 : i32
    %dma_start3A_154 = tpu.memref_slice %arg37[%dma_start3A_152, %dma_start3A_153] : memref<10000x16xf32, #tpu.memory_space<vmem_shared>> -> memref<10000x16xf32, #tpu.memory_space<vmem_shared>>
    tpu.enqueue_indirect_dma source(%arg36 : memref<40x16xf32, #tpu.memory_space<vmem>>) target(%dma_start3A_154 : memref<10000x16xf32, #tpu.memory_space<vmem_shared>>) offsets(%arg22 : memref<40xi32, #tpu.memory_space<vmem>>) semaphore(%arg55 : memref<!tpu.dma_semaphore, #tpu.memory_space<semaphore_mem>>) {add = true}
    %dma_wait3A_155 = arith.constant 0 : i32
    %dma_wait3A_156 = arith.constant 0 : i32
    %dma_wait3A_157 = tpu.memref_slice %arg2[%dma_wait3A_155, %dma_wait3A_156] : memref<10000x128xf32, #tpu.memory_space<hbm>> -> memref<10000x128xf32, #tpu.memory_space<hbm>>
    tpu.wait_indirect_dma semaphore(%arg50 : memref<!tpu.dma_semaphore, #tpu.memory_space<semaphore_mem>>) src(%dma_wait3A_157 : memref<10000x128xf32, #tpu.memory_space<hbm>>) dst(%arg32 : memref<40x128xf32, #tpu.memory_space<vmem>>)
    %dma_start3A_158 = arith.constant 0 : i32
    %dma_start3A_159 = arith.constant 0 : i32
    %dma_start3A_160 = tpu.memref_slice %arg35[%dma_start3A_158, %dma_start3A_159] : memref<10000x128xf32, #tpu.memory_space<vmem_shared>> -> memref<10000x128xf32, #tpu.memory_space<vmem_shared>>
    tpu.enqueue_indirect_dma source(%arg32 : memref<40x128xf32, #tpu.memory_space<vmem>>) target(%dma_start3A_160 : memref<10000x128xf32, #tpu.memory_space<vmem_shared>>) offsets(%arg22 : memref<40xi32, #tpu.memory_space<vmem>>) semaphore(%arg55 : memref<!tpu.dma_semaphore, #tpu.memory_space<semaphore_mem>>) {add = true}
    %dma_start3A_161 = arith.constant 0 : i32
    %dma_start3A_162 = arith.constant 0 : i32
    %dma_start3A_163 = tpu.memref_slice %arg37[%dma_start3A_161, %dma_start3A_162] : memref<10000x16xf32, #tpu.memory_space<vmem_shared>> -> memref<10000x16xf32, #tpu.memory_space<vmem_shared>>
    tpu.enqueue_indirect_dma source(%arg36 : memref<40x16xf32, #tpu.memory_space<vmem>>) target(%dma_start3A_163 : memref<10000x16xf32, #tpu.memory_space<vmem_shared>>) offsets(%arg23 : memref<40xi32, #tpu.memory_space<vmem>>) semaphore(%arg56 : memref<!tpu.dma_semaphore, #tpu.memory_space<semaphore_mem>>) {add = true}
    %dma_wait3A_164 = arith.constant 0 : i32
    %dma_wait3A_165 = arith.constant 0 : i32
    %dma_wait3A_166 = tpu.memref_slice %arg2[%dma_wait3A_164, %dma_wait3A_165] : memref<10000x128xf32, #tpu.memory_space<hbm>> -> memref<10000x128xf32, #tpu.memory_space<hbm>>
    tpu.wait_indirect_dma semaphore(%arg51 : memref<!tpu.dma_semaphore, #tpu.memory_space<semaphore_mem>>) src(%dma_wait3A_166 : memref<10000x128xf32, #tpu.memory_space<hbm>>) dst(%arg33 : memref<40x128xf32, #tpu.memory_space<vmem>>)
    %dma_start3A_167 = arith.constant 0 : i32
    %dma_start3A_168 = arith.constant 0 : i32
    %dma_start3A_169 = tpu.memref_slice %arg35[%dma_start3A_167, %dma_start3A_168] : memref<10000x128xf32, #tpu.memory_space<vmem_shared>> -> memref<10000x128xf32, #tpu.memory_space<vmem_shared>>
    tpu.enqueue_indirect_dma source(%arg33 : memref<40x128xf32, #tpu.memory_space<vmem>>) target(%dma_start3A_169 : memref<10000x128xf32, #tpu.memory_space<vmem_shared>>) offsets(%arg23 : memref<40xi32, #tpu.memory_space<vmem>>) semaphore(%arg56 : memref<!tpu.dma_semaphore, #tpu.memory_space<semaphore_mem>>) {add = true}
    %dma_start3A_170 = arith.constant 0 : i32
    %dma_start3A_171 = arith.constant 0 : i32
    %dma_start3A_172 = tpu.memref_slice %arg37[%dma_start3A_170, %dma_start3A_171] : memref<10000x16xf32, #tpu.memory_space<vmem_shared>> -> memref<10000x16xf32, #tpu.memory_space<vmem_shared>>
    tpu.enqueue_indirect_dma source(%arg36 : memref<40x16xf32, #tpu.memory_space<vmem>>) target(%dma_start3A_172 : memref<10000x16xf32, #tpu.memory_space<vmem_shared>>) offsets(%arg24 : memref<40xi32, #tpu.memory_space<vmem>>) semaphore(%arg57 : memref<!tpu.dma_semaphore, #tpu.memory_space<semaphore_mem>>) {add = true}
    %dma_wait3A_173 = arith.constant 0 : i32
    %dma_wait3A_174 = arith.constant 0 : i32
    %dma_wait3A_175 = tpu.memref_slice %arg2[%dma_wait3A_173, %dma_wait3A_174] : memref<10000x128xf32, #tpu.memory_space<hbm>> -> memref<10000x128xf32, #tpu.memory_space<hbm>>
    tpu.wait_indirect_dma semaphore(%arg52 : memref<!tpu.dma_semaphore, #tpu.memory_space<semaphore_mem>>) src(%dma_wait3A_175 : memref<10000x128xf32, #tpu.memory_space<hbm>>) dst(%arg34 : memref<40x128xf32, #tpu.memory_space<vmem>>)
    %dma_start3A_176 = arith.constant 0 : i32
    %dma_start3A_177 = arith.constant 0 : i32
    %dma_start3A_178 = tpu.memref_slice %arg35[%dma_start3A_176, %dma_start3A_177] : memref<10000x128xf32, #tpu.memory_space<vmem_shared>> -> memref<10000x128xf32, #tpu.memory_space<vmem_shared>>
    tpu.enqueue_indirect_dma source(%arg34 : memref<40x128xf32, #tpu.memory_space<vmem>>) target(%dma_start3A_178 : memref<10000x128xf32, #tpu.memory_space<vmem_shared>>) offsets(%arg24 : memref<40xi32, #tpu.memory_space<vmem>>) semaphore(%arg57 : memref<!tpu.dma_semaphore, #tpu.memory_space<semaphore_mem>>) {add = true}
    %scan3A = arith.constant 0 : i32
    %scan3A_179 = arith.constant 0 : i32
    %scan3A_180 = arith.constant 24 : i32
    %scan3A_181 = arith.addi %scan3A_179, %scan3A_180 : i32
    %scan3A_182 = arith.constant 1 : i32
    scf.for %scan3A_355 = %scan3A_179 to %scan3A_181 step %scan3A_182  : i32 {
      %mul3A_356 = arith.constant 2 : i32
      %mul3A_357 = arith.muli %mul3A_356, %scan3A_355 : i32
      %add3A_358 = arith.constant 1 : i32
      %add3A_359 = arith.addi %mul3A_357, %add3A_358 : i32
      %dma_wait3A_360 = arith.constant 0 : i32
      %dma_wait3A_361 = arith.constant 0 : i32
      %dma_wait3A_362 = tpu.memref_slice %arg35[%dma_wait3A_360, %dma_wait3A_361] : memref<10000x128xf32, #tpu.memory_space<vmem_shared>> -> memref<10000x128xf32, #tpu.memory_space<vmem_shared>>
      tpu.wait_indirect_dma semaphore(%arg53 : memref<!tpu.dma_semaphore, #tpu.memory_space<semaphore_mem>>) src(%arg30 : memref<40x128xf32, #tpu.memory_space<vmem>>) dst(%dma_wait3A_362 : memref<10000x128xf32, #tpu.memory_space<vmem_shared>>)
      %dma_wait3A_363 = arith.constant 0 : i32
      %dma_wait3A_364 = arith.constant 0 : i32
      %dma_wait3A_365 = tpu.memref_slice %arg37[%dma_wait3A_363, %dma_wait3A_364] : memref<10000x16xf32, #tpu.memory_space<vmem_shared>> -> memref<10000x16xf32, #tpu.memory_space<vmem_shared>>
      tpu.wait_indirect_dma semaphore(%arg53 : memref<!tpu.dma_semaphore, #tpu.memory_space<semaphore_mem>>) src(%arg36 : memref<40x16xf32, #tpu.memory_space<vmem>>) dst(%dma_wait3A_365 : memref<10000x16xf32, #tpu.memory_space<vmem_shared>>)
      %lt3A_366 = arith.constant 49 : i32
      %lt3A_367 = arith.cmpi slt, %add3A_359, %lt3A_366 : i32
      %convert_element_type3A_368 = arith.extui %lt3A_367 : i1 to i32
      %cond3A_369 = arith.constant 0 : i32
      %cond3A_370 = arith.cmpi ne, %convert_element_type3A_368, %cond3A_369 : i32
      scf.if %cond3A_370 {
        %add3A_674 = arith.constant 1 : i32
        %add3A_675 = arith.addi %add3A_359, %add3A_674 : i32
        %mul3A_676 = arith.constant 5 : i32
        %mul3A_677 = arith.muli %add3A_675, %mul3A_676 : i32
        %add3A_678 = arith.constant 0 : i32
        %add3A_679 = arith.addi %mul3A_677, %add3A_678 : i32
        %mul3A_680 = arith.constant 40 : i32
        %mul3A_681 = arith.muli %add3A_679, %mul3A_680 : i32
        %add3A_682 = arith.addi %mul3A_4, %mul3A_681 : i32
        %multiple_of3A_683 = tpu.assume_multiple %add3A_682, 8 : i32
        %dma_start3A_684 = tpu.memref_slice %arg3[%multiple_of3A_683] : memref<320000xi32, #tpu.memory_space<hbm>> -> memref<40xi32, #tpu.memory_space<hbm>>
        %dma_start3A_685 = tpu.memref_slice %arg3[%multiple_of3A_683] : memref<320000xi32, #tpu.memory_space<hbm>> -> memref<40xi32, #tpu.memory_space<hbm>>
        tpu.enqueue_dma source(%dma_start3A_685 : memref<40xi32, #tpu.memory_space<hbm>>) target(%arg10 : memref<40xi32, #tpu.memory_space<vmem>>) target_semaphore(%arg38 : memref<!tpu.dma_semaphore, #tpu.memory_space<semaphore_mem>>)
        %dma_start3A_686 = tpu.memref_slice %arg4[%multiple_of3A_683] : memref<320000xi32, #tpu.memory_space<hbm>> -> memref<40xi32, #tpu.memory_space<hbm>>
        %dma_start3A_687 = tpu.memref_slice %arg4[%multiple_of3A_683] : memref<320000xi32, #tpu.memory_space<hbm>> -> memref<40xi32, #tpu.memory_space<hbm>>
        tpu.enqueue_dma source(%dma_start3A_687 : memref<40xi32, #tpu.memory_space<hbm>>) target(%arg20 : memref<40xi32, #tpu.memory_space<vmem>>) target_semaphore(%arg38 : memref<!tpu.dma_semaphore, #tpu.memory_space<semaphore_mem>>)
      } else {
      }
      %dma_wait3A_371 = arith.constant 0 : i32
      %dma_wait3A_372 = tpu.memref_slice %arg3[%dma_wait3A_371] : memref<320000xi32, #tpu.memory_space<hbm>> -> memref<40xi32, #tpu.memory_space<hbm>>
      %dma_wait3A_373 = arith.constant 0 : i32
      %dma_wait3A_374 = tpu.memref_slice %arg3[%dma_wait3A_373] : memref<320000xi32, #tpu.memory_space<hbm>> -> memref<40xi32, #tpu.memory_space<hbm>>
      tpu.wait_dma2 semaphore(%arg43 : memref<!tpu.dma_semaphore, #tpu.memory_space<semaphore_mem>>) src(%dma_wait3A_374 : memref<40xi32, #tpu.memory_space<hbm>>) dst(%arg15 : memref<40xi32, #tpu.memory_space<vmem>>)
      %dma_wait3A_375 = arith.constant 0 : i32
      %dma_wait3A_376 = tpu.memref_slice %arg4[%dma_wait3A_375] : memref<320000xi32, #tpu.memory_space<hbm>> -> memref<40xi32, #tpu.memory_space<hbm>>
      %dma_wait3A_377 = arith.constant 0 : i32
      %dma_wait3A_378 = tpu.memref_slice %arg4[%dma_wait3A_377] : memref<320000xi32, #tpu.memory_space<hbm>> -> memref<40xi32, #tpu.memory_space<hbm>>
      tpu.wait_dma2 semaphore(%arg43 : memref<!tpu.dma_semaphore, #tpu.memory_space<semaphore_mem>>) src(%dma_wait3A_378 : memref<40xi32, #tpu.memory_space<hbm>>) dst(%arg25 : memref<40xi32, #tpu.memory_space<vmem>>)
      %dma_start3A_379 = arith.constant 0 : i32
      %dma_start3A_380 = arith.constant 0 : i32
      %dma_start3A_381 = tpu.memref_slice %arg37[%dma_start3A_379, %dma_start3A_380] : memref<10000x16xf32, #tpu.memory_space<vmem_shared>> -> memref<10000x16xf32, #tpu.memory_space<vmem_shared>>
      tpu.enqueue_indirect_dma source(%arg36 : memref<40x16xf32, #tpu.memory_space<vmem>>) target(%dma_start3A_381 : memref<10000x16xf32, #tpu.memory_space<vmem_shared>>) offsets(%arg25 : memref<40xi32, #tpu.memory_space<vmem>>) semaphore(%arg53 : memref<!tpu.dma_semaphore, #tpu.memory_space<semaphore_mem>>) {add = true}
      %dma_start3A_382 = arith.constant 0 : i32
      %dma_start3A_383 = arith.constant 0 : i32
      %dma_start3A_384 = tpu.memref_slice %arg2[%dma_start3A_382, %dma_start3A_383] : memref<10000x128xf32, #tpu.memory_space<hbm>> -> memref<10000x128xf32, #tpu.memory_space<hbm>>
      tpu.enqueue_indirect_dma source(%dma_start3A_384 : memref<10000x128xf32, #tpu.memory_space<hbm>>) target(%arg30 : memref<40x128xf32, #tpu.memory_space<vmem>>) offsets(%arg15 : memref<40xi32, #tpu.memory_space<vmem>>) semaphore(%arg48 : memref<!tpu.dma_semaphore, #tpu.memory_space<semaphore_mem>>)
      %dma_wait3A_385 = arith.constant 0 : i32
      %dma_wait3A_386 = arith.constant 0 : i32
      %dma_wait3A_387 = tpu.memref_slice %arg35[%dma_wait3A_385, %dma_wait3A_386] : memref<10000x128xf32, #tpu.memory_space<vmem_shared>> -> memref<10000x128xf32, #tpu.memory_space<vmem_shared>>
      tpu.wait_indirect_dma semaphore(%arg54 : memref<!tpu.dma_semaphore, #tpu.memory_space<semaphore_mem>>) src(%arg31 : memref<40x128xf32, #tpu.memory_space<vmem>>) dst(%dma_wait3A_387 : memref<10000x128xf32, #tpu.memory_space<vmem_shared>>)
      %dma_wait3A_388 = arith.constant 0 : i32
      %dma_wait3A_389 = arith.constant 0 : i32
      %dma_wait3A_390 = tpu.memref_slice %arg37[%dma_wait3A_388, %dma_wait3A_389] : memref<10000x16xf32, #tpu.memory_space<vmem_shared>> -> memref<10000x16xf32, #tpu.memory_space<vmem_shared>>
      tpu.wait_indirect_dma semaphore(%arg54 : memref<!tpu.dma_semaphore, #tpu.memory_space<semaphore_mem>>) src(%arg36 : memref<40x16xf32, #tpu.memory_space<vmem>>) dst(%dma_wait3A_390 : memref<10000x16xf32, #tpu.memory_space<vmem_shared>>)
      %lt3A_391 = arith.constant 49 : i32
      %lt3A_392 = arith.cmpi slt, %add3A_359, %lt3A_391 : i32
      %convert_element_type3A_393 = arith.extui %lt3A_392 : i1 to i32
      %cond3A_394 = arith.constant 0 : i32
      %cond3A_395 = arith.cmpi ne, %convert_element_type3A_393, %cond3A_394 : i32
      scf.if %cond3A_395 {
        %add3A_674 = arith.constant 1 : i32
        %add3A_675 = arith.addi %add3A_359, %add3A_674 : i32
        %mul3A_676 = arith.constant 5 : i32
        %mul3A_677 = arith.muli %add3A_675, %mul3A_676 : i32
        %add3A_678 = arith.constant 1 : i32
        %add3A_679 = arith.addi %mul3A_677, %add3A_678 : i32
        %mul3A_680 = arith.constant 40 : i32
        %mul3A_681 = arith.muli %add3A_679, %mul3A_680 : i32
        %add3A_682 = arith.addi %mul3A_4, %mul3A_681 : i32
        %multiple_of3A_683 = tpu.assume_multiple %add3A_682, 8 : i32
        %dma_start3A_684 = tpu.memref_slice %arg3[%multiple_of3A_683] : memref<320000xi32, #tpu.memory_space<hbm>> -> memref<40xi32, #tpu.memory_space<hbm>>
        %dma_start3A_685 = tpu.memref_slice %arg3[%multiple_of3A_683] : memref<320000xi32, #tpu.memory_space<hbm>> -> memref<40xi32, #tpu.memory_space<hbm>>
        tpu.enqueue_dma source(%dma_start3A_685 : memref<40xi32, #tpu.memory_space<hbm>>) target(%arg11 : memref<40xi32, #tpu.memory_space<vmem>>) target_semaphore(%arg39 : memref<!tpu.dma_semaphore, #tpu.memory_space<semaphore_mem>>)
        %dma_start3A_686 = tpu.memref_slice %arg4[%multiple_of3A_683] : memref<320000xi32, #tpu.memory_space<hbm>> -> memref<40xi32, #tpu.memory_space<hbm>>
        %dma_start3A_687 = tpu.memref_slice %arg4[%multiple_of3A_683] : memref<320000xi32, #tpu.memory_space<hbm>> -> memref<40xi32, #tpu.memory_space<hbm>>
        tpu.enqueue_dma source(%dma_start3A_687 : memref<40xi32, #tpu.memory_space<hbm>>) target(%arg21 : memref<40xi32, #tpu.memory_space<vmem>>) target_semaphore(%arg39 : memref<!tpu.dma_semaphore, #tpu.memory_space<semaphore_mem>>)
      } else {
      }
      %dma_wait3A_396 = arith.constant 0 : i32
      %dma_wait3A_397 = tpu.memref_slice %arg3[%dma_wait3A_396] : memref<320000xi32, #tpu.memory_space<hbm>> -> memref<40xi32, #tpu.memory_space<hbm>>
      %dma_wait3A_398 = arith.constant 0 : i32
      %dma_wait3A_399 = tpu.memref_slice %arg3[%dma_wait3A_398] : memref<320000xi32, #tpu.memory_space<hbm>> -> memref<40xi32, #tpu.memory_space<hbm>>
      tpu.wait_dma2 semaphore(%arg44 : memref<!tpu.dma_semaphore, #tpu.memory_space<semaphore_mem>>) src(%dma_wait3A_399 : memref<40xi32, #tpu.memory_space<hbm>>) dst(%arg16 : memref<40xi32, #tpu.memory_space<vmem>>)
      %dma_wait3A_400 = arith.constant 0 : i32
      %dma_wait3A_401 = tpu.memref_slice %arg4[%dma_wait3A_400] : memref<320000xi32, #tpu.memory_space<hbm>> -> memref<40xi32, #tpu.memory_space<hbm>>
      %dma_wait3A_402 = arith.constant 0 : i32
      %dma_wait3A_403 = tpu.memref_slice %arg4[%dma_wait3A_402] : memref<320000xi32, #tpu.memory_space<hbm>> -> memref<40xi32, #tpu.memory_space<hbm>>
      tpu.wait_dma2 semaphore(%arg44 : memref<!tpu.dma_semaphore, #tpu.memory_space<semaphore_mem>>) src(%dma_wait3A_403 : memref<40xi32, #tpu.memory_space<hbm>>) dst(%arg26 : memref<40xi32, #tpu.memory_space<vmem>>)
      %dma_start3A_404 = arith.constant 0 : i32
      %dma_start3A_405 = arith.constant 0 : i32
      %dma_start3A_406 = tpu.memref_slice %arg37[%dma_start3A_404, %dma_start3A_405] : memref<10000x16xf32, #tpu.memory_space<vmem_shared>> -> memref<10000x16xf32, #tpu.memory_space<vmem_shared>>
      tpu.enqueue_indirect_dma source(%arg36 : memref<40x16xf32, #tpu.memory_space<vmem>>) target(%dma_start3A_406 : memref<10000x16xf32, #tpu.memory_space<vmem_shared>>) offsets(%arg26 : memref<40xi32, #tpu.memory_space<vmem>>) semaphore(%arg54 : memref<!tpu.dma_semaphore, #tpu.memory_space<semaphore_mem>>) {add = true}
      %dma_start3A_407 = arith.constant 0 : i32
      %dma_start3A_408 = arith.constant 0 : i32
      %dma_start3A_409 = tpu.memref_slice %arg2[%dma_start3A_407, %dma_start3A_408] : memref<10000x128xf32, #tpu.memory_space<hbm>> -> memref<10000x128xf32, #tpu.memory_space<hbm>>
      tpu.enqueue_indirect_dma source(%dma_start3A_409 : memref<10000x128xf32, #tpu.memory_space<hbm>>) target(%arg31 : memref<40x128xf32, #tpu.memory_space<vmem>>) offsets(%arg16 : memref<40xi32, #tpu.memory_space<vmem>>) semaphore(%arg49 : memref<!tpu.dma_semaphore, #tpu.memory_space<semaphore_mem>>)
      %dma_wait3A_410 = arith.constant 0 : i32
      %dma_wait3A_411 = arith.constant 0 : i32
      %dma_wait3A_412 = tpu.memref_slice %arg35[%dma_wait3A_410, %dma_wait3A_411] : memref<10000x128xf32, #tpu.memory_space<vmem_shared>> -> memref<10000x128xf32, #tpu.memory_space<vmem_shared>>
      tpu.wait_indirect_dma semaphore(%arg55 : memref<!tpu.dma_semaphore, #tpu.memory_space<semaphore_mem>>) src(%arg32 : memref<40x128xf32, #tpu.memory_space<vmem>>) dst(%dma_wait3A_412 : memref<10000x128xf32, #tpu.memory_space<vmem_shared>>)
      %dma_wait3A_413 = arith.constant 0 : i32
      %dma_wait3A_414 = arith.constant 0 : i32
      %dma_wait3A_415 = tpu.memref_slice %arg37[%dma_wait3A_413, %dma_wait3A_414] : memref<10000x16xf32, #tpu.memory_space<vmem_shared>> -> memref<10000x16xf32, #tpu.memory_space<vmem_shared>>
      tpu.wait_indirect_dma semaphore(%arg55 : memref<!tpu.dma_semaphore, #tpu.memory_space<semaphore_mem>>) src(%arg36 : memref<40x16xf32, #tpu.memory_space<vmem>>) dst(%dma_wait3A_415 : memref<10000x16xf32, #tpu.memory_space<vmem_shared>>)
      %lt3A_416 = arith.constant 49 : i32
      %lt3A_417 = arith.cmpi slt, %add3A_359, %lt3A_416 : i32
      %convert_element_type3A_418 = arith.extui %lt3A_417 : i1 to i32
      %cond3A_419 = arith.constant 0 : i32
      %cond3A_420 = arith.cmpi ne, %convert_element_type3A_418, %cond3A_419 : i32
      scf.if %cond3A_420 {
        %add3A_674 = arith.constant 1 : i32
        %add3A_675 = arith.addi %add3A_359, %add3A_674 : i32
        %mul3A_676 = arith.constant 5 : i32
        %mul3A_677 = arith.muli %add3A_675, %mul3A_676 : i32
        %add3A_678 = arith.constant 2 : i32
        %add3A_679 = arith.addi %mul3A_677, %add3A_678 : i32
        %mul3A_680 = arith.constant 40 : i32
        %mul3A_681 = arith.muli %add3A_679, %mul3A_680 : i32
        %add3A_682 = arith.addi %mul3A_4, %mul3A_681 : i32
        %multiple_of3A_683 = tpu.assume_multiple %add3A_682, 8 : i32
        %dma_start3A_684 = tpu.memref_slice %arg3[%multiple_of3A_683] : memref<320000xi32, #tpu.memory_space<hbm>> -> memref<40xi32, #tpu.memory_space<hbm>>
        %dma_start3A_685 = tpu.memref_slice %arg3[%multiple_of3A_683] : memref<320000xi32, #tpu.memory_space<hbm>> -> memref<40xi32, #tpu.memory_space<hbm>>
        tpu.enqueue_dma source(%dma_start3A_685 : memref<40xi32, #tpu.memory_space<hbm>>) target(%arg12 : memref<40xi32, #tpu.memory_space<vmem>>) target_semaphore(%arg40 : memref<!tpu.dma_semaphore, #tpu.memory_space<semaphore_mem>>)
        %dma_start3A_686 = tpu.memref_slice %arg4[%multiple_of3A_683] : memref<320000xi32, #tpu.memory_space<hbm>> -> memref<40xi32, #tpu.memory_space<hbm>>
        %dma_start3A_687 = tpu.memref_slice %arg4[%multiple_of3A_683] : memref<320000xi32, #tpu.memory_space<hbm>> -> memref<40xi32, #tpu.memory_space<hbm>>
        tpu.enqueue_dma source(%dma_start3A_687 : memref<40xi32, #tpu.memory_space<hbm>>) target(%arg22 : memref<40xi32, #tpu.memory_space<vmem>>) target_semaphore(%arg40 : memref<!tpu.dma_semaphore, #tpu.memory_space<semaphore_mem>>)
      } else {
      }
      %dma_wait3A_421 = arith.constant 0 : i32
      %dma_wait3A_422 = tpu.memref_slice %arg3[%dma_wait3A_421] : memref<320000xi32, #tpu.memory_space<hbm>> -> memref<40xi32, #tpu.memory_space<hbm>>
      %dma_wait3A_423 = arith.constant 0 : i32
      %dma_wait3A_424 = tpu.memref_slice %arg3[%dma_wait3A_423] : memref<320000xi32, #tpu.memory_space<hbm>> -> memref<40xi32, #tpu.memory_space<hbm>>
      tpu.wait_dma2 semaphore(%arg45 : memref<!tpu.dma_semaphore, #tpu.memory_space<semaphore_mem>>) src(%dma_wait3A_424 : memref<40xi32, #tpu.memory_space<hbm>>) dst(%arg17 : memref<40xi32, #tpu.memory_space<vmem>>)
      %dma_wait3A_425 = arith.constant 0 : i32
      %dma_wait3A_426 = tpu.memref_slice %arg4[%dma_wait3A_425] : memref<320000xi32, #tpu.memory_space<hbm>> -> memref<40xi32, #tpu.memory_space<hbm>>
      %dma_wait3A_427 = arith.constant 0 : i32
      %dma_wait3A_428 = tpu.memref_slice %arg4[%dma_wait3A_427] : memref<320000xi32, #tpu.memory_space<hbm>> -> memref<40xi32, #tpu.memory_space<hbm>>
      tpu.wait_dma2 semaphore(%arg45 : memref<!tpu.dma_semaphore, #tpu.memory_space<semaphore_mem>>) src(%dma_wait3A_428 : memref<40xi32, #tpu.memory_space<hbm>>) dst(%arg27 : memref<40xi32, #tpu.memory_space<vmem>>)
      %dma_start3A_429 = arith.constant 0 : i32
      %dma_start3A_430 = arith.constant 0 : i32
      %dma_start3A_431 = tpu.memref_slice %arg37[%dma_start3A_429, %dma_start3A_430] : memref<10000x16xf32, #tpu.memory_space<vmem_shared>> -> memref<10000x16xf32, #tpu.memory_space<vmem_shared>>
      tpu.enqueue_indirect_dma source(%arg36 : memref<40x16xf32, #tpu.memory_space<vmem>>) target(%dma_start3A_431 : memref<10000x16xf32, #tpu.memory_space<vmem_shared>>) offsets(%arg27 : memref<40xi32, #tpu.memory_space<vmem>>) semaphore(%arg55 : memref<!tpu.dma_semaphore, #tpu.memory_space<semaphore_mem>>) {add = true}
      %dma_start3A_432 = arith.constant 0 : i32
      %dma_start3A_433 = arith.constant 0 : i32
      %dma_start3A_434 = tpu.memref_slice %arg2[%dma_start3A_432, %dma_start3A_433] : memref<10000x128xf32, #tpu.memory_space<hbm>> -> memref<10000x128xf32, #tpu.memory_space<hbm>>
      tpu.enqueue_indirect_dma source(%dma_start3A_434 : memref<10000x128xf32, #tpu.memory_space<hbm>>) target(%arg32 : memref<40x128xf32, #tpu.memory_space<vmem>>) offsets(%arg17 : memref<40xi32, #tpu.memory_space<vmem>>) semaphore(%arg50 : memref<!tpu.dma_semaphore, #tpu.memory_space<semaphore_mem>>)
      %dma_wait3A_435 = arith.constant 0 : i32
      %dma_wait3A_436 = arith.constant 0 : i32
      %dma_wait3A_437 = tpu.memref_slice %arg35[%dma_wait3A_435, %dma_wait3A_436] : memref<10000x128xf32, #tpu.memory_space<vmem_shared>> -> memref<10000x128xf32, #tpu.memory_space<vmem_shared>>
      tpu.wait_indirect_dma semaphore(%arg56 : memref<!tpu.dma_semaphore, #tpu.memory_space<semaphore_mem>>) src(%arg33 : memref<40x128xf32, #tpu.memory_space<vmem>>) dst(%dma_wait3A_437 : memref<10000x128xf32, #tpu.memory_space<vmem_shared>>)
      %dma_wait3A_438 = arith.constant 0 : i32
      %dma_wait3A_439 = arith.constant 0 : i32
      %dma_wait3A_440 = tpu.memref_slice %arg37[%dma_wait3A_438, %dma_wait3A_439] : memref<10000x16xf32, #tpu.memory_space<vmem_shared>> -> memref<10000x16xf32, #tpu.memory_space<vmem_shared>>
      tpu.wait_indirect_dma semaphore(%arg56 : memref<!tpu.dma_semaphore, #tpu.memory_space<semaphore_mem>>) src(%arg36 : memref<40x16xf32, #tpu.memory_space<vmem>>) dst(%dma_wait3A_440 : memref<10000x16xf32, #tpu.memory_space<vmem_shared>>)
      %lt3A_441 = arith.constant 49 : i32
      %lt3A_442 = arith.cmpi slt, %add3A_359, %lt3A_441 : i32
      %convert_element_type3A_443 = arith.extui %lt3A_442 : i1 to i32
      %cond3A_444 = arith.constant 0 : i32
      %cond3A_445 = arith.cmpi ne, %convert_element_type3A_443, %cond3A_444 : i32
      scf.if %cond3A_445 {
        %add3A_674 = arith.constant 1 : i32
        %add3A_675 = arith.addi %add3A_359, %add3A_674 : i32
        %mul3A_676 = arith.constant 5 : i32
        %mul3A_677 = arith.muli %add3A_675, %mul3A_676 : i32
        %add3A_678 = arith.constant 3 : i32
        %add3A_679 = arith.addi %mul3A_677, %add3A_678 : i32
        %mul3A_680 = arith.constant 40 : i32
        %mul3A_681 = arith.muli %add3A_679, %mul3A_680 : i32
        %add3A_682 = arith.addi %mul3A_4, %mul3A_681 : i32
        %multiple_of3A_683 = tpu.assume_multiple %add3A_682, 8 : i32
        %dma_start3A_684 = tpu.memref_slice %arg3[%multiple_of3A_683] : memref<320000xi32, #tpu.memory_space<hbm>> -> memref<40xi32, #tpu.memory_space<hbm>>
        %dma_start3A_685 = tpu.memref_slice %arg3[%multiple_of3A_683] : memref<320000xi32, #tpu.memory_space<hbm>> -> memref<40xi32, #tpu.memory_space<hbm>>
        tpu.enqueue_dma source(%dma_start3A_685 : memref<40xi32, #tpu.memory_space<hbm>>) target(%arg13 : memref<40xi32, #tpu.memory_space<vmem>>) target_semaphore(%arg41 : memref<!tpu.dma_semaphore, #tpu.memory_space<semaphore_mem>>)
        %dma_start3A_686 = tpu.memref_slice %arg4[%multiple_of3A_683] : memref<320000xi32, #tpu.memory_space<hbm>> -> memref<40xi32, #tpu.memory_space<hbm>>
        %dma_start3A_687 = tpu.memref_slice %arg4[%multiple_of3A_683] : memref<320000xi32, #tpu.memory_space<hbm>> -> memref<40xi32, #tpu.memory_space<hbm>>
        tpu.enqueue_dma source(%dma_start3A_687 : memref<40xi32, #tpu.memory_space<hbm>>) target(%arg23 : memref<40xi32, #tpu.memory_space<vmem>>) target_semaphore(%arg41 : memref<!tpu.dma_semaphore, #tpu.memory_space<semaphore_mem>>)
      } else {
      }
      %dma_wait3A_446 = arith.constant 0 : i32
      %dma_wait3A_447 = tpu.memref_slice %arg3[%dma_wait3A_446] : memref<320000xi32, #tpu.memory_space<hbm>> -> memref<40xi32, #tpu.memory_space<hbm>>
      %dma_wait3A_448 = arith.constant 0 : i32
      %dma_wait3A_449 = tpu.memref_slice %arg3[%dma_wait3A_448] : memref<320000xi32, #tpu.memory_space<hbm>> -> memref<40xi32, #tpu.memory_space<hbm>>
      tpu.wait_dma2 semaphore(%arg46 : memref<!tpu.dma_semaphore, #tpu.memory_space<semaphore_mem>>) src(%dma_wait3A_449 : memref<40xi32, #tpu.memory_space<hbm>>) dst(%arg18 : memref<40xi32, #tpu.memory_space<vmem>>)
      %dma_wait3A_450 = arith.constant 0 : i32
      %dma_wait3A_451 = tpu.memref_slice %arg4[%dma_wait3A_450] : memref<320000xi32, #tpu.memory_space<hbm>> -> memref<40xi32, #tpu.memory_space<hbm>>
      %dma_wait3A_452 = arith.constant 0 : i32
      %dma_wait3A_453 = tpu.memref_slice %arg4[%dma_wait3A_452] : memref<320000xi32, #tpu.memory_space<hbm>> -> memref<40xi32, #tpu.memory_space<hbm>>
      tpu.wait_dma2 semaphore(%arg46 : memref<!tpu.dma_semaphore, #tpu.memory_space<semaphore_mem>>) src(%dma_wait3A_453 : memref<40xi32, #tpu.memory_space<hbm>>) dst(%arg28 : memref<40xi32, #tpu.memory_space<vmem>>)
      %dma_start3A_454 = arith.constant 0 : i32
      %dma_start3A_455 = arith.constant 0 : i32
      %dma_start3A_456 = tpu.memref_slice %arg37[%dma_start3A_454, %dma_start3A_455] : memref<10000x16xf32, #tpu.memory_space<vmem_shared>> -> memref<10000x16xf32, #tpu.memory_space<vmem_shared>>
      tpu.enqueue_indirect_dma source(%arg36 : memref<40x16xf32, #tpu.memory_space<vmem>>) target(%dma_start3A_456 : memref<10000x16xf32, #tpu.memory_space<vmem_shared>>) offsets(%arg28 : memref<40xi32, #tpu.memory_space<vmem>>) semaphore(%arg56 : memref<!tpu.dma_semaphore, #tpu.memory_space<semaphore_mem>>) {add = true}
      %dma_start3A_457 = arith.constant 0 : i32
      %dma_start3A_458 = arith.constant 0 : i32
      %dma_start3A_459 = tpu.memref_slice %arg2[%dma_start3A_457, %dma_start3A_458] : memref<10000x128xf32, #tpu.memory_space<hbm>> -> memref<10000x128xf32, #tpu.memory_space<hbm>>
      tpu.enqueue_indirect_dma source(%dma_start3A_459 : memref<10000x128xf32, #tpu.memory_space<hbm>>) target(%arg33 : memref<40x128xf32, #tpu.memory_space<vmem>>) offsets(%arg18 : memref<40xi32, #tpu.memory_space<vmem>>) semaphore(%arg51 : memref<!tpu.dma_semaphore, #tpu.memory_space<semaphore_mem>>)
      %dma_wait3A_460 = arith.constant 0 : i32
      %dma_wait3A_461 = arith.constant 0 : i32
      %dma_wait3A_462 = tpu.memref_slice %arg35[%dma_wait3A_460, %dma_wait3A_461] : memref<10000x128xf32, #tpu.memory_space<vmem_shared>> -> memref<10000x128xf32, #tpu.memory_space<vmem_shared>>
      tpu.wait_indirect_dma semaphore(%arg57 : memref<!tpu.dma_semaphore, #tpu.memory_space<semaphore_mem>>) src(%arg34 : memref<40x128xf32, #tpu.memory_space<vmem>>) dst(%dma_wait3A_462 : memref<10000x128xf32, #tpu.memory_space<vmem_shared>>)
      %dma_wait3A_463 = arith.constant 0 : i32
      %dma_wait3A_464 = arith.constant 0 : i32
      %dma_wait3A_465 = tpu.memref_slice %arg37[%dma_wait3A_463, %dma_wait3A_464] : memref<10000x16xf32, #tpu.memory_space<vmem_shared>> -> memref<10000x16xf32, #tpu.memory_space<vmem_shared>>
      tpu.wait_indirect_dma semaphore(%arg57 : memref<!tpu.dma_semaphore, #tpu.memory_space<semaphore_mem>>) src(%arg36 : memref<40x16xf32, #tpu.memory_space<vmem>>) dst(%dma_wait3A_465 : memref<10000x16xf32, #tpu.memory_space<vmem_shared>>)
      %lt3A_466 = arith.constant 49 : i32
      %lt3A_467 = arith.cmpi slt, %add3A_359, %lt3A_466 : i32
      %convert_element_type3A_468 = arith.extui %lt3A_467 : i1 to i32
      %cond3A_469 = arith.constant 0 : i32
      %cond3A_470 = arith.cmpi ne, %convert_element_type3A_468, %cond3A_469 : i32
      scf.if %cond3A_470 {
        %add3A_674 = arith.constant 1 : i32
        %add3A_675 = arith.addi %add3A_359, %add3A_674 : i32
        %mul3A_676 = arith.constant 5 : i32
        %mul3A_677 = arith.muli %add3A_675, %mul3A_676 : i32
        %add3A_678 = arith.constant 4 : i32
        %add3A_679 = arith.addi %mul3A_677, %add3A_678 : i32
        %mul3A_680 = arith.constant 40 : i32
        %mul3A_681 = arith.muli %add3A_679, %mul3A_680 : i32
        %add3A_682 = arith.addi %mul3A_4, %mul3A_681 : i32
        %multiple_of3A_683 = tpu.assume_multiple %add3A_682, 8 : i32
        %dma_start3A_684 = tpu.memref_slice %arg3[%multiple_of3A_683] : memref<320000xi32, #tpu.memory_space<hbm>> -> memref<40xi32, #tpu.memory_space<hbm>>
        %dma_start3A_685 = tpu.memref_slice %arg3[%multiple_of3A_683] : memref<320000xi32, #tpu.memory_space<hbm>> -> memref<40xi32, #tpu.memory_space<hbm>>
        tpu.enqueue_dma source(%dma_start3A_685 : memref<40xi32, #tpu.memory_space<hbm>>) target(%arg14 : memref<40xi32, #tpu.memory_space<vmem>>) target_semaphore(%arg42 : memref<!tpu.dma_semaphore, #tpu.memory_space<semaphore_mem>>)
        %dma_start3A_686 = tpu.memref_slice %arg4[%multiple_of3A_683] : memref<320000xi32, #tpu.memory_space<hbm>> -> memref<40xi32, #tpu.memory_space<hbm>>
        %dma_start3A_687 = tpu.memref_slice %arg4[%multiple_of3A_683] : memref<320000xi32, #tpu.memory_space<hbm>> -> memref<40xi32, #tpu.memory_space<hbm>>
        tpu.enqueue_dma source(%dma_start3A_687 : memref<40xi32, #tpu.memory_space<hbm>>) target(%arg24 : memref<40xi32, #tpu.memory_space<vmem>>) target_semaphore(%arg42 : memref<!tpu.dma_semaphore, #tpu.memory_space<semaphore_mem>>)
      } else {
      }
      %dma_wait3A_471 = arith.constant 0 : i32
      %dma_wait3A_472 = tpu.memref_slice %arg3[%dma_wait3A_471] : memref<320000xi32, #tpu.memory_space<hbm>> -> memref<40xi32, #tpu.memory_space<hbm>>
      %dma_wait3A_473 = arith.constant 0 : i32
      %dma_wait3A_474 = tpu.memref_slice %arg3[%dma_wait3A_473] : memref<320000xi32, #tpu.memory_space<hbm>> -> memref<40xi32, #tpu.memory_space<hbm>>
      tpu.wait_dma2 semaphore(%arg47 : memref<!tpu.dma_semaphore, #tpu.memory_space<semaphore_mem>>) src(%dma_wait3A_474 : memref<40xi32, #tpu.memory_space<hbm>>) dst(%arg19 : memref<40xi32, #tpu.memory_space<vmem>>)
      %dma_wait3A_475 = arith.constant 0 : i32
      %dma_wait3A_476 = tpu.memref_slice %arg4[%dma_wait3A_475] : memref<320000xi32, #tpu.memory_space<hbm>> -> memref<40xi32, #tpu.memory_space<hbm>>
      %dma_wait3A_477 = arith.constant 0 : i32
      %dma_wait3A_478 = tpu.memref_slice %arg4[%dma_wait3A_477] : memref<320000xi32, #tpu.memory_space<hbm>> -> memref<40xi32, #tpu.memory_space<hbm>>
      tpu.wait_dma2 semaphore(%arg47 : memref<!tpu.dma_semaphore, #tpu.memory_space<semaphore_mem>>) src(%dma_wait3A_478 : memref<40xi32, #tpu.memory_space<hbm>>) dst(%arg29 : memref<40xi32, #tpu.memory_space<vmem>>)
      %dma_start3A_479 = arith.constant 0 : i32
      %dma_start3A_480 = arith.constant 0 : i32
      %dma_start3A_481 = tpu.memref_slice %arg37[%dma_start3A_479, %dma_start3A_480] : memref<10000x16xf32, #tpu.memory_space<vmem_shared>> -> memref<10000x16xf32, #tpu.memory_space<vmem_shared>>
      tpu.enqueue_indirect_dma source(%arg36 : memref<40x16xf32, #tpu.memory_space<vmem>>) target(%dma_start3A_481 : memref<10000x16xf32, #tpu.memory_space<vmem_shared>>) offsets(%arg29 : memref<40xi32, #tpu.memory_space<vmem>>) semaphore(%arg57 : memref<!tpu.dma_semaphore, #tpu.memory_space<semaphore_mem>>) {add = true}
      %dma_start3A_482 = arith.constant 0 : i32
      %dma_start3A_483 = arith.constant 0 : i32
      %dma_start3A_484 = tpu.memref_slice %arg2[%dma_start3A_482, %dma_start3A_483] : memref<10000x128xf32, #tpu.memory_space<hbm>> -> memref<10000x128xf32, #tpu.memory_space<hbm>>
      tpu.enqueue_indirect_dma source(%dma_start3A_484 : memref<10000x128xf32, #tpu.memory_space<hbm>>) target(%arg34 : memref<40x128xf32, #tpu.memory_space<vmem>>) offsets(%arg19 : memref<40xi32, #tpu.memory_space<vmem>>) semaphore(%arg52 : memref<!tpu.dma_semaphore, #tpu.memory_space<semaphore_mem>>)
      %dma_wait3A_485 = arith.constant 0 : i32
      %dma_wait3A_486 = arith.constant 0 : i32
      %dma_wait3A_487 = tpu.memref_slice %arg2[%dma_wait3A_485, %dma_wait3A_486] : memref<10000x128xf32, #tpu.memory_space<hbm>> -> memref<10000x128xf32, #tpu.memory_space<hbm>>
      tpu.wait_indirect_dma semaphore(%arg48 : memref<!tpu.dma_semaphore, #tpu.memory_space<semaphore_mem>>) src(%dma_wait3A_487 : memref<10000x128xf32, #tpu.memory_space<hbm>>) dst(%arg30 : memref<40x128xf32, #tpu.memory_space<vmem>>)
      %dma_start3A_488 = arith.constant 0 : i32
      %dma_start3A_489 = arith.constant 0 : i32
      %dma_start3A_490 = tpu.memref_slice %arg35[%dma_start3A_488, %dma_start3A_489] : memref<10000x128xf32, #tpu.memory_space<vmem_shared>> -> memref<10000x128xf32, #tpu.memory_space<vmem_shared>>
      tpu.enqueue_indirect_dma source(%arg30 : memref<40x128xf32, #tpu.memory_space<vmem>>) target(%dma_start3A_490 : memref<10000x128xf32, #tpu.memory_space<vmem_shared>>) offsets(%arg25 : memref<40xi32, #tpu.memory_space<vmem>>) semaphore(%arg53 : memref<!tpu.dma_semaphore, #tpu.memory_space<semaphore_mem>>) {add = true}
      %dma_wait3A_491 = arith.constant 0 : i32
      %dma_wait3A_492 = arith.constant 0 : i32
      %dma_wait3A_493 = tpu.memref_slice %arg2[%dma_wait3A_491, %dma_wait3A_492] : memref<10000x128xf32, #tpu.memory_space<hbm>> -> memref<10000x128xf32, #tpu.memory_space<hbm>>
      tpu.wait_indirect_dma semaphore(%arg49 : memref<!tpu.dma_semaphore, #tpu.memory_space<semaphore_mem>>) src(%dma_wait3A_493 : memref<10000x128xf32, #tpu.memory_space<hbm>>) dst(%arg31 : memref<40x128xf32, #tpu.memory_space<vmem>>)
      %dma_start3A_494 = arith.constant 0 : i32
      %dma_start3A_495 = arith.constant 0 : i32
      %dma_start3A_496 = tpu.memref_slice %arg35[%dma_start3A_494, %dma_start3A_495] : memref<10000x128xf32, #tpu.memory_space<vmem_shared>> -> memref<10000x128xf32, #tpu.memory_space<vmem_shared>>
      tpu.enqueue_indirect_dma source(%arg31 : memref<40x128xf32, #tpu.memory_space<vmem>>) target(%dma_start3A_496 : memref<10000x128xf32, #tpu.memory_space<vmem_shared>>) offsets(%arg26 : memref<40xi32, #tpu.memory_space<vmem>>) semaphore(%arg54 : memref<!tpu.dma_semaphore, #tpu.memory_space<semaphore_mem>>) {add = true}
      %dma_wait3A_497 = arith.constant 0 : i32
      %dma_wait3A_498 = arith.constant 0 : i32
      %dma_wait3A_499 = tpu.memref_slice %arg2[%dma_wait3A_497, %dma_wait3A_498] : memref<10000x128xf32, #tpu.memory_space<hbm>> -> memref<10000x128xf32, #tpu.memory_space<hbm>>
      tpu.wait_indirect_dma semaphore(%arg50 : memref<!tpu.dma_semaphore, #tpu.memory_space<semaphore_mem>>) src(%dma_wait3A_499 : memref<10000x128xf32, #tpu.memory_space<hbm>>) dst(%arg32 : memref<40x128xf32, #tpu.memory_space<vmem>>)
      %dma_start3A_500 = arith.constant 0 : i32
      %dma_start3A_501 = arith.constant 0 : i32
      %dma_start3A_502 = tpu.memref_slice %arg35[%dma_start3A_500, %dma_start3A_501] : memref<10000x128xf32, #tpu.memory_space<vmem_shared>> -> memref<10000x128xf32, #tpu.memory_space<vmem_shared>>
      tpu.enqueue_indirect_dma source(%arg32 : memref<40x128xf32, #tpu.memory_space<vmem>>) target(%dma_start3A_502 : memref<10000x128xf32, #tpu.memory_space<vmem_shared>>) offsets(%arg27 : memref<40xi32, #tpu.memory_space<vmem>>) semaphore(%arg55 : memref<!tpu.dma_semaphore, #tpu.memory_space<semaphore_mem>>) {add = true}
      %dma_wait3A_503 = arith.constant 0 : i32
      %dma_wait3A_504 = arith.constant 0 : i32
      %dma_wait3A_505 = tpu.memref_slice %arg2[%dma_wait3A_503, %dma_wait3A_504] : memref<10000x128xf32, #tpu.memory_space<hbm>> -> memref<10000x128xf32, #tpu.memory_space<hbm>>
      tpu.wait_indirect_dma semaphore(%arg51 : memref<!tpu.dma_semaphore, #tpu.memory_space<semaphore_mem>>) src(%dma_wait3A_505 : memref<10000x128xf32, #tpu.memory_space<hbm>>) dst(%arg33 : memref<40x128xf32, #tpu.memory_space<vmem>>)
      %dma_start3A_506 = arith.constant 0 : i32
      %dma_start3A_507 = arith.constant 0 : i32
      %dma_start3A_508 = tpu.memref_slice %arg35[%dma_start3A_506, %dma_start3A_507] : memref<10000x128xf32, #tpu.memory_space<vmem_shared>> -> memref<10000x128xf32, #tpu.memory_space<vmem_shared>>
      tpu.enqueue_indirect_dma source(%arg33 : memref<40x128xf32, #tpu.memory_space<vmem>>) target(%dma_start3A_508 : memref<10000x128xf32, #tpu.memory_space<vmem_shared>>) offsets(%arg28 : memref<40xi32, #tpu.memory_space<vmem>>) semaphore(%arg56 : memref<!tpu.dma_semaphore, #tpu.memory_space<semaphore_mem>>) {add = true}
      %dma_wait3A_509 = arith.constant 0 : i32
      %dma_wait3A_510 = arith.constant 0 : i32
      %dma_wait3A_511 = tpu.memref_slice %arg2[%dma_wait3A_509, %dma_wait3A_510] : memref<10000x128xf32, #tpu.memory_space<hbm>> -> memref<10000x128xf32, #tpu.memory_space<hbm>>
      tpu.wait_indirect_dma semaphore(%arg52 : memref<!tpu.dma_semaphore, #tpu.memory_space<semaphore_mem>>) src(%dma_wait3A_511 : memref<10000x128xf32, #tpu.memory_space<hbm>>) dst(%arg34 : memref<40x128xf32, #tpu.memory_space<vmem>>)
      %dma_start3A_512 = arith.constant 0 : i32
      %dma_start3A_513 = arith.constant 0 : i32
      %dma_start3A_514 = tpu.memref_slice %arg35[%dma_start3A_512, %dma_start3A_513] : memref<10000x128xf32, #tpu.memory_space<vmem_shared>> -> memref<10000x128xf32, #tpu.memory_space<vmem_shared>>
      tpu.enqueue_indirect_dma source(%arg34 : memref<40x128xf32, #tpu.memory_space<vmem>>) target(%dma_start3A_514 : memref<10000x128xf32, #tpu.memory_space<vmem_shared>>) offsets(%arg29 : memref<40xi32, #tpu.memory_space<vmem>>) semaphore(%arg57 : memref<!tpu.dma_semaphore, #tpu.memory_space<semaphore_mem>>) {add = true}
      %mul3A_515 = arith.constant 2 : i32
      %mul3A_516 = arith.muli %mul3A_515, %scan3A_355 : i32
      %add3A_517 = arith.constant 2 : i32
      %add3A_518 = arith.addi %mul3A_516, %add3A_517 : i32
      %dma_wait3A_519 = arith.constant 0 : i32
      %dma_wait3A_520 = arith.constant 0 : i32
      %dma_wait3A_521 = tpu.memref_slice %arg35[%dma_wait3A_519, %dma_wait3A_520] : memref<10000x128xf32, #tpu.memory_space<vmem_shared>> -> memref<10000x128xf32, #tpu.memory_space<vmem_shared>>
      tpu.wait_indirect_dma semaphore(%arg53 : memref<!tpu.dma_semaphore, #tpu.memory_space<semaphore_mem>>) src(%arg30 : memref<40x128xf32, #tpu.memory_space<vmem>>) dst(%dma_wait3A_521 : memref<10000x128xf32, #tpu.memory_space<vmem_shared>>)
      %dma_wait3A_522 = arith.constant 0 : i32
      %dma_wait3A_523 = arith.constant 0 : i32
      %dma_wait3A_524 = tpu.memref_slice %arg37[%dma_wait3A_522, %dma_wait3A_523] : memref<10000x16xf32, #tpu.memory_space<vmem_shared>> -> memref<10000x16xf32, #tpu.memory_space<vmem_shared>>
      tpu.wait_indirect_dma semaphore(%arg53 : memref<!tpu.dma_semaphore, #tpu.memory_space<semaphore_mem>>) src(%arg36 : memref<40x16xf32, #tpu.memory_space<vmem>>) dst(%dma_wait3A_524 : memref<10000x16xf32, #tpu.memory_space<vmem_shared>>)
      %lt3A_525 = arith.constant 49 : i32
      %lt3A_526 = arith.cmpi slt, %add3A_518, %lt3A_525 : i32
      %convert_element_type3A_527 = arith.extui %lt3A_526 : i1 to i32
      %cond3A_528 = arith.constant 0 : i32
      %cond3A_529 = arith.cmpi ne, %convert_element_type3A_527, %cond3A_528 : i32
      scf.if %cond3A_529 {
        %add3A_674 = arith.constant 1 : i32
        %add3A_675 = arith.addi %add3A_518, %add3A_674 : i32
        %mul3A_676 = arith.constant 5 : i32
        %mul3A_677 = arith.muli %add3A_675, %mul3A_676 : i32
        %add3A_678 = arith.constant 0 : i32
        %add3A_679 = arith.addi %mul3A_677, %add3A_678 : i32
        %mul3A_680 = arith.constant 40 : i32
        %mul3A_681 = arith.muli %add3A_679, %mul3A_680 : i32
        %add3A_682 = arith.addi %mul3A_4, %mul3A_681 : i32
        %multiple_of3A_683 = tpu.assume_multiple %add3A_682, 8 : i32
        %dma_start3A_684 = tpu.memref_slice %arg3[%multiple_of3A_683] : memref<320000xi32, #tpu.memory_space<hbm>> -> memref<40xi32, #tpu.memory_space<hbm>>
        %dma_start3A_685 = tpu.memref_slice %arg3[%multiple_of3A_683] : memref<320000xi32, #tpu.memory_space<hbm>> -> memref<40xi32, #tpu.memory_space<hbm>>
        tpu.enqueue_dma source(%dma_start3A_685 : memref<40xi32, #tpu.memory_space<hbm>>) target(%arg15 : memref<40xi32, #tpu.memory_space<vmem>>) target_semaphore(%arg43 : memref<!tpu.dma_semaphore, #tpu.memory_space<semaphore_mem>>)
        %dma_start3A_686 = tpu.memref_slice %arg4[%multiple_of3A_683] : memref<320000xi32, #tpu.memory_space<hbm>> -> memref<40xi32, #tpu.memory_space<hbm>>
        %dma_start3A_687 = tpu.memref_slice %arg4[%multiple_of3A_683] : memref<320000xi32, #tpu.memory_space<hbm>> -> memref<40xi32, #tpu.memory_space<hbm>>
        tpu.enqueue_dma source(%dma_start3A_687 : memref<40xi32, #tpu.memory_space<hbm>>) target(%arg25 : memref<40xi32, #tpu.memory_space<vmem>>) target_semaphore(%arg43 : memref<!tpu.dma_semaphore, #tpu.memory_space<semaphore_mem>>)
      } else {
      }
      %dma_wait3A_530 = arith.constant 0 : i32
      %dma_wait3A_531 = tpu.memref_slice %arg3[%dma_wait3A_530] : memref<320000xi32, #tpu.memory_space<hbm>> -> memref<40xi32, #tpu.memory_space<hbm>>
      %dma_wait3A_532 = arith.constant 0 : i32
      %dma_wait3A_533 = tpu.memref_slice %arg3[%dma_wait3A_532] : memref<320000xi32, #tpu.memory_space<hbm>> -> memref<40xi32, #tpu.memory_space<hbm>>
      tpu.wait_dma2 semaphore(%arg38 : memref<!tpu.dma_semaphore, #tpu.memory_space<semaphore_mem>>) src(%dma_wait3A_533 : memref<40xi32, #tpu.memory_space<hbm>>) dst(%arg10 : memref<40xi32, #tpu.memory_space<vmem>>)
      %dma_wait3A_534 = arith.constant 0 : i32
      %dma_wait3A_535 = tpu.memref_slice %arg4[%dma_wait3A_534] : memref<320000xi32, #tpu.memory_space<hbm>> -> memref<40xi32, #tpu.memory_space<hbm>>
      %dma_wait3A_536 = arith.constant 0 : i32
      %dma_wait3A_537 = tpu.memref_slice %arg4[%dma_wait3A_536] : memref<320000xi32, #tpu.memory_space<hbm>> -> memref<40xi32, #tpu.memory_space<hbm>>
      tpu.wait_dma2 semaphore(%arg38 : memref<!tpu.dma_semaphore, #tpu.memory_space<semaphore_mem>>) src(%dma_wait3A_537 : memref<40xi32, #tpu.memory_space<hbm>>) dst(%arg20 : memref<40xi32, #tpu.memory_space<vmem>>)
      %dma_start3A_538 = arith.constant 0 : i32
      %dma_start3A_539 = arith.constant 0 : i32
      %dma_start3A_540 = tpu.memref_slice %arg37[%dma_start3A_538, %dma_start3A_539] : memref<10000x16xf32, #tpu.memory_space<vmem_shared>> -> memref<10000x16xf32, #tpu.memory_space<vmem_shared>>
      tpu.enqueue_indirect_dma source(%arg36 : memref<40x16xf32, #tpu.memory_space<vmem>>) target(%dma_start3A_540 : memref<10000x16xf32, #tpu.memory_space<vmem_shared>>) offsets(%arg20 : memref<40xi32, #tpu.memory_space<vmem>>) semaphore(%arg53 : memref<!tpu.dma_semaphore, #tpu.memory_space<semaphore_mem>>) {add = true}
      %dma_start3A_541 = arith.constant 0 : i32
      %dma_start3A_542 = arith.constant 0 : i32
      %dma_start3A_543 = tpu.memref_slice %arg2[%dma_start3A_541, %dma_start3A_542] : memref<10000x128xf32, #tpu.memory_space<hbm>> -> memref<10000x128xf32, #tpu.memory_space<hbm>>
      tpu.enqueue_indirect_dma source(%dma_start3A_543 : memref<10000x128xf32, #tpu.memory_space<hbm>>) target(%arg30 : memref<40x128xf32, #tpu.memory_space<vmem>>) offsets(%arg10 : memref<40xi32, #tpu.memory_space<vmem>>) semaphore(%arg48 : memref<!tpu.dma_semaphore, #tpu.memory_space<semaphore_mem>>)
      %dma_wait3A_544 = arith.constant 0 : i32
      %dma_wait3A_545 = arith.constant 0 : i32
      %dma_wait3A_546 = tpu.memref_slice %arg35[%dma_wait3A_544, %dma_wait3A_545] : memref<10000x128xf32, #tpu.memory_space<vmem_shared>> -> memref<10000x128xf32, #tpu.memory_space<vmem_shared>>
      tpu.wait_indirect_dma semaphore(%arg54 : memref<!tpu.dma_semaphore, #tpu.memory_space<semaphore_mem>>) src(%arg31 : memref<40x128xf32, #tpu.memory_space<vmem>>) dst(%dma_wait3A_546 : memref<10000x128xf32, #tpu.memory_space<vmem_shared>>)
      %dma_wait3A_547 = arith.constant 0 : i32
      %dma_wait3A_548 = arith.constant 0 : i32
      %dma_wait3A_549 = tpu.memref_slice %arg37[%dma_wait3A_547, %dma_wait3A_548] : memref<10000x16xf32, #tpu.memory_space<vmem_shared>> -> memref<10000x16xf32, #tpu.memory_space<vmem_shared>>
      tpu.wait_indirect_dma semaphore(%arg54 : memref<!tpu.dma_semaphore, #tpu.memory_space<semaphore_mem>>) src(%arg36 : memref<40x16xf32, #tpu.memory_space<vmem>>) dst(%dma_wait3A_549 : memref<10000x16xf32, #tpu.memory_space<vmem_shared>>)
      %lt3A_550 = arith.constant 49 : i32
      %lt3A_551 = arith.cmpi slt, %add3A_518, %lt3A_550 : i32
      %convert_element_type3A_552 = arith.extui %lt3A_551 : i1 to i32
      %cond3A_553 = arith.constant 0 : i32
      %cond3A_554 = arith.cmpi ne, %convert_element_type3A_552, %cond3A_553 : i32
      scf.if %cond3A_554 {
        %add3A_674 = arith.constant 1 : i32
        %add3A_675 = arith.addi %add3A_518, %add3A_674 : i32
        %mul3A_676 = arith.constant 5 : i32
        %mul3A_677 = arith.muli %add3A_675, %mul3A_676 : i32
        %add3A_678 = arith.constant 1 : i32
        %add3A_679 = arith.addi %mul3A_677, %add3A_678 : i32
        %mul3A_680 = arith.constant 40 : i32
        %mul3A_681 = arith.muli %add3A_679, %mul3A_680 : i32
        %add3A_682 = arith.addi %mul3A_4, %mul3A_681 : i32
        %multiple_of3A_683 = tpu.assume_multiple %add3A_682, 8 : i32
        %dma_start3A_684 = tpu.memref_slice %arg3[%multiple_of3A_683] : memref<320000xi32, #tpu.memory_space<hbm>> -> memref<40xi32, #tpu.memory_space<hbm>>
        %dma_start3A_685 = tpu.memref_slice %arg3[%multiple_of3A_683] : memref<320000xi32, #tpu.memory_space<hbm>> -> memref<40xi32, #tpu.memory_space<hbm>>
        tpu.enqueue_dma source(%dma_start3A_685 : memref<40xi32, #tpu.memory_space<hbm>>) target(%arg16 : memref<40xi32, #tpu.memory_space<vmem>>) target_semaphore(%arg44 : memref<!tpu.dma_semaphore, #tpu.memory_space<semaphore_mem>>)
        %dma_start3A_686 = tpu.memref_slice %arg4[%multiple_of3A_683] : memref<320000xi32, #tpu.memory_space<hbm>> -> memref<40xi32, #tpu.memory_space<hbm>>
        %dma_start3A_687 = tpu.memref_slice %arg4[%multiple_of3A_683] : memref<320000xi32, #tpu.memory_space<hbm>> -> memref<40xi32, #tpu.memory_space<hbm>>
        tpu.enqueue_dma source(%dma_start3A_687 : memref<40xi32, #tpu.memory_space<hbm>>) target(%arg26 : memref<40xi32, #tpu.memory_space<vmem>>) target_semaphore(%arg44 : memref<!tpu.dma_semaphore, #tpu.memory_space<semaphore_mem>>)
      } else {
      }
      %dma_wait3A_555 = arith.constant 0 : i32
      %dma_wait3A_556 = tpu.memref_slice %arg3[%dma_wait3A_555] : memref<320000xi32, #tpu.memory_space<hbm>> -> memref<40xi32, #tpu.memory_space<hbm>>
      %dma_wait3A_557 = arith.constant 0 : i32
      %dma_wait3A_558 = tpu.memref_slice %arg3[%dma_wait3A_557] : memref<320000xi32, #tpu.memory_space<hbm>> -> memref<40xi32, #tpu.memory_space<hbm>>
      tpu.wait_dma2 semaphore(%arg39 : memref<!tpu.dma_semaphore, #tpu.memory_space<semaphore_mem>>) src(%dma_wait3A_558 : memref<40xi32, #tpu.memory_space<hbm>>) dst(%arg11 : memref<40xi32, #tpu.memory_space<vmem>>)
      %dma_wait3A_559 = arith.constant 0 : i32
      %dma_wait3A_560 = tpu.memref_slice %arg4[%dma_wait3A_559] : memref<320000xi32, #tpu.memory_space<hbm>> -> memref<40xi32, #tpu.memory_space<hbm>>
      %dma_wait3A_561 = arith.constant 0 : i32
      %dma_wait3A_562 = tpu.memref_slice %arg4[%dma_wait3A_561] : memref<320000xi32, #tpu.memory_space<hbm>> -> memref<40xi32, #tpu.memory_space<hbm>>
      tpu.wait_dma2 semaphore(%arg39 : memref<!tpu.dma_semaphore, #tpu.memory_space<semaphore_mem>>) src(%dma_wait3A_562 : memref<40xi32, #tpu.memory_space<hbm>>) dst(%arg21 : memref<40xi32, #tpu.memory_space<vmem>>)
      %dma_start3A_563 = arith.constant 0 : i32
      %dma_start3A_564 = arith.constant 0 : i32
      %dma_start3A_565 = tpu.memref_slice %arg37[%dma_start3A_563, %dma_start3A_564] : memref<10000x16xf32, #tpu.memory_space<vmem_shared>> -> memref<10000x16xf32, #tpu.memory_space<vmem_shared>>
      tpu.enqueue_indirect_dma source(%arg36 : memref<40x16xf32, #tpu.memory_space<vmem>>) target(%dma_start3A_565 : memref<10000x16xf32, #tpu.memory_space<vmem_shared>>) offsets(%arg21 : memref<40xi32, #tpu.memory_space<vmem>>) semaphore(%arg54 : memref<!tpu.dma_semaphore, #tpu.memory_space<semaphore_mem>>) {add = true}
      %dma_start3A_566 = arith.constant 0 : i32
      %dma_start3A_567 = arith.constant 0 : i32
      %dma_start3A_568 = tpu.memref_slice %arg2[%dma_start3A_566, %dma_start3A_567] : memref<10000x128xf32, #tpu.memory_space<hbm>> -> memref<10000x128xf32, #tpu.memory_space<hbm>>
      tpu.enqueue_indirect_dma source(%dma_start3A_568 : memref<10000x128xf32, #tpu.memory_space<hbm>>) target(%arg31 : memref<40x128xf32, #tpu.memory_space<vmem>>) offsets(%arg11 : memref<40xi32, #tpu.memory_space<vmem>>) semaphore(%arg49 : memref<!tpu.dma_semaphore, #tpu.memory_space<semaphore_mem>>)
      %dma_wait3A_569 = arith.constant 0 : i32
      %dma_wait3A_570 = arith.constant 0 : i32
      %dma_wait3A_571 = tpu.memref_slice %arg35[%dma_wait3A_569, %dma_wait3A_570] : memref<10000x128xf32, #tpu.memory_space<vmem_shared>> -> memref<10000x128xf32, #tpu.memory_space<vmem_shared>>
      tpu.wait_indirect_dma semaphore(%arg55 : memref<!tpu.dma_semaphore, #tpu.memory_space<semaphore_mem>>) src(%arg32 : memref<40x128xf32, #tpu.memory_space<vmem>>) dst(%dma_wait3A_571 : memref<10000x128xf32, #tpu.memory_space<vmem_shared>>)
      %dma_wait3A_572 = arith.constant 0 : i32
      %dma_wait3A_573 = arith.constant 0 : i32
      %dma_wait3A_574 = tpu.memref_slice %arg37[%dma_wait3A_572, %dma_wait3A_573] : memref<10000x16xf32, #tpu.memory_space<vmem_shared>> -> memref<10000x16xf32, #tpu.memory_space<vmem_shared>>
      tpu.wait_indirect_dma semaphore(%arg55 : memref<!tpu.dma_semaphore, #tpu.memory_space<semaphore_mem>>) src(%arg36 : memref<40x16xf32, #tpu.memory_space<vmem>>) dst(%dma_wait3A_574 : memref<10000x16xf32, #tpu.memory_space<vmem_shared>>)
      %lt3A_575 = arith.constant 49 : i32
      %lt3A_576 = arith.cmpi slt, %add3A_518, %lt3A_575 : i32
      %convert_element_type3A_577 = arith.extui %lt3A_576 : i1 to i32
      %cond3A_578 = arith.constant 0 : i32
      %cond3A_579 = arith.cmpi ne, %convert_element_type3A_577, %cond3A_578 : i32
      scf.if %cond3A_579 {
        %add3A_674 = arith.constant 1 : i32
        %add3A_675 = arith.addi %add3A_518, %add3A_674 : i32
        %mul3A_676 = arith.constant 5 : i32
        %mul3A_677 = arith.muli %add3A_675, %mul3A_676 : i32
        %add3A_678 = arith.constant 2 : i32
        %add3A_679 = arith.addi %mul3A_677, %add3A_678 : i32
        %mul3A_680 = arith.constant 40 : i32
        %mul3A_681 = arith.muli %add3A_679, %mul3A_680 : i32
        %add3A_682 = arith.addi %mul3A_4, %mul3A_681 : i32
        %multiple_of3A_683 = tpu.assume_multiple %add3A_682, 8 : i32
        %dma_start3A_684 = tpu.memref_slice %arg3[%multiple_of3A_683] : memref<320000xi32, #tpu.memory_space<hbm>> -> memref<40xi32, #tpu.memory_space<hbm>>
        %dma_start3A_685 = tpu.memref_slice %arg3[%multiple_of3A_683] : memref<320000xi32, #tpu.memory_space<hbm>> -> memref<40xi32, #tpu.memory_space<hbm>>
        tpu.enqueue_dma source(%dma_start3A_685 : memref<40xi32, #tpu.memory_space<hbm>>) target(%arg17 : memref<40xi32, #tpu.memory_space<vmem>>) target_semaphore(%arg45 : memref<!tpu.dma_semaphore, #tpu.memory_space<semaphore_mem>>)
        %dma_start3A_686 = tpu.memref_slice %arg4[%multiple_of3A_683] : memref<320000xi32, #tpu.memory_space<hbm>> -> memref<40xi32, #tpu.memory_space<hbm>>
        %dma_start3A_687 = tpu.memref_slice %arg4[%multiple_of3A_683] : memref<320000xi32, #tpu.memory_space<hbm>> -> memref<40xi32, #tpu.memory_space<hbm>>
        tpu.enqueue_dma source(%dma_start3A_687 : memref<40xi32, #tpu.memory_space<hbm>>) target(%arg27 : memref<40xi32, #tpu.memory_space<vmem>>) target_semaphore(%arg45 : memref<!tpu.dma_semaphore, #tpu.memory_space<semaphore_mem>>)
      } else {
      }
      %dma_wait3A_580 = arith.constant 0 : i32
      %dma_wait3A_581 = tpu.memref_slice %arg3[%dma_wait3A_580] : memref<320000xi32, #tpu.memory_space<hbm>> -> memref<40xi32, #tpu.memory_space<hbm>>
      %dma_wait3A_582 = arith.constant 0 : i32
      %dma_wait3A_583 = tpu.memref_slice %arg3[%dma_wait3A_582] : memref<320000xi32, #tpu.memory_space<hbm>> -> memref<40xi32, #tpu.memory_space<hbm>>
      tpu.wait_dma2 semaphore(%arg40 : memref<!tpu.dma_semaphore, #tpu.memory_space<semaphore_mem>>) src(%dma_wait3A_583 : memref<40xi32, #tpu.memory_space<hbm>>) dst(%arg12 : memref<40xi32, #tpu.memory_space<vmem>>)
      %dma_wait3A_584 = arith.constant 0 : i32
      %dma_wait3A_585 = tpu.memref_slice %arg4[%dma_wait3A_584] : memref<320000xi32, #tpu.memory_space<hbm>> -> memref<40xi32, #tpu.memory_space<hbm>>
      %dma_wait3A_586 = arith.constant 0 : i32
      %dma_wait3A_587 = tpu.memref_slice %arg4[%dma_wait3A_586] : memref<320000xi32, #tpu.memory_space<hbm>> -> memref<40xi32, #tpu.memory_space<hbm>>
      tpu.wait_dma2 semaphore(%arg40 : memref<!tpu.dma_semaphore, #tpu.memory_space<semaphore_mem>>) src(%dma_wait3A_587 : memref<40xi32, #tpu.memory_space<hbm>>) dst(%arg22 : memref<40xi32, #tpu.memory_space<vmem>>)
      %dma_start3A_588 = arith.constant 0 : i32
      %dma_start3A_589 = arith.constant 0 : i32
      %dma_start3A_590 = tpu.memref_slice %arg37[%dma_start3A_588, %dma_start3A_589] : memref<10000x16xf32, #tpu.memory_space<vmem_shared>> -> memref<10000x16xf32, #tpu.memory_space<vmem_shared>>
      tpu.enqueue_indirect_dma source(%arg36 : memref<40x16xf32, #tpu.memory_space<vmem>>) target(%dma_start3A_590 : memref<10000x16xf32, #tpu.memory_space<vmem_shared>>) offsets(%arg22 : memref<40xi32, #tpu.memory_space<vmem>>) semaphore(%arg55 : memref<!tpu.dma_semaphore, #tpu.memory_space<semaphore_mem>>) {add = true}
      %dma_start3A_591 = arith.constant 0 : i32
      %dma_start3A_592 = arith.constant 0 : i32
      %dma_start3A_593 = tpu.memref_slice %arg2[%dma_start3A_591, %dma_start3A_592] : memref<10000x128xf32, #tpu.memory_space<hbm>> -> memref<10000x128xf32, #tpu.memory_space<hbm>>
      tpu.enqueue_indirect_dma source(%dma_start3A_593 : memref<10000x128xf32, #tpu.memory_space<hbm>>) target(%arg32 : memref<40x128xf32, #tpu.memory_space<vmem>>) offsets(%arg12 : memref<40xi32, #tpu.memory_space<vmem>>) semaphore(%arg50 : memref<!tpu.dma_semaphore, #tpu.memory_space<semaphore_mem>>)
      %dma_wait3A_594 = arith.constant 0 : i32
      %dma_wait3A_595 = arith.constant 0 : i32
      %dma_wait3A_596 = tpu.memref_slice %arg35[%dma_wait3A_594, %dma_wait3A_595] : memref<10000x128xf32, #tpu.memory_space<vmem_shared>> -> memref<10000x128xf32, #tpu.memory_space<vmem_shared>>
      tpu.wait_indirect_dma semaphore(%arg56 : memref<!tpu.dma_semaphore, #tpu.memory_space<semaphore_mem>>) src(%arg33 : memref<40x128xf32, #tpu.memory_space<vmem>>) dst(%dma_wait3A_596 : memref<10000x128xf32, #tpu.memory_space<vmem_shared>>)
      %dma_wait3A_597 = arith.constant 0 : i32
      %dma_wait3A_598 = arith.constant 0 : i32
      %dma_wait3A_599 = tpu.memref_slice %arg37[%dma_wait3A_597, %dma_wait3A_598] : memref<10000x16xf32, #tpu.memory_space<vmem_shared>> -> memref<10000x16xf32, #tpu.memory_space<vmem_shared>>
      tpu.wait_indirect_dma semaphore(%arg56 : memref<!tpu.dma_semaphore, #tpu.memory_space<semaphore_mem>>) src(%arg36 : memref<40x16xf32, #tpu.memory_space<vmem>>) dst(%dma_wait3A_599 : memref<10000x16xf32, #tpu.memory_space<vmem_shared>>)
      %lt3A_600 = arith.constant 49 : i32
      %lt3A_601 = arith.cmpi slt, %add3A_518, %lt3A_600 : i32
      %convert_element_type3A_602 = arith.extui %lt3A_601 : i1 to i32
      %cond3A_603 = arith.constant 0 : i32
      %cond3A_604 = arith.cmpi ne, %convert_element_type3A_602, %cond3A_603 : i32
      scf.if %cond3A_604 {
        %add3A_674 = arith.constant 1 : i32
        %add3A_675 = arith.addi %add3A_518, %add3A_674 : i32
        %mul3A_676 = arith.constant 5 : i32
        %mul3A_677 = arith.muli %add3A_675, %mul3A_676 : i32
        %add3A_678 = arith.constant 3 : i32
        %add3A_679 = arith.addi %mul3A_677, %add3A_678 : i32
        %mul3A_680 = arith.constant 40 : i32
        %mul3A_681 = arith.muli %add3A_679, %mul3A_680 : i32
        %add3A_682 = arith.addi %mul3A_4, %mul3A_681 : i32
        %multiple_of3A_683 = tpu.assume_multiple %add3A_682, 8 : i32
        %dma_start3A_684 = tpu.memref_slice %arg3[%multiple_of3A_683] : memref<320000xi32, #tpu.memory_space<hbm>> -> memref<40xi32, #tpu.memory_space<hbm>>
        %dma_start3A_685 = tpu.memref_slice %arg3[%multiple_of3A_683] : memref<320000xi32, #tpu.memory_space<hbm>> -> memref<40xi32, #tpu.memory_space<hbm>>
        tpu.enqueue_dma source(%dma_start3A_685 : memref<40xi32, #tpu.memory_space<hbm>>) target(%arg18 : memref<40xi32, #tpu.memory_space<vmem>>) target_semaphore(%arg46 : memref<!tpu.dma_semaphore, #tpu.memory_space<semaphore_mem>>)
        %dma_start3A_686 = tpu.memref_slice %arg4[%multiple_of3A_683] : memref<320000xi32, #tpu.memory_space<hbm>> -> memref<40xi32, #tpu.memory_space<hbm>>
        %dma_start3A_687 = tpu.memref_slice %arg4[%multiple_of3A_683] : memref<320000xi32, #tpu.memory_space<hbm>> -> memref<40xi32, #tpu.memory_space<hbm>>
        tpu.enqueue_dma source(%dma_start3A_687 : memref<40xi32, #tpu.memory_space<hbm>>) target(%arg28 : memref<40xi32, #tpu.memory_space<vmem>>) target_semaphore(%arg46 : memref<!tpu.dma_semaphore, #tpu.memory_space<semaphore_mem>>)
      } else {
      }
      %dma_wait3A_605 = arith.constant 0 : i32
      %dma_wait3A_606 = tpu.memref_slice %arg3[%dma_wait3A_605] : memref<320000xi32, #tpu.memory_space<hbm>> -> memref<40xi32, #tpu.memory_space<hbm>>
      %dma_wait3A_607 = arith.constant 0 : i32
      %dma_wait3A_608 = tpu.memref_slice %arg3[%dma_wait3A_607] : memref<320000xi32, #tpu.memory_space<hbm>> -> memref<40xi32, #tpu.memory_space<hbm>>
      tpu.wait_dma2 semaphore(%arg41 : memref<!tpu.dma_semaphore, #tpu.memory_space<semaphore_mem>>) src(%dma_wait3A_608 : memref<40xi32, #tpu.memory_space<hbm>>) dst(%arg13 : memref<40xi32, #tpu.memory_space<vmem>>)
      %dma_wait3A_609 = arith.constant 0 : i32
      %dma_wait3A_610 = tpu.memref_slice %arg4[%dma_wait3A_609] : memref<320000xi32, #tpu.memory_space<hbm>> -> memref<40xi32, #tpu.memory_space<hbm>>
      %dma_wait3A_611 = arith.constant 0 : i32
      %dma_wait3A_612 = tpu.memref_slice %arg4[%dma_wait3A_611] : memref<320000xi32, #tpu.memory_space<hbm>> -> memref<40xi32, #tpu.memory_space<hbm>>
      tpu.wait_dma2 semaphore(%arg41 : memref<!tpu.dma_semaphore, #tpu.memory_space<semaphore_mem>>) src(%dma_wait3A_612 : memref<40xi32, #tpu.memory_space<hbm>>) dst(%arg23 : memref<40xi32, #tpu.memory_space<vmem>>)
      %dma_start3A_613 = arith.constant 0 : i32
      %dma_start3A_614 = arith.constant 0 : i32
      %dma_start3A_615 = tpu.memref_slice %arg37[%dma_start3A_613, %dma_start3A_614] : memref<10000x16xf32, #tpu.memory_space<vmem_shared>> -> memref<10000x16xf32, #tpu.memory_space<vmem_shared>>
      tpu.enqueue_indirect_dma source(%arg36 : memref<40x16xf32, #tpu.memory_space<vmem>>) target(%dma_start3A_615 : memref<10000x16xf32, #tpu.memory_space<vmem_shared>>) offsets(%arg23 : memref<40xi32, #tpu.memory_space<vmem>>) semaphore(%arg56 : memref<!tpu.dma_semaphore, #tpu.memory_space<semaphore_mem>>) {add = true}
      %dma_start3A_616 = arith.constant 0 : i32
      %dma_start3A_617 = arith.constant 0 : i32
      %dma_start3A_618 = tpu.memref_slice %arg2[%dma_start3A_616, %dma_start3A_617] : memref<10000x128xf32, #tpu.memory_space<hbm>> -> memref<10000x128xf32, #tpu.memory_space<hbm>>
      tpu.enqueue_indirect_dma source(%dma_start3A_618 : memref<10000x128xf32, #tpu.memory_space<hbm>>) target(%arg33 : memref<40x128xf32, #tpu.memory_space<vmem>>) offsets(%arg13 : memref<40xi32, #tpu.memory_space<vmem>>) semaphore(%arg51 : memref<!tpu.dma_semaphore, #tpu.memory_space<semaphore_mem>>)
      %dma_wait3A_619 = arith.constant 0 : i32
      %dma_wait3A_620 = arith.constant 0 : i32
      %dma_wait3A_621 = tpu.memref_slice %arg35[%dma_wait3A_619, %dma_wait3A_620] : memref<10000x128xf32, #tpu.memory_space<vmem_shared>> -> memref<10000x128xf32, #tpu.memory_space<vmem_shared>>
      tpu.wait_indirect_dma semaphore(%arg57 : memref<!tpu.dma_semaphore, #tpu.memory_space<semaphore_mem>>) src(%arg34 : memref<40x128xf32, #tpu.memory_space<vmem>>) dst(%dma_wait3A_621 : memref<10000x128xf32, #tpu.memory_space<vmem_shared>>)
      %dma_wait3A_622 = arith.constant 0 : i32
      %dma_wait3A_623 = arith.constant 0 : i32
      %dma_wait3A_624 = tpu.memref_slice %arg37[%dma_wait3A_622, %dma_wait3A_623] : memref<10000x16xf32, #tpu.memory_space<vmem_shared>> -> memref<10000x16xf32, #tpu.memory_space<vmem_shared>>
      tpu.wait_indirect_dma semaphore(%arg57 : memref<!tpu.dma_semaphore, #tpu.memory_space<semaphore_mem>>) src(%arg36 : memref<40x16xf32, #tpu.memory_space<vmem>>) dst(%dma_wait3A_624 : memref<10000x16xf32, #tpu.memory_space<vmem_shared>>)
      %lt3A_625 = arith.constant 49 : i32
      %lt3A_626 = arith.cmpi slt, %add3A_518, %lt3A_625 : i32
      %convert_element_type3A_627 = arith.extui %lt3A_626 : i1 to i32
      %cond3A_628 = arith.constant 0 : i32
      %cond3A_629 = arith.cmpi ne, %convert_element_type3A_627, %cond3A_628 : i32
      scf.if %cond3A_629 {
        %add3A_674 = arith.constant 1 : i32
        %add3A_675 = arith.addi %add3A_518, %add3A_674 : i32
        %mul3A_676 = arith.constant 5 : i32
        %mul3A_677 = arith.muli %add3A_675, %mul3A_676 : i32
        %add3A_678 = arith.constant 4 : i32
        %add3A_679 = arith.addi %mul3A_677, %add3A_678 : i32
        %mul3A_680 = arith.constant 40 : i32
        %mul3A_681 = arith.muli %add3A_679, %mul3A_680 : i32
        %add3A_682 = arith.addi %mul3A_4, %mul3A_681 : i32
        %multiple_of3A_683 = tpu.assume_multiple %add3A_682, 8 : i32
        %dma_start3A_684 = tpu.memref_slice %arg3[%multiple_of3A_683] : memref<320000xi32, #tpu.memory_space<hbm>> -> memref<40xi32, #tpu.memory_space<hbm>>
        %dma_start3A_685 = tpu.memref_slice %arg3[%multiple_of3A_683] : memref<320000xi32, #tpu.memory_space<hbm>> -> memref<40xi32, #tpu.memory_space<hbm>>
        tpu.enqueue_dma source(%dma_start3A_685 : memref<40xi32, #tpu.memory_space<hbm>>) target(%arg19 : memref<40xi32, #tpu.memory_space<vmem>>) target_semaphore(%arg47 : memref<!tpu.dma_semaphore, #tpu.memory_space<semaphore_mem>>)
        %dma_start3A_686 = tpu.memref_slice %arg4[%multiple_of3A_683] : memref<320000xi32, #tpu.memory_space<hbm>> -> memref<40xi32, #tpu.memory_space<hbm>>
        %dma_start3A_687 = tpu.memref_slice %arg4[%multiple_of3A_683] : memref<320000xi32, #tpu.memory_space<hbm>> -> memref<40xi32, #tpu.memory_space<hbm>>
        tpu.enqueue_dma source(%dma_start3A_687 : memref<40xi32, #tpu.memory_space<hbm>>) target(%arg29 : memref<40xi32, #tpu.memory_space<vmem>>) target_semaphore(%arg47 : memref<!tpu.dma_semaphore, #tpu.memory_space<semaphore_mem>>)
      } else {
      }
      %dma_wait3A_630 = arith.constant 0 : i32
      %dma_wait3A_631 = tpu.memref_slice %arg3[%dma_wait3A_630] : memref<320000xi32, #tpu.memory_space<hbm>> -> memref<40xi32, #tpu.memory_space<hbm>>
      %dma_wait3A_632 = arith.constant 0 : i32
      %dma_wait3A_633 = tpu.memref_slice %arg3[%dma_wait3A_632] : memref<320000xi32, #tpu.memory_space<hbm>> -> memref<40xi32, #tpu.memory_space<hbm>>
      tpu.wait_dma2 semaphore(%arg42 : memref<!tpu.dma_semaphore, #tpu.memory_space<semaphore_mem>>) src(%dma_wait3A_633 : memref<40xi32, #tpu.memory_space<hbm>>) dst(%arg14 : memref<40xi32, #tpu.memory_space<vmem>>)
      %dma_wait3A_634 = arith.constant 0 : i32
      %dma_wait3A_635 = tpu.memref_slice %arg4[%dma_wait3A_634] : memref<320000xi32, #tpu.memory_space<hbm>> -> memref<40xi32, #tpu.memory_space<hbm>>
      %dma_wait3A_636 = arith.constant 0 : i32
      %dma_wait3A_637 = tpu.memref_slice %arg4[%dma_wait3A_636] : memref<320000xi32, #tpu.memory_space<hbm>> -> memref<40xi32, #tpu.memory_space<hbm>>
      tpu.wait_dma2 semaphore(%arg42 : memref<!tpu.dma_semaphore, #tpu.memory_space<semaphore_mem>>) src(%dma_wait3A_637 : memref<40xi32, #tpu.memory_space<hbm>>) dst(%arg24 : memref<40xi32, #tpu.memory_space<vmem>>)
      %dma_start3A_638 = arith.constant 0 : i32
      %dma_start3A_639 = arith.constant 0 : i32
      %dma_start3A_640 = tpu.memref_slice %arg37[%dma_start3A_638, %dma_start3A_639] : memref<10000x16xf32, #tpu.memory_space<vmem_shared>> -> memref<10000x16xf32, #tpu.memory_space<vmem_shared>>
      tpu.enqueue_indirect_dma source(%arg36 : memref<40x16xf32, #tpu.memory_space<vmem>>) target(%dma_start3A_640 : memref<10000x16xf32, #tpu.memory_space<vmem_shared>>) offsets(%arg24 : memref<40xi32, #tpu.memory_space<vmem>>) semaphore(%arg57 : memref<!tpu.dma_semaphore, #tpu.memory_space<semaphore_mem>>) {add = true}
      %dma_start3A_641 = arith.constant 0 : i32
      %dma_start3A_642 = arith.constant 0 : i32
      %dma_start3A_643 = tpu.memref_slice %arg2[%dma_start3A_641, %dma_start3A_642] : memref<10000x128xf32, #tpu.memory_space<hbm>> -> memref<10000x128xf32, #tpu.memory_space<hbm>>
      tpu.enqueue_indirect_dma source(%dma_start3A_643 : memref<10000x128xf32, #tpu.memory_space<hbm>>) target(%arg34 : memref<40x128xf32, #tpu.memory_space<vmem>>) offsets(%arg14 : memref<40xi32, #tpu.memory_space<vmem>>) semaphore(%arg52 : memref<!tpu.dma_semaphore, #tpu.memory_space<semaphore_mem>>)
      %dma_wait3A_644 = arith.constant 0 : i32
      %dma_wait3A_645 = arith.constant 0 : i32
      %dma_wait3A_646 = tpu.memref_slice %arg2[%dma_wait3A_644, %dma_wait3A_645] : memref<10000x128xf32, #tpu.memory_space<hbm>> -> memref<10000x128xf32, #tpu.memory_space<hbm>>
      tpu.wait_indirect_dma semaphore(%arg48 : memref<!tpu.dma_semaphore, #tpu.memory_space<semaphore_mem>>) src(%dma_wait3A_646 : memref<10000x128xf32, #tpu.memory_space<hbm>>) dst(%arg30 : memref<40x128xf32, #tpu.memory_space<vmem>>)
      %dma_start3A_647 = arith.constant 0 : i32
      %dma_start3A_648 = arith.constant 0 : i32
      %dma_start3A_649 = tpu.memref_slice %arg35[%dma_start3A_647, %dma_start3A_648] : memref<10000x128xf32, #tpu.memory_space<vmem_shared>> -> memref<10000x128xf32, #tpu.memory_space<vmem_shared>>
      tpu.enqueue_indirect_dma source(%arg30 : memref<40x128xf32, #tpu.memory_space<vmem>>) target(%dma_start3A_649 : memref<10000x128xf32, #tpu.memory_space<vmem_shared>>) offsets(%arg20 : memref<40xi32, #tpu.memory_space<vmem>>) semaphore(%arg53 : memref<!tpu.dma_semaphore, #tpu.memory_space<semaphore_mem>>) {add = true}
      %dma_wait3A_650 = arith.constant 0 : i32
      %dma_wait3A_651 = arith.constant 0 : i32
      %dma_wait3A_652 = tpu.memref_slice %arg2[%dma_wait3A_650, %dma_wait3A_651] : memref<10000x128xf32, #tpu.memory_space<hbm>> -> memref<10000x128xf32, #tpu.memory_space<hbm>>
      tpu.wait_indirect_dma semaphore(%arg49 : memref<!tpu.dma_semaphore, #tpu.memory_space<semaphore_mem>>) src(%dma_wait3A_652 : memref<10000x128xf32, #tpu.memory_space<hbm>>) dst(%arg31 : memref<40x128xf32, #tpu.memory_space<vmem>>)
      %dma_start3A_653 = arith.constant 0 : i32
      %dma_start3A_654 = arith.constant 0 : i32
      %dma_start3A_655 = tpu.memref_slice %arg35[%dma_start3A_653, %dma_start3A_654] : memref<10000x128xf32, #tpu.memory_space<vmem_shared>> -> memref<10000x128xf32, #tpu.memory_space<vmem_shared>>
      tpu.enqueue_indirect_dma source(%arg31 : memref<40x128xf32, #tpu.memory_space<vmem>>) target(%dma_start3A_655 : memref<10000x128xf32, #tpu.memory_space<vmem_shared>>) offsets(%arg21 : memref<40xi32, #tpu.memory_space<vmem>>) semaphore(%arg54 : memref<!tpu.dma_semaphore, #tpu.memory_space<semaphore_mem>>) {add = true}
      %dma_wait3A_656 = arith.constant 0 : i32
      %dma_wait3A_657 = arith.constant 0 : i32
      %dma_wait3A_658 = tpu.memref_slice %arg2[%dma_wait3A_656, %dma_wait3A_657] : memref<10000x128xf32, #tpu.memory_space<hbm>> -> memref<10000x128xf32, #tpu.memory_space<hbm>>
      tpu.wait_indirect_dma semaphore(%arg50 : memref<!tpu.dma_semaphore, #tpu.memory_space<semaphore_mem>>) src(%dma_wait3A_658 : memref<10000x128xf32, #tpu.memory_space<hbm>>) dst(%arg32 : memref<40x128xf32, #tpu.memory_space<vmem>>)
      %dma_start3A_659 = arith.constant 0 : i32
      %dma_start3A_660 = arith.constant 0 : i32
      %dma_start3A_661 = tpu.memref_slice %arg35[%dma_start3A_659, %dma_start3A_660] : memref<10000x128xf32, #tpu.memory_space<vmem_shared>> -> memref<10000x128xf32, #tpu.memory_space<vmem_shared>>
      tpu.enqueue_indirect_dma source(%arg32 : memref<40x128xf32, #tpu.memory_space<vmem>>) target(%dma_start3A_661 : memref<10000x128xf32, #tpu.memory_space<vmem_shared>>) offsets(%arg22 : memref<40xi32, #tpu.memory_space<vmem>>) semaphore(%arg55 : memref<!tpu.dma_semaphore, #tpu.memory_space<semaphore_mem>>) {add = true}
      %dma_wait3A_662 = arith.constant 0 : i32
      %dma_wait3A_663 = arith.constant 0 : i32
      %dma_wait3A_664 = tpu.memref_slice %arg2[%dma_wait3A_662, %dma_wait3A_663] : memref<10000x128xf32, #tpu.memory_space<hbm>> -> memref<10000x128xf32, #tpu.memory_space<hbm>>
      tpu.wait_indirect_dma semaphore(%arg51 : memref<!tpu.dma_semaphore, #tpu.memory_space<semaphore_mem>>) src(%dma_wait3A_664 : memref<10000x128xf32, #tpu.memory_space<hbm>>) dst(%arg33 : memref<40x128xf32, #tpu.memory_space<vmem>>)
      %dma_start3A_665 = arith.constant 0 : i32
      %dma_start3A_666 = arith.constant 0 : i32
      %dma_start3A_667 = tpu.memref_slice %arg35[%dma_start3A_665, %dma_start3A_666] : memref<10000x128xf32, #tpu.memory_space<vmem_shared>> -> memref<10000x128xf32, #tpu.memory_space<vmem_shared>>
      tpu.enqueue_indirect_dma source(%arg33 : memref<40x128xf32, #tpu.memory_space<vmem>>) target(%dma_start3A_667 : memref<10000x128xf32, #tpu.memory_space<vmem_shared>>) offsets(%arg23 : memref<40xi32, #tpu.memory_space<vmem>>) semaphore(%arg56 : memref<!tpu.dma_semaphore, #tpu.memory_space<semaphore_mem>>) {add = true}
      %dma_wait3A_668 = arith.constant 0 : i32
      %dma_wait3A_669 = arith.constant 0 : i32
      %dma_wait3A_670 = tpu.memref_slice %arg2[%dma_wait3A_668, %dma_wait3A_669] : memref<10000x128xf32, #tpu.memory_space<hbm>> -> memref<10000x128xf32, #tpu.memory_space<hbm>>
      tpu.wait_indirect_dma semaphore(%arg52 : memref<!tpu.dma_semaphore, #tpu.memory_space<semaphore_mem>>) src(%dma_wait3A_670 : memref<10000x128xf32, #tpu.memory_space<hbm>>) dst(%arg34 : memref<40x128xf32, #tpu.memory_space<vmem>>)
      %dma_start3A_671 = arith.constant 0 : i32
      %dma_start3A_672 = arith.constant 0 : i32
      %dma_start3A_673 = tpu.memref_slice %arg35[%dma_start3A_671, %dma_start3A_672] : memref<10000x128xf32, #tpu.memory_space<vmem_shared>> -> memref<10000x128xf32, #tpu.memory_space<vmem_shared>>
      tpu.enqueue_indirect_dma source(%arg34 : memref<40x128xf32, #tpu.memory_space<vmem>>) target(%dma_start3A_673 : memref<10000x128xf32, #tpu.memory_space<vmem_shared>>) offsets(%arg24 : memref<40xi32, #tpu.memory_space<vmem>>) semaphore(%arg57 : memref<!tpu.dma_semaphore, #tpu.memory_space<semaphore_mem>>) {add = true}
    }
    %scan3A_183 = arith.constant 24 : i32
    %dma_wait3A_184 = arith.constant 0 : i32
    %dma_wait3A_185 = arith.constant 0 : i32
    %dma_wait3A_186 = tpu.memref_slice %arg35[%dma_wait3A_184, %dma_wait3A_185] : memref<10000x128xf32, #tpu.memory_space<vmem_shared>> -> memref<10000x128xf32, #tpu.memory_space<vmem_shared>>
    tpu.wait_indirect_dma semaphore(%arg53 : memref<!tpu.dma_semaphore, #tpu.memory_space<semaphore_mem>>) src(%arg30 : memref<40x128xf32, #tpu.memory_space<vmem>>) dst(%dma_wait3A_186 : memref<10000x128xf32, #tpu.memory_space<vmem_shared>>)
    %dma_wait3A_187 = arith.constant 0 : i32
    %dma_wait3A_188 = arith.constant 0 : i32
    %dma_wait3A_189 = tpu.memref_slice %arg37[%dma_wait3A_187, %dma_wait3A_188] : memref<10000x16xf32, #tpu.memory_space<vmem_shared>> -> memref<10000x16xf32, #tpu.memory_space<vmem_shared>>
    tpu.wait_indirect_dma semaphore(%arg53 : memref<!tpu.dma_semaphore, #tpu.memory_space<semaphore_mem>>) src(%arg36 : memref<40x16xf32, #tpu.memory_space<vmem>>) dst(%dma_wait3A_189 : memref<10000x16xf32, #tpu.memory_space<vmem_shared>>)
    %dma_wait3A_190 = arith.constant 0 : i32
    %dma_wait3A_191 = tpu.memref_slice %arg3[%dma_wait3A_190] : memref<320000xi32, #tpu.memory_space<hbm>> -> memref<40xi32, #tpu.memory_space<hbm>>
    %dma_wait3A_192 = arith.constant 0 : i32
    %dma_wait3A_193 = tpu.memref_slice %arg3[%dma_wait3A_192] : memref<320000xi32, #tpu.memory_space<hbm>> -> memref<40xi32, #tpu.memory_space<hbm>>
    tpu.wait_dma2 semaphore(%arg43 : memref<!tpu.dma_semaphore, #tpu.memory_space<semaphore_mem>>) src(%dma_wait3A_193 : memref<40xi32, #tpu.memory_space<hbm>>) dst(%arg15 : memref<40xi32, #tpu.memory_space<vmem>>)
    %dma_wait3A_194 = arith.constant 0 : i32
    %dma_wait3A_195 = tpu.memref_slice %arg4[%dma_wait3A_194] : memref<320000xi32, #tpu.memory_space<hbm>> -> memref<40xi32, #tpu.memory_space<hbm>>
    %dma_wait3A_196 = arith.constant 0 : i32
    %dma_wait3A_197 = tpu.memref_slice %arg4[%dma_wait3A_196] : memref<320000xi32, #tpu.memory_space<hbm>> -> memref<40xi32, #tpu.memory_space<hbm>>
    tpu.wait_dma2 semaphore(%arg43 : memref<!tpu.dma_semaphore, #tpu.memory_space<semaphore_mem>>) src(%dma_wait3A_197 : memref<40xi32, #tpu.memory_space<hbm>>) dst(%arg25 : memref<40xi32, #tpu.memory_space<vmem>>)
    %dma_start3A_198 = arith.constant 0 : i32
    %dma_start3A_199 = arith.constant 0 : i32
    %dma_start3A_200 = tpu.memref_slice %arg37[%dma_start3A_198, %dma_start3A_199] : memref<10000x16xf32, #tpu.memory_space<vmem_shared>> -> memref<10000x16xf32, #tpu.memory_space<vmem_shared>>
    tpu.enqueue_indirect_dma source(%arg36 : memref<40x16xf32, #tpu.memory_space<vmem>>) target(%dma_start3A_200 : memref<10000x16xf32, #tpu.memory_space<vmem_shared>>) offsets(%arg25 : memref<40xi32, #tpu.memory_space<vmem>>) semaphore(%arg53 : memref<!tpu.dma_semaphore, #tpu.memory_space<semaphore_mem>>) {add = true}
    %dma_start3A_201 = arith.constant 0 : i32
    %dma_start3A_202 = arith.constant 0 : i32
    %dma_start3A_203 = tpu.memref_slice %arg2[%dma_start3A_201, %dma_start3A_202] : memref<10000x128xf32, #tpu.memory_space<hbm>> -> memref<10000x128xf32, #tpu.memory_space<hbm>>
    tpu.enqueue_indirect_dma source(%dma_start3A_203 : memref<10000x128xf32, #tpu.memory_space<hbm>>) target(%arg30 : memref<40x128xf32, #tpu.memory_space<vmem>>) offsets(%arg15 : memref<40xi32, #tpu.memory_space<vmem>>) semaphore(%arg48 : memref<!tpu.dma_semaphore, #tpu.memory_space<semaphore_mem>>)
    %dma_wait3A_204 = arith.constant 0 : i32
    %dma_wait3A_205 = arith.constant 0 : i32
    %dma_wait3A_206 = tpu.memref_slice %arg35[%dma_wait3A_204, %dma_wait3A_205] : memref<10000x128xf32, #tpu.memory_space<vmem_shared>> -> memref<10000x128xf32, #tpu.memory_space<vmem_shared>>
    tpu.wait_indirect_dma semaphore(%arg54 : memref<!tpu.dma_semaphore, #tpu.memory_space<semaphore_mem>>) src(%arg31 : memref<40x128xf32, #tpu.memory_space<vmem>>) dst(%dma_wait3A_206 : memref<10000x128xf32, #tpu.memory_space<vmem_shared>>)
    %dma_wait3A_207 = arith.constant 0 : i32
    %dma_wait3A_208 = arith.constant 0 : i32
    %dma_wait3A_209 = tpu.memref_slice %arg37[%dma_wait3A_207, %dma_wait3A_208] : memref<10000x16xf32, #tpu.memory_space<vmem_shared>> -> memref<10000x16xf32, #tpu.memory_space<vmem_shared>>
    tpu.wait_indirect_dma semaphore(%arg54 : memref<!tpu.dma_semaphore, #tpu.memory_space<semaphore_mem>>) src(%arg36 : memref<40x16xf32, #tpu.memory_space<vmem>>) dst(%dma_wait3A_209 : memref<10000x16xf32, #tpu.memory_space<vmem_shared>>)
    %dma_wait3A_210 = arith.constant 0 : i32
    %dma_wait3A_211 = tpu.memref_slice %arg3[%dma_wait3A_210] : memref<320000xi32, #tpu.memory_space<hbm>> -> memref<40xi32, #tpu.memory_space<hbm>>
    %dma_wait3A_212 = arith.constant 0 : i32
    %dma_wait3A_213 = tpu.memref_slice %arg3[%dma_wait3A_212] : memref<320000xi32, #tpu.memory_space<hbm>> -> memref<40xi32, #tpu.memory_space<hbm>>
    tpu.wait_dma2 semaphore(%arg44 : memref<!tpu.dma_semaphore, #tpu.memory_space<semaphore_mem>>) src(%dma_wait3A_213 : memref<40xi32, #tpu.memory_space<hbm>>) dst(%arg16 : memref<40xi32, #tpu.memory_space<vmem>>)
    %dma_wait3A_214 = arith.constant 0 : i32
    %dma_wait3A_215 = tpu.memref_slice %arg4[%dma_wait3A_214] : memref<320000xi32, #tpu.memory_space<hbm>> -> memref<40xi32, #tpu.memory_space<hbm>>
    %dma_wait3A_216 = arith.constant 0 : i32
    %dma_wait3A_217 = tpu.memref_slice %arg4[%dma_wait3A_216] : memref<320000xi32, #tpu.memory_space<hbm>> -> memref<40xi32, #tpu.memory_space<hbm>>
    tpu.wait_dma2 semaphore(%arg44 : memref<!tpu.dma_semaphore, #tpu.memory_space<semaphore_mem>>) src(%dma_wait3A_217 : memref<40xi32, #tpu.memory_space<hbm>>) dst(%arg26 : memref<40xi32, #tpu.memory_space<vmem>>)
    %dma_start3A_218 = arith.constant 0 : i32
    %dma_start3A_219 = arith.constant 0 : i32
    %dma_start3A_220 = tpu.memref_slice %arg37[%dma_start3A_218, %dma_start3A_219] : memref<10000x16xf32, #tpu.memory_space<vmem_shared>> -> memref<10000x16xf32, #tpu.memory_space<vmem_shared>>
    tpu.enqueue_indirect_dma source(%arg36 : memref<40x16xf32, #tpu.memory_space<vmem>>) target(%dma_start3A_220 : memref<10000x16xf32, #tpu.memory_space<vmem_shared>>) offsets(%arg26 : memref<40xi32, #tpu.memory_space<vmem>>) semaphore(%arg54 : memref<!tpu.dma_semaphore, #tpu.memory_space<semaphore_mem>>) {add = true}
    %dma_start3A_221 = arith.constant 0 : i32
    %dma_start3A_222 = arith.constant 0 : i32
    %dma_start3A_223 = tpu.memref_slice %arg2[%dma_start3A_221, %dma_start3A_222] : memref<10000x128xf32, #tpu.memory_space<hbm>> -> memref<10000x128xf32, #tpu.memory_space<hbm>>
    tpu.enqueue_indirect_dma source(%dma_start3A_223 : memref<10000x128xf32, #tpu.memory_space<hbm>>) target(%arg31 : memref<40x128xf32, #tpu.memory_space<vmem>>) offsets(%arg16 : memref<40xi32, #tpu.memory_space<vmem>>) semaphore(%arg49 : memref<!tpu.dma_semaphore, #tpu.memory_space<semaphore_mem>>)
    %dma_wait3A_224 = arith.constant 0 : i32
    %dma_wait3A_225 = arith.constant 0 : i32
    %dma_wait3A_226 = tpu.memref_slice %arg35[%dma_wait3A_224, %dma_wait3A_225] : memref<10000x128xf32, #tpu.memory_space<vmem_shared>> -> memref<10000x128xf32, #tpu.memory_space<vmem_shared>>
    tpu.wait_indirect_dma semaphore(%arg55 : memref<!tpu.dma_semaphore, #tpu.memory_space<semaphore_mem>>) src(%arg32 : memref<40x128xf32, #tpu.memory_space<vmem>>) dst(%dma_wait3A_226 : memref<10000x128xf32, #tpu.memory_space<vmem_shared>>)
    %dma_wait3A_227 = arith.constant 0 : i32
    %dma_wait3A_228 = arith.constant 0 : i32
    %dma_wait3A_229 = tpu.memref_slice %arg37[%dma_wait3A_227, %dma_wait3A_228] : memref<10000x16xf32, #tpu.memory_space<vmem_shared>> -> memref<10000x16xf32, #tpu.memory_space<vmem_shared>>
    tpu.wait_indirect_dma semaphore(%arg55 : memref<!tpu.dma_semaphore, #tpu.memory_space<semaphore_mem>>) src(%arg36 : memref<40x16xf32, #tpu.memory_space<vmem>>) dst(%dma_wait3A_229 : memref<10000x16xf32, #tpu.memory_space<vmem_shared>>)
    %dma_wait3A_230 = arith.constant 0 : i32
    %dma_wait3A_231 = tpu.memref_slice %arg3[%dma_wait3A_230] : memref<320000xi32, #tpu.memory_space<hbm>> -> memref<40xi32, #tpu.memory_space<hbm>>
    %dma_wait3A_232 = arith.constant 0 : i32
    %dma_wait3A_233 = tpu.memref_slice %arg3[%dma_wait3A_232] : memref<320000xi32, #tpu.memory_space<hbm>> -> memref<40xi32, #tpu.memory_space<hbm>>
    tpu.wait_dma2 semaphore(%arg45 : memref<!tpu.dma_semaphore, #tpu.memory_space<semaphore_mem>>) src(%dma_wait3A_233 : memref<40xi32, #tpu.memory_space<hbm>>) dst(%arg17 : memref<40xi32, #tpu.memory_space<vmem>>)
    %dma_wait3A_234 = arith.constant 0 : i32
    %dma_wait3A_235 = tpu.memref_slice %arg4[%dma_wait3A_234] : memref<320000xi32, #tpu.memory_space<hbm>> -> memref<40xi32, #tpu.memory_space<hbm>>
    %dma_wait3A_236 = arith.constant 0 : i32
    %dma_wait3A_237 = tpu.memref_slice %arg4[%dma_wait3A_236] : memref<320000xi32, #tpu.memory_space<hbm>> -> memref<40xi32, #tpu.memory_space<hbm>>
    tpu.wait_dma2 semaphore(%arg45 : memref<!tpu.dma_semaphore, #tpu.memory_space<semaphore_mem>>) src(%dma_wait3A_237 : memref<40xi32, #tpu.memory_space<hbm>>) dst(%arg27 : memref<40xi32, #tpu.memory_space<vmem>>)
    %dma_start3A_238 = arith.constant 0 : i32
    %dma_start3A_239 = arith.constant 0 : i32
    %dma_start3A_240 = tpu.memref_slice %arg37[%dma_start3A_238, %dma_start3A_239] : memref<10000x16xf32, #tpu.memory_space<vmem_shared>> -> memref<10000x16xf32, #tpu.memory_space<vmem_shared>>
    tpu.enqueue_indirect_dma source(%arg36 : memref<40x16xf32, #tpu.memory_space<vmem>>) target(%dma_start3A_240 : memref<10000x16xf32, #tpu.memory_space<vmem_shared>>) offsets(%arg27 : memref<40xi32, #tpu.memory_space<vmem>>) semaphore(%arg55 : memref<!tpu.dma_semaphore, #tpu.memory_space<semaphore_mem>>) {add = true}
    %dma_start3A_241 = arith.constant 0 : i32
    %dma_start3A_242 = arith.constant 0 : i32
    %dma_start3A_243 = tpu.memref_slice %arg2[%dma_start3A_241, %dma_start3A_242] : memref<10000x128xf32, #tpu.memory_space<hbm>> -> memref<10000x128xf32, #tpu.memory_space<hbm>>
    tpu.enqueue_indirect_dma source(%dma_start3A_243 : memref<10000x128xf32, #tpu.memory_space<hbm>>) target(%arg32 : memref<40x128xf32, #tpu.memory_space<vmem>>) offsets(%arg17 : memref<40xi32, #tpu.memory_space<vmem>>) semaphore(%arg50 : memref<!tpu.dma_semaphore, #tpu.memory_space<semaphore_mem>>)
    %dma_wait3A_244 = arith.constant 0 : i32
    %dma_wait3A_245 = arith.constant 0 : i32
    %dma_wait3A_246 = tpu.memref_slice %arg35[%dma_wait3A_244, %dma_wait3A_245] : memref<10000x128xf32, #tpu.memory_space<vmem_shared>> -> memref<10000x128xf32, #tpu.memory_space<vmem_shared>>
    tpu.wait_indirect_dma semaphore(%arg56 : memref<!tpu.dma_semaphore, #tpu.memory_space<semaphore_mem>>) src(%arg33 : memref<40x128xf32, #tpu.memory_space<vmem>>) dst(%dma_wait3A_246 : memref<10000x128xf32, #tpu.memory_space<vmem_shared>>)
    %dma_wait3A_247 = arith.constant 0 : i32
    %dma_wait3A_248 = arith.constant 0 : i32
    %dma_wait3A_249 = tpu.memref_slice %arg37[%dma_wait3A_247, %dma_wait3A_248] : memref<10000x16xf32, #tpu.memory_space<vmem_shared>> -> memref<10000x16xf32, #tpu.memory_space<vmem_shared>>
    tpu.wait_indirect_dma semaphore(%arg56 : memref<!tpu.dma_semaphore, #tpu.memory_space<semaphore_mem>>) src(%arg36 : memref<40x16xf32, #tpu.memory_space<vmem>>) dst(%dma_wait3A_249 : memref<10000x16xf32, #tpu.memory_space<vmem_shared>>)
    %dma_wait3A_250 = arith.constant 0 : i32
    %dma_wait3A_251 = tpu.memref_slice %arg3[%dma_wait3A_250] : memref<320000xi32, #tpu.memory_space<hbm>> -> memref<40xi32, #tpu.memory_space<hbm>>
    %dma_wait3A_252 = arith.constant 0 : i32
    %dma_wait3A_253 = tpu.memref_slice %arg3[%dma_wait3A_252] : memref<320000xi32, #tpu.memory_space<hbm>> -> memref<40xi32, #tpu.memory_space<hbm>>
    tpu.wait_dma2 semaphore(%arg46 : memref<!tpu.dma_semaphore, #tpu.memory_space<semaphore_mem>>) src(%dma_wait3A_253 : memref<40xi32, #tpu.memory_space<hbm>>) dst(%arg18 : memref<40xi32, #tpu.memory_space<vmem>>)
    %dma_wait3A_254 = arith.constant 0 : i32
    %dma_wait3A_255 = tpu.memref_slice %arg4[%dma_wait3A_254] : memref<320000xi32, #tpu.memory_space<hbm>> -> memref<40xi32, #tpu.memory_space<hbm>>
    %dma_wait3A_256 = arith.constant 0 : i32
    %dma_wait3A_257 = tpu.memref_slice %arg4[%dma_wait3A_256] : memref<320000xi32, #tpu.memory_space<hbm>> -> memref<40xi32, #tpu.memory_space<hbm>>
    tpu.wait_dma2 semaphore(%arg46 : memref<!tpu.dma_semaphore, #tpu.memory_space<semaphore_mem>>) src(%dma_wait3A_257 : memref<40xi32, #tpu.memory_space<hbm>>) dst(%arg28 : memref<40xi32, #tpu.memory_space<vmem>>)
    %dma_start3A_258 = arith.constant 0 : i32
    %dma_start3A_259 = arith.constant 0 : i32
    %dma_start3A_260 = tpu.memref_slice %arg37[%dma_start3A_258, %dma_start3A_259] : memref<10000x16xf32, #tpu.memory_space<vmem_shared>> -> memref<10000x16xf32, #tpu.memory_space<vmem_shared>>
    tpu.enqueue_indirect_dma source(%arg36 : memref<40x16xf32, #tpu.memory_space<vmem>>) target(%dma_start3A_260 : memref<10000x16xf32, #tpu.memory_space<vmem_shared>>) offsets(%arg28 : memref<40xi32, #tpu.memory_space<vmem>>) semaphore(%arg56 : memref<!tpu.dma_semaphore, #tpu.memory_space<semaphore_mem>>) {add = true}
    %dma_start3A_261 = arith.constant 0 : i32
    %dma_start3A_262 = arith.constant 0 : i32
    %dma_start3A_263 = tpu.memref_slice %arg2[%dma_start3A_261, %dma_start3A_262] : memref<10000x128xf32, #tpu.memory_space<hbm>> -> memref<10000x128xf32, #tpu.memory_space<hbm>>
    tpu.enqueue_indirect_dma source(%dma_start3A_263 : memref<10000x128xf32, #tpu.memory_space<hbm>>) target(%arg33 : memref<40x128xf32, #tpu.memory_space<vmem>>) offsets(%arg18 : memref<40xi32, #tpu.memory_space<vmem>>) semaphore(%arg51 : memref<!tpu.dma_semaphore, #tpu.memory_space<semaphore_mem>>)
    %dma_wait3A_264 = arith.constant 0 : i32
    %dma_wait3A_265 = arith.constant 0 : i32
    %dma_wait3A_266 = tpu.memref_slice %arg35[%dma_wait3A_264, %dma_wait3A_265] : memref<10000x128xf32, #tpu.memory_space<vmem_shared>> -> memref<10000x128xf32, #tpu.memory_space<vmem_shared>>
    tpu.wait_indirect_dma semaphore(%arg57 : memref<!tpu.dma_semaphore, #tpu.memory_space<semaphore_mem>>) src(%arg34 : memref<40x128xf32, #tpu.memory_space<vmem>>) dst(%dma_wait3A_266 : memref<10000x128xf32, #tpu.memory_space<vmem_shared>>)
    %dma_wait3A_267 = arith.constant 0 : i32
    %dma_wait3A_268 = arith.constant 0 : i32
    %dma_wait3A_269 = tpu.memref_slice %arg37[%dma_wait3A_267, %dma_wait3A_268] : memref<10000x16xf32, #tpu.memory_space<vmem_shared>> -> memref<10000x16xf32, #tpu.memory_space<vmem_shared>>
    tpu.wait_indirect_dma semaphore(%arg57 : memref<!tpu.dma_semaphore, #tpu.memory_space<semaphore_mem>>) src(%arg36 : memref<40x16xf32, #tpu.memory_space<vmem>>) dst(%dma_wait3A_269 : memref<10000x16xf32, #tpu.memory_space<vmem_shared>>)
    %dma_wait3A_270 = arith.constant 0 : i32
    %dma_wait3A_271 = tpu.memref_slice %arg3[%dma_wait3A_270] : memref<320000xi32, #tpu.memory_space<hbm>> -> memref<40xi32, #tpu.memory_space<hbm>>
    %dma_wait3A_272 = arith.constant 0 : i32
    %dma_wait3A_273 = tpu.memref_slice %arg3[%dma_wait3A_272] : memref<320000xi32, #tpu.memory_space<hbm>> -> memref<40xi32, #tpu.memory_space<hbm>>
    tpu.wait_dma2 semaphore(%arg47 : memref<!tpu.dma_semaphore, #tpu.memory_space<semaphore_mem>>) src(%dma_wait3A_273 : memref<40xi32, #tpu.memory_space<hbm>>) dst(%arg19 : memref<40xi32, #tpu.memory_space<vmem>>)
    %dma_wait3A_274 = arith.constant 0 : i32
    %dma_wait3A_275 = tpu.memref_slice %arg4[%dma_wait3A_274] : memref<320000xi32, #tpu.memory_space<hbm>> -> memref<40xi32, #tpu.memory_space<hbm>>
    %dma_wait3A_276 = arith.constant 0 : i32
    %dma_wait3A_277 = tpu.memref_slice %arg4[%dma_wait3A_276] : memref<320000xi32, #tpu.memory_space<hbm>> -> memref<40xi32, #tpu.memory_space<hbm>>
    tpu.wait_dma2 semaphore(%arg47 : memref<!tpu.dma_semaphore, #tpu.memory_space<semaphore_mem>>) src(%dma_wait3A_277 : memref<40xi32, #tpu.memory_space<hbm>>) dst(%arg29 : memref<40xi32, #tpu.memory_space<vmem>>)
    %dma_start3A_278 = arith.constant 0 : i32
    %dma_start3A_279 = arith.constant 0 : i32
    %dma_start3A_280 = tpu.memref_slice %arg37[%dma_start3A_278, %dma_start3A_279] : memref<10000x16xf32, #tpu.memory_space<vmem_shared>> -> memref<10000x16xf32, #tpu.memory_space<vmem_shared>>
    tpu.enqueue_indirect_dma source(%arg36 : memref<40x16xf32, #tpu.memory_space<vmem>>) target(%dma_start3A_280 : memref<10000x16xf32, #tpu.memory_space<vmem_shared>>) offsets(%arg29 : memref<40xi32, #tpu.memory_space<vmem>>) semaphore(%arg57 : memref<!tpu.dma_semaphore, #tpu.memory_space<semaphore_mem>>) {add = true}
    %dma_start3A_281 = arith.constant 0 : i32
    %dma_start3A_282 = arith.constant 0 : i32
    %dma_start3A_283 = tpu.memref_slice %arg2[%dma_start3A_281, %dma_start3A_282] : memref<10000x128xf32, #tpu.memory_space<hbm>> -> memref<10000x128xf32, #tpu.memory_space<hbm>>
    tpu.enqueue_indirect_dma source(%dma_start3A_283 : memref<10000x128xf32, #tpu.memory_space<hbm>>) target(%arg34 : memref<40x128xf32, #tpu.memory_space<vmem>>) offsets(%arg19 : memref<40xi32, #tpu.memory_space<vmem>>) semaphore(%arg52 : memref<!tpu.dma_semaphore, #tpu.memory_space<semaphore_mem>>)
    %dma_wait3A_284 = arith.constant 0 : i32
    %dma_wait3A_285 = arith.constant 0 : i32
    %dma_wait3A_286 = tpu.memref_slice %arg2[%dma_wait3A_284, %dma_wait3A_285] : memref<10000x128xf32, #tpu.memory_space<hbm>> -> memref<10000x128xf32, #tpu.memory_space<hbm>>
    tpu.wait_indirect_dma semaphore(%arg48 : memref<!tpu.dma_semaphore, #tpu.memory_space<semaphore_mem>>) src(%dma_wait3A_286 : memref<10000x128xf32, #tpu.memory_space<hbm>>) dst(%arg30 : memref<40x128xf32, #tpu.memory_space<vmem>>)
    %dma_start3A_287 = arith.constant 0 : i32
    %dma_start3A_288 = arith.constant 0 : i32
    %dma_start3A_289 = tpu.memref_slice %arg35[%dma_start3A_287, %dma_start3A_288] : memref<10000x128xf32, #tpu.memory_space<vmem_shared>> -> memref<10000x128xf32, #tpu.memory_space<vmem_shared>>
    tpu.enqueue_indirect_dma source(%arg30 : memref<40x128xf32, #tpu.memory_space<vmem>>) target(%dma_start3A_289 : memref<10000x128xf32, #tpu.memory_space<vmem_shared>>) offsets(%arg25 : memref<40xi32, #tpu.memory_space<vmem>>) semaphore(%arg53 : memref<!tpu.dma_semaphore, #tpu.memory_space<semaphore_mem>>) {add = true}
    %dma_wait3A_290 = arith.constant 0 : i32
    %dma_wait3A_291 = arith.constant 0 : i32
    %dma_wait3A_292 = tpu.memref_slice %arg2[%dma_wait3A_290, %dma_wait3A_291] : memref<10000x128xf32, #tpu.memory_space<hbm>> -> memref<10000x128xf32, #tpu.memory_space<hbm>>
    tpu.wait_indirect_dma semaphore(%arg49 : memref<!tpu.dma_semaphore, #tpu.memory_space<semaphore_mem>>) src(%dma_wait3A_292 : memref<10000x128xf32, #tpu.memory_space<hbm>>) dst(%arg31 : memref<40x128xf32, #tpu.memory_space<vmem>>)
    %dma_start3A_293 = arith.constant 0 : i32
    %dma_start3A_294 = arith.constant 0 : i32
    %dma_start3A_295 = tpu.memref_slice %arg35[%dma_start3A_293, %dma_start3A_294] : memref<10000x128xf32, #tpu.memory_space<vmem_shared>> -> memref<10000x128xf32, #tpu.memory_space<vmem_shared>>
    tpu.enqueue_indirect_dma source(%arg31 : memref<40x128xf32, #tpu.memory_space<vmem>>) target(%dma_start3A_295 : memref<10000x128xf32, #tpu.memory_space<vmem_shared>>) offsets(%arg26 : memref<40xi32, #tpu.memory_space<vmem>>) semaphore(%arg54 : memref<!tpu.dma_semaphore, #tpu.memory_space<semaphore_mem>>) {add = true}
    %dma_wait3A_296 = arith.constant 0 : i32
    %dma_wait3A_297 = arith.constant 0 : i32
    %dma_wait3A_298 = tpu.memref_slice %arg2[%dma_wait3A_296, %dma_wait3A_297] : memref<10000x128xf32, #tpu.memory_space<hbm>> -> memref<10000x128xf32, #tpu.memory_space<hbm>>
    tpu.wait_indirect_dma semaphore(%arg50 : memref<!tpu.dma_semaphore, #tpu.memory_space<semaphore_mem>>) src(%dma_wait3A_298 : memref<10000x128xf32, #tpu.memory_space<hbm>>) dst(%arg32 : memref<40x128xf32, #tpu.memory_space<vmem>>)
    %dma_start3A_299 = arith.constant 0 : i32
    %dma_start3A_300 = arith.constant 0 : i32
    %dma_start3A_301 = tpu.memref_slice %arg35[%dma_start3A_299, %dma_start3A_300] : memref<10000x128xf32, #tpu.memory_space<vmem_shared>> -> memref<10000x128xf32, #tpu.memory_space<vmem_shared>>
    tpu.enqueue_indirect_dma source(%arg32 : memref<40x128xf32, #tpu.memory_space<vmem>>) target(%dma_start3A_301 : memref<10000x128xf32, #tpu.memory_space<vmem_shared>>) offsets(%arg27 : memref<40xi32, #tpu.memory_space<vmem>>) semaphore(%arg55 : memref<!tpu.dma_semaphore, #tpu.memory_space<semaphore_mem>>) {add = true}
    %dma_wait3A_302 = arith.constant 0 : i32
    %dma_wait3A_303 = arith.constant 0 : i32
    %dma_wait3A_304 = tpu.memref_slice %arg2[%dma_wait3A_302, %dma_wait3A_303] : memref<10000x128xf32, #tpu.memory_space<hbm>> -> memref<10000x128xf32, #tpu.memory_space<hbm>>
    tpu.wait_indirect_dma semaphore(%arg51 : memref<!tpu.dma_semaphore, #tpu.memory_space<semaphore_mem>>) src(%dma_wait3A_304 : memref<10000x128xf32, #tpu.memory_space<hbm>>) dst(%arg33 : memref<40x128xf32, #tpu.memory_space<vmem>>)
    %dma_start3A_305 = arith.constant 0 : i32
    %dma_start3A_306 = arith.constant 0 : i32
    %dma_start3A_307 = tpu.memref_slice %arg35[%dma_start3A_305, %dma_start3A_306] : memref<10000x128xf32, #tpu.memory_space<vmem_shared>> -> memref<10000x128xf32, #tpu.memory_space<vmem_shared>>
    tpu.enqueue_indirect_dma source(%arg33 : memref<40x128xf32, #tpu.memory_space<vmem>>) target(%dma_start3A_307 : memref<10000x128xf32, #tpu.memory_space<vmem_shared>>) offsets(%arg28 : memref<40xi32, #tpu.memory_space<vmem>>) semaphore(%arg56 : memref<!tpu.dma_semaphore, #tpu.memory_space<semaphore_mem>>) {add = true}
    %dma_wait3A_308 = arith.constant 0 : i32
    %dma_wait3A_309 = arith.constant 0 : i32
    %dma_wait3A_310 = tpu.memref_slice %arg2[%dma_wait3A_308, %dma_wait3A_309] : memref<10000x128xf32, #tpu.memory_space<hbm>> -> memref<10000x128xf32, #tpu.memory_space<hbm>>
    tpu.wait_indirect_dma semaphore(%arg52 : memref<!tpu.dma_semaphore, #tpu.memory_space<semaphore_mem>>) src(%dma_wait3A_310 : memref<10000x128xf32, #tpu.memory_space<hbm>>) dst(%arg34 : memref<40x128xf32, #tpu.memory_space<vmem>>)
    %dma_start3A_311 = arith.constant 0 : i32
    %dma_start3A_312 = arith.constant 0 : i32
    %dma_start3A_313 = tpu.memref_slice %arg35[%dma_start3A_311, %dma_start3A_312] : memref<10000x128xf32, #tpu.memory_space<vmem_shared>> -> memref<10000x128xf32, #tpu.memory_space<vmem_shared>>
    tpu.enqueue_indirect_dma source(%arg34 : memref<40x128xf32, #tpu.memory_space<vmem>>) target(%dma_start3A_313 : memref<10000x128xf32, #tpu.memory_space<vmem_shared>>) offsets(%arg29 : memref<40xi32, #tpu.memory_space<vmem>>) semaphore(%arg57 : memref<!tpu.dma_semaphore, #tpu.memory_space<semaphore_mem>>) {add = true}
    %dma_wait3A_314 = arith.constant 0 : i32
    %dma_wait3A_315 = arith.constant 0 : i32
    %dma_wait3A_316 = tpu.memref_slice %arg35[%dma_wait3A_314, %dma_wait3A_315] : memref<10000x128xf32, #tpu.memory_space<vmem_shared>> -> memref<10000x128xf32, #tpu.memory_space<vmem_shared>>
    tpu.wait_indirect_dma semaphore(%arg53 : memref<!tpu.dma_semaphore, #tpu.memory_space<semaphore_mem>>) src(%arg30 : memref<40x128xf32, #tpu.memory_space<vmem>>) dst(%dma_wait3A_316 : memref<10000x128xf32, #tpu.memory_space<vmem_shared>>)
    %dma_wait3A_317 = arith.constant 0 : i32
    %dma_wait3A_318 = arith.constant 0 : i32
    %dma_wait3A_319 = tpu.memref_slice %arg37[%dma_wait3A_317, %dma_wait3A_318] : memref<10000x16xf32, #tpu.memory_space<vmem_shared>> -> memref<10000x16xf32, #tpu.memory_space<vmem_shared>>
    tpu.wait_indirect_dma semaphore(%arg53 : memref<!tpu.dma_semaphore, #tpu.memory_space<semaphore_mem>>) src(%arg36 : memref<40x16xf32, #tpu.memory_space<vmem>>) dst(%dma_wait3A_319 : memref<10000x16xf32, #tpu.memory_space<vmem_shared>>)
    %dma_wait3A_320 = arith.constant 0 : i32
    %dma_wait3A_321 = arith.constant 0 : i32
    %dma_wait3A_322 = tpu.memref_slice %arg35[%dma_wait3A_320, %dma_wait3A_321] : memref<10000x128xf32, #tpu.memory_space<vmem_shared>> -> memref<10000x128xf32, #tpu.memory_space<vmem_shared>>
    tpu.wait_indirect_dma semaphore(%arg54 : memref<!tpu.dma_semaphore, #tpu.memory_space<semaphore_mem>>) src(%arg31 : memref<40x128xf32, #tpu.memory_space<vmem>>) dst(%dma_wait3A_322 : memref<10000x128xf32, #tpu.memory_space<vmem_shared>>)
    %dma_wait3A_323 = arith.constant 0 : i32
    %dma_wait3A_324 = arith.constant 0 : i32
    %dma_wait3A_325 = tpu.memref_slice %arg37[%dma_wait3A_323, %dma_wait3A_324] : memref<10000x16xf32, #tpu.memory_space<vmem_shared>> -> memref<10000x16xf32, #tpu.memory_space<vmem_shared>>
    tpu.wait_indirect_dma semaphore(%arg54 : memref<!tpu.dma_semaphore, #tpu.memory_space<semaphore_mem>>) src(%arg36 : memref<40x16xf32, #tpu.memory_space<vmem>>) dst(%dma_wait3A_325 : memref<10000x16xf32, #tpu.memory_space<vmem_shared>>)
    %dma_wait3A_326 = arith.constant 0 : i32
    %dma_wait3A_327 = arith.constant 0 : i32
    %dma_wait3A_328 = tpu.memref_slice %arg35[%dma_wait3A_326, %dma_wait3A_327] : memref<10000x128xf32, #tpu.memory_space<vmem_shared>> -> memref<10000x128xf32, #tpu.memory_space<vmem_shared>>
    tpu.wait_indirect_dma semaphore(%arg55 : memref<!tpu.dma_semaphore, #tpu.memory_space<semaphore_mem>>) src(%arg32 : memref<40x128xf32, #tpu.memory_space<vmem>>) dst(%dma_wait3A_328 : memref<10000x128xf32, #tpu.memory_space<vmem_shared>>)
    %dma_wait3A_329 = arith.constant 0 : i32
    %dma_wait3A_330 = arith.constant 0 : i32
    %dma_wait3A_331 = tpu.memref_slice %arg37[%dma_wait3A_329, %dma_wait3A_330] : memref<10000x16xf32, #tpu.memory_space<vmem_shared>> -> memref<10000x16xf32, #tpu.memory_space<vmem_shared>>
    tpu.wait_indirect_dma semaphore(%arg55 : memref<!tpu.dma_semaphore, #tpu.memory_space<semaphore_mem>>) src(%arg36 : memref<40x16xf32, #tpu.memory_space<vmem>>) dst(%dma_wait3A_331 : memref<10000x16xf32, #tpu.memory_space<vmem_shared>>)
    %dma_wait3A_332 = arith.constant 0 : i32
    %dma_wait3A_333 = arith.constant 0 : i32
    %dma_wait3A_334 = tpu.memref_slice %arg35[%dma_wait3A_332, %dma_wait3A_333] : memref<10000x128xf32, #tpu.memory_space<vmem_shared>> -> memref<10000x128xf32, #tpu.memory_space<vmem_shared>>
    tpu.wait_indirect_dma semaphore(%arg56 : memref<!tpu.dma_semaphore, #tpu.memory_space<semaphore_mem>>) src(%arg33 : memref<40x128xf32, #tpu.memory_space<vmem>>) dst(%dma_wait3A_334 : memref<10000x128xf32, #tpu.memory_space<vmem_shared>>)
    %dma_wait3A_335 = arith.constant 0 : i32
    %dma_wait3A_336 = arith.constant 0 : i32
    %dma_wait3A_337 = tpu.memref_slice %arg37[%dma_wait3A_335, %dma_wait3A_336] : memref<10000x16xf32, #tpu.memory_space<vmem_shared>> -> memref<10000x16xf32, #tpu.memory_space<vmem_shared>>
    tpu.wait_indirect_dma semaphore(%arg56 : memref<!tpu.dma_semaphore, #tpu.memory_space<semaphore_mem>>) src(%arg36 : memref<40x16xf32, #tpu.memory_space<vmem>>) dst(%dma_wait3A_337 : memref<10000x16xf32, #tpu.memory_space<vmem_shared>>)
    %dma_wait3A_338 = arith.constant 0 : i32
    %dma_wait3A_339 = arith.constant 0 : i32
    %dma_wait3A_340 = tpu.memref_slice %arg35[%dma_wait3A_338, %dma_wait3A_339] : memref<10000x128xf32, #tpu.memory_space<vmem_shared>> -> memref<10000x128xf32, #tpu.memory_space<vmem_shared>>
    tpu.wait_indirect_dma semaphore(%arg57 : memref<!tpu.dma_semaphore, #tpu.memory_space<semaphore_mem>>) src(%arg34 : memref<40x128xf32, #tpu.memory_space<vmem>>) dst(%dma_wait3A_340 : memref<10000x128xf32, #tpu.memory_space<vmem_shared>>)
    %dma_wait3A_341 = arith.constant 0 : i32
    %dma_wait3A_342 = arith.constant 0 : i32
    %dma_wait3A_343 = tpu.memref_slice %arg37[%dma_wait3A_341, %dma_wait3A_342] : memref<10000x16xf32, #tpu.memory_space<vmem_shared>> -> memref<10000x16xf32, #tpu.memory_space<vmem_shared>>
    tpu.wait_indirect_dma semaphore(%arg57 : memref<!tpu.dma_semaphore, #tpu.memory_space<semaphore_mem>>) src(%arg36 : memref<40x16xf32, #tpu.memory_space<vmem>>) dst(%dma_wait3A_343 : memref<10000x16xf32, #tpu.memory_space<vmem_shared>>)
    %barrier3A_344 = arith.constant 0 : index
    tpu.barrier barrier_id(%barrier3A_344)
    %lt3A_345 = arith.constant 15 : i32
    %lt3A_346 = arith.cmpi slt, %arg1, %lt3A_345 : i32
    %convert_element_type3A_347 = arith.extui %lt3A_346 : i1 to i32
    %cond3A_348 = arith.constant 0 : i32
    %cond3A_349 = arith.cmpi ne, %convert_element_type3A_347, %cond3A_348 : i32
    scf.if %cond3A_349 {
      %mul3A_355 = arith.constant 10000 : i32
      %mul3A_356 = arith.muli %arg0, %mul3A_355 : i32
      %add3A_357 = arith.addi %mul3A_356, %multiple_of3A : i32
      %multiple_of3A_358 = tpu.assume_multiple %add3A_357, 8 : i32
      "tpu.region"() ({
        %run_scoped3A = tpu.sem_alloc : memref<!tpu.dma_semaphore, #tpu.memory_space<semaphore_mem>>
        %dma_start3A_359 = arith.constant 0 : i32
        %dma_start3A_360 = tpu.memref_slice %arg8[%multiple_of3A_358, %dma_start3A_359] : memref<20000x128xf32, #tpu.memory_space<hbm>> -> memref<624x128xf32, #tpu.memory_space<hbm>>
        %dma_start3A_361 = arith.constant 0 : i32
        %dma_start3A_362 = tpu.memref_slice %arg35[%multiple_of3A, %dma_start3A_361] : memref<10000x128xf32, #tpu.memory_space<vmem_shared>> -> memref<624x128xf32, #tpu.memory_space<vmem_shared>>
        tpu.enqueue_dma source(%dma_start3A_362 : memref<624x128xf32, #tpu.memory_space<vmem_shared>>) target(%dma_start3A_360 : memref<624x128xf32, #tpu.memory_space<hbm>>) target_semaphore(%run_scoped3A : memref<!tpu.dma_semaphore, #tpu.memory_space<semaphore_mem>>)
        %dma_wait3A_363 = arith.constant 0 : i32
        %dma_wait3A_364 = tpu.memref_slice %arg8[%multiple_of3A_358, %dma_wait3A_363] : memref<20000x128xf32, #tpu.memory_space<hbm>> -> memref<624x128xf32, #tpu.memory_space<hbm>>
        %dma_wait3A_365 = arith.constant 0 : i32
        %dma_wait3A_366 = tpu.memref_slice %arg35[%multiple_of3A, %dma_wait3A_365] : memref<10000x128xf32, #tpu.memory_space<vmem_shared>> -> memref<624x128xf32, #tpu.memory_space<vmem_shared>>
        tpu.wait_dma2 semaphore(%run_scoped3A : memref<!tpu.dma_semaphore, #tpu.memory_space<semaphore_mem>>) src(%dma_wait3A_366 : memref<624x128xf32, #tpu.memory_space<vmem_shared>>) dst(%dma_wait3A_364 : memref<624x128xf32, #tpu.memory_space<hbm>>)
        tpu.yield
      }) : () -> ()
      "tpu.region"() ({
        %run_scoped3A = tpu.sem_alloc : memref<!tpu.dma_semaphore, #tpu.memory_space<semaphore_mem>>
        %dma_start3A_359 = arith.constant 0 : i32
        %dma_start3A_360 = tpu.memref_slice %arg9[%multiple_of3A_358, %dma_start3A_359] : memref<20000x16xf32, #tpu.memory_space<hbm>> -> memref<624x16xf32, #tpu.memory_space<hbm>>
        %dma_start3A_361 = arith.constant 0 : i32
        %dma_start3A_362 = tpu.memref_slice %arg37[%multiple_of3A, %dma_start3A_361] : memref<10000x16xf32, #tpu.memory_space<vmem_shared>> -> memref<624x16xf32, #tpu.memory_space<vmem_shared>>
        tpu.enqueue_dma source(%dma_start3A_362 : memref<624x16xf32, #tpu.memory_space<vmem_shared>>) target(%dma_start3A_360 : memref<624x16xf32, #tpu.memory_space<hbm>>) target_semaphore(%run_scoped3A : memref<!tpu.dma_semaphore, #tpu.memory_space<semaphore_mem>>)
        %dma_wait3A_363 = arith.constant 0 : i32
        %dma_wait3A_364 = tpu.memref_slice %arg9[%multiple_of3A_358, %dma_wait3A_363] : memref<20000x16xf32, #tpu.memory_space<hbm>> -> memref<624x16xf32, #tpu.memory_space<hbm>>
        %dma_wait3A_365 = arith.constant 0 : i32
        %dma_wait3A_366 = tpu.memref_slice %arg37[%multiple_of3A, %dma_wait3A_365] : memref<10000x16xf32, #tpu.memory_space<vmem_shared>> -> memref<624x16xf32, #tpu.memory_space<vmem_shared>>
        tpu.wait_dma2 semaphore(%run_scoped3A : memref<!tpu.dma_semaphore, #tpu.memory_space<semaphore_mem>>) src(%dma_wait3A_366 : memref<624x16xf32, #tpu.memory_space<vmem_shared>>) dst(%dma_wait3A_364 : memref<624x16xf32, #tpu.memory_space<hbm>>)
        tpu.yield
      }) : () -> ()
    } else {
    }
    %eq3A_350 = arith.constant 15 : i32
    %eq3A_351 = arith.cmpi eq, %arg1, %eq3A_350 : i32
    %convert_element_type3A_352 = arith.extui %eq3A_351 : i1 to i32
    %cond3A_353 = arith.constant 0 : i32
    %cond3A_354 = arith.cmpi ne, %convert_element_type3A_352, %cond3A_353 : i32
    scf.if %cond3A_354 {
      %mul3A_355 = arith.constant 10000 : i32
      %mul3A_356 = arith.muli %arg0, %mul3A_355 : i32
      %add3A_357 = arith.constant 9360 : i32
      %add3A_358 = arith.addi %mul3A_356, %add3A_357 : i32
      %multiple_of3A_359 = tpu.assume_multiple %add3A_358, 8 : i32
      "tpu.region"() ({
        %run_scoped3A = tpu.sem_alloc : memref<!tpu.dma_semaphore, #tpu.memory_space<semaphore_mem>>
        %dma_start3A_360 = arith.constant 0 : i32
        %dma_start3A_361 = tpu.memref_slice %arg8[%multiple_of3A_359, %dma_start3A_360] : memref<20000x128xf32, #tpu.memory_space<hbm>> -> memref<640x128xf32, #tpu.memory_space<hbm>>
        %dma_start3A_362 = arith.constant 9360 : i32
        %dma_start3A_363 = arith.constant 0 : i32
        %dma_start3A_364 = tpu.memref_slice %arg35[%dma_start3A_362, %dma_start3A_363] : memref<10000x128xf32, #tpu.memory_space<vmem_shared>> -> memref<640x128xf32, #tpu.memory_space<vmem_shared>>
        tpu.enqueue_dma source(%dma_start3A_364 : memref<640x128xf32, #tpu.memory_space<vmem_shared>>) target(%dma_start3A_361 : memref<640x128xf32, #tpu.memory_space<hbm>>) target_semaphore(%run_scoped3A : memref<!tpu.dma_semaphore, #tpu.memory_space<semaphore_mem>>)
        %dma_wait3A_365 = arith.constant 0 : i32
        %dma_wait3A_366 = tpu.memref_slice %arg8[%multiple_of3A_359, %dma_wait3A_365] : memref<20000x128xf32, #tpu.memory_space<hbm>> -> memref<640x128xf32, #tpu.memory_space<hbm>>
        %dma_wait3A_367 = arith.constant 9360 : i32
        %dma_wait3A_368 = arith.constant 0 : i32
        %dma_wait3A_369 = tpu.memref_slice %arg35[%dma_wait3A_367, %dma_wait3A_368] : memref<10000x128xf32, #tpu.memory_space<vmem_shared>> -> memref<640x128xf32, #tpu.memory_space<vmem_shared>>
        tpu.wait_dma2 semaphore(%run_scoped3A : memref<!tpu.dma_semaphore, #tpu.memory_space<semaphore_mem>>) src(%dma_wait3A_369 : memref<640x128xf32, #tpu.memory_space<vmem_shared>>) dst(%dma_wait3A_366 : memref<640x128xf32, #tpu.memory_space<hbm>>)
        tpu.yield
      }) : () -> ()
      "tpu.region"() ({
        %run_scoped3A = tpu.sem_alloc : memref<!tpu.dma_semaphore, #tpu.memory_space<semaphore_mem>>
        %dma_start3A_360 = arith.constant 0 : i32
        %dma_start3A_361 = tpu.memref_slice %arg9[%multiple_of3A_359, %dma_start3A_360] : memref<20000x16xf32, #tpu.memory_space<hbm>> -> memref<640x16xf32, #tpu.memory_space<hbm>>
        %dma_start3A_362 = arith.constant 9360 : i32
        %dma_start3A_363 = arith.constant 0 : i32
        %dma_start3A_364 = tpu.memref_slice %arg37[%dma_start3A_362, %dma_start3A_363] : memref<10000x16xf32, #tpu.memory_space<vmem_shared>> -> memref<640x16xf32, #tpu.memory_space<vmem_shared>>
        tpu.enqueue_dma source(%dma_start3A_364 : memref<640x16xf32, #tpu.memory_space<vmem_shared>>) target(%dma_start3A_361 : memref<640x16xf32, #tpu.memory_space<hbm>>) target_semaphore(%run_scoped3A : memref<!tpu.dma_semaphore, #tpu.memory_space<semaphore_mem>>)
        %dma_wait3A_365 = arith.constant 0 : i32
        %dma_wait3A_366 = tpu.memref_slice %arg9[%multiple_of3A_359, %dma_wait3A_365] : memref<20000x16xf32, #tpu.memory_space<hbm>> -> memref<640x16xf32, #tpu.memory_space<hbm>>
        %dma_wait3A_367 = arith.constant 9360 : i32
        %dma_wait3A_368 = arith.constant 0 : i32
        %dma_wait3A_369 = tpu.memref_slice %arg37[%dma_wait3A_367, %dma_wait3A_368] : memref<10000x16xf32, #tpu.memory_space<vmem_shared>> -> memref<640x16xf32, #tpu.memory_space<vmem_shared>>
        tpu.wait_dma2 semaphore(%run_scoped3A : memref<!tpu.dma_semaphore, #tpu.memory_space<semaphore_mem>>) src(%dma_wait3A_369 : memref<640x16xf32, #tpu.memory_space<vmem_shared>>) dst(%dma_wait3A_366 : memref<640x16xf32, #tpu.memory_space<hbm>>)
        tpu.yield
      }) : () -> ()
    } else {
    }
    return
  }
}

module attributes {stable_mosaic.version = 14 : i64} {
  func.func @_tc_body(%arg0: i32, %arg1: memref<1000x128xf32, #tpu.memory_space<vmem>>, %arg2: memref<2x1000x128xf32, #tpu.memory_space<vmem>>, %arg3: memref<2x1000x16xf32, #tpu.memory_space<vmem>>, %arg4: memref<256x128xf32, #tpu.memory_space<vmem>>, %arg5: memref<1x128xf32, #tpu.memory_space<vmem>>, %arg6: memref<1000x128xf32, #tpu.memory_space<vmem>>) attributes {dimension_semantics = [#tpu.dimension_semantics<arbitrary>], iteration_bounds = array<i64: 10>, scalar_prefetch = 0 : i64, scratch_operands = 0 : i64, tpu.core_type = #tpu.core_type<tc>, window_params = [{transform_indices = @transform_0, window_bounds = array<i64: 1000, 128>}, {transform_indices = @transform_1, window_bounds = array<i64: 2, 1000, 128>}, {transform_indices = @transform_2, window_bounds = array<i64: 2, 1000, 16>}, {pipeline_mode = #tpu.pipeline_mode<synchronous>, transform_indices = @transform_3, window_bounds = array<i64: 256, 128>}, {pipeline_mode = #tpu.pipeline_mode<synchronous>, transform_indices = @transform_4, window_bounds = array<i64: 1, 128>}, {transform_indices = @transform_5, window_bounds = array<i64: 1000, 128>}]} {
    %get3A = arith.constant 0 : index
    %get3A_0 = arith.constant 0 : index
    %get3A_1 = arith.constant 0 : index
    %get3A_2 = vector.load %arg3[%get3A, %get3A_0, %get3A_1] : memref<2x1000x16xf32, #tpu.memory_space<vmem>>, vector<1x1000x1xf32>
    %get3A_3 = vector.shape_cast %get3A_2 : vector<1x1000x1xf32> to vector<1000x1xf32>
    %get3A_4 = arith.constant 1 : index
    %get3A_5 = arith.constant 0 : index
    %get3A_6 = arith.constant 0 : index
    %get3A_7 = vector.load %arg3[%get3A_4, %get3A_5, %get3A_6] : memref<2x1000x16xf32, #tpu.memory_space<vmem>>, vector<1x1000x1xf32>
    %get3A_8 = vector.shape_cast %get3A_7 : vector<1x1000x1xf32> to vector<1000x1xf32>
    %add3A = arith.addf %get3A_3, %get3A_8 : vector<1000x1xf32>
    %max3A = arith.constant 1.000000e+00 : f32
    %max3A_9 = vector.broadcast %max3A : f32 to vector<1000x1xf32>
    %max3A_10 = arith.maximumf %add3A, %max3A_9 : vector<1000x1xf32>
    %div3A = arith.constant 1.000000e+00 : f32
    %div3A_11 = vector.broadcast %div3A : f32 to vector<1000x1xf32>
    %div3A_12 = arith.divf %div3A_11, %max3A_10 : vector<1000x1xf32>
    %get3A_13 = arith.constant 0 : index
    %get3A_14 = arith.constant 0 : index
    %get3A_15 = arith.constant 0 : index
    %get3A_16 = vector.load %arg2[%get3A_13, %get3A_14, %get3A_15] : memref<2x1000x128xf32, #tpu.memory_space<vmem>>, vector<1x1000x128xf32>
    %get3A_17 = vector.shape_cast %get3A_16 : vector<1x1000x128xf32> to vector<1000x128xf32>
    %get3A_18 = arith.constant 1 : index
    %get3A_19 = arith.constant 0 : index
    %get3A_20 = arith.constant 0 : index
    %get3A_21 = vector.load %arg2[%get3A_18, %get3A_19, %get3A_20] : memref<2x1000x128xf32, #tpu.memory_space<vmem>>, vector<1x1000x128xf32>
    %get3A_22 = vector.shape_cast %get3A_21 : vector<1x1000x128xf32> to vector<1000x128xf32>
    %add3A_23 = arith.addf %get3A_17, %get3A_22 : vector<1000x128xf32>
    %mul3A = vector.broadcast %div3A_12 : vector<1000x1xf32> to vector<1000x128xf32>
    %mul3A_24 = arith.mulf %add3A_23, %mul3A : vector<1000x128xf32>
    %get3A_25 = arith.constant 0 : index
    %get3A_26 = arith.constant 0 : index
    %get3A_27 = vector.load %arg1[%get3A_25, %get3A_26] : memref<1000x128xf32, #tpu.memory_space<vmem>>, vector<1000x128xf32>
    %get3A_28 = arith.constant 0 : index
    %get3A_29 = arith.constant 0 : index
    %get3A_30 = vector.load %arg4[%get3A_28, %get3A_29] : memref<256x128xf32, #tpu.memory_space<vmem>>, vector<128x128xf32>
    %dot_general3A = arith.constant dense<0.000000e+00> : vector<1000x128xf32>
    %dot_general3A_31 = tpu.matmul %get3A_27, %get3A_30, %dot_general3A {dimension_numbers = #tpu.dot_dimension_numbers<[1], [0], [0], [1], [0, 0, 1, 1], [], []>, transpose_lhs_hint = false} : vector<1000x128xf32>, vector<128x128xf32>, vector<1000x128xf32> -> vector<1000x128xf32>
    %get3A_32 = arith.constant 128 : index
    %get3A_33 = arith.constant 0 : index
    %get3A_34 = vector.load %arg4[%get3A_32, %get3A_33] : memref<256x128xf32, #tpu.memory_space<vmem>>, vector<128x128xf32>
    %dot_general3A_35 = arith.constant dense<0.000000e+00> : vector<1000x128xf32>
    %dot_general3A_36 = tpu.matmul %mul3A_24, %get3A_34, %dot_general3A_35 {dimension_numbers = #tpu.dot_dimension_numbers<[1], [0], [0], [1], [0, 0, 1, 1], [], []>, transpose_lhs_hint = false} : vector<1000x128xf32>, vector<128x128xf32>, vector<1000x128xf32> -> vector<1000x128xf32>
    %add3A_37 = arith.addf %dot_general3A_31, %dot_general3A_36 : vector<1000x128xf32>
    %get3A_38 = arith.constant 0 : index
    %get3A_39 = arith.constant 0 : index
    %get3A_40 = vector.load %arg5[%get3A_38, %get3A_39] : memref<1x128xf32, #tpu.memory_space<vmem>>, vector<1x128xf32>
    %add3A_41 = vector.broadcast %get3A_40 : vector<1x128xf32> to vector<1000x128xf32>
    %add3A_42 = arith.addf %add3A_37, %add3A_41 : vector<1000x128xf32>
    %max3A_43 = arith.constant 0.000000e+00 : f32
    %max3A_44 = vector.broadcast %max3A_43 : f32 to vector<1000x128xf32>
    %max3A_45 = arith.maximumf %add3A_42, %max3A_44 : vector<1000x128xf32>
    %swap3A = arith.constant 0 : index
    %swap3A_46 = arith.constant 0 : index
    %swap3A_47 = vector.load %arg6[%swap3A, %swap3A_46] : memref<1000x128xf32, #tpu.memory_space<vmem>>, vector<1000x128xf32>
    tpu.vector_store %arg6[%swap3A, %swap3A_46], %max3A_45 {strides = array<i32>} : memref<1000x128xf32, #tpu.memory_space<vmem>>, vector<1000x128xf32>,
    return
  }
  func.func @transform_0(%arg0: i32) -> (i32, i32) {
    %c0_i32 = arith.constant 0 : i32
    %c0_i32_0 = arith.constant 0 : i32
    return %arg0, %c0_i32 : i32, i32
  }
  func.func @transform_1(%arg0: i32) -> (i32, i32, i32) {
    %c0_i32 = arith.constant 0 : i32
    %c0_i32_0 = arith.constant 0 : i32
    %c0_i32_1 = arith.constant 0 : i32
    return %c0_i32, %arg0, %c0_i32_0 : i32, i32, i32
  }
  func.func @transform_2(%arg0: i32) -> (i32, i32, i32) {
    %c0_i32 = arith.constant 0 : i32
    %c0_i32_0 = arith.constant 0 : i32
    %c0_i32_1 = arith.constant 0 : i32
    return %c0_i32, %arg0, %c0_i32_0 : i32, i32, i32
  }
  func.func @transform_3(%arg0: i32) -> (i32, i32) {
    %c0_i32 = arith.constant 0 : i32
    %c0_i32_0 = arith.constant 0 : i32
    %c0_i32_1 = arith.constant 0 : i32
    return %c0_i32, %c0_i32_0 : i32, i32
  }
  func.func @transform_4(%arg0: i32) -> (i32, i32) {
    %c0_i32 = arith.constant 0 : i32
    %c0_i32_0 = arith.constant 0 : i32
    %c0_i32_1 = arith.constant 0 : i32
    return %c0_i32, %c0_i32_0 : i32, i32
  }
  func.func @transform_5(%arg0: i32) -> (i32, i32) {
    %c0_i32 = arith.constant 0 : i32
    %c0_i32_0 = arith.constant 0 : i32
    return %arg0, %c0_i32 : i32, i32
  }
}

module attributes {stable_mosaic.version = 14 : i64} {
  func.func @_tc_body(%arg0: i32, %arg1: memref<1000x128xf32, #tpu.memory_space<vmem>>, %arg2: memref<2x1000x128xf32, #tpu.memory_space<vmem>>, %arg3: memref<2x1000x16xf32, #tpu.memory_space<vmem>>, %arg4: memref<256x128xf32, #tpu.memory_space<vmem>>, %arg5: memref<1x128xf32, #tpu.memory_space<vmem>>, %arg6: memref<1000x128xf32, #tpu.memory_space<vmem>>) attributes {dimension_semantics = [#tpu.dimension_semantics<arbitrary>], iteration_bounds = array<i64: 10>, scalar_prefetch = 0 : i64, scratch_operands = 0 : i64, tpu.core_type = #tpu.core_type<tc>, window_params = [{transform_indices = @transform_0, window_bounds = array<i64: 1000, 128>}, {transform_indices = @transform_1, window_bounds = array<i64: 2, 1000, 128>}, {transform_indices = @transform_2, window_bounds = array<i64: 2, 1000, 16>}, {pipeline_mode = #tpu.pipeline_mode<synchronous>, transform_indices = @transform_3, window_bounds = array<i64: 256, 128>}, {pipeline_mode = #tpu.pipeline_mode<synchronous>, transform_indices = @transform_4, window_bounds = array<i64: 1, 128>}, {transform_indices = @transform_5, window_bounds = array<i64: 1000, 128>}]} {
    %get3A = arith.constant 0 : index
    %get3A_0 = arith.constant 0 : index
    %get3A_1 = arith.constant 0 : index
    %get3A_2 = vector.load %arg3[%get3A, %get3A_0, %get3A_1] : memref<2x1000x16xf32, #tpu.memory_space<vmem>>, vector<1x1000x1xf32>
    %get3A_3 = vector.shape_cast %get3A_2 : vector<1x1000x1xf32> to vector<1000x1xf32>
    %get3A_4 = arith.constant 1 : index
    %get3A_5 = arith.constant 0 : index
    %get3A_6 = arith.constant 0 : index
    %get3A_7 = vector.load %arg3[%get3A_4, %get3A_5, %get3A_6] : memref<2x1000x16xf32, #tpu.memory_space<vmem>>, vector<1x1000x1xf32>
    %get3A_8 = vector.shape_cast %get3A_7 : vector<1x1000x1xf32> to vector<1000x1xf32>
    %add3A = arith.addf %get3A_3, %get3A_8 : vector<1000x1xf32>
    %max3A = arith.constant 1.000000e+00 : f32
    %max3A_9 = vector.broadcast %max3A : f32 to vector<1000x1xf32>
    %max3A_10 = arith.maximumf %add3A, %max3A_9 : vector<1000x1xf32>
    %div3A = arith.constant 1.000000e+00 : f32
    %div3A_11 = vector.broadcast %div3A : f32 to vector<1000x1xf32>
    %div3A_12 = arith.divf %div3A_11, %max3A_10 : vector<1000x1xf32>
    %get3A_13 = arith.constant 0 : index
    %get3A_14 = arith.constant 0 : index
    %get3A_15 = arith.constant 0 : index
    %get3A_16 = vector.load %arg2[%get3A_13, %get3A_14, %get3A_15] : memref<2x1000x128xf32, #tpu.memory_space<vmem>>, vector<1x1000x128xf32>
    %get3A_17 = vector.shape_cast %get3A_16 : vector<1x1000x128xf32> to vector<1000x128xf32>
    %get3A_18 = arith.constant 1 : index
    %get3A_19 = arith.constant 0 : index
    %get3A_20 = arith.constant 0 : index
    %get3A_21 = vector.load %arg2[%get3A_18, %get3A_19, %get3A_20] : memref<2x1000x128xf32, #tpu.memory_space<vmem>>, vector<1x1000x128xf32>
    %get3A_22 = vector.shape_cast %get3A_21 : vector<1x1000x128xf32> to vector<1000x128xf32>
    %add3A_23 = arith.addf %get3A_17, %get3A_22 : vector<1000x128xf32>
    %mul3A = vector.broadcast %div3A_12 : vector<1000x1xf32> to vector<1000x128xf32>
    %mul3A_24 = arith.mulf %add3A_23, %mul3A : vector<1000x128xf32>
    %get3A_25 = arith.constant 0 : index
    %get3A_26 = arith.constant 0 : index
    %get3A_27 = vector.load %arg1[%get3A_25, %get3A_26] : memref<1000x128xf32, #tpu.memory_space<vmem>>, vector<1000x128xf32>
    %get3A_28 = arith.constant 0 : index
    %get3A_29 = arith.constant 0 : index
    %get3A_30 = vector.load %arg4[%get3A_28, %get3A_29] : memref<256x128xf32, #tpu.memory_space<vmem>>, vector<128x128xf32>
    %dot_general3A = arith.constant dense<0.000000e+00> : vector<1000x128xf32>
    %dot_general3A_31 = tpu.matmul %get3A_27, %get3A_30, %dot_general3A {dimension_numbers = #tpu.dot_dimension_numbers<[1], [0], [0], [1], [0, 0, 1, 1], [], []>, transpose_lhs_hint = false} : vector<1000x128xf32>, vector<128x128xf32>, vector<1000x128xf32> -> vector<1000x128xf32>
    %get3A_32 = arith.constant 128 : index
    %get3A_33 = arith.constant 0 : index
    %get3A_34 = vector.load %arg4[%get3A_32, %get3A_33] : memref<256x128xf32, #tpu.memory_space<vmem>>, vector<128x128xf32>
    %dot_general3A_35 = arith.constant dense<0.000000e+00> : vector<1000x128xf32>
    %dot_general3A_36 = tpu.matmul %mul3A_24, %get3A_34, %dot_general3A_35 {dimension_numbers = #tpu.dot_dimension_numbers<[1], [0], [0], [1], [0, 0, 1, 1], [], []>, transpose_lhs_hint = false} : vector<1000x128xf32>, vector<128x128xf32>, vector<1000x128xf32> -> vector<1000x128xf32>
    %add3A_37 = arith.addf %dot_general3A_31, %dot_general3A_36 : vector<1000x128xf32>
    %get3A_38 = arith.constant 0 : index
    %get3A_39 = arith.constant 0 : index
    %get3A_40 = vector.load %arg5[%get3A_38, %get3A_39] : memref<1x128xf32, #tpu.memory_space<vmem>>, vector<1x128xf32>
    %add3A_41 = vector.broadcast %get3A_40 : vector<1x128xf32> to vector<1000x128xf32>
    %add3A_42 = arith.addf %add3A_37, %add3A_41 : vector<1000x128xf32>
    %swap3A = arith.constant 0 : index
    %swap3A_43 = arith.constant 0 : index
    %swap3A_44 = vector.load %arg6[%swap3A, %swap3A_43] : memref<1000x128xf32, #tpu.memory_space<vmem>>, vector<1000x128xf32>
    tpu.vector_store %arg6[%swap3A, %swap3A_43], %add3A_42 {strides = array<i32>} : memref<1000x128xf32, #tpu.memory_space<vmem>>, vector<1000x128xf32>,
    return
  }
  func.func @transform_0(%arg0: i32) -> (i32, i32) {
    %c0_i32 = arith.constant 0 : i32
    %c0_i32_0 = arith.constant 0 : i32
    return %arg0, %c0_i32 : i32, i32
  }
  func.func @transform_1(%arg0: i32) -> (i32, i32, i32) {
    %c0_i32 = arith.constant 0 : i32
    %c0_i32_0 = arith.constant 0 : i32
    %c0_i32_1 = arith.constant 0 : i32
    return %c0_i32, %arg0, %c0_i32_0 : i32, i32, i32
  }
  func.func @transform_2(%arg0: i32) -> (i32, i32, i32) {
    %c0_i32 = arith.constant 0 : i32
    %c0_i32_0 = arith.constant 0 : i32
    %c0_i32_1 = arith.constant 0 : i32
    return %c0_i32, %arg0, %c0_i32_0 : i32, i32, i32
  }
  func.func @transform_3(%arg0: i32) -> (i32, i32) {
    %c0_i32 = arith.constant 0 : i32
    %c0_i32_0 = arith.constant 0 : i32
    %c0_i32_1 = arith.constant 0 : i32
    return %c0_i32, %c0_i32_0 : i32, i32
  }
  func.func @transform_4(%arg0: i32) -> (i32, i32) {
    %c0_i32 = arith.constant 0 : i32
    %c0_i32_0 = arith.constant 0 : i32
    %c0_i32_1 = arith.constant 0 : i32
    return %c0_i32, %c0_i32_0 : i32, i32
  }
  func.func @transform_5(%arg0: i32) -> (i32, i32) {
    %c0_i32 = arith.constant 0 : i32
    %c0_i32_0 = arith.constant 0 : i32
    return %arg0, %c0_i32 : i32, i32
  }
}

</mosaic_0001>

<sc_bundles>
// kernel: kernel.6.cloned.1.call-start
scs
__scs_entry_jumppad:
0x0: {  	(pc) =	sbr.rel $0x88, $3  }
0x1: {  	(tag) =	ssettag $0x0;
	lr =	simm.s32 $0x1  }
0x2: {  	[smem:$0x3F9B] =	sst lr;
	_ =	strace $0xD0000000  }
0x3: {  	_ = 	snop  }
0x4: {  	_ = 	snop  }
0x5: {  	_ = 	snop  }
0x6: {  	_ = 	snop  }
0x7: {  	_ = 	snop  }
__scs_overlays_trampoline_lowered:
0x8: {  	[smem:$0x3FAA] =	sst s0  }
0x9: {  	[smem:$0x3FAB] =	sst s1  }
0xa: {  	[smem:$0x3FAC] =	sst s2  }
0xb: {  	[smem:$0x3FAD] =	sst s3  }
0xc: {  	[smem:$0x3FAE] =	sst s4  }
0xd: {  	[smem:$0x3FAF] =	sst s5  }
0xe: {  	[smem:$0x3FB0] =	sst s6  }
0xf: {  	[smem:$0x3FB1] =	sst s7  }
0x10: {  	[smem:$0x3FB2] =	sst s8  }
0x11: {  	[smem:$0x3FB3] =	sst s9;
	s0 =	simm.s32 @!p0 $0x0  }
0x12: {  	s1 =	sld [smem:$0x3F99];
	s0 =	simm.s32 @p0 $0x1  }
0x13: {  	[smem:$0x3FB4] =	sst s0;
	s0 =	simm.s32 @!p1 $0x0  }
0x14: {  	s2 =	sld [smem:$0x3F98];
	s0 =	simm.s32 @p1 $0x1  }
0x15: {  	[smem:$0x3FB5] =	sst s0;
	s0 =	simm.s32 @!p2 $0x0  }
0x16: {  	s3 =	sld [smem:$0x3FDB];
	s0 =	simm.s32 @p2 $0x1  }
0x17: {  	s4 =	simm.s32 $0x1BF5;
	[smem:$0x3FB7] =	sst s0  }
0x18: {  	s0 =	sld [smem:$0x3F9A];
	_ =	swait.ge [sflag:s4], $0x0  }
0x19: {  	s7 =	sld [smem:$0x3F9B]  }
0x1a: {  	s8 =	sadd.s32 $0xFFFFE003, lr  }
0x1b: {  	s9 =	sadd.s32 $0xFFFFFEF7, lr;
	s5 =	simm.s32 $0xFFFFFFFF;
	p2 =	slt.u32 s8, $0xFFFFF086  }
0x1c: {  	p1 =	slt.u32 s9, $0xF7A;
	s5 =	simm.s32 @!p2 $0x0  }
0x1d: {  	s5 =	simm.s32 @p1 $0x1;
	p0 =	seq.s32 s7, s2  }
0x1e: {  	s7 =	smul.u32 @!p0 $0xF7A, s2;
	p2 =	seq.s32 @!p0 s5, $0x0  }
0x1f: {  	s9 =	smul.u32 $0xF7A, s1;
	s8 =	simm.s32 @!p0 $0x1BF5;
	p2 =	por !p2, p0  }
0x20: {  	[sflag:s8] =	ssyncset.s32 @!p0 $0xFFFFF086;
	s6 =	sadd.s32 @!p0 s3, s7;
	s7 =	simm.s32 @!p0 $0x108  }
0x21: {  	s3 =	sadd.s32 s3, s9;
	s6 =	sadd.s32 @!p0 $0x88, s6;
	s7 =	simm.s32 @p2 $0x1082  }
0x22: {  	[simem:s7], [sflag:s8] =	dma.local @!p0 [hbm:s6], $0xF7A  }
0x23: {  	s9 =	sor.u32 $0xD0000000, s2;
	s6 =	simm.s32 $0x108;
	_ =	swait.ge @!p0 [sflag:s8], $0x0  }
0x24: {  	s3 =	sadd.s32 $0x88, s3;
	s6 =	simm.s32 @!p1 $0x1082;
	[sflag:s4] =	ssyncset.s32 $0xFFFFF086  }
0x25: {  	[simem:s6], [sflag:s4] =	dma.local [hbm:s3], $0xF7A  }
0x26: {  	[smem:$0x3F9B] =	sst s1;
	(tag) =	ssettag s2;
	_ =	strace s9  }
0x27: {  	s1 =	sld [smem:$0x3FAB]  }
0x28: {  	s2 =	sld [smem:$0x3FAC]  }
0x29: {  	s4 =	sld [smem:$0x3FAE]  }
0x2a: {  	p0 =	seq.s32 s5, $0x0;
	s5 =	sld [smem:$0x3FAF]  }
0x2b: {  	s6 =	sld [smem:$0x3FB0]  }
0x2c: {  	s7 =	sld [smem:$0x3FB1]  }
0x2d: {  	s3 =	simm.s32 $0x108;
	s8 =	sld [smem:$0x3FB2]  }
0x2e: {  	s3 =	simm.s32 @!p0 $0x1082;
	s9 =	sld [smem:$0x3FB3]  }
0x2f: {  	lr =	sadd.s32 s0, s3;
	s0 =	sld [smem:$0x3FAA]  }
0x30: {  	s3 =	sld [smem:$0x3FAD]  }
0x31: {  	[smem:$0x3FB6] =	sst s10  }
0x32: {  	s10 =	sld [smem:$0x3FB4];
	_ =	sdelay $0x3  }
0x33: {  	p0 =	seq.s32 s10, $0x1;
	s10 =	sld [smem:$0x3FB6];
	_ =	sdelay $0x3  }
0x34: {  	[smem:$0x3FB6] =	sst s10  }
0x35: {  	s10 =	sld [smem:$0x3FB5];
	_ =	sdelay $0x3  }
0x36: {  	p1 =	seq.s32 s10, $0x1;
	s10 =	sld [smem:$0x3FB6];
	_ =	sdelay $0x3  }
0x37: {  	[smem:$0x3FB6] =	sst s10  }
0x38: {  	s10 =	sld [smem:$0x3FB7]  }
0x39: {  	_ = 	snop;
	(pc) =	sbr.ind lr, $3  }
0x3a: {  	_ = 	snop  }
0x3b: {  	_ = 	snop  }
0x3c: {  	p2 =	seq.s32 s10, $0x1;
	s10 =	sld [smem:$0x3FB6]  }
0x3d: {  	_ =	shalt  }
0x3e: {  	_ =	shalt  }
0x3f: {  	_ =	shalt  }
0x40: {  	_ =	shalt  }
0x41: {  	_ =	shalt  }
0x42: {  	_ =	shalt  }
0x43: {  	_ =	shalt  }
0x44: {  	_ =	shalt  }
0x45: {  	_ =	shalt  }
0x46: {  	_ =	shalt  }
0x47: {  	_ =	shalt  }
0x48: {  	_ =	shalt  }
0x49: {  	_ =	shalt  }
0x4a: {  	_ =	shalt  }
0x4b: {  	_ =	shalt  }
0x4c: {  	_ =	shalt  }
0x4d: {  	_ =	shalt  }
0x4e: {  	_ =	shalt  }
0x4f: {  	_ =	shalt  }
0x50: {  	_ =	shalt  }
0x51: {  	_ =	shalt  }
0x52: {  	_ =	shalt  }
0x53: {  	_ =	shalt  }
0x54: {  	_ =	shalt  }
0x55: {  	_ =	shalt  }
0x56: {  	_ =	shalt  }
0x57: {  	_ =	shalt  }
0x58: {  	_ =	shalt  }
0x59: {  	_ =	shalt  }
0x5a: {  	_ =	shalt  }
0x5b: {  	_ =	shalt  }
0x5c: {  	_ =	shalt  }
0x5d: {  	_ =	shalt  }
0x5e: {  	_ =	shalt  }
0x5f: {  	_ =	shalt  }
0x60: {  	_ =	shalt  }
0x61: {  	_ =	shalt  }
0x62: {  	_ =	shalt  }
0x63: {  	_ =	shalt  }
0x64: {  	_ =	shalt  }
0x65: {  	_ =	shalt  }
0x66: {  	_ =	shalt  }
0x67: {  	_ =	shalt  }
0x68: {  	_ =	shalt  }
0x69: {  	_ =	shalt  }
0x6a: {  	_ =	shalt  }
0x6b: {  	_ =	shalt  }
0x6c: {  	_ =	shalt  }
0x6d: {  	_ =	shalt  }
0x6e: {  	_ =	shalt  }
0x6f: {  	_ =	shalt  }
0x70: {  	_ =	shalt  }
0x71: {  	_ =	shalt  }
0x72: {  	_ =	shalt  }
0x73: {  	_ =	shalt  }
0x74: {  	_ =	shalt  }
0x75: {  	_ =	shalt  }
0x76: {  	_ =	shalt  }
0x77: {  	_ =	shalt  }
0x78: {  	_ =	shalt  }
0x79: {  	_ =	shalt  }
0x7a: {  	_ =	shalt  }
0x7b: {  	_ =	shalt  }
0x7c: {  	_ =	shalt  }
0x7d: {  	_ =	shalt  }
0x7e: {  	_ =	shalt  }
0x7f: {  	_ =	shalt  }
0x80: {  	_ =	shalt  }
0x81: {  	_ =	shalt  }
0x82: {  	_ =	shalt  }
0x83: {  	_ =	shalt  }
0x84: {  	_ =	shalt  }
0x85: {  	_ =	shalt  }
0x86: {  	_ =	shalt  }
0x87: {  	_ =	shalt  }
.Lfunc_end0:
.L_simem_size_0:
called_computation_lowered:
.L_overlay_start_0:
0x88: {  	s2 =	sld [smem:$0x3FD9]  }
0x89: {  	s3 =	sld [smem:$0x3FFE];
	_ =	sdelay $0x1  }
0x8a: {  	s1 =	srdreg.scid  }
0x8b: {  	s0 =	sand.u32 $0x1, s1  }
0x8c: {  	s17 =	sshll.u32 s0, $0xA;
	s2 =	sadd.s32 s3, s2  }
0x8d: {  	s2 =	sadd.s32 s2, s17  }
0x8e: {  	[smem:$0x3FC2] =	sst s2  }
0x8f: {  	_ = 	snop  }
0x90: {  	s2 =	sld [smem:$0x3FC9]  }
0x91: {  	s18 =	sld [smem:$0x3FD0];
	(tm) =	ssettm $0x1  }
0x92: {  	s4 =	sld [smem:$0x3FFB];
	_ =	sdelay $0x3  }
0x93: {  	_ =	strace s4  }
0x94: {  	s4 =	sld [smem:$0x3FFC];
	_ =	sdelay $0x3  }
0x95: {  	_ =	strace s4  }
0x96: {  	s4 =	sld [smem:$0x3FFD];
	_ =	sdelay $0x3  }
0x97: {  	_ =	strace s4  }
0x98: {  	_ =	strace $0x8FFFFFFF  }
0x99: {  	s19 =	sld [smem:$0x3FDB];
	_ =	sdelay $0x1  }
0x9a: {  	s5 =	simm.s32 $_scs_section_size  }
0x9b: {  	s6 =	simm.s32 $_size__tile_overlayer_lowered;
	s7 =	simm.s32 $_tile_overlayer_lowered  }
0x9c: {  	s22 =	simm.s32 $0x1BFF;
	s21 =	sshll.u32 s7, $0x1;
	s4 =	sadd.s32 s5, s19  }
0x9d: {  	s8 =	simm.s32 $0x0;
	s20 =	sshll.u32 s6, $0x1;
	s6 =	sadd.s32 s21, s4  }
0x9e: {  	[timem:s8], [sflag:s22] =	dma.local [hbm:s6], s20  }
0x9f: {  	_ =	swait.ge [sflag:s22], s20  }
0xa0: {  	s5 =	ssub.s32 $0x0, s20;
	[sflag:s22] =	ssyncset.done $0x0  }
0xa1: {  	[sflag:s22] =	ssyncadd.s32 s5;
	_ =	sdelay $0x1  }
0xa2: {  	s23 =	simm.s32 $0x1B8B  }
0xa3: {  	_ =	swait.ge [sflag:s23], $0x1  }
0xa4: {  	[sflag:s23] =	ssyncset.done $0x0  }
0xa5: {  	s25 =	simm.s32 $0x1B8E;
	s24 =	sld [smem:$0x3FFE];
	[sflag:s23] =	ssyncadd.s32 $0xFFFFFFFF  }
0xa6: {  	s26 =	simm.s32 $execute0_lowered;
	[smem:$0x3FD2] =	sst s25  }
0xa7: {  	s6 =	sshll.u32 s26, $0x1;
	_ =	strace $0x80000046;
	[dreg:$0x1] =	wrdreg $0xFFFFFFFF  }
0xa8: {  	s28 =	simm.s32 $_size_execute0_lowered;
	s4 =	sadd.s32 s4, s6;
	[dreg:$0x0] =	wrdreg $0x0  }
0xa9: {  	s6 =	sshll.u32 s28, $0x1;
	[dreg:$0x2] =	wrdreg s4  }
0xaa: {  	[dreg:$0x3] =	wrdreg s6  }
0xab: {  	[dreg:$0x4] =	wrdreg $0xC0  }
0xac: {  	_ =	task [dreg:s8], $0x5FFFF  }
0xad: {  	[dreg:$0x1] =	wrdreg $0xFFFFFFFF  }
0xae: {  	[dreg:$0x0] =	wrdreg $0x60  }
0xaf: {  	[dreg:$0x2] =	wrdreg s2  }
0xb0: {  	[dreg:$0x3] =	wrdreg s24  }
0xb1: {  	[dreg:$0x4] =	wrdreg s18  }
0xb2: {  	[dreg:$0x5] =	wrdreg $0x67200  }
0xb3: {  	[dreg:$0x6] =	wrdreg $0x1A2200  }
0xb4: {  	[dreg:$0x7] =	wrdreg $0x9  }
0xb5: {  	_ =	task.clear_ibuf [dreg:s8], $0x8FFFF;
	_ =	strace $0x90000046  }
0xb6: {  	s29 =	simm.s32 $0x9;
	_ =	strace $0x80000048  }
0xb7: {  	_ =	swait.ge [sflag:s29], $0x1  }
0xb8: {  	[sflag:s29] =	ssyncadd.s32 $0xFFFFFFFF  }
0xb9: {  	_ =	strace $0x90000048  }
0xba: {  	_ =	sfence  }
0xbb: {  	s30 =	sld [smem:$0x0];
	_ =	sdelay $0x2  }
0xbc: {  	s31 =	sshll.u32 s1, $0xD;
	s1 =	sshrl.u32 s1, $0x2  }
0xbd: {  	s3 =	sand.u32 $0x4000, s31;
	s1 =	sadd.s32 s1, s30  }
0xbe: {  	s0 =	sor.u32 s3, s0;
	s1 =	sshll.u32 s1, $0x11  }
0xbf: {  	s0 =	sor.u32 s1, s0  }
0xc0: {  	s0 =	sadd.s32 $0x8F2B, s0  }
0xc1: {  	[sflag:s0] =	ssyncadd.remote.s32 $0x1  }
0xc2: {  	_ =	sfence.sel $0xFFFF  }
0xc3: {  	[dreg:$0x0] =	wrdreg $0xFFFFFFFF;
	(pc) =	sbr.abs _section_cstart, $3  }
0xc4: {  	[dreg:$0x1] =	wrdreg $0xFFFFFFFF  }
0xc5: {  	_ =	task.clear_ibuf [dreg:s8], $0x2FFFF;
	_ =	strace $0x9FFFFFFF  }
0xc6: {  	(tm) =	ssettm $0x7FFFFFFF  }
0xc7: {  	_ =	shalt  }
tec
execute0_lowered:
.L_overlay_start_1:
0x0: {  	(tag) =	ssettag $0x1  }
0x1: {  	s0 =	rddreg [dreg:$0x1]  }
0x2: {  	s8 =	rddreg [dreg:$0x2]  }
0x3: {  	s1 =	rddreg [dreg:$0x3]  }
0x4: {  	s2 =	rddreg [dreg:$0x4]  }
0x5: {  	s20 =	simm.s32 $0x0;
	s5 =	srdreg.scid;
	s17 =	stileid.u32  }
0x6: {  	[smem:$0x7FF] =	sst s20;
	s25 =	sadd.s32 $0xC000, s0;
	s5 =	sand.u32 $0x1, s5  }
0x7: {  	s4 =	sadd.s32 $0x2200, s0;
	s7 =	sadd.s32 $0x16600, s0;
	s29 =	sadd.s32 $0x16000, s0  }
0x8: {  	s30 =	sadd.s32 $0x15E00, s0;
	s9 =	sadd.s32 $0x18E00, s0;
	s6 =	sshll.u32 s5, $0x4  }
0x9: {  	_ =	strace $0x80000047;
	[dreg:$0x19] =	wrdreg s7;
	s6 =	sor.u32 s17, s6  }
0xa: {  	[dreg:$0x1a] =	wrdreg s29;
	s31 =	ssub.s32 $0x2, s5;
	s6 =	smul.u32 $0x2710, s6  }
0xb: {  	s12 =	smul.u32 $0x2710, s17;
	[dreg:$0x1b] =	wrdreg s30;
	s3 =	sshrl.u32 s31, $0x1  }
0xc: {  	s10 =	smul.u32 $0x27100, s5;
	s0 =	ssub.s32 s31, s3;
	s11 =	sadd.s32 $0xC8, s6  }
0xd: {  	[dreg:$0x18] =	wrdreg s4;
	s0 =	smax.u32 s0, $0x1;
	s11 =	sshrl.u32 s11, $0x3  }
0xe: {  	s13 =	smul.u32 $0x270, s17;
	[smem:$0x7FA] =	sst s0;
	s14 =	sadd.s32 s25, s11  }
0xf: {  	[dreg:$0x1c] =	wrdreg s14;
	s14 =	smul.u32 $0x2710, s5;
	s5 =	sadd.s32 s12, s10  }
0x10: {  	s11 =	sadd.s32 s4, s11;
	s12 =	sadd.s32 $0x28, s6;
	s15 =	sadd.s32 $0x258, s5  }
0x11: {  	[dreg:$0x1d] =	wrdreg s11;
	s10 =	sshrl.u32 s12, $0x3;
	s11 =	sshrl.u32 s15, $0x3  }
0x12: {  	s16 =	sadd.s32 $0x280, s5;
	s19 =	sadd.s32 $0x2A8, s5;
	s3 =	sadd.s32 s11, s4  }
0x13: {  	s16 =	sshrl.u32 s16, $0x3;
	s11 =	sadd.s32 s11, s25;
	[dreg:$0x6] =	wrdreg s3  }
0x14: {  	s24 =	sadd.s32 $0x2D0, s5;
	s18 =	sadd.s32 s16, s4;
	[dreg:$0x7] =	wrdreg s11  }
0x15: {  	s22 =	sshrl.u32 s19, $0x3;
	s21 =	sadd.s32 s16, s25;
	[dreg:$0x8] =	wrdreg s18  }
0x16: {  	s31 =	sadd.s32 $0x2F8, s5;
	s23 =	sadd.s32 s22, s4;
	[dreg:$0x9] =	wrdreg s21  }
0x17: {  	s29 =	sshrl.u32 s24, $0x3;
	s26 =	sadd.s32 s22, s25;
	[dreg:$0xa] =	wrdreg s23  }
0x18: {  	s12 =	sadd.s32 s13, s14;
	s30 =	sadd.s32 s29, s4;
	[dreg:$0xb] =	wrdreg s26  }
0x19: {  	s13 =	sshll.u32 s12, $0x4;
	s15 =	sadd.s32 s29, s25;
	[dreg:$0xc] =	wrdreg s30  }
0x1a: {  	s29 =	sadd.s32 $0x208, s5;
	[dreg:$0xd] =	wrdreg s15;
	s13 =	sadd.s32 s9, s13  }
0x1b: {  	s18 =	sshrl.u32 s31, $0x3;
	s31 =	sadd.s32 s25, s10;
	[dreg:$0x1e] =	wrdreg s13  }
0x1c: {  	s21 =	sadd.s32 $0x230, s5;
	s10 =	sadd.s32 s4, s10;
	[smem:$0x7E4] =	sst s31  }
0x1d: {  	s26 =	sadd.s32 $0x2490, s14;
	s19 =	sadd.s32 s18, s4;
	[smem:$0x7E5] =	sst s10  }
0x1e: {  	s11 =	sshrl.u32 s29, $0x3;
	s22 =	sadd.s32 s18, s25;
	[dreg:$0xe] =	wrdreg s19  }
0x1f: {  	s23 =	sshrl.u32 s21, $0x3;
	s30 =	sadd.s32 s11, s4;
	[dreg:$0xf] =	wrdreg s22  }
0x20: {  	s14 =	sshll.u32 s26, $0x4;
	s24 =	sadd.s32 s23, s4;
	[dreg:$0x12] =	wrdreg s30  }
0x21: {  	s9 =	sadd.s32 s9, s14;
	[dreg:$0x10] =	wrdreg s24  }
0x22: {  	s7 =	sshrl.u32 s6, $0x3;
	s3 =	sadd.s32 s23, s25;
	[dreg:$0x1f] =	wrdreg s9  }
0x23: {  	s15 =	sshll.u32 s12, $0x1;
	s14 =	sadd.s32 s11, s25;
	[dreg:$0x11] =	wrdreg s3  }
0x24: {  	s18 =	sadd.s32 $0x1B8, s5;
	s11 =	sadd.s32 s8, s15;
	[dreg:$0x13] =	wrdreg s14  }
0x25: {  	s19 =	sshll.u32 s26, $0x1;
	s15 =	sadd.s32 s25, s7;
	[smem:$0x7E6] =	sst s11  }
0x26: {  	s10 =	sshrl.u32 s18, $0x3;
	s8 =	sadd.s32 s8, s19;
	[smem:$0x7F2] =	sst s15  }
0x27: {  	s22 =	sadd.s32 $0x1E, s7;
	s21 =	sadd.s32 s10, s4;
	[smem:$0x7E7] =	sst s8  }
0x28: {  	s28 =	simm.s32 $0x1E0;
	s24 =	sadd.s32 s25, s22;
	[dreg:$0x16] =	wrdreg s21  }
0x29: {  	s26 =	sadd.s32 $0xA, s7;
	s23 =	sadd.s32 s10, s25;
	[smem:$0x7E8] =	sst s24  }
0x2a: {  	s13 =	sadd.s32 $0x28, s7;
	s29 =	sadd.s32 s25, s26;
	[dreg:$0x17] =	wrdreg s23  }
0x2b: {  	s30 =	sadd.s32 $0x118, s6;
	s14 =	sadd.s32 s25, s13;
	[smem:$0x7EA] =	sst s29  }
0x2c: {  	s31 =	sshrl.u32 s30, $0x3;
	s30 =	sadd.s32 $0x124800, s1;
	[smem:$0x7F0] =	sst s14  }
0x2d: {  	p0 =	seq.s32 s17, $0xF;
	s8 =	sadd.s32 s4, s26;
	[smem:$0x7FC] =	sst s30  }
0x2e: {  	s3 =	sadd.s32 $0x1E0, s5;
	s11 =	sadd.s32 s25, s31;
	[smem:$0x7EB] =	sst s8  }
0x2f: {  	s9 =	sshrl.u32 s3, $0x3;
	s29 =	sadd.s32 $0x190, s5;
	[smem:$0x7EC] =	sst s11  }
0x30: {  	s0 =	simm.s32 $0x78;
	s16 =	sadd.s32 s9, s4;
	[smem:$0x7FB] =	sst s29  }
0x31: {  	s18 =	smul.u32 $0x4E000, s17;
	s9 =	sadd.s32 s9, s25;
	[dreg:$0x14] =	wrdreg s16  }
0x32: {  	s19 =	smul.u32 $0x9C00, s17;
	s8 =	sadd.s32 s4, s31;
	[dreg:$0x15] =	wrdreg s9  }
0x33: {  	s3 =	sadd.s32 $0x78, s6;
	s31 =	sadd.s32 $0x24900, s2;
	[smem:$0x7ED] =	sst s8  }
0x34: {  	s12 =	sshrl.u32 s3, $0x3;
	s9 =	sadd.s32 s4, s22;
	[smem:$0x7FD] =	sst s31  }
0x35: {  	s6 =	sadd.s32 $0x168, s6;
	s8 =	sadd.s32 s4, s12;
	[smem:$0x7E9] =	sst s9  }
0x36: {  	s6 =	sshrl.u32 s6, $0x3;
	s16 =	sadd.s32 s4, s7;
	[smem:$0x7EF] =	sst s8  }
0x37: {  	s17 =	simm.s32 $0x208;
	s22 =	sadd.s32 s25, s6;
	[smem:$0x7F3] =	sst s16  }
0x38: {  	s24 =	sshrl.u32 s19, $0x2;
	s6 =	sadd.s32 s4, s6;
	[smem:$0x7F6] =	sst s22  }
0x39: {  	s23 =	sshrl.u32 s18, $0x2;
	s26 =	sadd.s32 s24, s2;
	[smem:$0x7F7] =	sst s6  }
0x3a: {  	s5 =	simm.s32 $0x1;
	s9 =	sadd.s32 s25, s12;
	[smem:$0x7F9] =	sst s26  }
0x3b: {  	s7 =	sadd.s32 $0x14, s7;
	s8 =	sadd.s32 s4, s13;
	[smem:$0x7EE] =	sst s9  }
0x3c: {  	s3 =	simm.s32 $0x3;
	s21 =	sadd.s32 s25, s7;
	[smem:$0x7F1] =	sst s8  }
0x3d: {  	s2 =	simm.s32 $0x0;
	s7 =	sadd.s32 s4, s7;
	[smem:$0x7F4] =	sst s21  }
0x3e: {  	s6 =	sadd.s32 s23, s1;
	s16 =	simm.s32 $0x50;
	[smem:$0x7F5] =	sst s7  }
0x3f: {  	s12 =	simm.s32 $0xA0;
	s1 =	simm.s32 $0x2;
	[smem:$0x7F8] =	sst s6  }
0x40: {  	s9 =	simm.s32 $0x190;
	s21 =	simm.s32 $0x28;
	s7 =	simm.s32 $0x1B8  }
.LBB2_1:
0x41: {  	[smem:$0x7DE] =	sst s2  }
0x42: {  	s6 =	sld [smem:$0x7F2]  }
0x43: {  	s14 =	sld [smem:$0x7F3]  }
0x44: {  	s15 =	rddreg [dreg:$0x1c]  }
0x45: {  	s19 =	rddreg [dreg:$0x1d]  }
0x46: {  	[tilespmem:s20], [sflag:$0x1] =	stream.linear.gather [hbm4b:s6+s20], $0x28, $0x38;
	[tilespmem:$0x1C930] =	vst v63  }
0x47: {  	s23 =	sld [smem:$0x7E4]  }
0x48: {  	[tilespmem:s9], [sflag:$0x1] =	stream.linear.gather [hbm4b:s14+s20], $0x28, $0x38;
	[tilespmem:$0x1C930] =	vst v63  }
0x49: {  	s18 =	simm.s32 $0xC8;
	s24 =	sld [smem:$0x7E5]  }
0x4a: {  	[tilespmem:s18], [sflag:$0x6] =	stream.linear.gather [hbm4b:s15+s20], $0x28, $0x38;
	[tilespmem:$0x1C930] =	vst v63  }
0x4b: {  	s22 =	simm.s32 $0x258;
	s26 =	sld [smem:$0x7E8]  }
0x4c: {  	[tilespmem:s22], [sflag:$0x6] =	stream.linear.gather [hbm4b:s19+s20], $0x28, $0x38;
	[tilespmem:$0x1C930] =	vst v63  }
0x4d: {  	s30 =	sld [smem:$0x7E9]  }
0x4e: {  	[tilespmem:s21], [sflag:$0x2] =	stream.linear.gather [hbm4b:s23+s20], $0x28, $0x38;
	[tilespmem:$0x1C930] =	vst v63  }
0x4f: {  	s2 =	sld [smem:$0x7EA]  }
0x50: {  	[tilespmem:s7], [sflag:$0x2] =	stream.linear.gather [hbm4b:s24+s20], $0x28, $0x38;
	[tilespmem:$0x1C930] =	vst v63  }
0x51: {  	s29 =	simm.s32 $0xF0;
	s8 =	sld [smem:$0x7EC]  }
0x52: {  	[tilespmem:s29], [sflag:$0x7] =	stream.linear.gather [hbm4b:s26+s20], $0x28, $0x38;
	[tilespmem:$0x1C930] =	vst v63  }
0x53: {  	s31 =	simm.s32 $0x280;
	s10 =	sld [smem:$0x7ED]  }
0x54: {  	[tilespmem:s31], [sflag:$0x7] =	stream.linear.gather [hbm4b:s30+s20], $0x28, $0x38;
	[tilespmem:$0x1C930] =	vst v63  }
0x55: {  	s7 =	sld [smem:$0x7EB]  }
0x56: {  	[tilespmem:s16], [sflag:$0x3] =	stream.linear.gather [hbm4b:s2+s20], $0x28, $0x38;
	[tilespmem:$0x1C930] =	vst v63  }
0x57: {  	s13 =	sld [smem:$0x7EE]  }
0x58: {  	[tilespmem:s28], [sflag:$0x3] =	stream.linear.gather [hbm4b:s7+s20], $0x28, $0x38;
	[tilespmem:$0x1C930] =	vst v63  }
0x59: {  	s6 =	sld [smem:$0x7FC];
	s9 =	simm.s32 $0x118  }
0x5a: {  	[tilespmem:s9], [sflag:$0x8] =	stream.linear.gather [hbm4b:s8+s20], $0x28, $0x38;
	[tilespmem:$0x1C930] =	vst v63  }
0x5b: {  	s11 =	simm.s32 $0x2A8;
	s14 =	sld [smem:$0x7EF]  }
0x5c: {  	[tilespmem:s11], [sflag:$0x8] =	stream.linear.gather [hbm4b:s10+s20], $0x28, $0x38;
	[tilespmem:$0x1C930] =	vst v63  }
0x5d: {  	s15 =	sld [smem:$0x7F0]  }
0x5e: {  	[tilespmem:s0], [sflag:$0x4] =	stream.linear.gather [hbm4b:s13+s20], $0x28, $0x38;
	[tilespmem:$0x1C930] =	vst v63  }
0x5f: {  	s22 =	sld [smem:$0x7F4]  }
0x60: {  	[tilespmem:s17], [sflag:$0x4] =	stream.linear.gather [hbm4b:s14+s20], $0x28, $0x38;
	[tilespmem:$0x1C930] =	vst v63  }
0x61: {  	s16 =	simm.s32 $0x140;
	s17 =	sld [smem:$0x7F1]  }
0x62: {  	[tilespmem:s16], [sflag:$0x9] =	stream.linear.gather [hbm4b:s15+s20], $0x28, $0x38;
	[tilespmem:$0x1C930] =	vst v63  }
0x63: {  	s19 =	simm.s32 $0x2D0;
	s23 =	sld [smem:$0x7F5]  }
0x64: {  	[tilespmem:s19], [sflag:$0x9] =	stream.linear.gather [hbm4b:s17+s20], $0x28, $0x38;
	[tilespmem:$0x1C930] =	vst v63  }
0x65: {  	s26 =	sld [smem:$0x7F6]  }
0x66: {  	[tilespmem:s12], [sflag:$0x5] =	stream.linear.gather [hbm4b:s22+s20], $0x28, $0x38;
	[tilespmem:$0x1C930] =	vst v63  }
0x67: {  	s24 =	simm.s32 $0x230;
	s30 =	sld [smem:$0x7F7];
	s0 =	sshrl.u32 @p0 s6, $0x3  }
0x68: {  	[tilespmem:s24], [sflag:$0x5] =	stream.linear.gather [hbm4b:s23+s20], $0x28, $0x38;
	[tilespmem:$0x1C930] =	vst v63  }
0x69: {  	s29 =	simm.s32 $0x168;
	s31 =	simm.s32 $0x2F8;
	[smem:$0x7DF] =	sst s0  }
0x6a: {  	[tilespmem:s29], [sflag:$0xA] =	stream.linear.gather [hbm4b:s26+s20], $0x28, $0x38;
	[tilespmem:$0x1C930] =	vst v63  }
0x6b: {  	s9 =	simm.s32 @p0 $0x15;
	s6 =	simm.s32 @p0 $0x1FD5;
	s16 =	rddreg [dreg:$0x19]  }
0x6c: {  	[tilespmem:s31], [sflag:$0xA] =	stream.linear.gather [hbm4b:s30+s20], $0x28, $0x38;
	[tilespmem:$0x1C930] =	vst v63  }
0x6d: {  	[spmem:s0], [sflag:s6] =	dma.local @p0 [hbm:s16], $0x2800  }
0x6e: {  	_ =	swait.ge @p0 [sflag:s9], $0x2800  }
0x6f: {  	s17 =	sld [smem:$0x7FD];
	_ =	sdelay $0x2  }
0x70: {  	[sflag:s9] =	ssyncset.done @p0 $0x0;
	s0 =	sshrl.u32 @p0 s17, $0x3;
	s17 =	rddreg [dreg:$0x1a]  }
0x71: {  	[sflag:s9] =	ssyncadd.s32 @p0 $0xFFFFD800;
	[smem:$0x7E0] =	sst s0  }
0x72: {  	[spmem:s0], [sflag:s6] =	dma.local @p0 [hbm:s17], $0x500  }
0x73: {  	s6 =	stileid.u32  }
0x74: {  	_ =	swait.ge @p0 [sflag:s9], $0x500;
	s6 =	sshll.u32 @!p0 s6, $0x6  }
0x75: {  	s0 =	sor.u32 @!p0 $0x1C15, s6;
	s6 =	sld [smem:$0x7F8];
	_ =	sdelay $0x2  }
0x76: {  	[sflag:s9] =	ssyncset.done @p0 $0x0;
	s2 =	sshrl.u32 @!p0 s6, $0x3  }
0x77: {  	[sflag:s9] =	ssyncadd.s32 @p0 $0xFFFFFB00;
	s6 =	simm.s32 @!p0 $0x15;
	[smem:$0x7E1] =	sst s2  }
0x78: {  	[spmem:s2], [sflag:s0] =	dma.local @!p0 [hbm:s16], $0x2700  }
0x79: {  	_ =	swait.ge @!p0 [sflag:s6], $0x2700  }
0x7a: {  	s9 =	sld [smem:$0x7F9];
	_ =	sdelay $0x2  }
0x7b: {  	[sflag:s6] =	ssyncset.done @!p0 $0x0;
	[smem:$0x7E2] =	sst s0;
	s2 =	sshrl.u32 @!p0 s9, $0x3  }
0x7c: {  	[sflag:s6] =	ssyncadd.s32 @!p0 $0xFFFFD900;
	[smem:$0x7E3] =	sst s2  }
0x7d: {  	[spmem:s2], [sflag:s0] =	dma.local @!p0 [hbm:s17], $0x4E0  }
0x7e: {  	_ =	swait.ge @!p0 [sflag:s6], $0x4E0  }
0x7f: {  	s29 =	simm.s32 $0x19FA0;
	[sflag:s6] =	ssyncset.done @!p0 $0x0  }
0x80: {  	s2 =	simm.s32 $0x15;
	s0 =	rddreg [dreg:$0x1b];
	[sflag:s6] =	ssyncadd.s32 @!p0 $0xFFFFFB20  }
0x81: {  	[tilespmem:s29], [sflag:$0x15] =	stream.linear.gather [hbm4b:s0+s20], $0x280, $0x38;
	[tilespmem:$0x1C930] =	vst v63  }
0x82: {  	_ =	swait.ge [sflag:s2], $0x280  }
0x83: {  	[sflag:s2] =	ssyncset.done $0x0  }
0x84: {  	[sflag:s2] =	ssyncadd.s32 $0xFFFFFD80  }
0x85: {  	_ =	swait.ge [sflag:s5], $0x28  }
0x86: {  	[sflag:s5] =	ssyncset.done $0x0  }
0x87: {  	[sflag:s5] =	ssyncadd.s32 $0xFFFFFFD8  }
0x88: {  	_ =	swait.ge [sflag:s5], $0x28  }
0x89: {  	[sflag:s5] =	ssyncset.done $0x0  }
0x8a: {  	[sflag:s5] =	ssyncadd.s32 $0xFFFFFFD8  }
0x8b: {  	s6 =	simm.s32 $0x320;
	s7 =	rddreg [dreg:$0x0]  }
0x8c: {  	[tilespmem:s6], [sflag:$0xB] =	stream.indirect.gather [hbm4b:s7+s21], $0x80, s20, s21, $0xb8;
	[tilespmem:$0x1C930] =	vst v63  }
0x8d: {  	_ =	swait.ge [sflag:s1], $0x28  }
0x8e: {  	[sflag:s1] =	ssyncset.done $0x0  }
0x8f: {  	[sflag:s1] =	ssyncadd.s32 $0xFFFFFFD8  }
0x90: {  	_ =	swait.ge [sflag:s1], $0x28  }
0x91: {  	[sflag:s1] =	ssyncset.done $0x0  }
0x92: {  	s14 =	simm.s32 $0x1720;
	[sflag:s1] =	ssyncadd.s32 $0xFFFFFFD8  }
0x93: {  	[tilespmem:s14], [sflag:$0xC] =	stream.indirect.gather [hbm4b:s7+s21], $0x80, s21, s21, $0xb8;
	[tilespmem:$0x1C930] =	vst v63  }
0x94: {  	_ =	swait.ge [sflag:s3], $0x28  }
0x95: {  	[sflag:s3] =	ssyncset.done $0x0  }
0x96: {  	[sflag:s3] =	ssyncadd.s32 $0xFFFFFFD8  }
0x97: {  	_ =	swait.ge [sflag:s3], $0x28  }
0x98: {  	s8 =	simm.s32 $0x50;
	[sflag:s3] =	ssyncset.done $0x0  }
0x99: {  	s10 =	simm.s32 $0x4;
	s19 =	simm.s32 $0x2B20;
	[sflag:s3] =	ssyncadd.s32 $0xFFFFFFD8  }
0x9a: {  	[tilespmem:s19], [sflag:$0xD] =	stream.indirect.gather [hbm4b:s7+s21], $0x80, s8, s21, $0xb8;
	[tilespmem:$0x1C930] =	vst v63  }
0x9b: {  	_ =	swait.ge [sflag:s10], $0x28  }
0x9c: {  	[sflag:s10] =	ssyncset.done $0x0  }
0x9d: {  	[sflag:s10] =	ssyncadd.s32 $0xFFFFFFD8  }
0x9e: {  	_ =	swait.ge [sflag:s10], $0x28  }
0x9f: {  	s11 =	simm.s32 $0x78;
	[sflag:s10] =	ssyncset.done $0x0  }
0xa0: {  	s22 =	simm.s32 $0x3F20;
	s17 =	simm.s32 $0x5;
	[sflag:s10] =	ssyncadd.s32 $0xFFFFFFD8  }
0xa1: {  	[tilespmem:s22], [sflag:$0xE] =	stream.indirect.gather [hbm4b:s7+s21], $0x80, s11, s21, $0xb8;
	[tilespmem:$0x1C930] =	vst v63  }
0xa2: {  	_ =	swait.ge [sflag:s17], $0x28  }
0xa3: {  	[sflag:s17] =	ssyncset.done $0x0  }
0xa4: {  	[sflag:s17] =	ssyncadd.s32 $0xFFFFFFD8  }
0xa5: {  	_ =	swait.ge [sflag:s17], $0x28  }
0xa6: {  	[sflag:s17] =	ssyncset.done $0x0  }
0xa7: {  	s23 =	simm.s32 $0x5320;
	[sflag:s17] =	ssyncadd.s32 $0xFFFFFFD8  }
0xa8: {  	[tilespmem:s23], [sflag:$0xF] =	stream.indirect.gather [hbm4b:s7+s21], $0x80, s12, s21, $0xb8;
	[tilespmem:$0x1C930] =	vst v63  }
0xa9: {  	[bflag:$0x0] =	sbarrier.arrive $0xFFFF  }
0xaa: {  	s24 =	simm.s32 $0x190;
	s26 =	simm.s32 $0xB;
	s16 =	rddreg [dreg:$0x4]  }
0xab: {  	[spmem:s16] =	stream.indirect.scatter.add.f32 [tilespmem:s29], [sflag:$0x10], $0x10, s24, s21, $0xb8;
	[tilespmem:$0x1C930] =	vst v63  }
0xac: {  	_ =	swait.ge [sflag:s26], $0x1400  }
0xad: {  	[sflag:s26] =	ssyncset.done $0x0  }
0xae: {  	[sflag:s26] =	ssyncadd.s32 $0xFFFFEC00  }
0xaf: {  	s9 =	simm.s32 $0x320;
	s8 =	rddreg [dreg:$0x3]  }
0xb0: {  	[spmem:s8] =	stream.indirect.scatter.add.f32 [tilespmem:s9], [sflag:$0x10], $0x80, s24, s21, $0xb8;
	[tilespmem:$0x1C930] =	vst v63  }
0xb1: {  	s30 =	simm.s32 $0x1B8;
	s24 =	simm.s32 $0xC  }
0xb2: {  	[spmem:s16] =	stream.indirect.scatter.add.f32 [tilespmem:s29], [sflag:$0x11], $0x10, s30, s21, $0xb8;
	[tilespmem:$0x1C930] =	vst v63  }
0xb3: {  	_ =	swait.ge [sflag:s24], $0x1400  }
0xb4: {  	[sflag:s24] =	ssyncset.done $0x0  }
0xb5: {  	s15 =	simm.s32 $0x1720;
	[sflag:s24] =	ssyncadd.s32 $0xFFFFEC00  }
0xb6: {  	[spmem:s8] =	stream.indirect.scatter.add.f32 [tilespmem:s15], [sflag:$0x11], $0x80, s30, s21, $0xb8;
	[tilespmem:$0x1C930] =	vst v63  }
0xb7: {  	s22 =	simm.s32 $0xD  }
0xb8: {  	[spmem:s16] =	stream.indirect.scatter.add.f32 [tilespmem:s29], [sflag:$0x12], $0x10, s28, s21, $0xb8;
	[tilespmem:$0x1C930] =	vst v63  }
0xb9: {  	_ =	swait.ge [sflag:s22], $0x1400  }
0xba: {  	[sflag:s22] =	ssyncset.done $0x0  }
0xbb: {  	s13 =	simm.s32 $0x2B20;
	[sflag:s22] =	ssyncadd.s32 $0xFFFFEC00  }
0xbc: {  	[spmem:s8] =	stream.indirect.scatter.add.f32 [tilespmem:s13], [sflag:$0x12], $0x80, s28, s21, $0xb8;
	[tilespmem:$0x1C930] =	vst v63  }
0xbd: {  	s31 =	simm.s32 $0x208;
	s26 =	simm.s32 $0xE  }
0xbe: {  	[spmem:s16] =	stream.indirect.scatter.add.f32 [tilespmem:s29], [sflag:$0x13], $0x10, s31, s21, $0xb8;
	[tilespmem:$0x1C930] =	vst v63  }
0xbf: {  	_ =	swait.ge [sflag:s26], $0x1400  }
0xc0: {  	[sflag:s26] =	ssyncset.done $0x0  }
0xc1: {  	s14 =	simm.s32 $0x3F20;
	[sflag:s26] =	ssyncadd.s32 $0xFFFFEC00  }
0xc2: {  	[spmem:s8] =	stream.indirect.scatter.add.f32 [tilespmem:s14], [sflag:$0x13], $0x80, s31, s21, $0xb8;
	[tilespmem:$0x1C930] =	vst v63  }
0xc3: {  	s6 =	simm.s32 $0x230;
	s19 =	simm.s32 $0xF  }
0xc4: {  	[spmem:s16] =	stream.indirect.scatter.add.f32 [tilespmem:s29], [sflag:$0x14], $0x10, s6, s21, $0xb8;
	[tilespmem:$0x1C930] =	vst v63  }
0xc5: {  	_ =	swait.ge [sflag:s19], $0x1400  }
0xc6: {  	[sflag:s19] =	ssyncset.done $0x0  }
0xc7: {  	s2 =	simm.s32 $0x5320;
	s31 =	simm.s32 $0x10;
	[sflag:s19] =	ssyncadd.s32 $0xFFFFEC00  }
0xc8: {  	[spmem:s8] =	stream.indirect.scatter.add.f32 [tilespmem:s2], [sflag:$0x14], $0x80, s6, s21, $0xb8;
	[tilespmem:$0x1C930] =	vst v63  }
0xc9: {  	_ =	swait.ge [sflag:s31], $0x1400  }
0xca: {  	[sflag:s31] =	ssyncset.done $0x0  }
0xcb: {  	[sflag:s31] =	ssyncadd.s32 $0xFFFFEC00  }
0xcc: {  	_ =	swait.ge [sflag:s31], $0x280  }
0xcd: {  	s9 =	sld [smem:$0x7FB];
	_ =	sdelay $0x2  }
0xce: {  	[sflag:s31] =	ssyncset.done $0x0;
	s30 =	sshrl.u32 s9, $0x3  }
0xcf: {  	[sflag:s31] =	ssyncadd.s32 $0xFFFFFD80;
	s0 =	sadd.s32 s25, s30  }
0xd0: {  	[tilespmem:s20], [sflag:$0x1] =	stream.linear.gather [hbm4b:s0+s20], $0x28, $0x38;
	[tilespmem:$0x1C930] =	vst v63  }
0xd1: {  	s11 =	simm.s32 $0x190;
	s9 =	simm.s32 $0x6;
	s6 =	sadd.s32 s4, s30  }
0xd2: {  	[tilespmem:s11], [sflag:$0x1] =	stream.linear.gather [hbm4b:s6+s20], $0x28, $0x38;
	[tilespmem:$0x1C930] =	vst v63  }
0xd3: {  	_ =	swait.ge [sflag:s9], $0x28  }
0xd4: {  	[sflag:s9] =	ssyncset.done $0x0  }
0xd5: {  	[sflag:s9] =	ssyncadd.s32 $0xFFFFFFD8  }
0xd6: {  	_ =	swait.ge [sflag:s9], $0x28  }
0xd7: {  	[sflag:s9] =	ssyncset.done $0x0  }
0xd8: {  	s18 =	simm.s32 $0x258;
	[sflag:s9] =	ssyncadd.s32 $0xFFFFFFD8  }
0xd9: {  	[spmem:s16] =	stream.indirect.scatter.add.f32 [tilespmem:s29], [sflag:$0x10], $0x10, s18, s21, $0xb8;
	[tilespmem:$0x1C930] =	vst v63  }
0xda: {  	s3 =	simm.s32 $0x320;
	s4 =	simm.s32 $0x11;
	s11 =	simm.s32 $0xC8  }
0xdb: {  	[tilespmem:s3], [sflag:$0xB] =	stream.indirect.gather [hbm4b:s7+s21], $0x80, s11, s21, $0xb8;
	[tilespmem:$0x1C930] =	vst v63  }
0xdc: {  	_ =	swait.ge [sflag:s4], $0x1400  }
0xdd: {  	[sflag:s4] =	ssyncset.done $0x0  }
0xde: {  	[sflag:s4] =	ssyncadd.s32 $0xFFFFEC00  }
0xdf: {  	_ =	swait.ge [sflag:s4], $0x280  }
0xe0: {  	s18 =	rddreg [dreg:$0x17];
	[sflag:s4] =	ssyncset.done $0x0  }
0xe1: {  	s30 =	rddreg [dreg:$0x16];
	[sflag:s4] =	ssyncadd.s32 $0xFFFFFD80;
	s6 =	sadd.s32 $0x0, s18  }
0xe2: {  	[tilespmem:s21], [sflag:$0x2] =	stream.linear.gather [hbm4b:s6+s20], $0x28, $0x38;
	[tilespmem:$0x1C930] =	vst v63  }
0xe3: {  	s15 =	simm.s32 $0x1B8;
	s3 =	simm.s32 $0x7;
	s0 =	sadd.s32 $0x0, s30  }
0xe4: {  	[tilespmem:s15], [sflag:$0x2] =	stream.linear.gather [hbm4b:s0+s20], $0x28, $0x38;
	[tilespmem:$0x1C930] =	vst v63  }
0xe5: {  	_ =	swait.ge [sflag:s3], $0x28  }
0xe6: {  	[sflag:s3] =	ssyncset.done $0x0  }
0xe7: {  	[sflag:s3] =	ssyncadd.s32 $0xFFFFFFD8  }
0xe8: {  	_ =	swait.ge [sflag:s3], $0x28  }
0xe9: {  	[sflag:s3] =	ssyncset.done $0x0  }
0xea: {  	s9 =	simm.s32 $0x280;
	[sflag:s3] =	ssyncadd.s32 $0xFFFFFFD8  }
0xeb: {  	[spmem:s16] =	stream.indirect.scatter.add.f32 [tilespmem:s29], [sflag:$0x11], $0x10, s9, s21, $0xb8;
	[tilespmem:$0x1C930] =	vst v63  }
0xec: {  	s23 =	simm.s32 $0x1720;
	s11 =	simm.s32 $0xF0  }
0xed: {  	[tilespmem:s23], [sflag:$0xC] =	stream.indirect.gather [hbm4b:s7+s21], $0x80, s11, s21, $0xb8;
	[tilespmem:$0x1C930] =	vst v63  }
0xee: {  	s23 =	simm.s32 $0x12  }
0xef: {  	_ =	swait.ge [sflag:s23], $0x1400  }
0xf0: {  	[sflag:s23] =	ssyncset.done $0x0  }
0xf1: {  	[sflag:s23] =	ssyncadd.s32 $0xFFFFEC00  }
0xf2: {  	_ =	swait.ge [sflag:s23], $0x280  }
0xf3: {  	s30 =	simm.s32 $0x50;
	s15 =	rddreg [dreg:$0x15];
	[sflag:s23] =	ssyncset.done $0x0  }
0xf4: {  	s18 =	rddreg [dreg:$0x14];
	[sflag:s23] =	ssyncadd.s32 $0xFFFFFD80;
	s6 =	sadd.s32 $0x0, s15  }
0xf5: {  	[tilespmem:s30], [sflag:$0x3] =	stream.linear.gather [hbm4b:s6+s20], $0x28, $0x38;
	[tilespmem:$0x1C930] =	vst v63  }
0xf6: {  	s3 =	simm.s32 $0x8;
	s0 =	sadd.s32 $0x0, s18  }
0xf7: {  	[tilespmem:s28], [sflag:$0x3] =	stream.linear.gather [hbm4b:s0+s20], $0x28, $0x38;
	[tilespmem:$0x1C930] =	vst v63  }
0xf8: {  	_ =	swait.ge [sflag:s3], $0x28  }
0xf9: {  	[sflag:s3] =	ssyncset.done $0x0  }
0xfa: {  	[sflag:s3] =	ssyncadd.s32 $0xFFFFFFD8  }
0xfb: {  	_ =	swait.ge [sflag:s3], $0x28  }
0xfc: {  	[sflag:s3] =	ssyncset.done $0x0  }
0xfd: {  	s18 =	simm.s32 $0x2A8;
	[sflag:s3] =	ssyncadd.s32 $0xFFFFFFD8  }
0xfe: {  	[spmem:s16] =	stream.indirect.scatter.add.f32 [tilespmem:s29], [sflag:$0x12], $0x10, s18, s21, $0xb8;
	[tilespmem:$0x1C930] =	vst v63  }
0xff: {  	s13 =	simm.s32 $0x2B20;
	s9 =	simm.s32 $0x118;
	s15 =	simm.s32 $0x13  }
0x100: {  	[tilespmem:s13], [sflag:$0xD] =	stream.indirect.gather [hbm4b:s7+s21], $0x80, s9, s21, $0xb8;
	[tilespmem:$0x1C930] =	vst v63  }
0x101: {  	_ =	swait.ge [sflag:s15], $0x1400  }
0x102: {  	[sflag:s15] =	ssyncset.done $0x0  }
0x103: {  	[sflag:s15] =	ssyncadd.s32 $0xFFFFEC00  }
0x104: {  	_ =	swait.ge [sflag:s15], $0x280  }
0x105: {  	s30 =	simm.s32 $0x78;
	s11 =	rddreg [dreg:$0x13];
	[sflag:s15] =	ssyncset.done $0x0  }
0x106: {  	s13 =	rddreg [dreg:$0x12];
	[sflag:s15] =	ssyncadd.s32 $0xFFFFFD80;
	s6 =	sadd.s32 $0x0, s11  }
0x107: {  	[tilespmem:s30], [sflag:$0x4] =	stream.linear.gather [hbm4b:s6+s20], $0x28, $0x38;
	[tilespmem:$0x1C930] =	vst v63  }
0x108: {  	s14 =	simm.s32 $0x208;
	s3 =	simm.s32 $0x9;
	s0 =	sadd.s32 $0x0, s13  }
0x109: {  	[tilespmem:s14], [sflag:$0x4] =	stream.linear.gather [hbm4b:s0+s20], $0x28, $0x38;
	[tilespmem:$0x1C930] =	vst v63  }
0x10a: {  	_ =	swait.ge [sflag:s3], $0x28  }
0x10b: {  	[sflag:s3] =	ssyncset.done $0x0  }
0x10c: {  	[sflag:s3] =	ssyncadd.s32 $0xFFFFFFD8  }
0x10d: {  	_ =	swait.ge [sflag:s3], $0x28  }
0x10e: {  	[sflag:s3] =	ssyncset.done $0x0  }
0x10f: {  	s14 =	simm.s32 $0x2D0;
	[sflag:s3] =	ssyncadd.s32 $0xFFFFFFD8  }
0x110: {  	[spmem:s16] =	stream.indirect.scatter.add.f32 [tilespmem:s29], [sflag:$0x13], $0x10, s14, s21, $0xb8;
	[tilespmem:$0x1C930] =	vst v63  }
0x111: {  	s9 =	simm.s32 $0x140;
	s11 =	simm.s32 $0x3F20;
	s0 =	simm.s32 $0x14  }
0x112: {  	[tilespmem:s11], [sflag:$0xE] =	stream.indirect.gather [hbm4b:s7+s21], $0x80, s9, s21, $0xb8;
	[tilespmem:$0x1C930] =	vst v63  }
0x113: {  	_ =	swait.ge [sflag:s0], $0x1400  }
0x114: {  	[sflag:s0] =	ssyncset.done $0x0  }
0x115: {  	[sflag:s0] =	ssyncadd.s32 $0xFFFFEC00  }
0x116: {  	_ =	swait.ge [sflag:s0], $0x280  }
0x117: {  	s13 =	rddreg [dreg:$0x11];
	[sflag:s0] =	ssyncset.done $0x0  }
0x118: {  	s30 =	rddreg [dreg:$0x10];
	[sflag:s0] =	ssyncadd.s32 $0xFFFFFD80;
	s6 =	sadd.s32 $0x0, s13  }
0x119: {  	[tilespmem:s12], [sflag:$0x5] =	stream.linear.gather [hbm4b:s6+s20], $0x28, $0x38;
	[tilespmem:$0x1C930] =	vst v63  }
0x11a: {  	s2 =	simm.s32 $0x230;
	s9 =	simm.s32 $0xA;
	s3 =	sadd.s32 $0x0, s30  }
0x11b: {  	[tilespmem:s2], [sflag:$0x5] =	stream.linear.gather [hbm4b:s3+s20], $0x28, $0x38;
	[tilespmem:$0x1C930] =	vst v63  }
0x11c: {  	_ =	swait.ge [sflag:s9], $0x28  }
0x11d: {  	[sflag:s9] =	ssyncset.done $0x0  }
0x11e: {  	[sflag:s9] =	ssyncadd.s32 $0xFFFFFFD8  }
0x11f: {  	_ =	swait.ge [sflag:s9], $0x28  }
0x120: {  	[sflag:s9] =	ssyncset.done $0x0  }
0x121: {  	s6 =	simm.s32 $0x2F8;
	[sflag:s9] =	ssyncadd.s32 $0xFFFFFFD8  }
0x122: {  	[spmem:s16] =	stream.indirect.scatter.add.f32 [tilespmem:s29], [sflag:$0x14], $0x10, s6, s21, $0xb8;
	[tilespmem:$0x1C930] =	vst v63  }
0x123: {  	s13 =	simm.s32 $0x168;
	s30 =	simm.s32 $0xB;
	s2 =	simm.s32 $0x5320  }
0x124: {  	[tilespmem:s2], [sflag:$0xF] =	stream.indirect.gather [hbm4b:s7+s21], $0x80, s13, s21, $0xb8;
	[tilespmem:$0x1C930] =	vst v63  }
0x125: {  	_ =	swait.ge [sflag:s30], $0x1400  }
0x126: {  	[sflag:s30] =	ssyncset.done $0x0  }
0x127: {  	s3 =	simm.s32 $0x258;
	s13 =	simm.s32 $0x320;
	[sflag:s30] =	ssyncadd.s32 $0xFFFFEC00  }
0x128: {  	[spmem:s8] =	stream.indirect.scatter.add.f32 [tilespmem:s13], [sflag:$0x10], $0x80, s3, s21, $0xb8;
	[tilespmem:$0x1C930] =	vst v63  }
0x129: {  	_ =	swait.ge [sflag:s24], $0x1400  }
0x12a: {  	[sflag:s24] =	ssyncset.done $0x0  }
0x12b: {  	s9 =	simm.s32 $0x280;
	s30 =	simm.s32 $0x1720;
	[sflag:s24] =	ssyncadd.s32 $0xFFFFEC00  }
0x12c: {  	[spmem:s8] =	stream.indirect.scatter.add.f32 [tilespmem:s30], [sflag:$0x11], $0x80, s9, s21, $0xb8;
	[tilespmem:$0x1C930] =	vst v63  }
0x12d: {  	_ =	swait.ge [sflag:s22], $0x1400  }
0x12e: {  	[sflag:s22] =	ssyncset.done $0x0  }
0x12f: {  	s9 =	simm.s32 $0x2B20;
	[sflag:s22] =	ssyncadd.s32 $0xFFFFEC00  }
0x130: {  	[spmem:s8] =	stream.indirect.scatter.add.f32 [tilespmem:s9], [sflag:$0x12], $0x80, s18, s21, $0xb8;
	[tilespmem:$0x1C930] =	vst v63  }
0x131: {  	_ =	swait.ge [sflag:s26], $0x1400  }
0x132: {  	[sflag:s26] =	ssyncset.done $0x0  }
0x133: {  	[sflag:s26] =	ssyncadd.s32 $0xFFFFEC00  }
0x134: {  	[spmem:s8] =	stream.indirect.scatter.add.f32 [tilespmem:s11], [sflag:$0x13], $0x80, s14, s21, $0xb8;
	[tilespmem:$0x1C930] =	vst v63  }
0x135: {  	_ =	swait.ge [sflag:s19], $0x1400  }
0x136: {  	[sflag:s19] =	ssyncset.done $0x0  }
0x137: {  	[sflag:s19] =	ssyncadd.s32 $0xFFFFEC00  }
0x138: {  	[spmem:s8] =	stream.indirect.scatter.add.f32 [tilespmem:s2], [sflag:$0x14], $0x80, s6, s21, $0xb8;
	[tilespmem:$0x1C930] =	vst v63  }
0x139: {  	_ =	swait.ge [sflag:s31], $0x1400  }
0x13a: {  	[sflag:s31] =	ssyncset.done $0x0  }
0x13b: {  	[sflag:s31] =	ssyncadd.s32 $0xFFFFEC00  }
0x13c: {  	_ =	swait.ge [sflag:s31], $0x280  }
0x13d: {  	s11 =	simm.s32 $0xC8;
	s2 =	rddreg [dreg:$0x7];
	[sflag:s31] =	ssyncset.done $0x0  }
0x13e: {  	s9 =	rddreg [dreg:$0x6];
	[sflag:s31] =	ssyncadd.s32 $0xFFFFFD80;
	s6 =	sadd.s32 $0x0, s2  }
0x13f: {  	[tilespmem:s11], [sflag:$0x6] =	stream.linear.gather [hbm4b:s6+s20], $0x28, $0x38;
	[tilespmem:$0x1C930] =	vst v63  }
0x140: {  	s31 =	sadd.s32 $0x0, s9  }
0x141: {  	[tilespmem:s3], [sflag:$0x6] =	stream.linear.gather [hbm4b:s31+s20], $0x28, $0x38;
	[tilespmem:$0x1C930] =	vst v63  }
0x142: {  	_ =	swait.ge [sflag:s5], $0x28  }
0x143: {  	[sflag:s5] =	ssyncset.done $0x0  }
0x144: {  	[sflag:s5] =	ssyncadd.s32 $0xFFFFFFD8  }
0x145: {  	_ =	swait.ge [sflag:s5], $0x28  }
0x146: {  	[sflag:s5] =	ssyncset.done $0x0  }
0x147: {  	[sflag:s5] =	ssyncadd.s32 $0xFFFFFFD8;
	s5 =	simm.s32 $0x190  }
0x148: {  	[spmem:s16] =	stream.indirect.scatter.add.f32 [tilespmem:s29], [sflag:$0x10], $0x10, s5, s21, $0xb8;
	[tilespmem:$0x1C930] =	vst v63  }
0x149: {  	_ = 	snop  }
0x14a: {  	[tilespmem:s13], [sflag:$0xB] =	stream.indirect.gather [hbm4b:s7+s21], $0x80, s20, s21, $0xb8;
	[tilespmem:$0x1C930] =	vst v63  }
0x14b: {  	_ =	swait.ge [sflag:s4], $0x1400  }
0x14c: {  	[sflag:s4] =	ssyncset.done $0x0  }
0x14d: {  	[sflag:s4] =	ssyncadd.s32 $0xFFFFEC00  }
0x14e: {  	_ =	swait.ge [sflag:s4], $0x280  }
0x14f: {  	s13 =	simm.s32 $0xF0;
	s2 =	rddreg [dreg:$0x9];
	[sflag:s4] =	ssyncset.done $0x0  }
0x150: {  	s3 =	rddreg [dreg:$0x8];
	[sflag:s4] =	ssyncadd.s32 $0xFFFFFD80;
	s6 =	sadd.s32 $0x0, s2  }
0x151: {  	[tilespmem:s13], [sflag:$0x7] =	stream.linear.gather [hbm4b:s6+s20], $0x28, $0x38;
	[tilespmem:$0x1C930] =	vst v63  }
0x152: {  	s30 =	simm.s32 $0x280;
	s31 =	sadd.s32 $0x0, s3  }
0x153: {  	[tilespmem:s30], [sflag:$0x7] =	stream.linear.gather [hbm4b:s31+s20], $0x28, $0x38;
	[tilespmem:$0x1C930] =	vst v63  }
0x154: {  	_ =	swait.ge [sflag:s1], $0x28  }
0x155: {  	[sflag:s1] =	ssyncset.done $0x0  }
0x156: {  	[sflag:s1] =	ssyncadd.s32 $0xFFFFFFD8  }
0x157: {  	_ =	swait.ge [sflag:s1], $0x28  }
0x158: {  	[sflag:s1] =	ssyncset.done $0x0  }
0x159: {  	s4 =	simm.s32 $0x1B8;
	[sflag:s1] =	ssyncadd.s32 $0xFFFFFFD8  }
0x15a: {  	[spmem:s16] =	stream.indirect.scatter.add.f32 [tilespmem:s29], [sflag:$0x11], $0x10, s4, s21, $0xb8;
	[tilespmem:$0x1C930] =	vst v63  }
0x15b: {  	s13 =	simm.s32 $0x1720  }
0x15c: {  	[tilespmem:s13], [sflag:$0xC] =	stream.indirect.gather [hbm4b:s7+s21], $0x80, s21, s21, $0xb8;
	[tilespmem:$0x1C930] =	vst v63  }
0x15d: {  	_ =	swait.ge [sflag:s23], $0x1400  }
0x15e: {  	[sflag:s23] =	ssyncset.done $0x0  }
0x15f: {  	[sflag:s23] =	ssyncadd.s32 $0xFFFFEC00  }
0x160: {  	_ =	swait.ge [sflag:s23], $0x280  }
0x161: {  	s3 =	simm.s32 $0x118;
	s1 =	rddreg [dreg:$0xb];
	[sflag:s23] =	ssyncset.done $0x0  }
0x162: {  	s2 =	rddreg [dreg:$0xa];
	[sflag:s23] =	ssyncadd.s32 $0xFFFFFD80;
	s6 =	sadd.s32 $0x0, s1  }
0x163: {  	[tilespmem:s3], [sflag:$0x8] =	stream.linear.gather [hbm4b:s6+s20], $0x28, $0x38;
	[tilespmem:$0x1C930] =	vst v63  }
0x164: {  	s18 =	simm.s32 $0x2A8;
	s9 =	sadd.s32 $0x0, s2  }
0x165: {  	[tilespmem:s18], [sflag:$0x8] =	stream.linear.gather [hbm4b:s9+s20], $0x28, $0x38;
	[tilespmem:$0x1C930] =	vst v63  }
0x166: {  	s18 =	simm.s32 $0x3  }
0x167: {  	_ =	swait.ge [sflag:s18], $0x28  }
0x168: {  	[sflag:s18] =	ssyncset.done $0x0  }
0x169: {  	[sflag:s18] =	ssyncadd.s32 $0xFFFFFFD8  }
0x16a: {  	_ =	swait.ge [sflag:s18], $0x28  }
0x16b: {  	[sflag:s18] =	ssyncset.done $0x0  }
0x16c: {  	[sflag:s18] =	ssyncadd.s32 $0xFFFFFFD8  }
0x16d: {  	[spmem:s16] =	stream.indirect.scatter.add.f32 [tilespmem:s29], [sflag:$0x12], $0x10, s28, s21, $0xb8;
	[tilespmem:$0x1C930] =	vst v63  }
0x16e: {  	s2 =	simm.s32 $0x2B20;
	s23 =	simm.s32 $0x50  }
0x16f: {  	[tilespmem:s2], [sflag:$0xD] =	stream.indirect.gather [hbm4b:s7+s21], $0x80, s23, s21, $0xb8;
	[tilespmem:$0x1C930] =	vst v63  }
0x170: {  	_ =	swait.ge [sflag:s15], $0x1400  }
0x171: {  	[sflag:s15] =	ssyncset.done $0x0  }
0x172: {  	[sflag:s15] =	ssyncadd.s32 $0xFFFFEC00  }
0x173: {  	_ =	swait.ge [sflag:s15], $0x280  }
0x174: {  	s3 =	simm.s32 $0x140;
	s30 =	rddreg [dreg:$0xd];
	[sflag:s15] =	ssyncset.done $0x0  }
0x175: {  	s31 =	rddreg [dreg:$0xc];
	[sflag:s15] =	ssyncadd.s32 $0xFFFFFD80;
	s6 =	sadd.s32 $0x0, s30  }
0x176: {  	[tilespmem:s3], [sflag:$0x9] =	stream.linear.gather [hbm4b:s6+s20], $0x28, $0x38;
	[tilespmem:$0x1C930] =	vst v63  }
0x177: {  	s18 =	simm.s32 $0x2D0;
	s15 =	sadd.s32 $0x0, s31  }
0x178: {  	[tilespmem:s18], [sflag:$0x9] =	stream.linear.gather [hbm4b:s15+s20], $0x28, $0x38;
	[tilespmem:$0x1C930] =	vst v63  }
0x179: {  	_ =	swait.ge [sflag:s10], $0x28  }
0x17a: {  	[sflag:s10] =	ssyncset.done $0x0  }
0x17b: {  	[sflag:s10] =	ssyncadd.s32 $0xFFFFFFD8  }
0x17c: {  	_ =	swait.ge [sflag:s10], $0x28  }
0x17d: {  	[sflag:s10] =	ssyncset.done $0x0  }
0x17e: {  	s1 =	simm.s32 $0x208;
	[sflag:s10] =	ssyncadd.s32 $0xFFFFFFD8  }
0x17f: {  	[spmem:s16] =	stream.indirect.scatter.add.f32 [tilespmem:s29], [sflag:$0x13], $0x10, s1, s21, $0xb8;
	[tilespmem:$0x1C930] =	vst v63  }
0x180: {  	s23 =	simm.s32 $0x78;
	s3 =	simm.s32 $0x3F20  }
0x181: {  	[tilespmem:s3], [sflag:$0xE] =	stream.indirect.gather [hbm4b:s7+s21], $0x80, s23, s21, $0xb8;
	[tilespmem:$0x1C930] =	vst v63  }
0x182: {  	_ =	swait.ge [sflag:s0], $0x1400  }
0x183: {  	[sflag:s0] =	ssyncset.done $0x0  }
0x184: {  	[sflag:s0] =	ssyncadd.s32 $0xFFFFEC00  }
0x185: {  	_ =	swait.ge [sflag:s0], $0x280  }
0x186: {  	s10 =	simm.s32 $0x168;
	s30 =	rddreg [dreg:$0xf];
	[sflag:s0] =	ssyncset.done $0x0  }
0x187: {  	s31 =	rddreg [dreg:$0xe];
	[sflag:s0] =	ssyncadd.s32 $0xFFFFFD80;
	s6 =	sadd.s32 $0x0, s30  }
0x188: {  	[tilespmem:s10], [sflag:$0xA] =	stream.linear.gather [hbm4b:s6+s20], $0x28, $0x38;
	[tilespmem:$0x1C930] =	vst v63  }
0x189: {  	s18 =	simm.s32 $0x2F8;
	s15 =	sadd.s32 $0x0, s31  }
0x18a: {  	[tilespmem:s18], [sflag:$0xA] =	stream.linear.gather [hbm4b:s15+s20], $0x28, $0x38;
	[tilespmem:$0x1C930] =	vst v63  }
0x18b: {  	_ =	swait.ge [sflag:s17], $0x28  }
0x18c: {  	[sflag:s17] =	ssyncset.done $0x0  }
0x18d: {  	[sflag:s17] =	ssyncadd.s32 $0xFFFFFFD8  }
0x18e: {  	_ =	swait.ge [sflag:s17], $0x28  }
0x18f: {  	[sflag:s17] =	ssyncset.done $0x0  }
0x190: {  	s23 =	simm.s32 $0x230;
	[sflag:s17] =	ssyncadd.s32 $0xFFFFFFD8  }
0x191: {  	[spmem:s16] =	stream.indirect.scatter.add.f32 [tilespmem:s29], [sflag:$0x14], $0x10, s23, s21, $0xb8;
	[tilespmem:$0x1C930] =	vst v63  }
0x192: {  	s14 =	simm.s32 $0x5320;
	s30 =	simm.s32 $0xB  }
0x193: {  	[tilespmem:s14], [sflag:$0xF] =	stream.indirect.gather [hbm4b:s7+s21], $0x80, s12, s21, $0xb8;
	[tilespmem:$0x1C930] =	vst v63  }
0x194: {  	_ =	swait.ge [sflag:s30], $0x1400  }
0x195: {  	[sflag:s30] =	ssyncset.done $0x0  }
0x196: {  	s11 =	simm.s32 $0x320;
	[sflag:s30] =	ssyncadd.s32 $0xFFFFEC00  }
0x197: {  	[spmem:s8] =	stream.indirect.scatter.add.f32 [tilespmem:s11], [sflag:$0x10], $0x80, s5, s21, $0xb8;
	[tilespmem:$0x1C930] =	vst v63  }
0x198: {  	_ =	swait.ge [sflag:s24], $0x1400  }
0x199: {  	[sflag:s24] =	ssyncset.done $0x0  }
0x19a: {  	[sflag:s24] =	ssyncadd.s32 $0xFFFFEC00  }
0x19b: {  	[spmem:s8] =	stream.indirect.scatter.add.f32 [tilespmem:s13], [sflag:$0x11], $0x80, s4, s21, $0xb8;
	[tilespmem:$0x1C930] =	vst v63  }
0x19c: {  	_ =	swait.ge [sflag:s22], $0x1400  }
0x19d: {  	[sflag:s22] =	ssyncset.done $0x0  }
0x19e: {  	[sflag:s22] =	ssyncadd.s32 $0xFFFFEC00  }
0x19f: {  	[spmem:s8] =	stream.indirect.scatter.add.f32 [tilespmem:s2], [sflag:$0x12], $0x80, s28, s21, $0xb8;
	[tilespmem:$0x1C930] =	vst v63  }
0x1a0: {  	_ =	swait.ge [sflag:s26], $0x1400  }
0x1a1: {  	[sflag:s26] =	ssyncset.done $0x0  }
0x1a2: {  	[sflag:s26] =	ssyncadd.s32 $0xFFFFEC00  }
0x1a3: {  	[spmem:s8] =	stream.indirect.scatter.add.f32 [tilespmem:s3], [sflag:$0x13], $0x80, s1, s21, $0xb8;
	[tilespmem:$0x1C930] =	vst v63  }
0x1a4: {  	_ =	swait.ge [sflag:s19], $0x1400  }
0x1a5: {  	s31 =	sld [smem:$0x7FB];
	_ =	sdelay $0x1  }
0x1a6: {  	[sflag:s19] =	ssyncset.done $0x0  }
0x1a7: {  	s16 =	simm.s32 $0x32;
	[sflag:s19] =	ssyncadd.s32 $0xFFFFEC00;
	s9 =	sadd.s32 $0x190, s31  }
.LBB2_2:
0x1a8: {  	s1 =	simm.s32 $0x230  }
0x1a9: {  	s3 =	rddreg [dreg:$0x3];
	s0 =	simm.s32 $0x5320;
	s31 =	simm.s32 $0x10  }
0x1aa: {  	[spmem:s3] =	stream.indirect.scatter.add.f32 [tilespmem:s0], [sflag:$0x14], $0x80, s1, s21, $0xb8;
	[tilespmem:$0x1C930] =	vst v63  }
0x1ab: {  	_ =	swait.ge [sflag:s31], $0x1400  }
0x1ac: {  	[sflag:s31] =	ssyncset.done $0x0  }
0x1ad: {  	[sflag:s31] =	ssyncadd.s32 $0xFFFFEC00  }
0x1ae: {  	_ =	swait.ge [sflag:s31], $0x280  }
0x1af: {  	s19 =	sshrl.u32 s9, $0x3;
	s17 =	smov.u32 s25;
	[sflag:s31] =	ssyncset.done $0x0  }
0x1b0: {  	s23 =	sadd.s32 s25, s19;
	s24 =	rddreg [dreg:$0x18];
	[sflag:s31] =	ssyncadd.s32 $0xFFFFFD80  }
0x1b1: {  	[tilespmem:s20], [sflag:$0x1] =	stream.linear.gather [hbm4b:s23+s20], $0x28, $0x38;
	[tilespmem:$0x1C930] =	vst v63  }
0x1b2: {  	s26 =	simm.s32 $0x6;
	s25 =	simm.s32 $0x190;
	s19 =	sadd.s32 s24, s19  }
0x1b3: {  	[tilespmem:s25], [sflag:$0x1] =	stream.linear.gather [hbm4b:s19+s20], $0x28, $0x38;
	[tilespmem:$0x1C930] =	vst v63  }
0x1b4: {  	_ =	swait.ge [sflag:s26], $0x28  }
0x1b5: {  	[sflag:s26] =	ssyncset.done $0x0  }
0x1b6: {  	[sflag:s26] =	ssyncadd.s32 $0xFFFFFFD8  }
0x1b7: {  	_ =	swait.ge [sflag:s26], $0x28  }
0x1b8: {  	[sflag:s26] =	ssyncset.done $0x0  }
0x1b9: {  	s7 =	simm.s32 $0x258;
	[sflag:s26] =	ssyncadd.s32 $0xFFFFFFD8  }
0x1ba: {  	s5 =	simm.s32 $0x19FA0;
	s29 =	simm.s32 $0xC8;
	s14 =	rddreg [dreg:$0x4]  }
0x1bb: {  	[spmem:s14] =	stream.indirect.scatter.add.f32 [tilespmem:s5], [sflag:$0x10], $0x10, s7, s21, $0xb8;
	[tilespmem:$0x1C930] =	vst v63  }
0x1bc: {  	s30 =	simm.s32 $0x320;
	s0 =	simm.s32 $0x11;
	s2 =	rddreg [dreg:$0x0]  }
0x1bd: {  	[tilespmem:s30], [sflag:$0xB] =	stream.indirect.gather [hbm4b:s2+s21], $0x80, s29, s21, $0xb8;
	[tilespmem:$0x1C930] =	vst v63  }
0x1be: {  	_ =	swait.ge [sflag:s0], $0x1400  }
0x1bf: {  	[sflag:s0] =	ssyncset.done $0x0  }
0x1c0: {  	[sflag:s0] =	ssyncadd.s32 $0xFFFFEC00  }
0x1c1: {  	_ =	swait.ge [sflag:s0], $0x280  }
0x1c2: {  	s6 =	smov.u32 s16;
	s4 =	rddreg [dreg:$0x17];
	[sflag:s0] =	ssyncset.done $0x0  }
0x1c3: {  	s8 =	rddreg [dreg:$0x16];
	[sflag:s0] =	ssyncadd.s32 $0xFFFFFD80;
	s19 =	sadd.s32 s6, s4  }
0x1c4: {  	[tilespmem:s21], [sflag:$0x2] =	stream.linear.gather [hbm4b:s19+s20], $0x28, $0x38;
	[tilespmem:$0x1C930] =	vst v63  }
0x1c5: {  	s12 =	simm.s32 $0x1B8;
	s13 =	simm.s32 $0x7;
	s10 =	sadd.s32 s6, s8  }
0x1c6: {  	[tilespmem:s12], [sflag:$0x2] =	stream.linear.gather [hbm4b:s10+s20], $0x28, $0x38;
	[tilespmem:$0x1C930] =	vst v63  }
0x1c7: {  	_ =	swait.ge [sflag:s13], $0x28  }
0x1c8: {  	[sflag:s13] =	ssyncset.done $0x0  }
0x1c9: {  	[sflag:s13] =	ssyncadd.s32 $0xFFFFFFD8  }
0x1ca: {  	_ =	swait.ge [sflag:s13], $0x28  }
0x1cb: {  	[sflag:s13] =	ssyncset.done $0x0  }
0x1cc: {  	s28 =	simm.s32 $0x280;
	[sflag:s13] =	ssyncadd.s32 $0xFFFFFFD8  }
0x1cd: {  	[spmem:s14] =	stream.indirect.scatter.add.f32 [tilespmem:s5], [sflag:$0x11], $0x10, s28, s21, $0xb8;
	[tilespmem:$0x1C930] =	vst v63  }
0x1ce: {  	s15 =	simm.s32 $0x1720;
	s1 =	simm.s32 $0x12;
	s23 =	simm.s32 $0xF0  }
0x1cf: {  	[tilespmem:s15], [sflag:$0xC] =	stream.indirect.gather [hbm4b:s2+s21], $0x80, s23, s21, $0xb8;
	[tilespmem:$0x1C930] =	vst v63  }
0x1d0: {  	_ =	swait.ge [sflag:s1], $0x1400  }
0x1d1: {  	[sflag:s1] =	ssyncset.done $0x0  }
0x1d2: {  	[sflag:s1] =	ssyncadd.s32 $0xFFFFEC00  }
0x1d3: {  	_ =	swait.ge [sflag:s1], $0x280  }
0x1d4: {  	s4 =	simm.s32 $0x50;
	s18 =	rddreg [dreg:$0x15];
	[sflag:s1] =	ssyncset.done $0x0  }
0x1d5: {  	s24 =	rddreg [dreg:$0x14];
	[sflag:s1] =	ssyncadd.s32 $0xFFFFFD80;
	s19 =	sadd.s32 s6, s18  }
0x1d6: {  	[tilespmem:s4], [sflag:$0x3] =	stream.linear.gather [hbm4b:s19+s20], $0x28, $0x38;
	[tilespmem:$0x1C930] =	vst v63  }
0x1d7: {  	s26 =	simm.s32 $0x8;
	s8 =	simm.s32 $0x1E0;
	s25 =	sadd.s32 s6, s24  }
0x1d8: {  	[tilespmem:s8], [sflag:$0x3] =	stream.linear.gather [hbm4b:s25+s20], $0x28, $0x38;
	[tilespmem:$0x1C930] =	vst v63  }
0x1d9: {  	_ =	swait.ge [sflag:s26], $0x28  }
0x1da: {  	[sflag:s26] =	ssyncset.done $0x0  }
0x1db: {  	[sflag:s26] =	ssyncadd.s32 $0xFFFFFFD8  }
0x1dc: {  	_ =	swait.ge [sflag:s26], $0x28  }
0x1dd: {  	[sflag:s26] =	ssyncset.done $0x0  }
0x1de: {  	s10 =	simm.s32 $0x2A8;
	[sflag:s26] =	ssyncadd.s32 $0xFFFFFFD8  }
0x1df: {  	[spmem:s14] =	stream.indirect.scatter.add.f32 [tilespmem:s5], [sflag:$0x12], $0x10, s10, s21, $0xb8;
	[tilespmem:$0x1C930] =	vst v63  }
0x1e0: {  	s29 =	simm.s32 $0x118;
	s30 =	simm.s32 $0x2B20;
	s4 =	simm.s32 $0x13  }
0x1e1: {  	[tilespmem:s30], [sflag:$0xD] =	stream.indirect.gather [hbm4b:s2+s21], $0x80, s29, s21, $0xb8;
	[tilespmem:$0x1C930] =	vst v63  }
0x1e2: {  	_ =	swait.ge [sflag:s4], $0x1400  }
0x1e3: {  	[sflag:s4] =	ssyncset.done $0x0  }
0x1e4: {  	[sflag:s4] =	ssyncadd.s32 $0xFFFFEC00  }
0x1e5: {  	_ =	swait.ge [sflag:s4], $0x280  }
0x1e6: {  	s13 =	simm.s32 $0x78;
	s8 =	rddreg [dreg:$0x13];
	[sflag:s4] =	ssyncset.done $0x0  }
0x1e7: {  	s12 =	rddreg [dreg:$0x12];
	[sflag:s4] =	ssyncadd.s32 $0xFFFFFD80;
	s19 =	sadd.s32 s6, s8  }
0x1e8: {  	[tilespmem:s13], [sflag:$0x4] =	stream.linear.gather [hbm4b:s19+s20], $0x28, $0x38;
	[tilespmem:$0x1C930] =	vst v63  }
0x1e9: {  	s18 =	simm.s32 $0x208;
	s24 =	simm.s32 $0x9;
	s15 =	sadd.s32 s6, s12  }
0x1ea: {  	[tilespmem:s18], [sflag:$0x4] =	stream.linear.gather [hbm4b:s15+s20], $0x28, $0x38;
	[tilespmem:$0x1C930] =	vst v63  }
0x1eb: {  	_ =	swait.ge [sflag:s24], $0x28  }
0x1ec: {  	[sflag:s24] =	ssyncset.done $0x0  }
0x1ed: {  	[sflag:s24] =	ssyncadd.s32 $0xFFFFFFD8  }
0x1ee: {  	_ =	swait.ge [sflag:s24], $0x28  }
0x1ef: {  	[sflag:s24] =	ssyncset.done $0x0  }
0x1f0: {  	s12 =	simm.s32 $0x2D0;
	[sflag:s24] =	ssyncadd.s32 $0xFFFFFFD8  }
0x1f1: {  	[spmem:s14] =	stream.indirect.scatter.add.f32 [tilespmem:s5], [sflag:$0x13], $0x10, s12, s21, $0xb8;
	[tilespmem:$0x1C930] =	vst v63  }
0x1f2: {  	s30 =	simm.s32 $0x14;
	s13 =	simm.s32 $0x140;
	s15 =	simm.s32 $0x3F20  }
0x1f3: {  	[tilespmem:s15], [sflag:$0xE] =	stream.indirect.gather [hbm4b:s2+s21], $0x80, s13, s21, $0xb8;
	[tilespmem:$0x1C930] =	vst v63  }
0x1f4: {  	_ =	swait.ge [sflag:s30], $0x1400  }
0x1f5: {  	[sflag:s30] =	ssyncset.done $0x0  }
0x1f6: {  	[sflag:s30] =	ssyncadd.s32 $0xFFFFEC00  }
0x1f7: {  	_ =	swait.ge [sflag:s30], $0x280  }
0x1f8: {  	s25 =	simm.s32 $0xA0;
	s29 =	rddreg [dreg:$0x11];
	[sflag:s30] =	ssyncset.done $0x0  }
0x1f9: {  	s13 =	rddreg [dreg:$0x10];
	[sflag:s30] =	ssyncadd.s32 $0xFFFFFD80;
	s19 =	sadd.s32 s6, s29  }
0x1fa: {  	[tilespmem:s25], [sflag:$0x5] =	stream.linear.gather [hbm4b:s19+s20], $0x28, $0x38;
	[tilespmem:$0x1C930] =	vst v63  }
0x1fb: {  	s11 =	simm.s32 $0x230;
	s18 =	sadd.s32 s6, s13;
	s19 =	simm.s32 $0xA  }
0x1fc: {  	[tilespmem:s11], [sflag:$0x5] =	stream.linear.gather [hbm4b:s18+s20], $0x28, $0x38;
	[tilespmem:$0x1C930] =	vst v63  }
0x1fd: {  	_ =	swait.ge [sflag:s19], $0x28  }
0x1fe: {  	[sflag:s19] =	ssyncset.done $0x0  }
0x1ff: {  	[sflag:s19] =	ssyncadd.s32 $0xFFFFFFD8  }
0x200: {  	_ =	swait.ge [sflag:s19], $0x28  }
0x201: {  	[sflag:s19] =	ssyncset.done $0x0  }
0x202: {  	s29 =	simm.s32 $0x2F8;
	[sflag:s19] =	ssyncadd.s32 $0xFFFFFFD8  }
0x203: {  	[spmem:s14] =	stream.indirect.scatter.add.f32 [tilespmem:s5], [sflag:$0x14], $0x10, s29, s21, $0xb8;
	[tilespmem:$0x1C930] =	vst v63  }
0x204: {  	s8 =	simm.s32 $0xB;
	s24 =	simm.s32 $0x168;
	s25 =	simm.s32 $0x5320  }
0x205: {  	[tilespmem:s25], [sflag:$0xF] =	stream.indirect.gather [hbm4b:s2+s21], $0x80, s24, s21, $0xb8;
	[tilespmem:$0x1C930] =	vst v63  }
0x206: {  	_ =	swait.ge [sflag:s8], $0x1400  }
0x207: {  	[sflag:s8] =	ssyncset.done $0x0  }
0x208: {  	s18 =	simm.s32 $0xC;
	s24 =	simm.s32 $0x320;
	[sflag:s8] =	ssyncadd.s32 $0xFFFFEC00  }
0x209: {  	[spmem:s3] =	stream.indirect.scatter.add.f32 [tilespmem:s24], [sflag:$0x10], $0x80, s7, s21, $0xb8;
	[tilespmem:$0x1C930] =	vst v63  }
0x20a: {  	_ =	swait.ge [sflag:s18], $0x1400  }
0x20b: {  	[sflag:s18] =	ssyncset.done $0x0  }
0x20c: {  	s22 =	simm.s32 $0x1720;
	[sflag:s18] =	ssyncadd.s32 $0xFFFFEC00  }
0x20d: {  	[spmem:s3] =	stream.indirect.scatter.add.f32 [tilespmem:s22], [sflag:$0x11], $0x80, s28, s21, $0xb8;
	[tilespmem:$0x1C930] =	vst v63  }
0x20e: {  	s22 =	simm.s32 $0xD  }
0x20f: {  	_ =	swait.ge [sflag:s22], $0x1400  }
0x210: {  	[sflag:s22] =	ssyncset.done $0x0  }
0x211: {  	s26 =	simm.s32 $0x2B20;
	[sflag:s22] =	ssyncadd.s32 $0xFFFFEC00  }
0x212: {  	[spmem:s3] =	stream.indirect.scatter.add.f32 [tilespmem:s26], [sflag:$0x12], $0x80, s10, s21, $0xb8;
	[tilespmem:$0x1C930] =	vst v63  }
0x213: {  	s26 =	simm.s32 $0xE  }
0x214: {  	_ =	swait.ge [sflag:s26], $0x1400  }
0x215: {  	[sflag:s26] =	ssyncset.done $0x0  }
0x216: {  	s11 =	simm.s32 $0xF;
	[sflag:s26] =	ssyncadd.s32 $0xFFFFEC00  }
0x217: {  	[spmem:s3] =	stream.indirect.scatter.add.f32 [tilespmem:s15], [sflag:$0x13], $0x80, s12, s21, $0xb8;
	[tilespmem:$0x1C930] =	vst v63  }
0x218: {  	_ =	swait.ge [sflag:s11], $0x1400  }
0x219: {  	[sflag:s11] =	ssyncset.done $0x0  }
0x21a: {  	[sflag:s11] =	ssyncadd.s32 $0xFFFFEC00  }
0x21b: {  	[spmem:s3] =	stream.indirect.scatter.add.f32 [tilespmem:s25], [sflag:$0x14], $0x80, s29, s21, $0xb8;
	[tilespmem:$0x1C930] =	vst v63  }
0x21c: {  	_ =	swait.ge [sflag:s31], $0x1400  }
0x21d: {  	[sflag:s31] =	ssyncset.done $0x0  }
0x21e: {  	[sflag:s31] =	ssyncadd.s32 $0xFFFFEC00  }
0x21f: {  	_ =	swait.ge [sflag:s31], $0x280  }
0x220: {  	s19 =	rddreg [dreg:$0x7]  }
0x221: {  	[sflag:s31] =	ssyncset.done $0x0;
	s25 =	rddreg [dreg:$0x6]  }
0x222: {  	[sflag:s31] =	ssyncadd.s32 $0xFFFFFD80;
	s19 =	sadd.s32 s6, s19;
	s31 =	simm.s32 $0xC8  }
0x223: {  	[tilespmem:s31], [sflag:$0x6] =	stream.linear.gather [hbm4b:s19+s20], $0x28, $0x38;
	[tilespmem:$0x1C930] =	vst v63  }
0x224: {  	s25 =	sadd.s32 s6, s25;
	s31 =	simm.s32 $0x1  }
0x225: {  	[tilespmem:s7], [sflag:$0x6] =	stream.linear.gather [hbm4b:s25+s20], $0x28, $0x38;
	[tilespmem:$0x1C930] =	vst v63  }
0x226: {  	_ =	swait.ge [sflag:s31], $0x28  }
0x227: {  	[sflag:s31] =	ssyncset.done $0x0  }
0x228: {  	[sflag:s31] =	ssyncadd.s32 $0xFFFFFFD8  }
0x229: {  	_ =	swait.ge [sflag:s31], $0x28  }
0x22a: {  	[sflag:s31] =	ssyncset.done $0x0  }
0x22b: {  	[sflag:s31] =	ssyncadd.s32 $0xFFFFFFD8;
	s31 =	simm.s32 $0x190  }
0x22c: {  	[spmem:s14] =	stream.indirect.scatter.add.f32 [tilespmem:s5], [sflag:$0x10], $0x10, s31, s21, $0xb8;
	[tilespmem:$0x1C930] =	vst v63  }
0x22d: {  	_ = 	snop  }
0x22e: {  	[tilespmem:s24], [sflag:$0xB] =	stream.indirect.gather [hbm4b:s2+s21], $0x80, s20, s21, $0xb8;
	[tilespmem:$0x1C930] =	vst v63  }
0x22f: {  	_ =	swait.ge [sflag:s0], $0x1400  }
0x230: {  	[sflag:s0] =	ssyncset.done $0x0  }
0x231: {  	[sflag:s0] =	ssyncadd.s32 $0xFFFFEC00  }
0x232: {  	_ =	swait.ge [sflag:s0], $0x280  }
0x233: {  	s7 =	rddreg [dreg:$0x9];
	[sflag:s0] =	ssyncset.done $0x0  }
0x234: {  	s24 =	rddreg [dreg:$0x8];
	[sflag:s0] =	ssyncadd.s32 $0xFFFFFD80;
	s19 =	sadd.s32 s6, s7  }
0x235: {  	[tilespmem:s23], [sflag:$0x7] =	stream.linear.gather [hbm4b:s19+s20], $0x28, $0x38;
	[tilespmem:$0x1C930] =	vst v63  }
0x236: {  	s0 =	sadd.s32 s6, s24;
	s7 =	simm.s32 $0x2  }
0x237: {  	[tilespmem:s28], [sflag:$0x7] =	stream.linear.gather [hbm4b:s0+s20], $0x28, $0x38;
	[tilespmem:$0x1C930] =	vst v63  }
0x238: {  	_ =	swait.ge [sflag:s7], $0x28  }
0x239: {  	[sflag:s7] =	ssyncset.done $0x0  }
0x23a: {  	[sflag:s7] =	ssyncadd.s32 $0xFFFFFFD8  }
0x23b: {  	_ =	swait.ge [sflag:s7], $0x28  }
0x23c: {  	[sflag:s7] =	ssyncset.done $0x0  }
0x23d: {  	s24 =	simm.s32 $0x1B8;
	[sflag:s7] =	ssyncadd.s32 $0xFFFFFFD8  }
0x23e: {  	[spmem:s14] =	stream.indirect.scatter.add.f32 [tilespmem:s5], [sflag:$0x11], $0x10, s24, s21, $0xb8;
	[tilespmem:$0x1C930] =	vst v63  }
0x23f: {  	s13 =	simm.s32 $0x1720  }
0x240: {  	[tilespmem:s13], [sflag:$0xC] =	stream.indirect.gather [hbm4b:s2+s21], $0x80, s21, s21, $0xb8;
	[tilespmem:$0x1C930] =	vst v63  }
0x241: {  	_ =	swait.ge [sflag:s1], $0x1400  }
0x242: {  	[sflag:s1] =	ssyncset.done $0x0  }
0x243: {  	[sflag:s1] =	ssyncadd.s32 $0xFFFFEC00  }
0x244: {  	_ =	swait.ge [sflag:s1], $0x280  }
0x245: {  	s13 =	rddreg [dreg:$0xb]  }
0x246: {  	[sflag:s1] =	ssyncset.done $0x0;
	s23 =	rddreg [dreg:$0xa]  }
0x247: {  	[sflag:s1] =	ssyncadd.s32 $0xFFFFFD80;
	s19 =	sadd.s32 s6, s13;
	s1 =	simm.s32 $0x118  }
0x248: {  	[tilespmem:s1], [sflag:$0x8] =	stream.linear.gather [hbm4b:s19+s20], $0x28, $0x38;
	[tilespmem:$0x1C930] =	vst v63  }
0x249: {  	s7 =	sadd.s32 s6, s23;
	s23 =	simm.s32 $0x3  }
0x24a: {  	[tilespmem:s10], [sflag:$0x8] =	stream.linear.gather [hbm4b:s7+s20], $0x28, $0x38;
	[tilespmem:$0x1C930] =	vst v63  }
0x24b: {  	_ =	swait.ge [sflag:s23], $0x28  }
0x24c: {  	[sflag:s23] =	ssyncset.done $0x0  }
0x24d: {  	[sflag:s23] =	ssyncadd.s32 $0xFFFFFFD8  }
0x24e: {  	_ =	swait.ge [sflag:s23], $0x28  }
0x24f: {  	[sflag:s23] =	ssyncset.done $0x0  }
0x250: {  	s28 =	simm.s32 $0x1E0;
	[sflag:s23] =	ssyncadd.s32 $0xFFFFFFD8  }
0x251: {  	[spmem:s14] =	stream.indirect.scatter.add.f32 [tilespmem:s5], [sflag:$0x12], $0x10, s28, s21, $0xb8;
	[tilespmem:$0x1C930] =	vst v63  }
0x252: {  	s25 =	simm.s32 $0x50;
	s7 =	simm.s32 $0x2B20  }
0x253: {  	[tilespmem:s7], [sflag:$0xD] =	stream.indirect.gather [hbm4b:s2+s21], $0x80, s25, s21, $0xb8;
	[tilespmem:$0x1C930] =	vst v63  }
0x254: {  	_ =	swait.ge [sflag:s4], $0x1400  }
0x255: {  	[sflag:s4] =	ssyncset.done $0x0  }
0x256: {  	[sflag:s4] =	ssyncadd.s32 $0xFFFFEC00  }
0x257: {  	_ =	swait.ge [sflag:s4], $0x280  }
0x258: {  	s0 =	rddreg [dreg:$0xd]  }
0x259: {  	[sflag:s4] =	ssyncset.done $0x0;
	s1 =	rddreg [dreg:$0xc]  }
0x25a: {  	[sflag:s4] =	ssyncadd.s32 $0xFFFFFD80;
	s19 =	sadd.s32 s6, s0;
	s4 =	simm.s32 $0x140  }
0x25b: {  	[tilespmem:s4], [sflag:$0x9] =	stream.linear.gather [hbm4b:s19+s20], $0x28, $0x38;
	[tilespmem:$0x1C930] =	vst v63  }
0x25c: {  	s10 =	sadd.s32 s6, s1;
	s19 =	simm.s32 $0x4  }
0x25d: {  	[tilespmem:s12], [sflag:$0x9] =	stream.linear.gather [hbm4b:s10+s20], $0x28, $0x38;
	[tilespmem:$0x1C930] =	vst v63  }
0x25e: {  	_ =	swait.ge [sflag:s19], $0x28  }
0x25f: {  	[sflag:s19] =	ssyncset.done $0x0  }
0x260: {  	[sflag:s19] =	ssyncadd.s32 $0xFFFFFFD8  }
0x261: {  	_ =	swait.ge [sflag:s19], $0x28  }
0x262: {  	[sflag:s19] =	ssyncset.done $0x0  }
0x263: {  	s1 =	simm.s32 $0x208;
	[sflag:s19] =	ssyncadd.s32 $0xFFFFFFD8  }
0x264: {  	[spmem:s14] =	stream.indirect.scatter.add.f32 [tilespmem:s5], [sflag:$0x13], $0x10, s1, s21, $0xb8;
	[tilespmem:$0x1C930] =	vst v63  }
0x265: {  	s25 =	simm.s32 $0x78  }
0x266: {  	[tilespmem:s15], [sflag:$0xE] =	stream.indirect.gather [hbm4b:s2+s21], $0x80, s25, s21, $0xb8;
	[tilespmem:$0x1C930] =	vst v63  }
0x267: {  	_ =	swait.ge [sflag:s30], $0x1400  }
0x268: {  	[sflag:s30] =	ssyncset.done $0x0  }
0x269: {  	[sflag:s30] =	ssyncadd.s32 $0xFFFFEC00  }
0x26a: {  	_ =	swait.ge [sflag:s30], $0x280  }
0x26b: {  	s4 =	simm.s32 $0x168;
	s0 =	rddreg [dreg:$0xf];
	[sflag:s30] =	ssyncset.done $0x0  }
0x26c: {  	s25 =	rddreg [dreg:$0xe];
	[sflag:s30] =	ssyncadd.s32 $0xFFFFFD80;
	s19 =	sadd.s32 s6, s0  }
0x26d: {  	[tilespmem:s4], [sflag:$0xA] =	stream.linear.gather [hbm4b:s19+s20], $0x28, $0x38;
	[tilespmem:$0x1C930] =	vst v63  }
0x26e: {  	s6 =	sadd.s32 s6, s25;
	s25 =	smov.u32 s17;
	s17 =	simm.s32 $0x5  }
0x26f: {  	[tilespmem:s29], [sflag:$0xA] =	stream.linear.gather [hbm4b:s6+s20], $0x28, $0x38;
	[tilespmem:$0x1C930] =	vst v63  }
0x270: {  	_ =	swait.ge [sflag:s17], $0x28  }
0x271: {  	[sflag:s17] =	ssyncset.done $0x0  }
0x272: {  	[sflag:s17] =	ssyncadd.s32 $0xFFFFFFD8  }
0x273: {  	_ =	swait.ge [sflag:s17], $0x28  }
0x274: {  	[sflag:s17] =	ssyncset.done $0x0  }
0x275: {  	s19 =	simm.s32 $0x230;
	[sflag:s17] =	ssyncadd.s32 $0xFFFFFFD8  }
0x276: {  	[spmem:s14] =	stream.indirect.scatter.add.f32 [tilespmem:s5], [sflag:$0x14], $0x10, s19, s21, $0xb8;
	[tilespmem:$0x1C930] =	vst v63  }
0x277: {  	s12 =	simm.s32 $0xA0;
	s29 =	simm.s32 $0x5320  }
0x278: {  	[tilespmem:s29], [sflag:$0xF] =	stream.indirect.gather [hbm4b:s2+s21], $0x80, s12, s21, $0xb8;
	[tilespmem:$0x1C930] =	vst v63  }
0x279: {  	_ =	swait.ge [sflag:s8], $0x1400  }
0x27a: {  	[sflag:s8] =	ssyncset.done $0x0  }
0x27b: {  	s30 =	simm.s32 $0x320;
	[sflag:s8] =	ssyncadd.s32 $0xFFFFEC00  }
0x27c: {  	[spmem:s3] =	stream.indirect.scatter.add.f32 [tilespmem:s30], [sflag:$0x10], $0x80, s31, s21, $0xb8;
	[tilespmem:$0x1C930] =	vst v63  }
0x27d: {  	_ =	swait.ge [sflag:s18], $0x1400  }
0x27e: {  	[sflag:s18] =	ssyncset.done $0x0  }
0x27f: {  	s31 =	simm.s32 $0x1720;
	[sflag:s18] =	ssyncadd.s32 $0xFFFFEC00  }
0x280: {  	[spmem:s3] =	stream.indirect.scatter.add.f32 [tilespmem:s31], [sflag:$0x11], $0x80, s24, s21, $0xb8;
	[tilespmem:$0x1C930] =	vst v63  }
0x281: {  	_ =	swait.ge [sflag:s22], $0x1400  }
0x282: {  	[sflag:s22] =	ssyncset.done $0x0  }
0x283: {  	[sflag:s22] =	ssyncadd.s32 $0xFFFFEC00  }
0x284: {  	[spmem:s3] =	stream.indirect.scatter.add.f32 [tilespmem:s7], [sflag:$0x12], $0x80, s28, s21, $0xb8;
	[tilespmem:$0x1C930] =	vst v63  }
0x285: {  	_ =	swait.ge [sflag:s26], $0x1400  }
0x286: {  	p1 =	sne.s32 s16, $0x47E;
	[sflag:s26] =	ssyncset.done $0x0  }
.Ltmp0:
0x287: {  	[sflag:s26] =	ssyncadd.s32 $0xFFFFEC00;
	(pc) =	sbr.rel @p1 .LBB2_2-.Ltmp0, $4  }
0x288: {  	[spmem:s3] =	stream.indirect.scatter.add.f32 [tilespmem:s15], [sflag:$0x13], $0x80, s1, s21, $0xb8;
	[tilespmem:$0x1C930] =	vst v63  }
0x289: {  	s16 =	sadd.s32 $0x32, s16;
	s9 =	sadd.s32 $0x190, s9;
	_ =	swait.ge [sflag:s11], $0x1400  }
0x28a: {  	s13 =	simm.s32 $0x118;
	s23 =	simm.s32 $0x140;
	[sflag:s11] =	ssyncset.done $0x0  }
0x28b: {  	s10 =	simm.s32 $0x168;
	s0 =	simm.s32 $0x230;
	[sflag:s11] =	ssyncadd.s32 $0xFFFFEC00  }
0x28c: {  	s2 =	rddreg [dreg:$0x3];
	s17 =	simm.s32 $0x5320;
	s18 =	simm.s32 $0x10  }
0x28d: {  	[spmem:s2] =	stream.indirect.scatter.add.f32 [tilespmem:s17], [sflag:$0x14], $0x80, s0, s21, $0xb8;
	[tilespmem:$0x1C930] =	vst v63  }
0x28e: {  	_ =	swait.ge [sflag:s18], $0x1400  }
0x28f: {  	[sflag:s18] =	ssyncset.done $0x0  }
0x290: {  	[sflag:s18] =	ssyncadd.s32 $0xFFFFEC00  }
0x291: {  	_ =	swait.ge [sflag:s18], $0x280  }
0x292: {  	[sflag:s18] =	ssyncset.done $0x0  }
0x293: {  	s19 =	simm.s32 $0x6;
	[sflag:s18] =	ssyncadd.s32 $0xFFFFFD80  }
0x294: {  	_ =	swait.ge [sflag:s19], $0x28  }
0x295: {  	[sflag:s19] =	ssyncset.done $0x0  }
0x296: {  	[sflag:s19] =	ssyncadd.s32 $0xFFFFFFD8  }
0x297: {  	_ =	swait.ge [sflag:s19], $0x28  }
0x298: {  	[sflag:s19] =	ssyncset.done $0x0  }
0x299: {  	s6 =	simm.s32 $0x258;
	[sflag:s19] =	ssyncadd.s32 $0xFFFFFFD8  }
0x29a: {  	s14 =	simm.s32 $0x19FA0;
	s5 =	simm.s32 $0x320;
	s3 =	rddreg [dreg:$0x4]  }
0x29b: {  	[spmem:s3] =	stream.indirect.scatter.add.f32 [tilespmem:s14], [sflag:$0x10], $0x10, s6, s21, $0xb8;
	[tilespmem:$0x1C930] =	vst v63  }
0x29c: {  	s22 =	simm.s32 $0xC8;
	s11 =	simm.s32 $0x11;
	s1 =	rddreg [dreg:$0x0]  }
0x29d: {  	[tilespmem:s5], [sflag:$0xB] =	stream.indirect.gather [hbm4b:s1+s21], $0x80, s22, s21, $0xb8;
	[tilespmem:$0x1C930] =	vst v63  }
0x29e: {  	_ =	swait.ge [sflag:s11], $0x1400  }
0x29f: {  	[sflag:s11] =	ssyncset.done $0x0  }
0x2a0: {  	[sflag:s11] =	ssyncadd.s32 $0xFFFFEC00  }
0x2a1: {  	_ =	swait.ge [sflag:s11], $0x280  }
0x2a2: {  	[sflag:s11] =	ssyncset.done $0x0  }
0x2a3: {  	s24 =	simm.s32 $0x7;
	[sflag:s11] =	ssyncadd.s32 $0xFFFFFD80  }
0x2a4: {  	_ =	swait.ge [sflag:s24], $0x28  }
0x2a5: {  	[sflag:s24] =	ssyncset.done $0x0  }
0x2a6: {  	[sflag:s24] =	ssyncadd.s32 $0xFFFFFFD8  }
0x2a7: {  	_ =	swait.ge [sflag:s24], $0x28  }
0x2a8: {  	[sflag:s24] =	ssyncset.done $0x0  }
0x2a9: {  	s8 =	simm.s32 $0x280;
	[sflag:s24] =	ssyncadd.s32 $0xFFFFFFD8  }
0x2aa: {  	[spmem:s3] =	stream.indirect.scatter.add.f32 [tilespmem:s14], [sflag:$0x11], $0x10, s8, s21, $0xb8;
	[tilespmem:$0x1C930] =	vst v63  }
0x2ab: {  	s26 =	simm.s32 $0xF0;
	s19 =	simm.s32 $0x12;
	s24 =	simm.s32 $0x1720  }
0x2ac: {  	[tilespmem:s24], [sflag:$0xC] =	stream.indirect.gather [hbm4b:s1+s21], $0x80, s26, s21, $0xb8;
	[tilespmem:$0x1C930] =	vst v63  }
0x2ad: {  	_ =	swait.ge [sflag:s19], $0x1400  }
0x2ae: {  	[sflag:s19] =	ssyncset.done $0x0  }
0x2af: {  	[sflag:s19] =	ssyncadd.s32 $0xFFFFEC00  }
0x2b0: {  	_ =	swait.ge [sflag:s19], $0x280  }
0x2b1: {  	[sflag:s19] =	ssyncset.done $0x0  }
0x2b2: {  	s29 =	simm.s32 $0x8;
	[sflag:s19] =	ssyncadd.s32 $0xFFFFFD80  }
0x2b3: {  	_ =	swait.ge [sflag:s29], $0x28  }
0x2b4: {  	[sflag:s29] =	ssyncset.done $0x0  }
0x2b5: {  	[sflag:s29] =	ssyncadd.s32 $0xFFFFFFD8  }
0x2b6: {  	_ =	swait.ge [sflag:s29], $0x28  }
0x2b7: {  	[sflag:s29] =	ssyncset.done $0x0  }
0x2b8: {  	s30 =	simm.s32 $0x2A8;
	[sflag:s29] =	ssyncadd.s32 $0xFFFFFFD8  }
0x2b9: {  	[spmem:s3] =	stream.indirect.scatter.add.f32 [tilespmem:s14], [sflag:$0x12], $0x10, s30, s21, $0xb8;
	[tilespmem:$0x1C930] =	vst v63  }
0x2ba: {  	s16 =	simm.s32 $0x2B20;
	s4 =	simm.s32 $0x13  }
0x2bb: {  	[tilespmem:s16], [sflag:$0xD] =	stream.indirect.gather [hbm4b:s1+s21], $0x80, s13, s21, $0xb8;
	[tilespmem:$0x1C930] =	vst v63  }
0x2bc: {  	_ =	swait.ge [sflag:s4], $0x1400  }
0x2bd: {  	[sflag:s4] =	ssyncset.done $0x0  }
0x2be: {  	[sflag:s4] =	ssyncadd.s32 $0xFFFFEC00  }
0x2bf: {  	_ =	swait.ge [sflag:s4], $0x280  }
0x2c0: {  	[sflag:s4] =	ssyncset.done $0x0  }
0x2c1: {  	s7 =	simm.s32 $0x9;
	[sflag:s4] =	ssyncadd.s32 $0xFFFFFD80  }
0x2c2: {  	_ =	swait.ge [sflag:s7], $0x28  }
0x2c3: {  	[sflag:s7] =	ssyncset.done $0x0  }
0x2c4: {  	[sflag:s7] =	ssyncadd.s32 $0xFFFFFFD8  }
0x2c5: {  	_ =	swait.ge [sflag:s7], $0x28  }
0x2c6: {  	[sflag:s7] =	ssyncset.done $0x0  }
0x2c7: {  	s31 =	simm.s32 $0x2D0;
	[sflag:s7] =	ssyncadd.s32 $0xFFFFFFD8  }
0x2c8: {  	[spmem:s3] =	stream.indirect.scatter.add.f32 [tilespmem:s14], [sflag:$0x13], $0x10, s31, s21, $0xb8;
	[tilespmem:$0x1C930] =	vst v63  }
0x2c9: {  	s15 =	simm.s32 $0x3F20;
	s22 =	simm.s32 $0x14  }
0x2ca: {  	[tilespmem:s15], [sflag:$0xE] =	stream.indirect.gather [hbm4b:s1+s21], $0x80, s23, s21, $0xb8;
	[tilespmem:$0x1C930] =	vst v63  }
0x2cb: {  	_ =	swait.ge [sflag:s22], $0x1400  }
0x2cc: {  	[sflag:s22] =	ssyncset.done $0x0  }
0x2cd: {  	[sflag:s22] =	ssyncadd.s32 $0xFFFFEC00  }
0x2ce: {  	_ =	swait.ge [sflag:s22], $0x280  }
0x2cf: {  	[sflag:s22] =	ssyncset.done $0x0  }
0x2d0: {  	s9 =	simm.s32 $0xA;
	[sflag:s22] =	ssyncadd.s32 $0xFFFFFD80  }
0x2d1: {  	_ =	swait.ge [sflag:s9], $0x28  }
0x2d2: {  	[sflag:s9] =	ssyncset.done $0x0  }
0x2d3: {  	[sflag:s9] =	ssyncadd.s32 $0xFFFFFFD8  }
0x2d4: {  	_ =	swait.ge [sflag:s9], $0x28  }
0x2d5: {  	[sflag:s9] =	ssyncset.done $0x0  }
0x2d6: {  	s13 =	simm.s32 $0x2F8;
	[sflag:s9] =	ssyncadd.s32 $0xFFFFFFD8  }
0x2d7: {  	[spmem:s3] =	stream.indirect.scatter.add.f32 [tilespmem:s14], [sflag:$0x14], $0x10, s13, s21, $0xb8;
	[tilespmem:$0x1C930] =	vst v63  }
0x2d8: {  	s14 =	simm.s32 $0xB  }
0x2d9: {  	[tilespmem:s17], [sflag:$0xF] =	stream.indirect.gather [hbm4b:s1+s21], $0x80, s10, s21, $0xb8;
	[tilespmem:$0x1C930] =	vst v63  }
0x2da: {  	_ =	swait.ge [sflag:s14], $0x1400  }
0x2db: {  	[sflag:s14] =	ssyncset.done $0x0  }
0x2dc: {  	s23 =	simm.s32 $0xC;
	[sflag:s14] =	ssyncadd.s32 $0xFFFFEC00  }
0x2dd: {  	[spmem:s2] =	stream.indirect.scatter.add.f32 [tilespmem:s5], [sflag:$0x10], $0x80, s6, s21, $0xb8;
	[tilespmem:$0x1C930] =	vst v63  }
0x2de: {  	_ =	swait.ge [sflag:s23], $0x1400  }
0x2df: {  	[sflag:s23] =	ssyncset.done $0x0  }
0x2e0: {  	[sflag:s23] =	ssyncadd.s32 $0xFFFFEC00  }
0x2e1: {  	[spmem:s2] =	stream.indirect.scatter.add.f32 [tilespmem:s24], [sflag:$0x11], $0x80, s8, s21, $0xb8;
	[tilespmem:$0x1C930] =	vst v63  }
0x2e2: {  	s24 =	simm.s32 $0xD  }
0x2e3: {  	_ =	swait.ge [sflag:s24], $0x1400  }
0x2e4: {  	[sflag:s24] =	ssyncset.done $0x0  }
0x2e5: {  	s26 =	simm.s32 $0xE;
	[sflag:s24] =	ssyncadd.s32 $0xFFFFEC00  }
0x2e6: {  	[spmem:s2] =	stream.indirect.scatter.add.f32 [tilespmem:s16], [sflag:$0x12], $0x80, s30, s21, $0xb8;
	[tilespmem:$0x1C930] =	vst v63  }
0x2e7: {  	_ =	swait.ge [sflag:s26], $0x1400  }
0x2e8: {  	[sflag:s26] =	ssyncset.done $0x0  }
0x2e9: {  	s29 =	simm.s32 $0xF;
	[sflag:s26] =	ssyncadd.s32 $0xFFFFEC00  }
0x2ea: {  	[spmem:s2] =	stream.indirect.scatter.add.f32 [tilespmem:s15], [sflag:$0x13], $0x80, s31, s21, $0xb8;
	[tilespmem:$0x1C930] =	vst v63  }
0x2eb: {  	_ =	swait.ge [sflag:s29], $0x1400  }
0x2ec: {  	[sflag:s29] =	ssyncset.done $0x0  }
0x2ed: {  	[sflag:s29] =	ssyncadd.s32 $0xFFFFEC00  }
0x2ee: {  	[spmem:s2] =	stream.indirect.scatter.add.f32 [tilespmem:s17], [sflag:$0x14], $0x80, s13, s21, $0xb8;
	[tilespmem:$0x1C930] =	vst v63  }
0x2ef: {  	_ =	swait.ge [sflag:s18], $0x1400  }
0x2f0: {  	[sflag:s18] =	ssyncset.done $0x0  }
0x2f1: {  	[sflag:s18] =	ssyncadd.s32 $0xFFFFEC00  }
0x2f2: {  	_ =	swait.ge [sflag:s18], $0x280  }
0x2f3: {  	[sflag:s18] =	ssyncset.done $0x0  }
0x2f4: {  	[sflag:s18] =	ssyncadd.s32 $0xFFFFFD80  }
0x2f5: {  	_ =	swait.ge [sflag:s11], $0x1400  }
0x2f6: {  	[sflag:s11] =	ssyncset.done $0x0  }
0x2f7: {  	[sflag:s11] =	ssyncadd.s32 $0xFFFFEC00  }
0x2f8: {  	_ =	swait.ge [sflag:s11], $0x280  }
0x2f9: {  	[sflag:s11] =	ssyncset.done $0x0  }
0x2fa: {  	[sflag:s11] =	ssyncadd.s32 $0xFFFFFD80  }
0x2fb: {  	_ =	swait.ge [sflag:s19], $0x1400  }
0x2fc: {  	[sflag:s19] =	ssyncset.done $0x0  }
0x2fd: {  	[sflag:s19] =	ssyncadd.s32 $0xFFFFEC00  }
0x2fe: {  	_ =	swait.ge [sflag:s19], $0x280  }
0x2ff: {  	[sflag:s19] =	ssyncset.done $0x0  }
0x300: {  	[sflag:s19] =	ssyncadd.s32 $0xFFFFFD80  }
0x301: {  	_ =	swait.ge [sflag:s4], $0x1400  }
0x302: {  	[sflag:s4] =	ssyncset.done $0x0  }
0x303: {  	[sflag:s4] =	ssyncadd.s32 $0xFFFFEC00  }
0x304: {  	_ =	swait.ge [sflag:s4], $0x280  }
0x305: {  	[sflag:s4] =	ssyncset.done $0x0  }
0x306: {  	[sflag:s4] =	ssyncadd.s32 $0xFFFFFD80  }
0x307: {  	_ =	swait.ge [sflag:s22], $0x1400  }
0x308: {  	[sflag:s22] =	ssyncset.done $0x0  }
0x309: {  	[sflag:s22] =	ssyncadd.s32 $0xFFFFEC00  }
0x30a: {  	_ =	swait.ge [sflag:s22], $0x280  }
0x30b: {  	[sflag:s22] =	ssyncset.done $0x0  }
0x30c: {  	[sflag:s22] =	ssyncadd.s32 $0xFFFFFD80  }
0x30d: {  	[bflag:$0x0] =	sbarrier.arrive $0xFFFF  }
0x30e: {  	s0 =	sld [smem:$0x7DF];
	_ =	sdelay $0x1  }
0x30f: {  	s6 =	simm.s32 @p0 $0x1FD5;
	s9 =	rddreg [dreg:$0x1f]  }
0x310: {  	[hbm:s9], [sflag:s6] =	dma.local @p0 [spmem:s0], $0x2800  }
0x311: {  	s9 =	simm.s32 @p0 $0x15  }
0x312: {  	_ =	swait.ge @p0 [sflag:s9], $0x2800  }
0x313: {  	s16 =	sld [smem:$0x7E7]  }
0x314: {  	s0 =	sld [smem:$0x7E0]  }
0x315: {  	[sflag:s9] =	ssyncset.done @p0 $0x0  }
0x316: {  	[sflag:s9] =	ssyncadd.s32 @p0 $0xFFFFD800  }
0x317: {  	[hbm:s16], [sflag:s6] =	dma.local @p0 [spmem:s0], $0x500  }
0x318: {  	_ =	swait.ge @p0 [sflag:s9], $0x500  }
0x319: {  	s0 =	sld [smem:$0x7E2]  }
0x31a: {  	s1 =	sld [smem:$0x7E1]  }
0x31b: {  	[sflag:s9] =	ssyncset.done @p0 $0x0  }
0x31c: {  	s6 =	rddreg [dreg:$0x1e];
	[sflag:s9] =	ssyncadd.s32 @p0 $0xFFFFFB00  }
0x31d: {  	[hbm:s6], [sflag:s0] =	dma.local @!p0 [spmem:s1], $0x2700  }
0x31e: {  	s6 =	simm.s32 @!p0 $0x15  }
0x31f: {  	_ =	swait.ge @!p0 [sflag:s6], $0x2700  }
0x320: {  	s9 =	sld [smem:$0x7E6]  }
0x321: {  	s1 =	sld [smem:$0x7E3]  }
0x322: {  	[sflag:s6] =	ssyncset.done @!p0 $0x0  }
0x323: {  	[sflag:s6] =	ssyncadd.s32 @!p0 $0xFFFFD900  }
0x324: {  	[hbm:s9], [sflag:s0] =	dma.local @!p0 [spmem:s1], $0x4E0  }
0x325: {  	_ =	swait.ge @!p0 [sflag:s6], $0x4E0  }
0x326: {  	s30 =	sld [smem:$0x7DE]  }
0x327: {  	s31 =	sld [smem:$0x7FA];
	_ =	sdelay $0x1  }
0x328: {  	s2 =	sadd.s32 $0x1, s30  }
0x329: {  	p1 =	sne.s32 s2, s31  }
.Ltmp1:
0x32a: {  	_ = 	snop;
	(pc) =	sbr.rel @p1 .LBB2_1-.Ltmp1, $4  }
0x32b: {  	s7 =	simm.s32 $0x1B8;
	s3 =	simm.s32 $0x3  }
0x32c: {  	s5 =	simm.s32 $0x1;
	s17 =	simm.s32 $0x208;
	s16 =	simm.s32 $0x50  }
0x32d: {  	s9 =	simm.s32 $0x190;
	s0 =	simm.s32 $0x78;
	[sflag:s6] =	ssyncset.done @!p0 $0x0  }
0x32e: {  	s1 =	simm.s32 $0x2;
	s4 =	rddreg [dreg:$0x18];
	[sflag:s6] =	ssyncadd.s32 @!p0 $0xFFFFFB20  }
0x32f: {  	_ =	sfence.sel $0x180000  }
0x330: {  	[bflag:$0x0] =	sbarrier.arrive $0xFFFF  }
0x331: {  	_ =	strace $0x90000047  }
0x332: {  	s0 =	stileid.u32;
	[bflag:$0x2] =	sbarrier.arrive $0xFFFF  }
0x333: {  	p0 =	sne.s32 s0, $0x0;
	s0 =	rddreg [dreg:$0x5]  }
0x334: {  	s0 =	sadd.s32 @!p0 $0x100000, s0  }
0x335: {  	[sflag:s0] =	ssyncadd.tile.s32 @!p0 $0x1;
	_ =	shalt  }
.Lfunc_end2:
_tile_overlayer_lowered:
.L_overlay_start_2:
0x336: {  	(tag) =	ssettag $0x2  }
0x337: {  	s0 =	rddreg [dreg:$0x0];
	s2 =	stileid.u32  }
0x338: {  	s1 =	rddreg [dreg:$0x1];
	p0 =	sne.s32 s2, $0x0  }
0x339: {  	s3 =	rddreg [dreg:$0x2];
	[bflag:$0x3] =	sbarrier.arrive $0xFFFF;
	s2 =	simm.s32 @!p0 $0x1C15  }
0x33a: {  	[timem:s3], [sflag:s2] =	dma.local @!p0 [hbm:s0], s1  }
0x33b: {  	s0 =	simm.s32 @!p0 $0x15  }
0x33c: {  	_ =	swait.ge @!p0 [sflag:s0], s1  }
0x33d: {  	s1 =	ssub.s32 @!p0 $0x0, s1;
	[sflag:s0] =	ssyncset.done @!p0 $0x0  }
0x33e: {  	[sflag:s0] =	ssyncadd.s32 @!p0 s1  }
0x33f: {  	[bflag:$0x3] =	sbarrier.arrive $0xFFFF  }
0x340: {  	_ =	shalt  }

// kernel: kernel.9.cloned.1.call-start
scs
__scs_entry_jumppad:
0x0: {  	(pc) =	sbr.rel $0x88, $3  }
0x1: {  	(tag) =	ssettag $0x0;
	lr =	simm.s32 $0x1  }
0x2: {  	[smem:$0x3F9B] =	sst lr;
	_ =	strace $0xD0000000  }
0x3: {  	_ = 	snop  }
0x4: {  	_ = 	snop  }
0x5: {  	_ = 	snop  }
0x6: {  	_ = 	snop  }
0x7: {  	_ = 	snop  }
__scs_overlays_trampoline_lowered:
0x8: {  	[smem:$0x3FAA] =	sst s0  }
0x9: {  	[smem:$0x3FAB] =	sst s1  }
0xa: {  	[smem:$0x3FAC] =	sst s2  }
0xb: {  	[smem:$0x3FAD] =	sst s3  }
0xc: {  	[smem:$0x3FAE] =	sst s4  }
0xd: {  	[smem:$0x3FAF] =	sst s5  }
0xe: {  	[smem:$0x3FB0] =	sst s6  }
0xf: {  	[smem:$0x3FB1] =	sst s7  }
0x10: {  	[smem:$0x3FB2] =	sst s8  }
0x11: {  	[smem:$0x3FB3] =	sst s9;
	s0 =	simm.s32 @!p0 $0x0  }
0x12: {  	s1 =	sld [smem:$0x3F99];
	s0 =	simm.s32 @p0 $0x1  }
0x13: {  	[smem:$0x3FB4] =	sst s0;
	s0 =	simm.s32 @!p1 $0x0  }
0x14: {  	s2 =	sld [smem:$0x3F98];
	s0 =	simm.s32 @p1 $0x1  }
0x15: {  	[smem:$0x3FB5] =	sst s0;
	s0 =	simm.s32 @!p2 $0x0  }
0x16: {  	s3 =	sld [smem:$0x3FDB];
	s0 =	simm.s32 @p2 $0x1  }
0x17: {  	s4 =	simm.s32 $0x1BF5;
	[smem:$0x3FB7] =	sst s0  }
0x18: {  	s0 =	sld [smem:$0x3F9A];
	_ =	swait.ge [sflag:s4], $0x0  }
0x19: {  	s7 =	sld [smem:$0x3F9B]  }
0x1a: {  	s8 =	sadd.s32 $0xFFFFE003, lr  }
0x1b: {  	s9 =	sadd.s32 $0xFFFFFEF7, lr;
	s5 =	simm.s32 $0xFFFFFFFF;
	p2 =	slt.u32 s8, $0xFFFFF086  }
0x1c: {  	p1 =	slt.u32 s9, $0xF7A;
	s5 =	simm.s32 @!p2 $0x0  }
0x1d: {  	s5 =	simm.s32 @p1 $0x1;
	p0 =	seq.s32 s7, s2  }
0x1e: {  	s7 =	smul.u32 @!p0 $0xF7A, s2;
	p2 =	seq.s32 @!p0 s5, $0x0  }
0x1f: {  	s9 =	smul.u32 $0xF7A, s1;
	s8 =	simm.s32 @!p0 $0x1BF5;
	p2 =	por !p2, p0  }
0x20: {  	[sflag:s8] =	ssyncset.s32 @!p0 $0xFFFFF086;
	s6 =	sadd.s32 @!p0 s3, s7;
	s7 =	simm.s32 @!p0 $0x108  }
0x21: {  	s3 =	sadd.s32 s3, s9;
	s6 =	sadd.s32 @!p0 $0x88, s6;
	s7 =	simm.s32 @p2 $0x1082  }
0x22: {  	[simem:s7], [sflag:s8] =	dma.local @!p0 [hbm:s6], $0xF7A  }
0x23: {  	s9 =	sor.u32 $0xD0000000, s2;
	s6 =	simm.s32 $0x108;
	_ =	swait.ge @!p0 [sflag:s8], $0x0  }
0x24: {  	s3 =	sadd.s32 $0x88, s3;
	s6 =	simm.s32 @!p1 $0x1082;
	[sflag:s4] =	ssyncset.s32 $0xFFFFF086  }
0x25: {  	[simem:s6], [sflag:s4] =	dma.local [hbm:s3], $0xF7A  }
0x26: {  	[smem:$0x3F9B] =	sst s1;
	(tag) =	ssettag s2;
	_ =	strace s9  }
0x27: {  	s1 =	sld [smem:$0x3FAB]  }
0x28: {  	s2 =	sld [smem:$0x3FAC]  }
0x29: {  	s4 =	sld [smem:$0x3FAE]  }
0x2a: {  	p0 =	seq.s32 s5, $0x0;
	s5 =	sld [smem:$0x3FAF]  }
0x2b: {  	s6 =	sld [smem:$0x3FB0]  }
0x2c: {  	s7 =	sld [smem:$0x3FB1]  }
0x2d: {  	s3 =	simm.s32 $0x108;
	s8 =	sld [smem:$0x3FB2]  }
0x2e: {  	s3 =	simm.s32 @!p0 $0x1082;
	s9 =	sld [smem:$0x3FB3]  }
0x2f: {  	lr =	sadd.s32 s0, s3;
	s0 =	sld [smem:$0x3FAA]  }
0x30: {  	s3 =	sld [smem:$0x3FAD]  }
0x31: {  	[smem:$0x3FB6] =	sst s10  }
0x32: {  	s10 =	sld [smem:$0x3FB4];
	_ =	sdelay $0x3  }
0x33: {  	p0 =	seq.s32 s10, $0x1;
	s10 =	sld [smem:$0x3FB6];
	_ =	sdelay $0x3  }
0x34: {  	[smem:$0x3FB6] =	sst s10  }
0x35: {  	s10 =	sld [smem:$0x3FB5];
	_ =	sdelay $0x3  }
0x36: {  	p1 =	seq.s32 s10, $0x1;
	s10 =	sld [smem:$0x3FB6];
	_ =	sdelay $0x3  }
0x37: {  	[smem:$0x3FB6] =	sst s10  }
0x38: {  	s10 =	sld [smem:$0x3FB7]  }
0x39: {  	_ = 	snop;
	(pc) =	sbr.ind lr, $3  }
0x3a: {  	_ = 	snop  }
0x3b: {  	_ = 	snop  }
0x3c: {  	p2 =	seq.s32 s10, $0x1;
	s10 =	sld [smem:$0x3FB6]  }
0x3d: {  	_ =	shalt  }
0x3e: {  	_ =	shalt  }
0x3f: {  	_ =	shalt  }
0x40: {  	_ =	shalt  }
0x41: {  	_ =	shalt  }
0x42: {  	_ =	shalt  }
0x43: {  	_ =	shalt  }
0x44: {  	_ =	shalt  }
0x45: {  	_ =	shalt  }
0x46: {  	_ =	shalt  }
0x47: {  	_ =	shalt  }
0x48: {  	_ =	shalt  }
0x49: {  	_ =	shalt  }
0x4a: {  	_ =	shalt  }
0x4b: {  	_ =	shalt  }
0x4c: {  	_ =	shalt  }
0x4d: {  	_ =	shalt  }
0x4e: {  	_ =	shalt  }
0x4f: {  	_ =	shalt  }
0x50: {  	_ =	shalt  }
0x51: {  	_ =	shalt  }
0x52: {  	_ =	shalt  }
0x53: {  	_ =	shalt  }
0x54: {  	_ =	shalt  }
0x55: {  	_ =	shalt  }
0x56: {  	_ =	shalt  }
0x57: {  	_ =	shalt  }
0x58: {  	_ =	shalt  }
0x59: {  	_ =	shalt  }
0x5a: {  	_ =	shalt  }
0x5b: {  	_ =	shalt  }
0x5c: {  	_ =	shalt  }
0x5d: {  	_ =	shalt  }
0x5e: {  	_ =	shalt  }
0x5f: {  	_ =	shalt  }
0x60: {  	_ =	shalt  }
0x61: {  	_ =	shalt  }
0x62: {  	_ =	shalt  }
0x63: {  	_ =	shalt  }
0x64: {  	_ =	shalt  }
0x65: {  	_ =	shalt  }
0x66: {  	_ =	shalt  }
0x67: {  	_ =	shalt  }
0x68: {  	_ =	shalt  }
0x69: {  	_ =	shalt  }
0x6a: {  	_ =	shalt  }
0x6b: {  	_ =	shalt  }
0x6c: {  	_ =	shalt  }
0x6d: {  	_ =	shalt  }
0x6e: {  	_ =	shalt  }
0x6f: {  	_ =	shalt  }
0x70: {  	_ =	shalt  }
0x71: {  	_ =	shalt  }
0x72: {  	_ =	shalt  }
0x73: {  	_ =	shalt  }
0x74: {  	_ =	shalt  }
0x75: {  	_ =	shalt  }
0x76: {  	_ =	shalt  }
0x77: {  	_ =	shalt  }
0x78: {  	_ =	shalt  }
0x79: {  	_ =	shalt  }
0x7a: {  	_ =	shalt  }
0x7b: {  	_ =	shalt  }
0x7c: {  	_ =	shalt  }
0x7d: {  	_ =	shalt  }
0x7e: {  	_ =	shalt  }
0x7f: {  	_ =	shalt  }
0x80: {  	_ =	shalt  }
0x81: {  	_ =	shalt  }
0x82: {  	_ =	shalt  }
0x83: {  	_ =	shalt  }
0x84: {  	_ =	shalt  }
0x85: {  	_ =	shalt  }
0x86: {  	_ =	shalt  }
0x87: {  	_ =	shalt  }
.Lfunc_end0:
.L_simem_size_0:
called_computation.1_lowered:
.L_overlay_start_0:
0x88: {  	s2 =	sld [smem:$0x3FD9]  }
0x89: {  	s3 =	sld [smem:$0x3FFE];
	_ =	sdelay $0x1  }
0x8a: {  	s1 =	srdreg.scid  }
0x8b: {  	s0 =	sand.u32 $0x1, s1  }
0x8c: {  	s17 =	sshll.u32 s0, $0xA;
	s2 =	sadd.s32 s3, s2  }
0x8d: {  	s2 =	sadd.s32 s2, s17  }
0x8e: {  	[smem:$0x3FC2] =	sst s2  }
0x8f: {  	_ = 	snop  }
0x90: {  	s2 =	sld [smem:$0x3FD0];
	(tm) =	ssettm $0x1  }
0x91: {  	s18 =	sld [smem:$0x3FFB];
	_ =	sdelay $0x3  }
0x92: {  	_ =	strace s18  }
0x93: {  	s3 =	sld [smem:$0x3FFC];
	_ =	sdelay $0x3  }
0x94: {  	_ =	strace s3  }
0x95: {  	s3 =	sld [smem:$0x3FFD];
	_ =	sdelay $0x3  }
0x96: {  	_ =	strace s3  }
0x97: {  	_ =	strace $0x8FFFFFFF  }
0x98: {  	s19 =	sld [smem:$0x3FDB];
	_ =	sdelay $0x1  }
0x99: {  	s4 =	simm.s32 $_scs_section_size  }
0x9a: {  	s5 =	simm.s32 $_size__tile_overlayer_lowered;
	s6 =	simm.s32 $_tile_overlayer_lowered  }
0x9b: {  	s22 =	simm.s32 $0x1BFF;
	s21 =	sshll.u32 s6, $0x1;
	s3 =	sadd.s32 s4, s19  }
0x9c: {  	s7 =	simm.s32 $0x0;
	s20 =	sshll.u32 s5, $0x1;
	s5 =	sadd.s32 s21, s3  }
0x9d: {  	[timem:s7], [sflag:s22] =	dma.local [hbm:s5], s20  }
0x9e: {  	_ =	swait.ge [sflag:s22], s20  }
0x9f: {  	s4 =	ssub.s32 $0x0, s20;
	[sflag:s22] =	ssyncset.done $0x0  }
0xa0: {  	[sflag:s22] =	ssyncadd.s32 s4;
	_ =	sdelay $0x1  }
0xa1: {  	s23 =	simm.s32 $0x1B8B  }
0xa2: {  	_ =	swait.ge [sflag:s23], $0x1  }
0xa3: {  	[sflag:s23] =	ssyncset.done $0x0  }
0xa4: {  	s25 =	simm.s32 $0x1B8E;
	s24 =	sld [smem:$0x3FFE];
	[sflag:s23] =	ssyncadd.s32 $0xFFFFFFFF  }
0xa5: {  	s26 =	simm.s32 $execute0_lowered;
	[smem:$0x3FD2] =	sst s25  }
0xa6: {  	s5 =	sshll.u32 s26, $0x1;
	_ =	strace $0x80000049;
	[dreg:$0x1] =	wrdreg $0xFFFFFFFF  }
0xa7: {  	s28 =	simm.s32 $_size_execute0_lowered;
	s3 =	sadd.s32 s3, s5;
	[dreg:$0x0] =	wrdreg $0x0  }
0xa8: {  	s5 =	sshll.u32 s28, $0x1;
	[dreg:$0x2] =	wrdreg s3  }
0xa9: {  	[dreg:$0x3] =	wrdreg s5  }
0xaa: {  	[dreg:$0x4] =	wrdreg $0xC0  }
0xab: {  	_ =	task [dreg:s7], $0x5FFFF  }
0xac: {  	[dreg:$0x1] =	wrdreg $0xFFFFFFFF  }
0xad: {  	[dreg:$0x0] =	wrdreg $0x60  }
0xae: {  	[dreg:$0x2] =	wrdreg s2  }
0xaf: {  	[dreg:$0x3] =	wrdreg s24  }
0xb0: {  	[dreg:$0x4] =	wrdreg $0x67200  }
0xb1: {  	[dreg:$0x5] =	wrdreg $0x9  }
0xb2: {  	_ =	task.clear_ibuf [dreg:s7], $0x6FFFF;
	_ =	strace $0x90000049  }
0xb3: {  	s29 =	simm.s32 $0x9;
	_ =	strace $0x8000004B  }
0xb4: {  	_ =	swait.ge [sflag:s29], $0x1  }
0xb5: {  	[sflag:s29] =	ssyncadd.s32 $0xFFFFFFFF  }
0xb6: {  	_ =	strace $0x9000004B  }
0xb7: {  	_ =	sfence  }
0xb8: {  	s30 =	sld [smem:$0x0];
	_ =	sdelay $0x2  }
0xb9: {  	s31 =	sshll.u32 s1, $0xD;
	s1 =	sshrl.u32 s1, $0x2  }
0xba: {  	s3 =	sand.u32 $0x4000, s31;
	s1 =	sadd.s32 s1, s30  }
0xbb: {  	s0 =	sor.u32 s3, s0;
	s1 =	sshll.u32 s1, $0x11  }
0xbc: {  	s0 =	sor.u32 s1, s0  }
0xbd: {  	s0 =	sadd.s32 $0x8F2B, s0  }
0xbe: {  	[sflag:s0] =	ssyncadd.remote.s32 $0x1  }
0xbf: {  	_ =	sfence.sel $0xFFFF  }
0xc0: {  	[dreg:$0x0] =	wrdreg $0xFFFFFFFF;
	(pc) =	sbr.abs _section_cstart, $3  }
0xc1: {  	[dreg:$0x1] =	wrdreg $0xFFFFFFFF  }
0xc2: {  	_ =	task.clear_ibuf [dreg:s7], $0x2FFFF;
	_ =	strace $0x9FFFFFFF  }
0xc3: {  	(tm) =	ssettm $0x7FFFFFFF  }
tec
execute0_lowered:
.L_overlay_start_1:
0x0: {  	(tag) =	ssettag $0x1  }
0x1: {  	s0 =	rddreg [dreg:$0x1]  }
0x2: {  	s1 =	rddreg [dreg:$0x2]  }
0x3: {  	s29 =	simm.s32 $0x0;
	s4 =	srdreg.scid;
	s2 =	stileid.u32  }
0x4: {  	[smem:$0x7FF] =	sst s29;
	s7 =	sand.u32 $0x1, s4;
	s16 =	sadd.s32 $0xC000, s0  }
0x5: {  	s3 =	sadd.s32 $0x2200, s0;
	s9 =	smul.u32 $0x2700, s2;
	s5 =	sadd.s32 $0x16600, s0  }
0x6: {  	s8 =	sadd.s32 $0x18E00, s0;
	s11 =	smul.u32 $0x2710, s2;
	p0 =	seq.s32 s2, $0xF  }
0x7: {  	_ =	strace $0x8000004A;
	s4 =	sshll.u32 s7, $0x4;
	s10 =	smul.u32 $0x27100, s7  }
0x8: {  	s24 =	ssub.s32 $0x2, s7;
	s7 =	smul.u32 $0x138800, s7;
	s4 =	sor.u32 s2, s4  }
0x9: {  	[dreg:$0x17] =	wrdreg s5;
	s25 =	sshrl.u32 s24, $0x1;
	s4 =	smul.u32 $0x2710, s4  }
0xa: {  	s0 =	ssub.s32 s24, s25;
	s5 =	sadd.s32 s11, s10;
	s9 =	sadd.s32 s9, s10  }
0xb: {  	s7 =	sshrl.u32 s7, $0x3;
	s14 =	sadd.s32 $0x258, s5;
	s21 =	sadd.s32 $0x2A8, s5  }
0xc: {  	s25 =	sadd.s32 $0x2D0, s5;
	s9 =	sadd.s32 s8, s9;
	s7 =	sadd.s32 s8, s7  }
0xd: {  	s0 =	smax.u32 s0, $0x1;
	s11 =	sshrl.u32 s14, $0x3;
	[smem:$0x7EC] =	sst s9  }
0xe: {  	s26 =	sadd.s32 $0xC8, s4;
	[smem:$0x7FB] =	sst s0;
	s18 =	sadd.s32 s11, s3  }
0xf: {  	s23 =	sshrl.u32 s21, $0x3;
	s11 =	sadd.s32 s11, s16;
	[dreg:$0x4] =	wrdreg s18  }
0x10: {  	s6 =	sshrl.u32 s4, $0x3;
	s24 =	sadd.s32 s23, s3;
	[dreg:$0x5] =	wrdreg s11  }
0x11: {  	s12 =	sshrl.u32 s26, $0x3;
	s26 =	sadd.s32 s23, s16;
	[dreg:$0x8] =	wrdreg s24  }
0x12: {  	s28 =	sadd.s32 $0x28, s4;
	s13 =	sadd.s32 s16, s12;
	[dreg:$0x9] =	wrdreg s26  }
0x13: {  	s30 =	sshrl.u32 s28, $0x3;
	s31 =	sadd.s32 s3, s12;
	[dreg:$0x18] =	wrdreg s13  }
0x14: {  	s14 =	sadd.s32 $0x280, s5;
	s12 =	sadd.s32 s16, s30;
	[dreg:$0x19] =	wrdreg s31  }
0x15: {  	s19 =	sshrl.u32 s14, $0x3;
	s15 =	sadd.s32 s3, s30;
	[dreg:$0x1a] =	wrdreg s12  }
0x16: {  	s28 =	sshrl.u32 s25, $0x3;
	s20 =	sadd.s32 s19, s3;
	[dreg:$0x1b] =	wrdreg s15  }
0x17: {  	s25 =	sadd.s32 $0x208, s5;
	s22 =	sadd.s32 s19, s16;
	[dreg:$0x6] =	wrdreg s20  }
0x18: {  	s30 =	sadd.s32 s28, s3;
	s18 =	sadd.s32 $0xA, s6;
	[dreg:$0x7] =	wrdreg s22  }
0x19: {  	s19 =	sadd.s32 $0x230, s5;
	[dreg:$0xa] =	wrdreg s30;
	s13 =	sadd.s32 s28, s16  }
0x1a: {  	s12 =	sadd.s32 $0x1E, s6;
	s20 =	sadd.s32 s16, s18;
	[dreg:$0xb] =	wrdreg s13  }
0x1b: {  	s31 =	sadd.s32 $0x2F8, s5;
	s17 =	sadd.s32 s16, s12;
	[dreg:$0x1e] =	wrdreg s20  }
0x1c: {  	s11 =	sshrl.u32 s19, $0x3;
	s12 =	sadd.s32 s3, s12;
	[dreg:$0x1c] =	wrdreg s17  }
0x1d: {  	s22 =	sadd.s32 $0x1E0, s5;
	s21 =	sadd.s32 s11, s3;
	[dreg:$0x1d] =	wrdreg s12  }
0x1e: {  	s28 =	sshrl.u32 s25, $0x3;
	s11 =	sadd.s32 s11, s16;
	[dreg:$0xe] =	wrdreg s21  }
0x1f: {  	s15 =	sshrl.u32 s31, $0x3;
	s30 =	sadd.s32 s28, s3;
	[dreg:$0xf] =	wrdreg s11  }
0x20: {  	s10 =	sshrl.u32 s22, $0x3;
	s22 =	sadd.s32 s3, s6;
	[dreg:$0x12] =	wrdreg s30  }
0x21: {  	s23 =	sadd.s32 $0x118, s4;
	s17 =	sadd.s32 s15, s3;
	[smem:$0x7F4] =	sst s22  }
0x22: {  	s31 =	sadd.s32 $0x1B8, s5;
	s12 =	sadd.s32 s3, s18;
	[dreg:$0xc] =	wrdreg s17  }
0x23: {  	s13 =	sadd.s32 s15, s16;
	s24 =	sadd.s32 s10, s3;
	[dreg:$0x1f] =	wrdreg s12  }
0x24: {  	s26 =	sadd.s32 s10, s16;
	s8 =	sshrl.u32 s31, $0x3;
	[dreg:$0xd] =	wrdreg s13  }
0x25: {  	s18 =	sadd.s32 $0x28, s6;
	s21 =	sadd.s32 s16, s6;
	[dreg:$0x10] =	wrdreg s24  }
0x26: {  	s6 =	sadd.s32 $0x14, s6;
	s30 =	sadd.s32 $0x190, s5;
	[dreg:$0x11] =	wrdreg s26  }
0x27: {  	s31 =	sadd.s32 $0x124800, s1;
	s5 =	simm.s32 $0x190;
	[smem:$0x7F3] =	sst s21  }
0x28: {  	s22 =	simm.s32 $0x3;
	s12 =	sshrl.u32 s23, $0x3;
	[smem:$0x7FC] =	sst s30  }
0x29: {  	s13 =	sadd.s32 s28, s16;
	s15 =	sadd.s32 s8, s3;
	[smem:$0x7FD] =	sst s31  }
0x2a: {  	s17 =	sadd.s32 $0x78, s4;
	s8 =	sadd.s32 s8, s16;
	[dreg:$0x13] =	wrdreg s13  }
0x2b: {  	s20 =	sadd.s32 s16, s18;
	s4 =	sadd.s32 $0x168, s4;
	[dreg:$0x14] =	wrdreg s15  }
0x2c: {  	s23 =	smul.u32 $0x4E000, s2;
	s24 =	sadd.s32 s16, s6;
	[dreg:$0x15] =	wrdreg s8  }
0x2d: {  	s6 =	sadd.s32 s3, s6;
	s28 =	sadd.s32 $0x24900, s7;
	[smem:$0x7F1] =	sst s20  }
0x2e: {  	s7 =	smov.u32 s16;
	s11 =	sadd.s32 s16, s12;
	[smem:$0x7F5] =	sst s24  }
0x2f: {  	s14 =	sadd.s32 s3, s12;
	s9 =	sshrl.u32 s17, $0x3;
	[smem:$0x7F6] =	sst s6  }
0x30: {  	s8 =	sadd.s32 s3, s18;
	s4 =	sshrl.u32 s4, $0x3;
	[smem:$0x7FA] =	sst s28  }
0x31: {  	s12 =	simm.s32 $0x28;
	s6 =	simm.s32 $0x50;
	[smem:$0x7ED] =	sst s11  }
0x32: {  	s13 =	simm.s32 $0x78;
	s20 =	simm.s32 $0x2;
	[smem:$0x7EE] =	sst s14  }
0x33: {  	s24 =	simm.s32 $0x4;
	s19 =	sadd.s32 s16, s9;
	[smem:$0x7F2] =	sst s8  }
0x34: {  	s9 =	sadd.s32 s3, s9;
	s25 =	sadd.s32 s16, s4;
	[smem:$0x7EF] =	sst s19  }
0x35: {  	s4 =	sadd.s32 s3, s4;
	s26 =	sshrl.u32 s23, $0x2;
	[smem:$0x7F0] =	sst s9  }
0x36: {  	s14 =	simm.s32 $0x1E0;
	s11 =	simm.s32 $0x208;
	[smem:$0x7F7] =	sst s25  }
0x37: {  	s16 =	simm.s32 $0xA0;
	[smem:$0x7F8] =	sst s4;
	s4 =	sadd.s32 s26, s1  }
0x38: {  	s23 =	simm.s32 $0x5;
	[smem:$0x7F9] =	sst s4;
	s4 =	smov.u32 s3  }
0x39: {  	s19 =	simm.s32 $0x1;
	s1 =	simm.s32 $0x0;
	[dreg:$0x16] =	wrdreg s4  }
.LBB2_1:
0x3a: {  	[smem:$0x7E8] =	sst s1  }
0x3b: {  	s0 =	sld [smem:$0x7F3]  }
0x3c: {  	s15 =	sld [smem:$0x7F4]  }
0x3d: {  	s17 =	rddreg [dreg:$0x18]  }
0x3e: {  	s21 =	rddreg [dreg:$0x19]  }
0x3f: {  	[tilespmem:s29], [sflag:$0x1] =	stream.linear.gather [hbm4b:s0+s29], $0x28, $0x38;
	[tilespmem:$0x19FA0] =	vst v63  }
0x40: {  	s26 =	rddreg [dreg:$0x1a]  }
0x41: {  	[tilespmem:s5], [sflag:$0x1] =	stream.linear.gather [hbm4b:s15+s29], $0x28, $0x38;
	[tilespmem:$0x19FA0] =	vst v63  }
0x42: {  	s18 =	simm.s32 $0xC8;
	s30 =	rddreg [dreg:$0x1b]  }
0x43: {  	[tilespmem:s18], [sflag:$0x6] =	stream.linear.gather [hbm4b:s17+s29], $0x28, $0x38;
	[tilespmem:$0x19FA0] =	vst v63  }
0x44: {  	s25 =	simm.s32 $0x258;
	s2 =	rddreg [dreg:$0x1c]  }
0x45: {  	[tilespmem:s25], [sflag:$0x6] =	stream.linear.gather [hbm4b:s21+s29], $0x28, $0x38;
	[tilespmem:$0x19FA0] =	vst v63  }
0x46: {  	s9 =	rddreg [dreg:$0x1e]  }
0x47: {  	[tilespmem:s12], [sflag:$0x2] =	stream.linear.gather [hbm4b:s26+s29], $0x28, $0x38;
	[tilespmem:$0x19FA0] =	vst v63  }
0x48: {  	s31 =	simm.s32 $0x1B8;
	s10 =	rddreg [dreg:$0x1f]  }
0x49: {  	[tilespmem:s31], [sflag:$0x2] =	stream.linear.gather [hbm4b:s30+s29], $0x28, $0x38;
	[tilespmem:$0x19FA0] =	vst v63  }
0x4a: {  	s3 =	simm.s32 $0xF0;
	s0 =	sld [smem:$0x7FD]  }
0x4b: {  	[tilespmem:s3], [sflag:$0x7] =	stream.linear.gather [hbm4b:s2+s29], $0x28, $0x38;
	[tilespmem:$0x19FA0] =	vst v63  }
0x4c: {  	s8 =	simm.s32 $0x280;
	s5 =	rddreg [dreg:$0x1d]  }
0x4d: {  	[tilespmem:s8], [sflag:$0x7] =	stream.linear.gather [hbm4b:s5+s29], $0x28, $0x38;
	[tilespmem:$0x19FA0] =	vst v63  }
0x4e: {  	s15 =	sld [smem:$0x7ED]  }
0x4f: {  	[tilespmem:s6], [sflag:$0x3] =	stream.linear.gather [hbm4b:s9+s29], $0x28, $0x38;
	[tilespmem:$0x19FA0] =	vst v63  }
0x50: {  	s0 =	sshrl.u32 @p0 s0, $0x3;
	s18 =	sld [smem:$0x7EE]  }
0x51: {  	[tilespmem:s14], [sflag:$0x3] =	stream.linear.gather [hbm4b:s10+s29], $0x28, $0x38;
	[tilespmem:$0x19FA0] =	vst v63  }
0x52: {  	s17 =	simm.s32 $0x118;
	[smem:$0x7E9] =	sst s0  }
0x53: {  	[tilespmem:s17], [sflag:$0x8] =	stream.linear.gather [hbm4b:s15+s29], $0x28, $0x38;
	[tilespmem:$0x19FA0] =	vst v63  }
0x54: {  	s21 =	simm.s32 $0x2A8;
	s25 =	sld [smem:$0x7EF]  }
0x55: {  	[tilespmem:s21], [sflag:$0x8] =	stream.linear.gather [hbm4b:s18+s29], $0x28, $0x38;
	[tilespmem:$0x19FA0] =	vst v63  }
0x56: {  	s26 =	sld [smem:$0x7F0]  }
0x57: {  	[tilespmem:s13], [sflag:$0x4] =	stream.linear.gather [hbm4b:s25+s29], $0x28, $0x38;
	[tilespmem:$0x19FA0] =	vst v63  }
0x58: {  	s30 =	sld [smem:$0x7F1]  }
0x59: {  	[tilespmem:s11], [sflag:$0x4] =	stream.linear.gather [hbm4b:s26+s29], $0x28, $0x38;
	[tilespmem:$0x19FA0] =	vst v63  }
0x5a: {  	s31 =	simm.s32 $0x140;
	s2 =	sld [smem:$0x7F2]  }
0x5b: {  	[tilespmem:s31], [sflag:$0x9] =	stream.linear.gather [hbm4b:s30+s29], $0x28, $0x38;
	[tilespmem:$0x19FA0] =	vst v63  }
0x5c: {  	s3 =	simm.s32 $0x2D0;
	s5 =	sld [smem:$0x7F5]  }
0x5d: {  	[tilespmem:s3], [sflag:$0x9] =	stream.linear.gather [hbm4b:s2+s29], $0x28, $0x38;
	[tilespmem:$0x19FA0] =	vst v63  }
0x5e: {  	s8 =	sld [smem:$0x7F6]  }
0x5f: {  	[tilespmem:s16], [sflag:$0x5] =	stream.linear.gather [hbm4b:s5+s29], $0x28, $0x38;
	[tilespmem:$0x19FA0] =	vst v63  }
0x60: {  	s9 =	sld [smem:$0x7F7];
	s25 =	simm.s32 $0x230  }
0x61: {  	[tilespmem:s25], [sflag:$0x5] =	stream.linear.gather [hbm4b:s8+s29], $0x28, $0x38;
	[tilespmem:$0x19FA0] =	vst v63  }
0x62: {  	s10 =	simm.s32 $0x168;
	s11 =	sld [smem:$0x7F8]  }
0x63: {  	[tilespmem:s10], [sflag:$0xA] =	stream.linear.gather [hbm4b:s9+s29], $0x28, $0x38;
	[tilespmem:$0x19FA0] =	vst v63  }
0x64: {  	s15 =	simm.s32 $0x2F8;
	s26 =	simm.s32 @p0 $0x1FD5;
	s5 =	rddreg [dreg:$0x17]  }
0x65: {  	[tilespmem:s15], [sflag:$0xA] =	stream.linear.gather [hbm4b:s11+s29], $0x28, $0x38;
	[tilespmem:$0x19FA0] =	vst v63  }
0x66: {  	[spmem:s0], [sflag:s26] =	dma.local @p0 [hbm:s5], $0x2800  }
0x67: {  	s26 =	simm.s32 @p0 $0x15  }
0x68: {  	s0 =	stileid.u32;
	_ =	swait.ge @p0 [sflag:s26], $0x2800  }
0x69: {  	s28 =	sshll.u32 @!p0 s0, $0x6;
	s0 =	sld [smem:$0x7F9];
	_ =	sdelay $0x1  }
0x6a: {  	s1 =	sor.u32 @!p0 $0x1C15, s28  }
0x6b: {  	[sflag:s26] =	ssyncset.done @p0 $0x0;
	[smem:$0x7EA] =	sst s1;
	s0 =	sshrl.u32 @!p0 s0, $0x3  }
0x6c: {  	[sflag:s26] =	ssyncadd.s32 @p0 $0xFFFFD800;
	s26 =	simm.s32 @!p0 $0x15;
	[smem:$0x7EB] =	sst s0  }
0x6d: {  	[spmem:s0], [sflag:s1] =	dma.local @!p0 [hbm:s5], $0x2700  }
0x6e: {  	_ =	swait.ge @!p0 [sflag:s26], $0x2700  }
0x6f: {  	[sflag:s26] =	ssyncset.done @!p0 $0x0  }
0x70: {  	[sflag:s26] =	ssyncadd.s32 @!p0 $0xFFFFD900  }
0x71: {  	_ =	swait.ge [sflag:s19], $0x28  }
0x72: {  	[sflag:s19] =	ssyncset.done $0x0  }
0x73: {  	[sflag:s19] =	ssyncadd.s32 $0xFFFFFFD8  }
0x74: {  	_ =	swait.ge [sflag:s19], $0x28  }
0x75: {  	[sflag:s19] =	ssyncset.done $0x0  }
0x76: {  	[sflag:s19] =	ssyncadd.s32 $0xFFFFFFD8  }
0x77: {  	s17 =	simm.s32 $0x320;
	s2 =	rddreg [dreg:$0x0]  }
0x78: {  	[tilespmem:s17], [sflag:$0xB] =	stream.indirect.gather [hbm4b:s2+s12], $0x80, s29, s12, $0xb8;
	[tilespmem:$0x19FA0] =	vst v63  }
0x79: {  	_ =	swait.ge [sflag:s20], $0x28  }
0x7a: {  	[sflag:s20] =	ssyncset.done $0x0  }
0x7b: {  	[sflag:s20] =	ssyncadd.s32 $0xFFFFFFD8  }
0x7c: {  	_ =	swait.ge [sflag:s20], $0x28  }
0x7d: {  	[sflag:s20] =	ssyncset.done $0x0  }
0x7e: {  	s21 =	simm.s32 $0x1720;
	[sflag:s20] =	ssyncadd.s32 $0xFFFFFFD8  }
0x7f: {  	[tilespmem:s21], [sflag:$0xC] =	stream.indirect.gather [hbm4b:s2+s12], $0x80, s12, s12, $0xb8;
	[tilespmem:$0x19FA0] =	vst v63  }
0x80: {  	_ =	swait.ge [sflag:s22], $0x28  }
0x81: {  	[sflag:s22] =	ssyncset.done $0x0  }
0x82: {  	[sflag:s22] =	ssyncadd.s32 $0xFFFFFFD8  }
0x83: {  	_ =	swait.ge [sflag:s22], $0x28  }
0x84: {  	[sflag:s22] =	ssyncset.done $0x0  }
0x85: {  	s26 =	simm.s32 $0x2B20;
	[sflag:s22] =	ssyncadd.s32 $0xFFFFFFD8  }
0x86: {  	[tilespmem:s26], [sflag:$0xD] =	stream.indirect.gather [hbm4b:s2+s12], $0x80, s6, s12, $0xb8;
	[tilespmem:$0x19FA0] =	vst v63  }
0x87: {  	_ =	swait.ge [sflag:s24], $0x28  }
0x88: {  	[sflag:s24] =	ssyncset.done $0x0  }
0x89: {  	[sflag:s24] =	ssyncadd.s32 $0xFFFFFFD8  }
0x8a: {  	_ =	swait.ge [sflag:s24], $0x28  }
0x8b: {  	[sflag:s24] =	ssyncset.done $0x0  }
0x8c: {  	s30 =	simm.s32 $0x3F20;
	[sflag:s24] =	ssyncadd.s32 $0xFFFFFFD8  }
0x8d: {  	[tilespmem:s30], [sflag:$0xE] =	stream.indirect.gather [hbm4b:s2+s12], $0x80, s13, s12, $0xb8;
	[tilespmem:$0x19FA0] =	vst v63  }
0x8e: {  	_ =	swait.ge [sflag:s23], $0x28  }
0x8f: {  	[sflag:s23] =	ssyncset.done $0x0  }
0x90: {  	[sflag:s23] =	ssyncadd.s32 $0xFFFFFFD8  }
0x91: {  	_ =	swait.ge [sflag:s23], $0x28  }
0x92: {  	[sflag:s23] =	ssyncset.done $0x0  }
0x93: {  	s31 =	simm.s32 $0x5320;
	[sflag:s23] =	ssyncadd.s32 $0xFFFFFFD8  }
0x94: {  	[tilespmem:s31], [sflag:$0xF] =	stream.indirect.gather [hbm4b:s2+s12], $0x80, s16, s12, $0xb8;
	[tilespmem:$0x19FA0] =	vst v63  }
0x95: {  	s30 =	simm.s32 $0xB;
	[bflag:$0x0] =	sbarrier.arrive $0xFFFF  }
0x96: {  	_ =	swait.ge [sflag:s30], $0x1400  }
0x97: {  	[sflag:s30] =	ssyncset.done $0x0  }
0x98: {  	s18 =	simm.s32 $0x320;
	[sflag:s30] =	ssyncadd.s32 $0xFFFFEC00  }
0x99: {  	s3 =	simm.s32 $0xC;
	s10 =	simm.s32 $0x190;
	s23 =	rddreg [dreg:$0x2]  }
0x9a: {  	[spmem:s23] =	stream.indirect.scatter.add.f32 [tilespmem:s18], [sflag:$0x10], $0x80, s10, s12, $0xb8;
	[tilespmem:$0x19FA0] =	vst v63  }
0x9b: {  	_ =	swait.ge [sflag:s3], $0x1400  }
0x9c: {  	s9 =	simm.s32 $0x1720;
	[sflag:s3] =	ssyncset.done $0x0  }
0x9d: {  	s5 =	simm.s32 $0x1B8;
	s17 =	simm.s32 $0xD;
	[sflag:s3] =	ssyncadd.s32 $0xFFFFEC00  }
0x9e: {  	[spmem:s23] =	stream.indirect.scatter.add.f32 [tilespmem:s9], [sflag:$0x11], $0x80, s5, s12, $0xb8;
	[tilespmem:$0x19FA0] =	vst v63  }
0x9f: {  	_ =	swait.ge [sflag:s17], $0x1400  }
0xa0: {  	[sflag:s17] =	ssyncset.done $0x0  }
0xa1: {  	s15 =	simm.s32 $0x2B20;
	s18 =	simm.s32 $0xE;
	[sflag:s17] =	ssyncadd.s32 $0xFFFFEC00  }
0xa2: {  	[spmem:s23] =	stream.indirect.scatter.add.f32 [tilespmem:s15], [sflag:$0x12], $0x80, s14, s12, $0xb8;
	[tilespmem:$0x19FA0] =	vst v63  }
0xa3: {  	_ =	swait.ge [sflag:s18], $0x1400  }
0xa4: {  	s11 =	simm.s32 $0x208;
	[sflag:s18] =	ssyncset.done $0x0  }
0xa5: {  	s21 =	simm.s32 $0x3F20;
	s15 =	simm.s32 $0xF;
	[sflag:s18] =	ssyncadd.s32 $0xFFFFEC00  }
0xa6: {  	[spmem:s23] =	stream.indirect.scatter.add.f32 [tilespmem:s21], [sflag:$0x13], $0x80, s11, s12, $0xb8;
	[tilespmem:$0x19FA0] =	vst v63  }
0xa7: {  	_ =	swait.ge [sflag:s15], $0x1400  }
0xa8: {  	[sflag:s15] =	ssyncset.done $0x0  }
0xa9: {  	s1 =	simm.s32 $0x5320;
	s0 =	simm.s32 $0x10;
	[sflag:s15] =	ssyncadd.s32 $0xFFFFEC00  }
0xaa: {  	[spmem:s23] =	stream.indirect.scatter.add.f32 [tilespmem:s1], [sflag:$0x14], $0x80, s25, s12, $0xb8;
	[tilespmem:$0x19FA0] =	vst v63  }
0xab: {  	_ =	swait.ge [sflag:s0], $0x1400  }
0xac: {  	s11 =	sld [smem:$0x7FC];
	_ =	sdelay $0x2  }
0xad: {  	[sflag:s0] =	ssyncset.done $0x0;
	s26 =	sshrl.u32 s11, $0x3  }
0xae: {  	[sflag:s0] =	ssyncadd.s32 $0xFFFFEC00;
	s28 =	sadd.s32 s7, s26  }
0xaf: {  	[tilespmem:s29], [sflag:$0x1] =	stream.linear.gather [hbm4b:s28+s29], $0x28, $0x38;
	[tilespmem:$0x19FA0] =	vst v63  }
0xb0: {  	s26 =	sadd.s32 s4, s26;
	s4 =	simm.s32 $0x6  }
0xb1: {  	[tilespmem:s10], [sflag:$0x1] =	stream.linear.gather [hbm4b:s26+s29], $0x28, $0x38;
	[tilespmem:$0x19FA0] =	vst v63  }
0xb2: {  	_ =	swait.ge [sflag:s4], $0x28  }
0xb3: {  	[sflag:s4] =	ssyncset.done $0x0  }
0xb4: {  	[sflag:s4] =	ssyncadd.s32 $0xFFFFFFD8  }
0xb5: {  	_ =	swait.ge [sflag:s4], $0x28  }
0xb6: {  	s8 =	simm.s32 $0x320;
	[sflag:s4] =	ssyncset.done $0x0  }
0xb7: {  	s1 =	simm.s32 $0x11;
	s10 =	simm.s32 $0xC8;
	[sflag:s4] =	ssyncadd.s32 $0xFFFFFFD8  }
0xb8: {  	[tilespmem:s8], [sflag:$0xB] =	stream.indirect.gather [hbm4b:s2+s12], $0x80, s10, s12, $0xb8;
	[tilespmem:$0x19FA0] =	vst v63  }
0xb9: {  	_ =	swait.ge [sflag:s1], $0x1400  }
0xba: {  	s11 =	rddreg [dreg:$0x15];
	[sflag:s1] =	ssyncset.done $0x0  }
0xbb: {  	s28 =	rddreg [dreg:$0x14];
	[sflag:s1] =	ssyncadd.s32 $0xFFFFEC00;
	s26 =	sadd.s32 $0x0, s11  }
0xbc: {  	[tilespmem:s12], [sflag:$0x2] =	stream.linear.gather [hbm4b:s26+s29], $0x28, $0x38;
	[tilespmem:$0x19FA0] =	vst v63  }
0xbd: {  	s4 =	sadd.s32 $0x0, s28  }
0xbe: {  	[tilespmem:s5], [sflag:$0x2] =	stream.linear.gather [hbm4b:s4+s29], $0x28, $0x38;
	[tilespmem:$0x19FA0] =	vst v63  }
0xbf: {  	s5 =	simm.s32 $0x7  }
0xc0: {  	_ =	swait.ge [sflag:s5], $0x28  }
0xc1: {  	[sflag:s5] =	ssyncset.done $0x0  }
0xc2: {  	[sflag:s5] =	ssyncadd.s32 $0xFFFFFFD8  }
0xc3: {  	_ =	swait.ge [sflag:s5], $0x28  }
0xc4: {  	s9 =	simm.s32 $0x1720;
	[sflag:s5] =	ssyncset.done $0x0  }
0xc5: {  	s8 =	simm.s32 $0xF0;
	s4 =	simm.s32 $0x12;
	[sflag:s5] =	ssyncadd.s32 $0xFFFFFFD8  }
0xc6: {  	[tilespmem:s9], [sflag:$0xC] =	stream.indirect.gather [hbm4b:s2+s12], $0x80, s8, s12, $0xb8;
	[tilespmem:$0x19FA0] =	vst v63  }
0xc7: {  	_ =	swait.ge [sflag:s4], $0x1400  }
0xc8: {  	s10 =	rddreg [dreg:$0x11];
	[sflag:s4] =	ssyncset.done $0x0  }
0xc9: {  	s28 =	rddreg [dreg:$0x10];
	[sflag:s4] =	ssyncadd.s32 $0xFFFFEC00;
	s26 =	sadd.s32 $0x0, s10  }
0xca: {  	[tilespmem:s6], [sflag:$0x3] =	stream.linear.gather [hbm4b:s26+s29], $0x28, $0x38;
	[tilespmem:$0x19FA0] =	vst v63  }
0xcb: {  	s5 =	simm.s32 $0x8;
	s11 =	sadd.s32 $0x0, s28  }
0xcc: {  	[tilespmem:s14], [sflag:$0x3] =	stream.linear.gather [hbm4b:s11+s29], $0x28, $0x38;
	[tilespmem:$0x19FA0] =	vst v63  }
0xcd: {  	_ =	swait.ge [sflag:s5], $0x28  }
0xce: {  	[sflag:s5] =	ssyncset.done $0x0  }
0xcf: {  	[sflag:s5] =	ssyncadd.s32 $0xFFFFFFD8  }
0xd0: {  	_ =	swait.ge [sflag:s5], $0x28  }
0xd1: {  	s31 =	simm.s32 $0x2B20;
	[sflag:s5] =	ssyncset.done $0x0  }
0xd2: {  	s8 =	simm.s32 $0x118;
	[sflag:s5] =	ssyncadd.s32 $0xFFFFFFD8;
	s5 =	simm.s32 $0x13  }
0xd3: {  	[tilespmem:s31], [sflag:$0xD] =	stream.indirect.gather [hbm4b:s2+s12], $0x80, s8, s12, $0xb8;
	[tilespmem:$0x19FA0] =	vst v63  }
0xd4: {  	_ =	swait.ge [sflag:s5], $0x1400  }
0xd5: {  	s9 =	rddreg [dreg:$0x13];
	[sflag:s5] =	ssyncset.done $0x0  }
0xd6: {  	s28 =	rddreg [dreg:$0x12];
	[sflag:s5] =	ssyncadd.s32 $0xFFFFEC00;
	s26 =	sadd.s32 $0x0, s9  }
0xd7: {  	[tilespmem:s13], [sflag:$0x4] =	stream.linear.gather [hbm4b:s26+s29], $0x28, $0x38;
	[tilespmem:$0x19FA0] =	vst v63  }
0xd8: {  	s21 =	simm.s32 $0x208;
	s10 =	sadd.s32 $0x0, s28  }
0xd9: {  	[tilespmem:s21], [sflag:$0x4] =	stream.linear.gather [hbm4b:s10+s29], $0x28, $0x38;
	[tilespmem:$0x19FA0] =	vst v63  }
0xda: {  	s21 =	simm.s32 $0x9  }
0xdb: {  	_ =	swait.ge [sflag:s21], $0x28  }
0xdc: {  	[sflag:s21] =	ssyncset.done $0x0  }
0xdd: {  	[sflag:s21] =	ssyncadd.s32 $0xFFFFFFD8  }
0xde: {  	_ =	swait.ge [sflag:s21], $0x28  }
0xdf: {  	s31 =	simm.s32 $0x140;
	[sflag:s21] =	ssyncset.done $0x0  }
0xe0: {  	s8 =	simm.s32 $0x14;
	s10 =	simm.s32 $0x3F20;
	[sflag:s21] =	ssyncadd.s32 $0xFFFFFFD8  }
0xe1: {  	[tilespmem:s10], [sflag:$0xE] =	stream.indirect.gather [hbm4b:s2+s12], $0x80, s31, s12, $0xb8;
	[tilespmem:$0x19FA0] =	vst v63  }
0xe2: {  	_ =	swait.ge [sflag:s8], $0x1400  }
0xe3: {  	s9 =	rddreg [dreg:$0xf];
	[sflag:s8] =	ssyncset.done $0x0  }
0xe4: {  	s28 =	rddreg [dreg:$0xe];
	[sflag:s8] =	ssyncadd.s32 $0xFFFFEC00;
	s26 =	sadd.s32 $0x0, s9  }
0xe5: {  	[tilespmem:s16], [sflag:$0x5] =	stream.linear.gather [hbm4b:s26+s29], $0x28, $0x38;
	[tilespmem:$0x19FA0] =	vst v63  }
0xe6: {  	s21 =	sadd.s32 $0x0, s28  }
0xe7: {  	[tilespmem:s25], [sflag:$0x5] =	stream.linear.gather [hbm4b:s21+s29], $0x28, $0x38;
	[tilespmem:$0x19FA0] =	vst v63  }
0xe8: {  	s25 =	simm.s32 $0xA  }
0xe9: {  	_ =	swait.ge [sflag:s25], $0x28  }
0xea: {  	[sflag:s25] =	ssyncset.done $0x0  }
0xeb: {  	[sflag:s25] =	ssyncadd.s32 $0xFFFFFFD8  }
0xec: {  	_ =	swait.ge [sflag:s25], $0x28  }
0xed: {  	[sflag:s25] =	ssyncset.done $0x0  }
0xee: {  	s31 =	simm.s32 $0x168;
	s26 =	simm.s32 $0x5320;
	[sflag:s25] =	ssyncadd.s32 $0xFFFFFFD8  }
0xef: {  	[tilespmem:s26], [sflag:$0xF] =	stream.indirect.gather [hbm4b:s2+s12], $0x80, s31, s12, $0xb8;
	[tilespmem:$0x19FA0] =	vst v63  }
0xf0: {  	_ =	swait.ge [sflag:s30], $0x1400  }
0xf1: {  	[sflag:s30] =	ssyncset.done $0x0  }
0xf2: {  	s21 =	simm.s32 $0x258;
	s25 =	simm.s32 $0x320;
	[sflag:s30] =	ssyncadd.s32 $0xFFFFEC00  }
0xf3: {  	[spmem:s23] =	stream.indirect.scatter.add.f32 [tilespmem:s25], [sflag:$0x10], $0x80, s21, s12, $0xb8;
	[tilespmem:$0x19FA0] =	vst v63  }
0xf4: {  	_ =	swait.ge [sflag:s3], $0x1400  }
0xf5: {  	[sflag:s3] =	ssyncset.done $0x0  }
0xf6: {  	s9 =	simm.s32 $0x1720;
	s31 =	simm.s32 $0x280;
	[sflag:s3] =	ssyncadd.s32 $0xFFFFEC00  }
0xf7: {  	[spmem:s23] =	stream.indirect.scatter.add.f32 [tilespmem:s9], [sflag:$0x11], $0x80, s31, s12, $0xb8;
	[tilespmem:$0x19FA0] =	vst v63  }
0xf8: {  	_ =	swait.ge [sflag:s17], $0x1400  }
0xf9: {  	[sflag:s17] =	ssyncset.done $0x0  }
0xfa: {  	s11 =	simm.s32 $0x2B20;
	s9 =	simm.s32 $0x2A8;
	[sflag:s17] =	ssyncadd.s32 $0xFFFFEC00  }
0xfb: {  	[spmem:s23] =	stream.indirect.scatter.add.f32 [tilespmem:s11], [sflag:$0x12], $0x80, s9, s12, $0xb8;
	[tilespmem:$0x19FA0] =	vst v63  }
0xfc: {  	_ =	swait.ge [sflag:s18], $0x1400  }
0xfd: {  	[sflag:s18] =	ssyncset.done $0x0  }
0xfe: {  	s11 =	simm.s32 $0x2D0;
	[sflag:s18] =	ssyncadd.s32 $0xFFFFEC00  }
0xff: {  	[spmem:s23] =	stream.indirect.scatter.add.f32 [tilespmem:s10], [sflag:$0x13], $0x80, s11, s12, $0xb8;
	[tilespmem:$0x19FA0] =	vst v63  }
0x100: {  	_ =	swait.ge [sflag:s15], $0x1400  }
0x101: {  	[sflag:s15] =	ssyncset.done $0x0  }
0x102: {  	s10 =	simm.s32 $0x2F8;
	[sflag:s15] =	ssyncadd.s32 $0xFFFFEC00  }
0x103: {  	[spmem:s23] =	stream.indirect.scatter.add.f32 [tilespmem:s26], [sflag:$0x14], $0x80, s10, s12, $0xb8;
	[tilespmem:$0x19FA0] =	vst v63  }
0x104: {  	_ =	swait.ge [sflag:s0], $0x1400  }
0x105: {  	s26 =	rddreg [dreg:$0x5]  }
0x106: {  	[sflag:s0] =	ssyncset.done $0x0;
	s28 =	rddreg [dreg:$0x4]  }
0x107: {  	[sflag:s0] =	ssyncadd.s32 $0xFFFFEC00;
	s26 =	sadd.s32 $0x0, s26;
	s0 =	simm.s32 $0xC8  }
0x108: {  	[tilespmem:s0], [sflag:$0x6] =	stream.linear.gather [hbm4b:s26+s29], $0x28, $0x38;
	[tilespmem:$0x19FA0] =	vst v63  }
0x109: {  	s0 =	sadd.s32 $0x0, s28  }
0x10a: {  	[tilespmem:s21], [sflag:$0x6] =	stream.linear.gather [hbm4b:s0+s29], $0x28, $0x38;
	[tilespmem:$0x19FA0] =	vst v63  }
0x10b: {  	_ =	swait.ge [sflag:s19], $0x28  }
0x10c: {  	[sflag:s19] =	ssyncset.done $0x0  }
0x10d: {  	[sflag:s19] =	ssyncadd.s32 $0xFFFFFFD8  }
0x10e: {  	_ =	swait.ge [sflag:s19], $0x28  }
0x10f: {  	[sflag:s19] =	ssyncset.done $0x0  }
0x110: {  	[sflag:s19] =	ssyncadd.s32 $0xFFFFFFD8  }
0x111: {  	[tilespmem:s25], [sflag:$0xB] =	stream.indirect.gather [hbm4b:s2+s12], $0x80, s29, s12, $0xb8;
	[tilespmem:$0x19FA0] =	vst v63  }
0x112: {  	_ =	swait.ge [sflag:s1], $0x1400  }
0x113: {  	s25 =	simm.s32 $0xF0;
	s21 =	rddreg [dreg:$0x7];
	[sflag:s1] =	ssyncset.done $0x0  }
0x114: {  	s28 =	rddreg [dreg:$0x6];
	[sflag:s1] =	ssyncadd.s32 $0xFFFFEC00;
	s26 =	sadd.s32 $0x0, s21  }
0x115: {  	[tilespmem:s25], [sflag:$0x7] =	stream.linear.gather [hbm4b:s26+s29], $0x28, $0x38;
	[tilespmem:$0x19FA0] =	vst v63  }
0x116: {  	s0 =	sadd.s32 $0x0, s28  }
0x117: {  	[tilespmem:s31], [sflag:$0x7] =	stream.linear.gather [hbm4b:s0+s29], $0x28, $0x38;
	[tilespmem:$0x19FA0] =	vst v63  }
0x118: {  	_ =	swait.ge [sflag:s20], $0x28  }
0x119: {  	[sflag:s20] =	ssyncset.done $0x0  }
0x11a: {  	[sflag:s20] =	ssyncadd.s32 $0xFFFFFFD8  }
0x11b: {  	_ =	swait.ge [sflag:s20], $0x28  }
0x11c: {  	[sflag:s20] =	ssyncset.done $0x0  }
0x11d: {  	[sflag:s20] =	ssyncadd.s32 $0xFFFFFFD8;
	s20 =	simm.s32 $0x1720  }
0x11e: {  	[tilespmem:s20], [sflag:$0xC] =	stream.indirect.gather [hbm4b:s2+s12], $0x80, s12, s12, $0xb8;
	[tilespmem:$0x19FA0] =	vst v63  }
0x11f: {  	_ =	swait.ge [sflag:s4], $0x1400  }
0x120: {  	s1 =	rddreg [dreg:$0x9]  }
0x121: {  	[sflag:s4] =	ssyncset.done $0x0;
	s28 =	rddreg [dreg:$0x8]  }
0x122: {  	[sflag:s4] =	ssyncadd.s32 $0xFFFFEC00;
	s26 =	sadd.s32 $0x0, s1;
	s4 =	simm.s32 $0x118  }
0x123: {  	[tilespmem:s4], [sflag:$0x8] =	stream.linear.gather [hbm4b:s26+s29], $0x28, $0x38;
	[tilespmem:$0x19FA0] =	vst v63  }
0x124: {  	s21 =	sadd.s32 $0x0, s28  }
0x125: {  	[tilespmem:s9], [sflag:$0x8] =	stream.linear.gather [hbm4b:s21+s29], $0x28, $0x38;
	[tilespmem:$0x19FA0] =	vst v63  }
0x126: {  	_ =	swait.ge [sflag:s22], $0x28  }
0x127: {  	[sflag:s22] =	ssyncset.done $0x0  }
0x128: {  	[sflag:s22] =	ssyncadd.s32 $0xFFFFFFD8  }
0x129: {  	_ =	swait.ge [sflag:s22], $0x28  }
0x12a: {  	[sflag:s22] =	ssyncset.done $0x0  }
0x12b: {  	s0 =	simm.s32 $0x2B20;
	[sflag:s22] =	ssyncadd.s32 $0xFFFFFFD8  }
0x12c: {  	[tilespmem:s0], [sflag:$0xD] =	stream.indirect.gather [hbm4b:s2+s12], $0x80, s6, s12, $0xb8;
	[tilespmem:$0x19FA0] =	vst v63  }
0x12d: {  	_ =	swait.ge [sflag:s5], $0x1400  }
0x12e: {  	s31 =	simm.s32 $0x140;
	s25 =	rddreg [dreg:$0xb];
	[sflag:s5] =	ssyncset.done $0x0  }
0x12f: {  	s28 =	rddreg [dreg:$0xa];
	[sflag:s5] =	ssyncadd.s32 $0xFFFFEC00;
	s26 =	sadd.s32 $0x0, s25  }
0x130: {  	[tilespmem:s31], [sflag:$0x9] =	stream.linear.gather [hbm4b:s26+s29], $0x28, $0x38;
	[tilespmem:$0x19FA0] =	vst v63  }
0x131: {  	s4 =	sadd.s32 $0x0, s28  }
0x132: {  	[tilespmem:s11], [sflag:$0x9] =	stream.linear.gather [hbm4b:s4+s29], $0x28, $0x38;
	[tilespmem:$0x19FA0] =	vst v63  }
0x133: {  	_ =	swait.ge [sflag:s24], $0x28  }
0x134: {  	[sflag:s24] =	ssyncset.done $0x0  }
0x135: {  	[sflag:s24] =	ssyncadd.s32 $0xFFFFFFD8  }
0x136: {  	_ =	swait.ge [sflag:s24], $0x28  }
0x137: {  	[sflag:s24] =	ssyncset.done $0x0  }
0x138: {  	s5 =	simm.s32 $0x3F20;
	[sflag:s24] =	ssyncadd.s32 $0xFFFFFFD8  }
0x139: {  	[tilespmem:s5], [sflag:$0xE] =	stream.indirect.gather [hbm4b:s2+s12], $0x80, s13, s12, $0xb8;
	[tilespmem:$0x19FA0] =	vst v63  }
0x13a: {  	_ =	swait.ge [sflag:s8], $0x1400  }
0x13b: {  	s11 =	simm.s32 $0x168;
	s9 =	rddreg [dreg:$0xd];
	[sflag:s8] =	ssyncset.done $0x0  }
0x13c: {  	s28 =	rddreg [dreg:$0xc];
	[sflag:s8] =	ssyncadd.s32 $0xFFFFEC00;
	s26 =	sadd.s32 $0x0, s9  }
0x13d: {  	[tilespmem:s11], [sflag:$0xA] =	stream.linear.gather [hbm4b:s26+s29], $0x28, $0x38;
	[tilespmem:$0x19FA0] =	vst v63  }
0x13e: {  	s22 =	simm.s32 $0x5;
	s21 =	sadd.s32 $0x0, s28  }
0x13f: {  	[tilespmem:s10], [sflag:$0xA] =	stream.linear.gather [hbm4b:s21+s29], $0x28, $0x38;
	[tilespmem:$0x19FA0] =	vst v63  }
0x140: {  	_ =	swait.ge [sflag:s22], $0x28  }
0x141: {  	[sflag:s22] =	ssyncset.done $0x0  }
0x142: {  	[sflag:s22] =	ssyncadd.s32 $0xFFFFFFD8  }
0x143: {  	_ =	swait.ge [sflag:s22], $0x28  }
0x144: {  	[sflag:s22] =	ssyncset.done $0x0  }
0x145: {  	s24 =	simm.s32 $0x5320;
	[sflag:s22] =	ssyncadd.s32 $0xFFFFFFD8  }
0x146: {  	[tilespmem:s24], [sflag:$0xF] =	stream.indirect.gather [hbm4b:s2+s12], $0x80, s16, s12, $0xb8;
	[tilespmem:$0x19FA0] =	vst v63  }
0x147: {  	_ =	swait.ge [sflag:s30], $0x1400  }
0x148: {  	[sflag:s30] =	ssyncset.done $0x0  }
0x149: {  	s19 =	simm.s32 $0x320;
	s25 =	simm.s32 $0x190;
	[sflag:s30] =	ssyncadd.s32 $0xFFFFEC00  }
0x14a: {  	[spmem:s23] =	stream.indirect.scatter.add.f32 [tilespmem:s19], [sflag:$0x10], $0x80, s25, s12, $0xb8;
	[tilespmem:$0x19FA0] =	vst v63  }
0x14b: {  	_ =	swait.ge [sflag:s3], $0x1400  }
0x14c: {  	[sflag:s3] =	ssyncset.done $0x0  }
0x14d: {  	s26 =	simm.s32 $0x1B8;
	[sflag:s3] =	ssyncadd.s32 $0xFFFFEC00  }
0x14e: {  	[spmem:s23] =	stream.indirect.scatter.add.f32 [tilespmem:s20], [sflag:$0x11], $0x80, s26, s12, $0xb8;
	[tilespmem:$0x19FA0] =	vst v63  }
0x14f: {  	_ =	swait.ge [sflag:s17], $0x1400  }
0x150: {  	[sflag:s17] =	ssyncset.done $0x0  }
0x151: {  	[sflag:s17] =	ssyncadd.s32 $0xFFFFEC00  }
0x152: {  	[spmem:s23] =	stream.indirect.scatter.add.f32 [tilespmem:s0], [sflag:$0x12], $0x80, s14, s12, $0xb8;
	[tilespmem:$0x19FA0] =	vst v63  }
0x153: {  	_ =	swait.ge [sflag:s18], $0x1400  }
0x154: {  	[sflag:s18] =	ssyncset.done $0x0  }
0x155: {  	s30 =	simm.s32 $0x208;
	[sflag:s18] =	ssyncadd.s32 $0xFFFFEC00  }
0x156: {  	[spmem:s23] =	stream.indirect.scatter.add.f32 [tilespmem:s5], [sflag:$0x13], $0x80, s30, s12, $0xb8;
	[tilespmem:$0x19FA0] =	vst v63  }
0x157: {  	_ =	swait.ge [sflag:s15], $0x1400  }
0x158: {  	s31 =	sld [smem:$0x7FC];
	_ =	sdelay $0x1  }
0x159: {  	s1 =	simm.s32 $0x1B8;
	[sflag:s15] =	ssyncset.done $0x0  }
0x15a: {  	s26 =	simm.s32 $0x32;
	[sflag:s15] =	ssyncadd.s32 $0xFFFFEC00;
	s28 =	sadd.s32 $0x190, s31  }
.LBB2_2:
0x15b: {  	s8 =	simm.s32 $0x230  }
0x15c: {  	s17 =	rddreg [dreg:$0x2];
	s0 =	simm.s32 $0x5320;
	s15 =	simm.s32 $0x10  }
0x15d: {  	[spmem:s17] =	stream.indirect.scatter.add.f32 [tilespmem:s0], [sflag:$0x14], $0x80, s8, s12, $0xb8;
	[tilespmem:$0x19FA0] =	vst v63  }
0x15e: {  	_ =	swait.ge [sflag:s15], $0x1400  }
0x15f: {  	s3 =	sshrl.u32 s28, $0x3;
	s5 =	smov.u32 s7;
	[sflag:s15] =	ssyncset.done $0x0  }
0x160: {  	s4 =	sadd.s32 s7, s3;
	s2 =	rddreg [dreg:$0x16];
	[sflag:s15] =	ssyncadd.s32 $0xFFFFEC00  }
0x161: {  	[tilespmem:s29], [sflag:$0x1] =	stream.linear.gather [hbm4b:s4+s29], $0x28, $0x38;
	[tilespmem:$0x19FA0] =	vst v63  }
0x162: {  	s9 =	simm.s32 $0x6;
	s7 =	simm.s32 $0x190;
	s0 =	sadd.s32 s2, s3  }
0x163: {  	[tilespmem:s7], [sflag:$0x1] =	stream.linear.gather [hbm4b:s0+s29], $0x28, $0x38;
	[tilespmem:$0x19FA0] =	vst v63  }
0x164: {  	_ =	swait.ge [sflag:s9], $0x28  }
0x165: {  	[sflag:s9] =	ssyncset.done $0x0  }
0x166: {  	[sflag:s9] =	ssyncadd.s32 $0xFFFFFFD8  }
0x167: {  	_ =	swait.ge [sflag:s9], $0x28  }
0x168: {  	[sflag:s9] =	ssyncset.done $0x0  }
0x169: {  	s10 =	simm.s32 $0x320;
	[sflag:s9] =	ssyncadd.s32 $0xFFFFFFD8  }
0x16a: {  	s19 =	simm.s32 $0x11;
	s3 =	simm.s32 $0xC8;
	s2 =	rddreg [dreg:$0x0]  }
0x16b: {  	[tilespmem:s10], [sflag:$0xB] =	stream.indirect.gather [hbm4b:s2+s12], $0x80, s3, s12, $0xb8;
	[tilespmem:$0x19FA0] =	vst v63  }
0x16c: {  	_ =	swait.ge [sflag:s19], $0x1400  }
0x16d: {  	s30 =	smov.u32 s26;
	s11 =	rddreg [dreg:$0x15];
	[sflag:s19] =	ssyncset.done $0x0  }
0x16e: {  	s14 =	rddreg [dreg:$0x14];
	[sflag:s19] =	ssyncadd.s32 $0xFFFFEC00;
	s0 =	sadd.s32 s30, s11  }
0x16f: {  	[tilespmem:s12], [sflag:$0x2] =	stream.linear.gather [hbm4b:s0+s29], $0x28, $0x38;
	[tilespmem:$0x19FA0] =	vst v63  }
0x170: {  	s20 =	simm.s32 $0x7;
	s18 =	sadd.s32 s30, s14  }
0x171: {  	[tilespmem:s1], [sflag:$0x2] =	stream.linear.gather [hbm4b:s18+s29], $0x28, $0x38;
	[tilespmem:$0x19FA0] =	vst v63  }
0x172: {  	_ =	swait.ge [sflag:s20], $0x28  }
0x173: {  	[sflag:s20] =	ssyncset.done $0x0  }
0x174: {  	[sflag:s20] =	ssyncadd.s32 $0xFFFFFFD8  }
0x175: {  	_ =	swait.ge [sflag:s20], $0x28  }
0x176: {  	s24 =	simm.s32 $0x1720;
	[sflag:s20] =	ssyncset.done $0x0  }
0x177: {  	s11 =	simm.s32 $0xF0;
	s1 =	simm.s32 $0x12;
	[sflag:s20] =	ssyncadd.s32 $0xFFFFFFD8  }
0x178: {  	[tilespmem:s24], [sflag:$0xC] =	stream.indirect.gather [hbm4b:s2+s12], $0x80, s11, s12, $0xb8;
	[tilespmem:$0x19FA0] =	vst v63  }
0x179: {  	_ =	swait.ge [sflag:s1], $0x1400  }
0x17a: {  	s21 =	rddreg [dreg:$0x11];
	[sflag:s1] =	ssyncset.done $0x0  }
0x17b: {  	s22 =	rddreg [dreg:$0x10];
	[sflag:s1] =	ssyncadd.s32 $0xFFFFEC00;
	s0 =	sadd.s32 s30, s21  }
0x17c: {  	[tilespmem:s6], [sflag:$0x3] =	stream.linear.gather [hbm4b:s0+s29], $0x28, $0x38;
	[tilespmem:$0x19FA0] =	vst v63  }
0x17d: {  	s25 =	simm.s32 $0x1E0;
	s4 =	simm.s32 $0x8;
	s23 =	sadd.s32 s30, s22  }
0x17e: {  	[tilespmem:s25], [sflag:$0x3] =	stream.linear.gather [hbm4b:s23+s29], $0x28, $0x38;
	[tilespmem:$0x19FA0] =	vst v63  }
0x17f: {  	_ =	swait.ge [sflag:s4], $0x28  }
0x180: {  	[sflag:s4] =	ssyncset.done $0x0  }
0x181: {  	[sflag:s4] =	ssyncadd.s32 $0xFFFFFFD8  }
0x182: {  	_ =	swait.ge [sflag:s4], $0x28  }
0x183: {  	s10 =	simm.s32 $0x2B20;
	[sflag:s4] =	ssyncset.done $0x0  }
0x184: {  	s6 =	simm.s32 $0x118;
	[sflag:s4] =	ssyncadd.s32 $0xFFFFFFD8;
	s4 =	simm.s32 $0x13  }
0x185: {  	[tilespmem:s10], [sflag:$0xD] =	stream.indirect.gather [hbm4b:s2+s12], $0x80, s6, s12, $0xb8;
	[tilespmem:$0x19FA0] =	vst v63  }
0x186: {  	_ =	swait.ge [sflag:s4], $0x1400  }
0x187: {  	s7 =	rddreg [dreg:$0x13];
	[sflag:s4] =	ssyncset.done $0x0  }
0x188: {  	s9 =	rddreg [dreg:$0x12];
	[sflag:s4] =	ssyncadd.s32 $0xFFFFEC00;
	s0 =	sadd.s32 s30, s7  }
0x189: {  	[tilespmem:s13], [sflag:$0x4] =	stream.linear.gather [hbm4b:s0+s29], $0x28, $0x38;
	[tilespmem:$0x19FA0] =	vst v63  }
0x18a: {  	s14 =	simm.s32 $0x208;
	s18 =	simm.s32 $0x9;
	s13 =	sadd.s32 s30, s9  }
0x18b: {  	[tilespmem:s14], [sflag:$0x4] =	stream.linear.gather [hbm4b:s13+s29], $0x28, $0x38;
	[tilespmem:$0x19FA0] =	vst v63  }
0x18c: {  	_ =	swait.ge [sflag:s18], $0x28  }
0x18d: {  	[sflag:s18] =	ssyncset.done $0x0  }
0x18e: {  	[sflag:s18] =	ssyncadd.s32 $0xFFFFFFD8  }
0x18f: {  	_ =	swait.ge [sflag:s18], $0x28  }
0x190: {  	s3 =	simm.s32 $0x14;
	[sflag:s18] =	ssyncset.done $0x0  }
0x191: {  	s21 =	simm.s32 $0x3F20;
	s14 =	simm.s32 $0x140;
	[sflag:s18] =	ssyncadd.s32 $0xFFFFFFD8  }
0x192: {  	[tilespmem:s21], [sflag:$0xE] =	stream.indirect.gather [hbm4b:s2+s12], $0x80, s14, s12, $0xb8;
	[tilespmem:$0x19FA0] =	vst v63  }
0x193: {  	_ =	swait.ge [sflag:s3], $0x1400  }
0x194: {  	s20 =	rddreg [dreg:$0xf];
	[sflag:s3] =	ssyncset.done $0x0  }
0x195: {  	s22 =	rddreg [dreg:$0xe];
	[sflag:s3] =	ssyncadd.s32 $0xFFFFEC00;
	s0 =	sadd.s32 s30, s20  }
0x196: {  	[tilespmem:s16], [sflag:$0x5] =	stream.linear.gather [hbm4b:s0+s29], $0x28, $0x38;
	[tilespmem:$0x19FA0] =	vst v63  }
0x197: {  	s25 =	simm.s32 $0xA;
	s23 =	sadd.s32 s30, s22  }
0x198: {  	[tilespmem:s8], [sflag:$0x5] =	stream.linear.gather [hbm4b:s23+s29], $0x28, $0x38;
	[tilespmem:$0x19FA0] =	vst v63  }
0x199: {  	_ =	swait.ge [sflag:s25], $0x28  }
0x19a: {  	[sflag:s25] =	ssyncset.done $0x0  }
0x19b: {  	[sflag:s25] =	ssyncadd.s32 $0xFFFFFFD8  }
0x19c: {  	_ =	swait.ge [sflag:s25], $0x28  }
0x19d: {  	s7 =	simm.s32 $0x5320;
	[sflag:s25] =	ssyncset.done $0x0  }
0x19e: {  	s22 =	simm.s32 $0xB;
	s0 =	simm.s32 $0x168;
	[sflag:s25] =	ssyncadd.s32 $0xFFFFFFD8  }
0x19f: {  	[tilespmem:s7], [sflag:$0xF] =	stream.indirect.gather [hbm4b:s2+s12], $0x80, s0, s12, $0xb8;
	[tilespmem:$0x19FA0] =	vst v63  }
0x1a0: {  	_ =	swait.ge [sflag:s22], $0x1400  }
0x1a1: {  	s31 =	simm.s32 $0x258;
	[sflag:s22] =	ssyncset.done $0x0  }
0x1a2: {  	s18 =	simm.s32 $0x320;
	s23 =	simm.s32 $0xC;
	[sflag:s22] =	ssyncadd.s32 $0xFFFFEC00  }
0x1a3: {  	[spmem:s17] =	stream.indirect.scatter.add.f32 [tilespmem:s18], [sflag:$0x10], $0x80, s31, s12, $0xb8;
	[tilespmem:$0x19FA0] =	vst v63  }
0x1a4: {  	_ =	swait.ge [sflag:s23], $0x1400  }
0x1a5: {  	[sflag:s23] =	ssyncset.done $0x0  }
0x1a6: {  	s6 =	simm.s32 $0x280;
	s25 =	simm.s32 $0xD;
	[sflag:s23] =	ssyncadd.s32 $0xFFFFEC00  }
0x1a7: {  	[spmem:s17] =	stream.indirect.scatter.add.f32 [tilespmem:s24], [sflag:$0x11], $0x80, s6, s12, $0xb8;
	[tilespmem:$0x19FA0] =	vst v63  }
0x1a8: {  	_ =	swait.ge [sflag:s25], $0x1400  }
0x1a9: {  	[sflag:s25] =	ssyncset.done $0x0  }
0x1aa: {  	s9 =	simm.s32 $0xE;
	s13 =	simm.s32 $0x2A8;
	[sflag:s25] =	ssyncadd.s32 $0xFFFFEC00  }
0x1ab: {  	[spmem:s17] =	stream.indirect.scatter.add.f32 [tilespmem:s10], [sflag:$0x12], $0x80, s13, s12, $0xb8;
	[tilespmem:$0x19FA0] =	vst v63  }
0x1ac: {  	_ =	swait.ge [sflag:s9], $0x1400  }
0x1ad: {  	[sflag:s9] =	ssyncset.done $0x0  }
0x1ae: {  	s16 =	simm.s32 $0x2D0;
	s8 =	simm.s32 $0xF;
	[sflag:s9] =	ssyncadd.s32 $0xFFFFEC00  }
0x1af: {  	[spmem:s17] =	stream.indirect.scatter.add.f32 [tilespmem:s21], [sflag:$0x13], $0x80, s16, s12, $0xb8;
	[tilespmem:$0x19FA0] =	vst v63  }
0x1b0: {  	_ =	swait.ge [sflag:s8], $0x1400  }
0x1b1: {  	[sflag:s8] =	ssyncset.done $0x0  }
0x1b2: {  	s20 =	simm.s32 $0x2F8;
	[sflag:s8] =	ssyncadd.s32 $0xFFFFEC00  }
0x1b3: {  	[spmem:s17] =	stream.indirect.scatter.add.f32 [tilespmem:s7], [sflag:$0x14], $0x80, s20, s12, $0xb8;
	[tilespmem:$0x19FA0] =	vst v63  }
0x1b4: {  	_ =	swait.ge [sflag:s15], $0x1400  }
0x1b5: {  	s0 =	rddreg [dreg:$0x5]  }
0x1b6: {  	[sflag:s15] =	ssyncset.done $0x0;
	s7 =	rddreg [dreg:$0x4]  }
0x1b7: {  	[sflag:s15] =	ssyncadd.s32 $0xFFFFEC00;
	s0 =	sadd.s32 s30, s0;
	s15 =	simm.s32 $0xC8  }
0x1b8: {  	[tilespmem:s15], [sflag:$0x6] =	stream.linear.gather [hbm4b:s0+s29], $0x28, $0x38;
	[tilespmem:$0x19FA0] =	vst v63  }
0x1b9: {  	s15 =	sadd.s32 s30, s7;
	s7 =	simm.s32 $0x1  }
0x1ba: {  	[tilespmem:s31], [sflag:$0x6] =	stream.linear.gather [hbm4b:s15+s29], $0x28, $0x38;
	[tilespmem:$0x19FA0] =	vst v63  }
0x1bb: {  	_ =	swait.ge [sflag:s7], $0x28  }
0x1bc: {  	[sflag:s7] =	ssyncset.done $0x0  }
0x1bd: {  	[sflag:s7] =	ssyncadd.s32 $0xFFFFFFD8  }
0x1be: {  	_ =	swait.ge [sflag:s7], $0x28  }
0x1bf: {  	[sflag:s7] =	ssyncset.done $0x0  }
0x1c0: {  	[sflag:s7] =	ssyncadd.s32 $0xFFFFFFD8  }
0x1c1: {  	[tilespmem:s18], [sflag:$0xB] =	stream.indirect.gather [hbm4b:s2+s12], $0x80, s29, s12, $0xb8;
	[tilespmem:$0x19FA0] =	vst v63  }
0x1c2: {  	_ =	swait.ge [sflag:s19], $0x1400  }
0x1c3: {  	s15 =	rddreg [dreg:$0x7];
	[sflag:s19] =	ssyncset.done $0x0  }
0x1c4: {  	s18 =	rddreg [dreg:$0x6];
	[sflag:s19] =	ssyncadd.s32 $0xFFFFEC00;
	s0 =	sadd.s32 s30, s15  }
0x1c5: {  	[tilespmem:s11], [sflag:$0x7] =	stream.linear.gather [hbm4b:s0+s29], $0x28, $0x38;
	[tilespmem:$0x19FA0] =	vst v63  }
0x1c6: {  	s7 =	sadd.s32 s30, s18;
	s11 =	simm.s32 $0x2  }
0x1c7: {  	[tilespmem:s6], [sflag:$0x7] =	stream.linear.gather [hbm4b:s7+s29], $0x28, $0x38;
	[tilespmem:$0x19FA0] =	vst v63  }
0x1c8: {  	_ =	swait.ge [sflag:s11], $0x28  }
0x1c9: {  	[sflag:s11] =	ssyncset.done $0x0  }
0x1ca: {  	[sflag:s11] =	ssyncadd.s32 $0xFFFFFFD8  }
0x1cb: {  	_ =	swait.ge [sflag:s11], $0x28  }
0x1cc: {  	[sflag:s11] =	ssyncset.done $0x0  }
0x1cd: {  	[sflag:s11] =	ssyncadd.s32 $0xFFFFFFD8  }
0x1ce: {  	[tilespmem:s24], [sflag:$0xC] =	stream.indirect.gather [hbm4b:s2+s12], $0x80, s12, s12, $0xb8;
	[tilespmem:$0x19FA0] =	vst v63  }
0x1cf: {  	_ =	swait.ge [sflag:s1], $0x1400  }
0x1d0: {  	s19 =	simm.s32 $0x118;
	s15 =	rddreg [dreg:$0x9];
	[sflag:s1] =	ssyncset.done $0x0  }
0x1d1: {  	s18 =	rddreg [dreg:$0x8];
	[sflag:s1] =	ssyncadd.s32 $0xFFFFEC00;
	s0 =	sadd.s32 s30, s15  }
0x1d2: {  	[tilespmem:s19], [sflag:$0x8] =	stream.linear.gather [hbm4b:s0+s29], $0x28, $0x38;
	[tilespmem:$0x19FA0] =	vst v63  }
0x1d3: {  	s7 =	sadd.s32 s30, s18;
	s15 =	simm.s32 $0x3  }
0x1d4: {  	[tilespmem:s13], [sflag:$0x8] =	stream.linear.gather [hbm4b:s7+s29], $0x28, $0x38;
	[tilespmem:$0x19FA0] =	vst v63  }
0x1d5: {  	_ =	swait.ge [sflag:s15], $0x28  }
0x1d6: {  	[sflag:s15] =	ssyncset.done $0x0  }
0x1d7: {  	[sflag:s15] =	ssyncadd.s32 $0xFFFFFFD8  }
0x1d8: {  	_ =	swait.ge [sflag:s15], $0x28  }
0x1d9: {  	[sflag:s15] =	ssyncset.done $0x0  }
0x1da: {  	s6 =	simm.s32 $0x50;
	[sflag:s15] =	ssyncadd.s32 $0xFFFFFFD8  }
0x1db: {  	[tilespmem:s10], [sflag:$0xD] =	stream.indirect.gather [hbm4b:s2+s12], $0x80, s6, s12, $0xb8;
	[tilespmem:$0x19FA0] =	vst v63  }
0x1dc: {  	_ =	swait.ge [sflag:s4], $0x1400  }
0x1dd: {  	s19 =	rddreg [dreg:$0xb];
	[sflag:s4] =	ssyncset.done $0x0  }
0x1de: {  	s1 =	rddreg [dreg:$0xa];
	[sflag:s4] =	ssyncadd.s32 $0xFFFFEC00;
	s0 =	sadd.s32 s30, s19  }
0x1df: {  	[tilespmem:s14], [sflag:$0x9] =	stream.linear.gather [hbm4b:s0+s29], $0x28, $0x38;
	[tilespmem:$0x19FA0] =	vst v63  }
0x1e0: {  	s7 =	sadd.s32 s30, s1;
	s19 =	simm.s32 $0x4  }
0x1e1: {  	[tilespmem:s16], [sflag:$0x9] =	stream.linear.gather [hbm4b:s7+s29], $0x28, $0x38;
	[tilespmem:$0x19FA0] =	vst v63  }
0x1e2: {  	_ =	swait.ge [sflag:s19], $0x28  }
0x1e3: {  	[sflag:s19] =	ssyncset.done $0x0  }
0x1e4: {  	[sflag:s19] =	ssyncadd.s32 $0xFFFFFFD8  }
0x1e5: {  	_ =	swait.ge [sflag:s19], $0x28  }
0x1e6: {  	[sflag:s19] =	ssyncset.done $0x0  }
0x1e7: {  	s13 =	simm.s32 $0x78;
	[sflag:s19] =	ssyncadd.s32 $0xFFFFFFD8  }
0x1e8: {  	[tilespmem:s21], [sflag:$0xE] =	stream.indirect.gather [hbm4b:s2+s12], $0x80, s13, s12, $0xb8;
	[tilespmem:$0x19FA0] =	vst v63  }
0x1e9: {  	_ =	swait.ge [sflag:s3], $0x1400  }
0x1ea: {  	s4 =	simm.s32 $0x168;
	s1 =	rddreg [dreg:$0xd];
	[sflag:s3] =	ssyncset.done $0x0  }
0x1eb: {  	s7 =	rddreg [dreg:$0xc];
	[sflag:s3] =	ssyncadd.s32 $0xFFFFEC00;
	s0 =	sadd.s32 s30, s1  }
0x1ec: {  	[tilespmem:s4], [sflag:$0xA] =	stream.linear.gather [hbm4b:s0+s29], $0x28, $0x38;
	[tilespmem:$0x19FA0] =	vst v63  }
0x1ed: {  	s1 =	sadd.s32 s30, s7;
	s3 =	simm.s32 $0x5  }
0x1ee: {  	[tilespmem:s20], [sflag:$0xA] =	stream.linear.gather [hbm4b:s1+s29], $0x28, $0x38;
	[tilespmem:$0x19FA0] =	vst v63  }
0x1ef: {  	_ =	swait.ge [sflag:s3], $0x28  }
0x1f0: {  	[sflag:s3] =	ssyncset.done $0x0  }
0x1f1: {  	[sflag:s3] =	ssyncadd.s32 $0xFFFFFFD8  }
0x1f2: {  	_ =	swait.ge [sflag:s3], $0x28  }
0x1f3: {  	[sflag:s3] =	ssyncset.done $0x0  }
0x1f4: {  	s16 =	simm.s32 $0xA0;
	s4 =	simm.s32 $0x5320;
	[sflag:s3] =	ssyncadd.s32 $0xFFFFFFD8  }
0x1f5: {  	[tilespmem:s4], [sflag:$0xF] =	stream.indirect.gather [hbm4b:s2+s12], $0x80, s16, s12, $0xb8;
	[tilespmem:$0x19FA0] =	vst v63  }
0x1f6: {  	_ =	swait.ge [sflag:s22], $0x1400  }
0x1f7: {  	[sflag:s22] =	ssyncset.done $0x0  }
0x1f8: {  	s20 =	simm.s32 $0x190;
	[sflag:s22] =	ssyncadd.s32 $0xFFFFEC00;
	s22 =	simm.s32 $0x320  }
0x1f9: {  	[spmem:s17] =	stream.indirect.scatter.add.f32 [tilespmem:s22], [sflag:$0x10], $0x80, s20, s12, $0xb8;
	[tilespmem:$0x19FA0] =	vst v63  }
0x1fa: {  	_ =	swait.ge [sflag:s23], $0x1400  }
0x1fb: {  	[sflag:s23] =	ssyncset.done $0x0  }
0x1fc: {  	[sflag:s23] =	ssyncadd.s32 $0xFFFFEC00;
	s23 =	simm.s32 $0x1B8  }
0x1fd: {  	[spmem:s17] =	stream.indirect.scatter.add.f32 [tilespmem:s24], [sflag:$0x11], $0x80, s23, s12, $0xb8;
	[tilespmem:$0x19FA0] =	vst v63  }
0x1fe: {  	_ =	swait.ge [sflag:s25], $0x1400  }
0x1ff: {  	p1 =	sne.s32 s26, $0x47E;
	[sflag:s25] =	ssyncset.done $0x0  }
0x200: {  	s26 =	sadd.s32 $0x32, s26;
	[sflag:s25] =	ssyncadd.s32 $0xFFFFEC00;
	s25 =	simm.s32 $0x1E0  }
0x201: {  	[spmem:s17] =	stream.indirect.scatter.add.f32 [tilespmem:s10], [sflag:$0x12], $0x80, s25, s12, $0xb8;
	[tilespmem:$0x19FA0] =	vst v63  }
0x202: {  	s28 =	sadd.s32 $0x190, s28;
	s31 =	simm.s32 $0xF0;
	_ =	swait.ge [sflag:s9], $0x1400  }
0x203: {  	s11 =	simm.s32 $0x118;
	s18 =	simm.s32 $0x2A8;
	[sflag:s9] =	ssyncset.done $0x0  }
.Ltmp0:
0x204: {  	s30 =	simm.s32 $0x208;
	[sflag:s9] =	ssyncadd.s32 $0xFFFFEC00;
	(pc) =	sbr.rel @p1 .LBB2_2-.Ltmp0, $4  }
0x205: {  	[spmem:s17] =	stream.indirect.scatter.add.f32 [tilespmem:s21], [sflag:$0x13], $0x80, s30, s12, $0xb8;
	[tilespmem:$0x19FA0] =	vst v63  }
0x206: {  	s15 =	simm.s32 $0x140;
	s14 =	simm.s32 $0x2D0;
	_ =	swait.ge [sflag:s8], $0x1400  }
0x207: {  	s19 =	simm.s32 $0x168;
	s7 =	smov.u32 s5;
	[sflag:s8] =	ssyncset.done $0x0  }
0x208: {  	s5 =	simm.s32 $0x2F8;
	s1 =	simm.s32 $0x1B8;
	[sflag:s8] =	ssyncadd.s32 $0xFFFFEC00  }
0x209: {  	s17 =	rddreg [dreg:$0x2]  }
0x20a: {  	s0 =	simm.s32 $0x230;
	s3 =	simm.s32 $0x5320;
	s8 =	simm.s32 $0x10  }
0x20b: {  	[spmem:s17] =	stream.indirect.scatter.add.f32 [tilespmem:s3], [sflag:$0x14], $0x80, s0, s12, $0xb8;
	[tilespmem:$0x19FA0] =	vst v63  }
0x20c: {  	_ =	swait.ge [sflag:s8], $0x1400  }
0x20d: {  	[sflag:s8] =	ssyncset.done $0x0  }
0x20e: {  	s23 =	simm.s32 $0x6;
	[sflag:s8] =	ssyncadd.s32 $0xFFFFEC00  }
0x20f: {  	_ =	swait.ge [sflag:s23], $0x28  }
0x210: {  	[sflag:s23] =	ssyncset.done $0x0  }
0x211: {  	[sflag:s23] =	ssyncadd.s32 $0xFFFFFFD8  }
0x212: {  	_ =	swait.ge [sflag:s23], $0x28  }
0x213: {  	[sflag:s23] =	ssyncset.done $0x0  }
0x214: {  	s24 =	simm.s32 $0x320;
	[sflag:s23] =	ssyncadd.s32 $0xFFFFFFD8  }
0x215: {  	s1 =	simm.s32 $0xC8;
	s20 =	simm.s32 $0x11;
	s2 =	rddreg [dreg:$0x0]  }
0x216: {  	[tilespmem:s24], [sflag:$0xB] =	stream.indirect.gather [hbm4b:s2+s12], $0x80, s1, s12, $0xb8;
	[tilespmem:$0x19FA0] =	vst v63  }
0x217: {  	_ =	swait.ge [sflag:s20], $0x1400  }
0x218: {  	[sflag:s20] =	ssyncset.done $0x0  }
0x219: {  	s25 =	simm.s32 $0x7;
	[sflag:s20] =	ssyncadd.s32 $0xFFFFEC00  }
0x21a: {  	_ =	swait.ge [sflag:s25], $0x28  }
0x21b: {  	[sflag:s25] =	ssyncset.done $0x0  }
0x21c: {  	[sflag:s25] =	ssyncadd.s32 $0xFFFFFFD8  }
0x21d: {  	_ =	swait.ge [sflag:s25], $0x28  }
0x21e: {  	[sflag:s25] =	ssyncset.done $0x0  }
0x21f: {  	s9 =	simm.s32 $0x1720;
	s10 =	simm.s32 $0x12;
	[sflag:s25] =	ssyncadd.s32 $0xFFFFFFD8  }
0x220: {  	[tilespmem:s9], [sflag:$0xC] =	stream.indirect.gather [hbm4b:s2+s12], $0x80, s31, s12, $0xb8;
	[tilespmem:$0x19FA0] =	vst v63  }
0x221: {  	_ =	swait.ge [sflag:s10], $0x1400  }
0x222: {  	[sflag:s10] =	ssyncset.done $0x0  }
0x223: {  	s26 =	simm.s32 $0x8;
	[sflag:s10] =	ssyncadd.s32 $0xFFFFEC00  }
0x224: {  	_ =	swait.ge [sflag:s26], $0x28  }
0x225: {  	[sflag:s26] =	ssyncset.done $0x0  }
0x226: {  	[sflag:s26] =	ssyncadd.s32 $0xFFFFFFD8  }
0x227: {  	_ =	swait.ge [sflag:s26], $0x28  }
0x228: {  	[sflag:s26] =	ssyncset.done $0x0  }
0x229: {  	s28 =	simm.s32 $0x2B20;
	[sflag:s26] =	ssyncadd.s32 $0xFFFFFFD8  }
0x22a: {  	[tilespmem:s28], [sflag:$0xD] =	stream.indirect.gather [hbm4b:s2+s12], $0x80, s11, s12, $0xb8;
	[tilespmem:$0x19FA0] =	vst v63  }
0x22b: {  	s11 =	simm.s32 $0x13  }
0x22c: {  	_ =	swait.ge [sflag:s11], $0x1400  }
0x22d: {  	[sflag:s11] =	ssyncset.done $0x0  }
0x22e: {  	s4 =	simm.s32 $0x9;
	[sflag:s11] =	ssyncadd.s32 $0xFFFFEC00  }
0x22f: {  	_ =	swait.ge [sflag:s4], $0x28  }
0x230: {  	[sflag:s4] =	ssyncset.done $0x0  }
0x231: {  	[sflag:s4] =	ssyncadd.s32 $0xFFFFFFD8  }
0x232: {  	_ =	swait.ge [sflag:s4], $0x28  }
0x233: {  	[sflag:s4] =	ssyncset.done $0x0  }
0x234: {  	s30 =	simm.s32 $0x3F20;
	s31 =	simm.s32 $0x14;
	[sflag:s4] =	ssyncadd.s32 $0xFFFFFFD8  }
0x235: {  	[tilespmem:s30], [sflag:$0xE] =	stream.indirect.gather [hbm4b:s2+s12], $0x80, s15, s12, $0xb8;
	[tilespmem:$0x19FA0] =	vst v63  }
0x236: {  	_ =	swait.ge [sflag:s31], $0x1400  }
0x237: {  	[sflag:s31] =	ssyncset.done $0x0  }
0x238: {  	s21 =	simm.s32 $0xA;
	[sflag:s31] =	ssyncadd.s32 $0xFFFFEC00  }
0x239: {  	_ =	swait.ge [sflag:s21], $0x28  }
0x23a: {  	[sflag:s21] =	ssyncset.done $0x0  }
0x23b: {  	[sflag:s21] =	ssyncadd.s32 $0xFFFFFFD8  }
0x23c: {  	_ =	swait.ge [sflag:s21], $0x28  }
0x23d: {  	[sflag:s21] =	ssyncset.done $0x0  }
0x23e: {  	[sflag:s21] =	ssyncadd.s32 $0xFFFFFFD8;
	s21 =	simm.s32 $0xB  }
0x23f: {  	[tilespmem:s3], [sflag:$0xF] =	stream.indirect.gather [hbm4b:s2+s12], $0x80, s19, s12, $0xb8;
	[tilespmem:$0x19FA0] =	vst v63  }
0x240: {  	_ =	swait.ge [sflag:s21], $0x1400  }
0x241: {  	[sflag:s21] =	ssyncset.done $0x0  }
0x242: {  	s22 =	simm.s32 $0x258;
	s23 =	simm.s32 $0xC;
	[sflag:s21] =	ssyncadd.s32 $0xFFFFEC00  }
0x243: {  	[spmem:s17] =	stream.indirect.scatter.add.f32 [tilespmem:s24], [sflag:$0x10], $0x80, s22, s12, $0xb8;
	[tilespmem:$0x19FA0] =	vst v63  }
0x244: {  	_ =	swait.ge [sflag:s23], $0x1400  }
0x245: {  	[sflag:s23] =	ssyncset.done $0x0  }
0x246: {  	s25 =	simm.s32 $0xD;
	s24 =	simm.s32 $0x280;
	[sflag:s23] =	ssyncadd.s32 $0xFFFFEC00  }
0x247: {  	[spmem:s17] =	stream.indirect.scatter.add.f32 [tilespmem:s9], [sflag:$0x11], $0x80, s24, s12, $0xb8;
	[tilespmem:$0x19FA0] =	vst v63  }
0x248: {  	_ =	swait.ge [sflag:s25], $0x1400  }
0x249: {  	[sflag:s25] =	ssyncset.done $0x0  }
0x24a: {  	s26 =	simm.s32 $0xE;
	[sflag:s25] =	ssyncadd.s32 $0xFFFFEC00  }
0x24b: {  	[spmem:s17] =	stream.indirect.scatter.add.f32 [tilespmem:s28], [sflag:$0x12], $0x80, s18, s12, $0xb8;
	[tilespmem:$0x19FA0] =	vst v63  }
0x24c: {  	_ =	swait.ge [sflag:s26], $0x1400  }
0x24d: {  	[sflag:s26] =	ssyncset.done $0x0  }
0x24e: {  	s28 =	simm.s32 $0xF;
	[sflag:s26] =	ssyncadd.s32 $0xFFFFEC00  }
0x24f: {  	[spmem:s17] =	stream.indirect.scatter.add.f32 [tilespmem:s30], [sflag:$0x13], $0x80, s14, s12, $0xb8;
	[tilespmem:$0x19FA0] =	vst v63  }
0x250: {  	_ =	swait.ge [sflag:s28], $0x1400  }
0x251: {  	[sflag:s28] =	ssyncset.done $0x0  }
0x252: {  	[sflag:s28] =	ssyncadd.s32 $0xFFFFEC00  }
0x253: {  	[spmem:s17] =	stream.indirect.scatter.add.f32 [tilespmem:s3], [sflag:$0x14], $0x80, s5, s12, $0xb8;
	[tilespmem:$0x19FA0] =	vst v63  }
0x254: {  	_ =	swait.ge [sflag:s8], $0x1400  }
0x255: {  	[sflag:s8] =	ssyncset.done $0x0  }
0x256: {  	[sflag:s8] =	ssyncadd.s32 $0xFFFFEC00  }
0x257: {  	_ =	swait.ge [sflag:s20], $0x1400  }
0x258: {  	[sflag:s20] =	ssyncset.done $0x0  }
0x259: {  	[sflag:s20] =	ssyncadd.s32 $0xFFFFEC00  }
0x25a: {  	_ =	swait.ge [sflag:s10], $0x1400  }
0x25b: {  	[sflag:s10] =	ssyncset.done $0x0  }
0x25c: {  	[sflag:s10] =	ssyncadd.s32 $0xFFFFEC00  }
0x25d: {  	_ =	swait.ge [sflag:s11], $0x1400  }
0x25e: {  	[sflag:s11] =	ssyncset.done $0x0  }
0x25f: {  	[sflag:s11] =	ssyncadd.s32 $0xFFFFEC00  }
0x260: {  	_ =	swait.ge [sflag:s31], $0x1400  }
0x261: {  	[sflag:s31] =	ssyncset.done $0x0  }
0x262: {  	[sflag:s31] =	ssyncadd.s32 $0xFFFFEC00  }
0x263: {  	[bflag:$0x0] =	sbarrier.arrive $0xFFFF  }
0x264: {  	s5 =	sld [smem:$0x7FA]  }
0x265: {  	s1 =	sld [smem:$0x7E9];
	_ =	sdelay $0x1  }
0x266: {  	s0 =	simm.s32 @p0 $0x1FD5  }
0x267: {  	[hbm:s5], [sflag:s0] =	dma.local @p0 [spmem:s1], $0x2800  }
0x268: {  	s0 =	simm.s32 @p0 $0x15  }
0x269: {  	_ =	swait.ge @p0 [sflag:s0], $0x2800  }
0x26a: {  	s1 =	sld [smem:$0x7EA]  }
0x26b: {  	[sflag:s0] =	ssyncset.done @p0 $0x0;
	s2 =	sld [smem:$0x7EB]  }
0x26c: {  	[sflag:s0] =	ssyncadd.s32 @p0 $0xFFFFD800;
	s0 =	sld [smem:$0x7EC];
	_ =	sdelay $0x2  }
0x26d: {  	[hbm:s0], [sflag:s1] =	dma.local @!p0 [spmem:s2], $0x2700  }
0x26e: {  	s0 =	simm.s32 @!p0 $0x15  }
0x26f: {  	_ =	swait.ge @!p0 [sflag:s0], $0x2700  }
0x270: {  	s30 =	sld [smem:$0x7E8]  }
0x271: {  	s31 =	sld [smem:$0x7FB];
	_ =	sdelay $0x1  }
0x272: {  	s1 =	sadd.s32 $0x1, s30  }
0x273: {  	p1 =	sne.s32 s1, s31  }
.Ltmp1:
0x274: {  	_ = 	snop;
	(pc) =	sbr.rel @p1 .LBB2_1-.Ltmp1, $4  }
0x275: {  	s19 =	simm.s32 $0x1;
	s22 =	simm.s32 $0x3  }
0x276: {  	s23 =	simm.s32 $0x5;
	s24 =	simm.s32 $0x4;
	s14 =	simm.s32 $0x1E0  }
0x277: {  	s20 =	simm.s32 $0x2;
	s11 =	simm.s32 $0x208;
	[sflag:s0] =	ssyncset.done @!p0 $0x0  }
0x278: {  	s5 =	simm.s32 $0x190;
	s4 =	rddreg [dreg:$0x16];
	[sflag:s0] =	ssyncadd.s32 @!p0 $0xFFFFD900  }
0x279: {  	_ =	sfence.sel $0x180000  }
0x27a: {  	[bflag:$0x0] =	sbarrier.arrive $0xFFFF  }
0x27b: {  	_ =	strace $0x9000004A  }
0x27c: {  	s0 =	stileid.u32;
	[bflag:$0x2] =	sbarrier.arrive $0xFFFF  }
0x27d: {  	p0 =	sne.s32 s0, $0x0;
	s0 =	rddreg [dreg:$0x3]  }
0x27e: {  	s0 =	sadd.s32 @!p0 $0x100000, s0  }
0x27f: {  	[sflag:s0] =	ssyncadd.tile.s32 @!p0 $0x1;
	_ =	shalt  }
.Lfunc_end2:
_tile_overlayer_lowered:
.L_overlay_start_2:
0x280: {  	(tag) =	ssettag $0x2  }
0x281: {  	s0 =	rddreg [dreg:$0x0];
	s2 =	stileid.u32  }
0x282: {  	s1 =	rddreg [dreg:$0x1];
	p0 =	sne.s32 s2, $0x0  }
0x283: {  	s3 =	rddreg [dreg:$0x2];
	[bflag:$0x3] =	sbarrier.arrive $0xFFFF;
	s2 =	simm.s32 @!p0 $0x1C15  }
0x284: {  	[timem:s3], [sflag:s2] =	dma.local @!p0 [hbm:s0], s1  }
0x285: {  	s0 =	simm.s32 @!p0 $0x15  }
0x286: {  	_ =	swait.ge @!p0 [sflag:s0], s1  }
0x287: {  	s1 =	ssub.s32 @!p0 $0x0, s1;
	[sflag:s0] =	ssyncset.done @!p0 $0x0  }
0x288: {  	[sflag:s0] =	ssyncadd.s32 @!p0 s1  }
0x289: {  	[bflag:$0x3] =	sbarrier.arrive $0xFFFF  }
0x28a: {  	_ =	shalt  }

</sc_bundles>
